<compile_context>
chip_gen: v7x
topology: tpu7x:2x2x1
jax: 0.10.2.dev20260603
libtpu: 0.0.44.dev20260713+nightly
codegen_flags: <defaults>
</compile_context>

<pallas_src>
import functools

import jax
import jax.numpy as jnp
from jax import lax
from jax.experimental import pallas as pl
from jax.experimental.pallas import tpu as pltpu
from jax.experimental.pallas import tpu_sc as plsc

NC, NS = 2, 16
NW = NC * NS
CH = 40
BM = 1024
L = 16


def _proj_pack_body(x_ref, w_ref, b_ref, o_ref):
    y = (
        jnp.dot(x_ref[...], w_ref[...], preferred_element_type=jnp.float32)
        + b_ref[...]
    )
    u = lax.bitcast_convert_type(y, jnp.uint32)
    half = u.shape[1] // 2
    lo = u[:, :half] >> 16
    hi = u[:, half:] & jnp.uint32(0xFFFF0000)
    o_ref[...] = lax.bitcast_convert_type(lo | hi, jnp.int32)


def _mask_body(m_ref, o_ref):
    o_ref[...] = m_ref[...] == 0


@functools.cache
def _gather_expand_call(total_rows, out_dim):
    n_per_w = total_rows // NW
    n_chunks = n_per_w // CH
    n_pairs = n_chunks // 2
    half_w = out_dim // 2
    mesh = plsc.VectorSubcoreMesh(core_axis_name="c", subcore_axis_name="s")

    @functools.partial(
        pl.kernel,
        out_type=jax.ShapeDtypeStruct((total_rows, out_dim), jnp.float32),
        mesh=mesh,
        scratch_types=[
            pltpu.VMEM((n_chunks, CH), jnp.int32),
            pltpu.VMEM((CH, half_w), jnp.int32),
            pltpu.VMEM((CH, half_w), jnp.int32),
            pltpu.VMEM((CH, out_dim), jnp.float32),
            pltpu.VMEM((CH, out_dim), jnp.float32),
            pltpu.SemaphoreType.DMA,
            pltpu.SemaphoreType.DMA,
            pltpu.SemaphoreType.DMA,
            pltpu.SemaphoreType.DMA,
        ],
    )
    def gk(tbl_hbm, idx_hbm, out_hbm,
           idx_v, bin0, bin1, bout0, bout1, gs0, gs1, os0, os1):
        wid = lax.axis_index("s") * NC + lax.axis_index("c")
        base = wid * n_per_w
        pltpu.sync_copy(idx_hbm.at[wid], idx_v)

        def gather(a, bin_, sem):
            return pltpu.make_async_copy(tbl_hbm.at[idx_v.at[a]], bin_, sem)

        def writeback(a, bout, sem):
            return pltpu.make_async_copy(
                bout, out_hbm.at[pl.ds(base + a * CH, CH)], sem)

        def expand(bin_, bout):
            @plsc.parallel_loop(0, CH, 1, unroll=2)
            def _row(r):
                for j in range(half_w // L):
                    v = bin_[r, pl.ds(L * j, L)]
                    lo = lax.bitcast_convert_type(
                        lax.shift_left(v, 16), jnp.float32)
                    hi = lax.bitcast_convert_type(
                        v & jnp.int32(-65536), jnp.float32)
                    bout[r, pl.ds(2 * L * j, L)] = lo
                    bout[r, pl.ds(2 * L * j + L, L)] = hi

        gather(0, bin0, gs0).start()
        gather(1, bin1, gs1).start()

        def body(g, carry):
            a = 2 * g

            gather(a, bin0, gs0).wait()

            @pl.when(g > 0)
            def _():
                writeback(a - 2, bout0, os0).wait()

            expand(bin0, bout0)

            @pl.when(g + 1 < n_pairs)
            def _():
                gather(a + 2, bin0, gs0).start()

            writeback(a, bout0, os0).start()

            gather(a + 1, bin1, gs1).wait()

            @pl.when(g > 0)
            def _():
                writeback(a - 1, bout1, os1).wait()

            expand(bin1, bout1)

            @pl.when(g + 1 < n_pairs)
            def _():
                gather(a + 3, bin1, gs1).start()

            writeback(a + 1, bout1, os1).start()
            return carry

        lax.fori_loop(0, n_pairs, body, 0)
        writeback(n_chunks - 2, bout0, os0).wait()
        writeback(n_chunks - 1, bout1, os1).wait()

    return gk


def kernel(ref_expr_inds, attention_mask, emb_table, W, b):
    B, S = ref_expr_inds.shape
    vocab, lang_dim = emb_table.shape
    out_dim = W.shape[1]
    total = B * S
    half_w = out_dim // 2

    w_ = jnp.arange(half_w)
    src_lo = 32 * (w_ // L) + (w_ % L)
    src = jnp.concatenate([src_lo, src_lo + L])
    W_p = W[:, src]
    b_p = b[src]

    proj = pl.pallas_call(
        _proj_pack_body,
        grid=(pl.cdiv(vocab, BM),),
        in_specs=[
            pl.BlockSpec((BM, lang_dim), lambda i: (i, 0)),
            pl.BlockSpec((lang_dim, out_dim), lambda i: (0, 0)),
            pl.BlockSpec((1, out_dim), lambda i: (0, 0)),
        ],
        out_specs=pl.BlockSpec((BM, half_w), lambda i: (i, 0)),
        out_shape=jax.ShapeDtypeStruct((vocab, half_w), jnp.int32),
    )(emb_table, W_p, b_p.reshape(1, out_dim))

    idx3 = ref_expr_inds.T.reshape(NW, total // NW // CH, CH)
    gathered = _gather_expand_call(total, out_dim)(proj, idx3)
    y = gathered.reshape(S, B, out_dim).transpose(1, 0, 2)

    pad_mask = pl.pallas_call(
        _mask_body,
        out_shape=jax.ShapeDtypeStruct((B, S), jnp.bool_),
    )(attention_mask)
    return (y, pad_mask)

# --- scband reference (transcript-rebuilt; emitter-appended) ---
"""Pipeline reference for scband-bert-encoder-31714038513779 (READ-ONLY COPY).

The authoritative reference and input builder live on the scoring server;
editing this copy changes nothing except your own understanding.
"""

import jax, jax.numpy as jnp
import numpy as np

VOCAB = 30522
LANG_DIM = 768
OUT_DIM = 1024
BATCH = 4096
SEQ = 20


def setup_inputs(seed: int = 0) -> dict:
    key = jax.random.key(seed)
    k1, k2, k3, k4 = jax.random.split(key, 4)
    ref_expr_inds = jax.random.randint(k1, (BATCH, SEQ), 0, VOCAB, dtype=jnp.int32)
    attention_mask = jax.random.randint(k2, (BATCH, SEQ), 0, 2, dtype=jnp.int32)
    # learned parameters: BERT word embedding table + mapping Linear(768 -> 1024)
    emb_table = jax.random.normal(k3, (VOCAB, LANG_DIM), dtype=jnp.float32) * 0.02
    W = jax.random.normal(k4, (LANG_DIM, OUT_DIM), dtype=jnp.float32) * 0.02
    b = jnp.zeros((OUT_DIM,), dtype=jnp.float32)
    return {
        "ref_expr_inds": ref_expr_inds,
        "attention_mask": attention_mask,
        "emb_table": emb_table,
        "W": W,
        "b": b,
    }


def reference(ref_expr_inds, attention_mask, emb_table, W, b):
    # y = self.bert.embeddings.word_embeddings(ref_expr_inds)
    y = jnp.take(emb_table, ref_expr_inds, axis=0)
    # y = self.mapping(y)  -> Linear(768, 1024)
    y = jnp.dot(y, W) + b
    # return (y, ~attention_mask.to(torch.bool))
    pad_mask = jnp.logical_not(attention_mask.astype(jnp.bool_))
    return (y, pad_mask)

if __name__ == "__main__":
    import jax
    _d = setup_inputs()
    print(jax.jit(kernel)(*tuple(_d.values())))

</pallas_src>

<mosaic_0001>
#map = affine_map<(d0, d1) -> (0, 0)>
#map1 = affine_map<(d0, d1) -> (0, 0, 0)>
module attributes {stable_mosaic.version = 14 : i64} {
  func.func @gk(%arg0: i32, %arg1: i32, %arg2: memref<30522x512xi32, #tpu.memory_space<hbm>>, %arg3: memref<32x64x40xi32, #tpu.memory_space<hbm>>, %arg4: memref<81920x1024xf32, #tpu.memory_space<hbm>>, %arg5: memref<64x40xi32, #tpu.memory_space<vmem>>, %arg6: memref<40x512xi32, #tpu.memory_space<vmem>>, %arg7: memref<40x512xi32, #tpu.memory_space<vmem>>, %arg8: memref<40x1024xf32, #tpu.memory_space<vmem>>, %arg9: memref<40x1024xf32, #tpu.memory_space<vmem>>, %arg10: memref<!tpu.dma_semaphore, #tpu.memory_space<semaphore_mem>>, %arg11: memref<!tpu.dma_semaphore, #tpu.memory_space<semaphore_mem>>, %arg12: memref<!tpu.dma_semaphore, #tpu.memory_space<semaphore_mem>>, %arg13: memref<!tpu.dma_semaphore, #tpu.memory_space<semaphore_mem>>) attributes {dimension_semantics = [#tpu.dimension_semantics<core_parallel>, #tpu.dimension_semantics<subcore_parallel>], iteration_bounds = array<i64: 2, 16>, scalar_prefetch = 0 : i64, scratch_operands = 9 : i64, tpu.core_type = #tpu.core_type<sc_vector_subcore>, window_params = [{transform_indices = #map}, {transform_indices = #map1}, {transform_indices = #map}]} {
    %mul3A = arith.constant 2 : i32
    %mul3A_0 = arith.muli %arg1, %mul3A : i32
    %add3A = arith.addi %mul3A_0, %arg0 : i32
    %mul3A_1 = arith.constant 2560 : i32
    %mul3A_2 = arith.muli %add3A, %mul3A_1 : i32
    "tpu.region"() ({
      %run_scoped3A = tpu.sem_alloc : memref<!tpu.dma_semaphore, #tpu.memory_space<semaphore_mem>>
      %dma_start3A_32 = arith.constant 0 : i32
      %dma_start3A_33 = arith.constant 0 : i32
      %dma_start3A_34 = tpu.memref_slice %arg3[%add3A, %dma_start3A_32, %dma_start3A_33] : memref<32x64x40xi32, #tpu.memory_space<hbm>> -> memref<1x64x40xi32, #tpu.memory_space<hbm>>
      %dma_start3A_35 = tpu.memref_squeeze %dma_start3A_34 : memref<1x64x40xi32, #tpu.memory_space<hbm>> -> memref<64x40xi32, #tpu.memory_space<hbm>>
      %dma_start3A_36 = arith.constant 0 : i32
      %dma_start3A_37 = arith.constant 0 : i32
      %dma_start3A_38 = tpu.memref_slice %arg3[%add3A, %dma_start3A_36, %dma_start3A_37] : memref<32x64x40xi32, #tpu.memory_space<hbm>> -> memref<1x64x40xi32, #tpu.memory_space<hbm>>
      %dma_start3A_39 = tpu.memref_squeeze %dma_start3A_38 : memref<1x64x40xi32, #tpu.memory_space<hbm>> -> memref<64x40xi32, #tpu.memory_space<hbm>>
      tpu.enqueue_dma source(%dma_start3A_39 : memref<64x40xi32, #tpu.memory_space<hbm>>) target(%arg5 : memref<64x40xi32, #tpu.memory_space<vmem>>) target_semaphore(%run_scoped3A : memref<!tpu.dma_semaphore, #tpu.memory_space<semaphore_mem>>)
      %dma_wait3A_40 = arith.constant 0 : i32
      %dma_wait3A_41 = arith.constant 0 : i32
      %dma_wait3A_42 = tpu.memref_slice %arg3[%add3A, %dma_wait3A_40, %dma_wait3A_41] : memref<32x64x40xi32, #tpu.memory_space<hbm>> -> memref<1x64x40xi32, #tpu.memory_space<hbm>>
      %dma_wait3A_43 = tpu.memref_squeeze %dma_wait3A_42 : memref<1x64x40xi32, #tpu.memory_space<hbm>> -> memref<64x40xi32, #tpu.memory_space<hbm>>
      %dma_wait3A_44 = arith.constant 0 : i32
      %dma_wait3A_45 = arith.constant 0 : i32
      %dma_wait3A_46 = tpu.memref_slice %arg3[%add3A, %dma_wait3A_44, %dma_wait3A_45] : memref<32x64x40xi32, #tpu.memory_space<hbm>> -> memref<1x64x40xi32, #tpu.memory_space<hbm>>
      %dma_wait3A_47 = tpu.memref_squeeze %dma_wait3A_46 : memref<1x64x40xi32, #tpu.memory_space<hbm>> -> memref<64x40xi32, #tpu.memory_space<hbm>>
      tpu.wait_dma2 semaphore(%run_scoped3A : memref<!tpu.dma_semaphore, #tpu.memory_space<semaphore_mem>>) src(%dma_wait3A_47 : memref<64x40xi32, #tpu.memory_space<hbm>>) dst(%arg5 : memref<64x40xi32, #tpu.memory_space<vmem>>)
      tpu.yield
    }) : () -> ()
    %dma_start3A = arith.constant 0 : i32
    %dma_start3A_3 = arith.constant 0 : i32
    %dma_start3A_4 = tpu.memref_slice %arg5[%dma_start3A, %dma_start3A_3] : memref<64x40xi32, #tpu.memory_space<vmem>> -> memref<1x40xi32, #tpu.memory_space<vmem>>
    %dma_start3A_5 = tpu.memref_squeeze %dma_start3A_4 : memref<1x40xi32, #tpu.memory_space<vmem>> -> memref<40xi32, #tpu.memory_space<vmem>>
    %dma_start3A_6 = arith.constant 0 : i32
    %dma_start3A_7 = arith.constant 0 : i32
    %dma_start3A_8 = tpu.memref_slice %arg2[%dma_start3A_6, %dma_start3A_7] : memref<30522x512xi32, #tpu.memory_space<hbm>> -> memref<30522x512xi32, #tpu.memory_space<hbm>>
    tpu.enqueue_indirect_dma source(%dma_start3A_8 : memref<30522x512xi32, #tpu.memory_space<hbm>>) target(%arg6 : memref<40x512xi32, #tpu.memory_space<vmem>>) offsets(%dma_start3A_5 : memref<40xi32, #tpu.memory_space<vmem>>) semaphore(%arg10 : memref<!tpu.dma_semaphore, #tpu.memory_space<semaphore_mem>>)
    %dma_start3A_9 = arith.constant 1 : i32
    %dma_start3A_10 = arith.constant 0 : i32
    %dma_start3A_11 = tpu.memref_slice %arg5[%dma_start3A_9, %dma_start3A_10] : memref<64x40xi32, #tpu.memory_space<vmem>> -> memref<1x40xi32, #tpu.memory_space<vmem>>
    %dma_start3A_12 = tpu.memref_squeeze %dma_start3A_11 : memref<1x40xi32, #tpu.memory_space<vmem>> -> memref<40xi32, #tpu.memory_space<vmem>>
    %dma_start3A_13 = arith.constant 0 : i32
    %dma_start3A_14 = arith.constant 0 : i32
    %dma_start3A_15 = tpu.memref_slice %arg2[%dma_start3A_13, %dma_start3A_14] : memref<30522x512xi32, #tpu.memory_space<hbm>> -> memref<30522x512xi32, #tpu.memory_space<hbm>>
    tpu.enqueue_indirect_dma source(%dma_start3A_15 : memref<30522x512xi32, #tpu.memory_space<hbm>>) target(%arg7 : memref<40x512xi32, #tpu.memory_space<vmem>>) offsets(%dma_start3A_12 : memref<40xi32, #tpu.memory_space<vmem>>) semaphore(%arg11 : memref<!tpu.dma_semaphore, #tpu.memory_space<semaphore_mem>>)
    %scan3A = arith.constant 0 : i32
    %scan3A_16 = arith.constant 0 : i32
    %scan3A_17 = arith.constant 32 : i32
    %scan3A_18 = arith.addi %scan3A_16, %scan3A_17 : i32
    %scan3A_19 = arith.constant 1 : i32
    scf.for %scan3A_32 = %scan3A_16 to %scan3A_18 step %scan3A_19  : i32 {
      %mul3A_33 = arith.constant 2 : i32
      %mul3A_34 = arith.muli %mul3A_33, %scan3A_32 : i32
      %dma_wait3A_35 = arith.constant 0 : i32
      %dma_wait3A_36 = tpu.memref_slice %arg5[%mul3A_34, %dma_wait3A_35] : memref<64x40xi32, #tpu.memory_space<vmem>> -> memref<1x40xi32, #tpu.memory_space<vmem>>
      %dma_wait3A_37 = tpu.memref_squeeze %dma_wait3A_36 : memref<1x40xi32, #tpu.memory_space<vmem>> -> memref<40xi32, #tpu.memory_space<vmem>>
      %dma_wait3A_38 = arith.constant 0 : i32
      %dma_wait3A_39 = arith.constant 0 : i32
      %dma_wait3A_40 = tpu.memref_slice %arg2[%dma_wait3A_38, %dma_wait3A_39] : memref<30522x512xi32, #tpu.memory_space<hbm>> -> memref<30522x512xi32, #tpu.memory_space<hbm>>
      tpu.wait_indirect_dma semaphore(%arg10 : memref<!tpu.dma_semaphore, #tpu.memory_space<semaphore_mem>>) src(%dma_wait3A_40 : memref<30522x512xi32, #tpu.memory_space<hbm>>) dst(%arg6 : memref<40x512xi32, #tpu.memory_space<vmem>>)
      %gt3A = arith.constant 0 : i32
      %gt3A_41 = arith.cmpi sgt, %scan3A_32, %gt3A : i32
      %convert_element_type3A = arith.extui %gt3A_41 : i1 to i32
      %cond3A = arith.constant 0 : i32
      %cond3A_42 = arith.cmpi ne, %convert_element_type3A, %cond3A : i32
      scf.if %cond3A_42 {
        %sub3A = arith.constant 2 : i32
        %sub3A_90 = arith.subi %mul3A_34, %sub3A : i32
        %mul3A_91 = arith.constant 40 : i32
        %mul3A_92 = arith.muli %sub3A_90, %mul3A_91 : i32
        %add3A_93 = arith.addi %mul3A_2, %mul3A_92 : i32
        %dma_wait3A_94 = arith.constant 0 : i32
        %dma_wait3A_95 = tpu.memref_slice %arg4[%add3A_93, %dma_wait3A_94] : memref<81920x1024xf32, #tpu.memory_space<hbm>> -> memref<40x1024xf32, #tpu.memory_space<hbm>>
        %dma_wait3A_96 = arith.constant 0 : i32
        %dma_wait3A_97 = tpu.memref_slice %arg4[%add3A_93, %dma_wait3A_96] : memref<81920x1024xf32, #tpu.memory_space<hbm>> -> memref<40x1024xf32, #tpu.memory_space<hbm>>
        tpu.wait_dma2 semaphore(%arg12 : memref<!tpu.dma_semaphore, #tpu.memory_space<semaphore_mem>>) src(%arg8 : memref<40x1024xf32, #tpu.memory_space<vmem>>) dst(%dma_wait3A_97 : memref<40x1024xf32, #tpu.memory_space<hbm>>)
      } else {
      }
      %parallel_loop3A = arith.constant 0 : i32
      %parallel_loop3A_43 = arith.constant 40 : i32
      %parallel_loop3A_44 = arith.constant 1 : i32
      scf.for %parallel_loop3A_90 = %parallel_loop3A to %parallel_loop3A_43 step %parallel_loop3A_44  : i32 {
        %parallel_loop3A_91 = arith.index_cast %parallel_loop3A_90 : i32 to index
        %parallel_loop3A_92 = arith.constant 0 : index
        %parallel_loop3A_93 = tpu.vector_load %arg6[%parallel_loop3A_91, %parallel_loop3A_92] {strides = array<i32>} : memref<40x512xi32, #tpu.memory_space<vmem>>, vector<1x16xi32>,
        %parallel_loop3A_94 = vector.shape_cast %parallel_loop3A_93 : vector<1x16xi32> to vector<16xi32>
        %parallel_loop3A_95 = arith.constant 16 : i32
        %parallel_loop3A_96 = vector.broadcast %parallel_loop3A_95 : i32 to vector<16xi32>
        %parallel_loop3A_97 = arith.shli %parallel_loop3A_94, %parallel_loop3A_96 : vector<16xi32>
        %parallel_loop3A_98 = tpu.bitcast %parallel_loop3A_97 : vector<16xi32> -> vector<16xf32>
        %parallel_loop3A_99 = arith.constant -65536 : i32
        %parallel_loop3A_100 = vector.broadcast %parallel_loop3A_99 : i32 to vector<16xi32>
        %parallel_loop3A_101 = arith.andi %parallel_loop3A_94, %parallel_loop3A_100 : vector<16xi32>
        %parallel_loop3A_102 = tpu.bitcast %parallel_loop3A_101 : vector<16xi32> -> vector<16xf32>
        %parallel_loop3A_103 = arith.index_cast %parallel_loop3A_90 : i32 to index
        %parallel_loop3A_104 = arith.constant 0 : index
        %parallel_loop3A_105 = tpu.vector_load %arg8[%parallel_loop3A_103, %parallel_loop3A_104] {strides = array<i32>} : memref<40x1024xf32, #tpu.memory_space<vmem>>, vector<1x16xf32>,
        %parallel_loop3A_106 = vector.shape_cast %parallel_loop3A_105 : vector<1x16xf32> to vector<16xf32>
        %parallel_loop3A_107 = vector.shape_cast %parallel_loop3A_98 : vector<16xf32> to vector<1x16xf32>
        tpu.vector_store %arg8[%parallel_loop3A_103, %parallel_loop3A_104], %parallel_loop3A_107 {strides = array<i32>} : memref<40x1024xf32, #tpu.memory_space<vmem>>, vector<1x16xf32>,
        %parallel_loop3A_108 = arith.index_cast %parallel_loop3A_90 : i32 to index
        %parallel_loop3A_109 = arith.constant 16 : index
        %parallel_loop3A_110 = tpu.vector_load %arg8[%parallel_loop3A_108, %parallel_loop3A_109] {strides = array<i32>} : memref<40x1024xf32, #tpu.memory_space<vmem>>, vector<1x16xf32>,
        %parallel_loop3A_111 = vector.shape_cast %parallel_loop3A_110 : vector<1x16xf32> to vector<16xf32>
        %parallel_loop3A_112 = vector.shape_cast %parallel_loop3A_102 : vector<16xf32> to vector<1x16xf32>
        tpu.vector_store %arg8[%parallel_loop3A_108, %parallel_loop3A_109], %parallel_loop3A_112 {strides = array<i32>} : memref<40x1024xf32, #tpu.memory_space<vmem>>, vector<1x16xf32>,
        %parallel_loop3A_113 = arith.index_cast %parallel_loop3A_90 : i32 to index
        %parallel_loop3A_114 = arith.constant 16 : index
        %parallel_loop3A_115 = tpu.vector_load %arg6[%parallel_loop3A_113, %parallel_loop3A_114] {strides = array<i32>} : memref<40x512xi32, #tpu.memory_space<vmem>>, vector<1x16xi32>,
        %parallel_loop3A_116 = vector.shape_cast %parallel_loop3A_115 : vector<1x16xi32> to vector<16xi32>
        %parallel_loop3A_117 = arith.constant 16 : i32
        %parallel_loop3A_118 = vector.broadcast %parallel_loop3A_117 : i32 to vector<16xi32>
        %parallel_loop3A_119 = arith.shli %parallel_loop3A_116, %parallel_loop3A_118 : vector<16xi32>
        %parallel_loop3A_120 = tpu.bitcast %parallel_loop3A_119 : vector<16xi32> -> vector<16xf32>
        %parallel_loop3A_121 = arith.constant -65536 : i32
        %parallel_loop3A_122 = vector.broadcast %parallel_loop3A_121 : i32 to vector<16xi32>
        %parallel_loop3A_123 = arith.andi %parallel_loop3A_116, %parallel_loop3A_122 : vector<16xi32>
        %parallel_loop3A_124 = tpu.bitcast %parallel_loop3A_123 : vector<16xi32> -> vector<16xf32>
        %parallel_loop3A_125 = arith.index_cast %parallel_loop3A_90 : i32 to index
        %parallel_loop3A_126 = arith.constant 32 : index
        %parallel_loop3A_127 = tpu.vector_load %arg8[%parallel_loop3A_125, %parallel_loop3A_126] {strides = array<i32>} : memref<40x1024xf32, #tpu.memory_space<vmem>>, vector<1x16xf32>,
        %parallel_loop3A_128 = vector.shape_cast %parallel_loop3A_127 : vector<1x16xf32> to vector<16xf32>
        %parallel_loop3A_129 = vector.shape_cast %parallel_loop3A_120 : vector<16xf32> to vector<1x16xf32>
        tpu.vector_store %arg8[%parallel_loop3A_125, %parallel_loop3A_126], %parallel_loop3A_129 {strides = array<i32>} : memref<40x1024xf32, #tpu.memory_space<vmem>>, vector<1x16xf32>,
        %parallel_loop3A_130 = arith.index_cast %parallel_loop3A_90 : i32 to index
        %parallel_loop3A_131 = arith.constant 48 : index
        %parallel_loop3A_132 = tpu.vector_load %arg8[%parallel_loop3A_130, %parallel_loop3A_131] {strides = array<i32>} : memref<40x1024xf32, #tpu.memory_space<vmem>>, vector<1x16xf32>,
        %parallel_loop3A_133 = vector.shape_cast %parallel_loop3A_132 : vector<1x16xf32> to vector<16xf32>
        %parallel_loop3A_134 = vector.shape_cast %parallel_loop3A_124 : vector<16xf32> to vector<1x16xf32>
        tpu.vector_store %arg8[%parallel_loop3A_130, %parallel_loop3A_131], %parallel_loop3A_134 {strides = array<i32>} : memref<40x1024xf32, #tpu.memory_space<vmem>>, vector<1x16xf32>,
        %parallel_loop3A_135 = arith.index_cast %parallel_loop3A_90 : i32 to index
        %parallel_loop3A_136 = arith.constant 32 : index
        %parallel_loop3A_137 = tpu.vector_load %arg6[%parallel_loop3A_135, %parallel_loop3A_136] {strides = array<i32>} : memref<40x512xi32, #tpu.memory_space<vmem>>, vector<1x16xi32>,
        %parallel_loop3A_138 = vector.shape_cast %parallel_loop3A_137 : vector<1x16xi32> to vector<16xi32>
        %parallel_loop3A_139 = arith.constant 16 : i32
        %parallel_loop3A_140 = vector.broadcast %parallel_loop3A_139 : i32 to vector<16xi32>
        %parallel_loop3A_141 = arith.shli %parallel_loop3A_138, %parallel_loop3A_140 : vector<16xi32>
        %parallel_loop3A_142 = tpu.bitcast %parallel_loop3A_141 : vector<16xi32> -> vector<16xf32>
        %parallel_loop3A_143 = arith.constant -65536 : i32
        %parallel_loop3A_144 = vector.broadcast %parallel_loop3A_143 : i32 to vector<16xi32>
        %parallel_loop3A_145 = arith.andi %parallel_loop3A_138, %parallel_loop3A_144 : vector<16xi32>
        %parallel_loop3A_146 = tpu.bitcast %parallel_loop3A_145 : vector<16xi32> -> vector<16xf32>
        %parallel_loop3A_147 = arith.index_cast %parallel_loop3A_90 : i32 to index
        %parallel_loop3A_148 = arith.constant 64 : index
        %parallel_loop3A_149 = tpu.vector_load %arg8[%parallel_loop3A_147, %parallel_loop3A_148] {strides = array<i32>} : memref<40x1024xf32, #tpu.memory_space<vmem>>, vector<1x16xf32>,
        %parallel_loop3A_150 = vector.shape_cast %parallel_loop3A_149 : vector<1x16xf32> to vector<16xf32>
        %parallel_loop3A_151 = vector.shape_cast %parallel_loop3A_142 : vector<16xf32> to vector<1x16xf32>
        tpu.vector_store %arg8[%parallel_loop3A_147, %parallel_loop3A_148], %parallel_loop3A_151 {strides = array<i32>} : memref<40x1024xf32, #tpu.memory_space<vmem>>, vector<1x16xf32>,
        %parallel_loop3A_152 = arith.index_cast %parallel_loop3A_90 : i32 to index
        %parallel_loop3A_153 = arith.constant 80 : index
        %parallel_loop3A_154 = tpu.vector_load %arg8[%parallel_loop3A_152, %parallel_loop3A_153] {strides = array<i32>} : memref<40x1024xf32, #tpu.memory_space<vmem>>, vector<1x16xf32>,
        %parallel_loop3A_155 = vector.shape_cast %parallel_loop3A_154 : vector<1x16xf32> to vector<16xf32>
        %parallel_loop3A_156 = vector.shape_cast %parallel_loop3A_146 : vector<16xf32> to vector<1x16xf32>
        tpu.vector_store %arg8[%parallel_loop3A_152, %parallel_loop3A_153], %parallel_loop3A_156 {strides = array<i32>} : memref<40x1024xf32, #tpu.memory_space<vmem>>, vector<1x16xf32>,
        %parallel_loop3A_157 = arith.index_cast %parallel_loop3A_90 : i32 to index
        %parallel_loop3A_158 = arith.constant 48 : index
        %parallel_loop3A_159 = tpu.vector_load %arg6[%parallel_loop3A_157, %parallel_loop3A_158] {strides = array<i32>} : memref<40x512xi32, #tpu.memory_space<vmem>>, vector<1x16xi32>,
        %parallel_loop3A_160 = vector.shape_cast %parallel_loop3A_159 : vector<1x16xi32> to vector<16xi32>
        %parallel_loop3A_161 = arith.constant 16 : i32
        %parallel_loop3A_162 = vector.broadcast %parallel_loop3A_161 : i32 to vector<16xi32>
        %parallel_loop3A_163 = arith.shli %parallel_loop3A_160, %parallel_loop3A_162 : vector<16xi32>
        %parallel_loop3A_164 = tpu.bitcast %parallel_loop3A_163 : vector<16xi32> -> vector<16xf32>
        %parallel_loop3A_165 = arith.constant -65536 : i32
        %parallel_loop3A_166 = vector.broadcast %parallel_loop3A_165 : i32 to vector<16xi32>
        %parallel_loop3A_167 = arith.andi %parallel_loop3A_160, %parallel_loop3A_166 : vector<16xi32>
        %parallel_loop3A_168 = tpu.bitcast %parallel_loop3A_167 : vector<16xi32> -> vector<16xf32>
        %parallel_loop3A_169 = arith.index_cast %parallel_loop3A_90 : i32 to index
        %parallel_loop3A_170 = arith.constant 96 : index
        %parallel_loop3A_171 = tpu.vector_load %arg8[%parallel_loop3A_169, %parallel_loop3A_170] {strides = array<i32>} : memref<40x1024xf32, #tpu.memory_space<vmem>>, vector<1x16xf32>,
        %parallel_loop3A_172 = vector.shape_cast %parallel_loop3A_171 : vector<1x16xf32> to vector<16xf32>
        %parallel_loop3A_173 = vector.shape_cast %parallel_loop3A_164 : vector<16xf32> to vector<1x16xf32>
        tpu.vector_store %arg8[%parallel_loop3A_169, %parallel_loop3A_170], %parallel_loop3A_173 {strides = array<i32>} : memref<40x1024xf32, #tpu.memory_space<vmem>>, vector<1x16xf32>,
        %parallel_loop3A_174 = arith.index_cast %parallel_loop3A_90 : i32 to index
        %parallel_loop3A_175 = arith.constant 112 : index
        %parallel_loop3A_176 = tpu.vector_load %arg8[%parallel_loop3A_174, %parallel_loop3A_175] {strides = array<i32>} : memref<40x1024xf32, #tpu.memory_space<vmem>>, vector<1x16xf32>,
        %parallel_loop3A_177 = vector.shape_cast %parallel_loop3A_176 : vector<1x16xf32> to vector<16xf32>
        %parallel_loop3A_178 = vector.shape_cast %parallel_loop3A_168 : vector<16xf32> to vector<1x16xf32>
        tpu.vector_store %arg8[%parallel_loop3A_174, %parallel_loop3A_175], %parallel_loop3A_178 {strides = array<i32>} : memref<40x1024xf32, #tpu.memory_space<vmem>>, vector<1x16xf32>,
        %parallel_loop3A_179 = arith.index_cast %parallel_loop3A_90 : i32 to index
        %parallel_loop3A_180 = arith.constant 64 : index
        %parallel_loop3A_181 = tpu.vector_load %arg6[%parallel_loop3A_179, %parallel_loop3A_180] {strides = array<i32>} : memref<40x512xi32, #tpu.memory_space<vmem>>, vector<1x16xi32>,
        %parallel_loop3A_182 = vector.shape_cast %parallel_loop3A_181 : vector<1x16xi32> to vector<16xi32>
        %parallel_loop3A_183 = arith.constant 16 : i32
        %parallel_loop3A_184 = vector.broadcast %parallel_loop3A_183 : i32 to vector<16xi32>
        %parallel_loop3A_185 = arith.shli %parallel_loop3A_182, %parallel_loop3A_184 : vector<16xi32>
        %parallel_loop3A_186 = tpu.bitcast %parallel_loop3A_185 : vector<16xi32> -> vector<16xf32>
        %parallel_loop3A_187 = arith.constant -65536 : i32
        %parallel_loop3A_188 = vector.broadcast %parallel_loop3A_187 : i32 to vector<16xi32>
        %parallel_loop3A_189 = arith.andi %parallel_loop3A_182, %parallel_loop3A_188 : vector<16xi32>
        %parallel_loop3A_190 = tpu.bitcast %parallel_loop3A_189 : vector<16xi32> -> vector<16xf32>
        %parallel_loop3A_191 = arith.index_cast %parallel_loop3A_90 : i32 to index
        %parallel_loop3A_192 = arith.constant 128 : index
        %parallel_loop3A_193 = tpu.vector_load %arg8[%parallel_loop3A_191, %parallel_loop3A_192] {strides = array<i32>} : memref<40x1024xf32, #tpu.memory_space<vmem>>, vector<1x16xf32>,
        %parallel_loop3A_194 = vector.shape_cast %parallel_loop3A_193 : vector<1x16xf32> to vector<16xf32>
        %parallel_loop3A_195 = vector.shape_cast %parallel_loop3A_186 : vector<16xf32> to vector<1x16xf32>
        tpu.vector_store %arg8[%parallel_loop3A_191, %parallel_loop3A_192], %parallel_loop3A_195 {strides = array<i32>} : memref<40x1024xf32, #tpu.memory_space<vmem>>, vector<1x16xf32>,
        %parallel_loop3A_196 = arith.index_cast %parallel_loop3A_90 : i32 to index
        %parallel_loop3A_197 = arith.constant 144 : index
        %parallel_loop3A_198 = tpu.vector_load %arg8[%parallel_loop3A_196, %parallel_loop3A_197] {strides = array<i32>} : memref<40x1024xf32, #tpu.memory_space<vmem>>, vector<1x16xf32>,
        %parallel_loop3A_199 = vector.shape_cast %parallel_loop3A_198 : vector<1x16xf32> to vector<16xf32>
        %parallel_loop3A_200 = vector.shape_cast %parallel_loop3A_190 : vector<16xf32> to vector<1x16xf32>
        tpu.vector_store %arg8[%parallel_loop3A_196, %parallel_loop3A_197], %parallel_loop3A_200 {strides = array<i32>} : memref<40x1024xf32, #tpu.memory_space<vmem>>, vector<1x16xf32>,
        %parallel_loop3A_201 = arith.index_cast %parallel_loop3A_90 : i32 to index
        %parallel_loop3A_202 = arith.constant 80 : index
        %parallel_loop3A_203 = tpu.vector_load %arg6[%parallel_loop3A_201, %parallel_loop3A_202] {strides = array<i32>} : memref<40x512xi32, #tpu.memory_space<vmem>>, vector<1x16xi32>,
        %parallel_loop3A_204 = vector.shape_cast %parallel_loop3A_203 : vector<1x16xi32> to vector<16xi32>
        %parallel_loop3A_205 = arith.constant 16 : i32
        %parallel_loop3A_206 = vector.broadcast %parallel_loop3A_205 : i32 to vector<16xi32>
        %parallel_loop3A_207 = arith.shli %parallel_loop3A_204, %parallel_loop3A_206 : vector<16xi32>
        %parallel_loop3A_208 = tpu.bitcast %parallel_loop3A_207 : vector<16xi32> -> vector<16xf32>
        %parallel_loop3A_209 = arith.constant -65536 : i32
        %parallel_loop3A_210 = vector.broadcast %parallel_loop3A_209 : i32 to vector<16xi32>
        %parallel_loop3A_211 = arith.andi %parallel_loop3A_204, %parallel_loop3A_210 : vector<16xi32>
        %parallel_loop3A_212 = tpu.bitcast %parallel_loop3A_211 : vector<16xi32> -> vector<16xf32>
        %parallel_loop3A_213 = arith.index_cast %parallel_loop3A_90 : i32 to index
        %parallel_loop3A_214 = arith.constant 160 : index
        %parallel_loop3A_215 = tpu.vector_load %arg8[%parallel_loop3A_213, %parallel_loop3A_214] {strides = array<i32>} : memref<40x1024xf32, #tpu.memory_space<vmem>>, vector<1x16xf32>,
        %parallel_loop3A_216 = vector.shape_cast %parallel_loop3A_215 : vector<1x16xf32> to vector<16xf32>
        %parallel_loop3A_217 = vector.shape_cast %parallel_loop3A_208 : vector<16xf32> to vector<1x16xf32>
        tpu.vector_store %arg8[%parallel_loop3A_213, %parallel_loop3A_214], %parallel_loop3A_217 {strides = array<i32>} : memref<40x1024xf32, #tpu.memory_space<vmem>>, vector<1x16xf32>,
        %parallel_loop3A_218 = arith.index_cast %parallel_loop3A_90 : i32 to index
        %parallel_loop3A_219 = arith.constant 176 : index
        %parallel_loop3A_220 = tpu.vector_load %arg8[%parallel_loop3A_218, %parallel_loop3A_219] {strides = array<i32>} : memref<40x1024xf32, #tpu.memory_space<vmem>>, vector<1x16xf32>,
        %parallel_loop3A_221 = vector.shape_cast %parallel_loop3A_220 : vector<1x16xf32> to vector<16xf32>
        %parallel_loop3A_222 = vector.shape_cast %parallel_loop3A_212 : vector<16xf32> to vector<1x16xf32>
        tpu.vector_store %arg8[%parallel_loop3A_218, %parallel_loop3A_219], %parallel_loop3A_222 {strides = array<i32>} : memref<40x1024xf32, #tpu.memory_space<vmem>>, vector<1x16xf32>,
        %parallel_loop3A_223 = arith.index_cast %parallel_loop3A_90 : i32 to index
        %parallel_loop3A_224 = arith.constant 96 : index
        %parallel_loop3A_225 = tpu.vector_load %arg6[%parallel_loop3A_223, %parallel_loop3A_224] {strides = array<i32>} : memref<40x512xi32, #tpu.memory_space<vmem>>, vector<1x16xi32>,
        %parallel_loop3A_226 = vector.shape_cast %parallel_loop3A_225 : vector<1x16xi32> to vector<16xi32>
        %parallel_loop3A_227 = arith.constant 16 : i32
        %parallel_loop3A_228 = vector.broadcast %parallel_loop3A_227 : i32 to vector<16xi32>
        %parallel_loop3A_229 = arith.shli %parallel_loop3A_226, %parallel_loop3A_228 : vector<16xi32>
        %parallel_loop3A_230 = tpu.bitcast %parallel_loop3A_229 : vector<16xi32> -> vector<16xf32>
        %parallel_loop3A_231 = arith.constant -65536 : i32
        %parallel_loop3A_232 = vector.broadcast %parallel_loop3A_231 : i32 to vector<16xi32>
        %parallel_loop3A_233 = arith.andi %parallel_loop3A_226, %parallel_loop3A_232 : vector<16xi32>
        %parallel_loop3A_234 = tpu.bitcast %parallel_loop3A_233 : vector<16xi32> -> vector<16xf32>
        %parallel_loop3A_235 = arith.index_cast %parallel_loop3A_90 : i32 to index
        %parallel_loop3A_236 = arith.constant 192 : index
        %parallel_loop3A_237 = tpu.vector_load %arg8[%parallel_loop3A_235, %parallel_loop3A_236] {strides = array<i32>} : memref<40x1024xf32, #tpu.memory_space<vmem>>, vector<1x16xf32>,
        %parallel_loop3A_238 = vector.shape_cast %parallel_loop3A_237 : vector<1x16xf32> to vector<16xf32>
        %parallel_loop3A_239 = vector.shape_cast %parallel_loop3A_230 : vector<16xf32> to vector<1x16xf32>
        tpu.vector_store %arg8[%parallel_loop3A_235, %parallel_loop3A_236], %parallel_loop3A_239 {strides = array<i32>} : memref<40x1024xf32, #tpu.memory_space<vmem>>, vector<1x16xf32>,
        %parallel_loop3A_240 = arith.index_cast %parallel_loop3A_90 : i32 to index
        %parallel_loop3A_241 = arith.constant 208 : index
        %parallel_loop3A_242 = tpu.vector_load %arg8[%parallel_loop3A_240, %parallel_loop3A_241] {strides = array<i32>} : memref<40x1024xf32, #tpu.memory_space<vmem>>, vector<1x16xf32>,
        %parallel_loop3A_243 = vector.shape_cast %parallel_loop3A_242 : vector<1x16xf32> to vector<16xf32>
        %parallel_loop3A_244 = vector.shape_cast %parallel_loop3A_234 : vector<16xf32> to vector<1x16xf32>
        tpu.vector_store %arg8[%parallel_loop3A_240, %parallel_loop3A_241], %parallel_loop3A_244 {strides = array<i32>} : memref<40x1024xf32, #tpu.memory_space<vmem>>, vector<1x16xf32>,
        %parallel_loop3A_245 = arith.index_cast %parallel_loop3A_90 : i32 to index
        %parallel_loop3A_246 = arith.constant 112 : index
        %parallel_loop3A_247 = tpu.vector_load %arg6[%parallel_loop3A_245, %parallel_loop3A_246] {strides = array<i32>} : memref<40x512xi32, #tpu.memory_space<vmem>>, vector<1x16xi32>,
        %parallel_loop3A_248 = vector.shape_cast %parallel_loop3A_247 : vector<1x16xi32> to vector<16xi32>
        %parallel_loop3A_249 = arith.constant 16 : i32
        %parallel_loop3A_250 = vector.broadcast %parallel_loop3A_249 : i32 to vector<16xi32>
        %parallel_loop3A_251 = arith.shli %parallel_loop3A_248, %parallel_loop3A_250 : vector<16xi32>
        %parallel_loop3A_252 = tpu.bitcast %parallel_loop3A_251 : vector<16xi32> -> vector<16xf32>
        %parallel_loop3A_253 = arith.constant -65536 : i32
        %parallel_loop3A_254 = vector.broadcast %parallel_loop3A_253 : i32 to vector<16xi32>
        %parallel_loop3A_255 = arith.andi %parallel_loop3A_248, %parallel_loop3A_254 : vector<16xi32>
        %parallel_loop3A_256 = tpu.bitcast %parallel_loop3A_255 : vector<16xi32> -> vector<16xf32>
        %parallel_loop3A_257 = arith.index_cast %parallel_loop3A_90 : i32 to index
        %parallel_loop3A_258 = arith.constant 224 : index
        %parallel_loop3A_259 = tpu.vector_load %arg8[%parallel_loop3A_257, %parallel_loop3A_258] {strides = array<i32>} : memref<40x1024xf32, #tpu.memory_space<vmem>>, vector<1x16xf32>,
        %parallel_loop3A_260 = vector.shape_cast %parallel_loop3A_259 : vector<1x16xf32> to vector<16xf32>
        %parallel_loop3A_261 = vector.shape_cast %parallel_loop3A_252 : vector<16xf32> to vector<1x16xf32>
        tpu.vector_store %arg8[%parallel_loop3A_257, %parallel_loop3A_258], %parallel_loop3A_261 {strides = array<i32>} : memref<40x1024xf32, #tpu.memory_space<vmem>>, vector<1x16xf32>,
        %parallel_loop3A_262 = arith.index_cast %parallel_loop3A_90 : i32 to index
        %parallel_loop3A_263 = arith.constant 240 : index
        %parallel_loop3A_264 = tpu.vector_load %arg8[%parallel_loop3A_262, %parallel_loop3A_263] {strides = array<i32>} : memref<40x1024xf32, #tpu.memory_space<vmem>>, vector<1x16xf32>,
        %parallel_loop3A_265 = vector.shape_cast %parallel_loop3A_264 : vector<1x16xf32> to vector<16xf32>
        %parallel_loop3A_266 = vector.shape_cast %parallel_loop3A_256 : vector<16xf32> to vector<1x16xf32>
        tpu.vector_store %arg8[%parallel_loop3A_262, %parallel_loop3A_263], %parallel_loop3A_266 {strides = array<i32>} : memref<40x1024xf32, #tpu.memory_space<vmem>>, vector<1x16xf32>,
        %parallel_loop3A_267 = arith.index_cast %parallel_loop3A_90 : i32 to index
        %parallel_loop3A_268 = arith.constant 128 : index
        %parallel_loop3A_269 = tpu.vector_load %arg6[%parallel_loop3A_267, %parallel_loop3A_268] {strides = array<i32>} : memref<40x512xi32, #tpu.memory_space<vmem>>, vector<1x16xi32>,
        %parallel_loop3A_270 = vector.shape_cast %parallel_loop3A_269 : vector<1x16xi32> to vector<16xi32>
        %parallel_loop3A_271 = arith.constant 16 : i32
        %parallel_loop3A_272 = vector.broadcast %parallel_loop3A_271 : i32 to vector<16xi32>
        %parallel_loop3A_273 = arith.shli %parallel_loop3A_270, %parallel_loop3A_272 : vector<16xi32>
        %parallel_loop3A_274 = tpu.bitcast %parallel_loop3A_273 : vector<16xi32> -> vector<16xf32>
        %parallel_loop3A_275 = arith.constant -65536 : i32
        %parallel_loop3A_276 = vector.broadcast %parallel_loop3A_275 : i32 to vector<16xi32>
        %parallel_loop3A_277 = arith.andi %parallel_loop3A_270, %parallel_loop3A_276 : vector<16xi32>
        %parallel_loop3A_278 = tpu.bitcast %parallel_loop3A_277 : vector<16xi32> -> vector<16xf32>
        %parallel_loop3A_279 = arith.index_cast %parallel_loop3A_90 : i32 to index
        %parallel_loop3A_280 = arith.constant 256 : index
        %parallel_loop3A_281 = tpu.vector_load %arg8[%parallel_loop3A_279, %parallel_loop3A_280] {strides = array<i32>} : memref<40x1024xf32, #tpu.memory_space<vmem>>, vector<1x16xf32>,
        %parallel_loop3A_282 = vector.shape_cast %parallel_loop3A_281 : vector<1x16xf32> to vector<16xf32>
        %parallel_loop3A_283 = vector.shape_cast %parallel_loop3A_274 : vector<16xf32> to vector<1x16xf32>
        tpu.vector_store %arg8[%parallel_loop3A_279, %parallel_loop3A_280], %parallel_loop3A_283 {strides = array<i32>} : memref<40x1024xf32, #tpu.memory_space<vmem>>, vector<1x16xf32>,
        %parallel_loop3A_284 = arith.index_cast %parallel_loop3A_90 : i32 to index
        %parallel_loop3A_285 = arith.constant 272 : index
        %parallel_loop3A_286 = tpu.vector_load %arg8[%parallel_loop3A_284, %parallel_loop3A_285] {strides = array<i32>} : memref<40x1024xf32, #tpu.memory_space<vmem>>, vector<1x16xf32>,
        %parallel_loop3A_287 = vector.shape_cast %parallel_loop3A_286 : vector<1x16xf32> to vector<16xf32>
        %parallel_loop3A_288 = vector.shape_cast %parallel_loop3A_278 : vector<16xf32> to vector<1x16xf32>
        tpu.vector_store %arg8[%parallel_loop3A_284, %parallel_loop3A_285], %parallel_loop3A_288 {strides = array<i32>} : memref<40x1024xf32, #tpu.memory_space<vmem>>, vector<1x16xf32>,
        %parallel_loop3A_289 = arith.index_cast %parallel_loop3A_90 : i32 to index
        %parallel_loop3A_290 = arith.constant 144 : index
        %parallel_loop3A_291 = tpu.vector_load %arg6[%parallel_loop3A_289, %parallel_loop3A_290] {strides = array<i32>} : memref<40x512xi32, #tpu.memory_space<vmem>>, vector<1x16xi32>,
        %parallel_loop3A_292 = vector.shape_cast %parallel_loop3A_291 : vector<1x16xi32> to vector<16xi32>
        %parallel_loop3A_293 = arith.constant 16 : i32
        %parallel_loop3A_294 = vector.broadcast %parallel_loop3A_293 : i32 to vector<16xi32>
        %parallel_loop3A_295 = arith.shli %parallel_loop3A_292, %parallel_loop3A_294 : vector<16xi32>
        %parallel_loop3A_296 = tpu.bitcast %parallel_loop3A_295 : vector<16xi32> -> vector<16xf32>
        %parallel_loop3A_297 = arith.constant -65536 : i32
        %parallel_loop3A_298 = vector.broadcast %parallel_loop3A_297 : i32 to vector<16xi32>
        %parallel_loop3A_299 = arith.andi %parallel_loop3A_292, %parallel_loop3A_298 : vector<16xi32>
        %parallel_loop3A_300 = tpu.bitcast %parallel_loop3A_299 : vector<16xi32> -> vector<16xf32>
        %parallel_loop3A_301 = arith.index_cast %parallel_loop3A_90 : i32 to index
        %parallel_loop3A_302 = arith.constant 288 : index
        %parallel_loop3A_303 = tpu.vector_load %arg8[%parallel_loop3A_301, %parallel_loop3A_302] {strides = array<i32>} : memref<40x1024xf32, #tpu.memory_space<vmem>>, vector<1x16xf32>,
        %parallel_loop3A_304 = vector.shape_cast %parallel_loop3A_303 : vector<1x16xf32> to vector<16xf32>
        %parallel_loop3A_305 = vector.shape_cast %parallel_loop3A_296 : vector<16xf32> to vector<1x16xf32>
        tpu.vector_store %arg8[%parallel_loop3A_301, %parallel_loop3A_302], %parallel_loop3A_305 {strides = array<i32>} : memref<40x1024xf32, #tpu.memory_space<vmem>>, vector<1x16xf32>,
        %parallel_loop3A_306 = arith.index_cast %parallel_loop3A_90 : i32 to index
        %parallel_loop3A_307 = arith.constant 304 : index
        %parallel_loop3A_308 = tpu.vector_load %arg8[%parallel_loop3A_306, %parallel_loop3A_307] {strides = array<i32>} : memref<40x1024xf32, #tpu.memory_space<vmem>>, vector<1x16xf32>,
        %parallel_loop3A_309 = vector.shape_cast %parallel_loop3A_308 : vector<1x16xf32> to vector<16xf32>
        %parallel_loop3A_310 = vector.shape_cast %parallel_loop3A_300 : vector<16xf32> to vector<1x16xf32>
        tpu.vector_store %arg8[%parallel_loop3A_306, %parallel_loop3A_307], %parallel_loop3A_310 {strides = array<i32>} : memref<40x1024xf32, #tpu.memory_space<vmem>>, vector<1x16xf32>,
        %parallel_loop3A_311 = arith.index_cast %parallel_loop3A_90 : i32 to index
        %parallel_loop3A_312 = arith.constant 160 : index
        %parallel_loop3A_313 = tpu.vector_load %arg6[%parallel_loop3A_311, %parallel_loop3A_312] {strides = array<i32>} : memref<40x512xi32, #tpu.memory_space<vmem>>, vector<1x16xi32>,
        %parallel_loop3A_314 = vector.shape_cast %parallel_loop3A_313 : vector<1x16xi32> to vector<16xi32>
        %parallel_loop3A_315 = arith.constant 16 : i32
        %parallel_loop3A_316 = vector.broadcast %parallel_loop3A_315 : i32 to vector<16xi32>
        %parallel_loop3A_317 = arith.shli %parallel_loop3A_314, %parallel_loop3A_316 : vector<16xi32>
        %parallel_loop3A_318 = tpu.bitcast %parallel_loop3A_317 : vector<16xi32> -> vector<16xf32>
        %parallel_loop3A_319 = arith.constant -65536 : i32
        %parallel_loop3A_320 = vector.broadcast %parallel_loop3A_319 : i32 to vector<16xi32>
        %parallel_loop3A_321 = arith.andi %parallel_loop3A_314, %parallel_loop3A_320 : vector<16xi32>
        %parallel_loop3A_322 = tpu.bitcast %parallel_loop3A_321 : vector<16xi32> -> vector<16xf32>
        %parallel_loop3A_323 = arith.index_cast %parallel_loop3A_90 : i32 to index
        %parallel_loop3A_324 = arith.constant 320 : index
        %parallel_loop3A_325 = tpu.vector_load %arg8[%parallel_loop3A_323, %parallel_loop3A_324] {strides = array<i32>} : memref<40x1024xf32, #tpu.memory_space<vmem>>, vector<1x16xf32>,
        %parallel_loop3A_326 = vector.shape_cast %parallel_loop3A_325 : vector<1x16xf32> to vector<16xf32>
        %parallel_loop3A_327 = vector.shape_cast %parallel_loop3A_318 : vector<16xf32> to vector<1x16xf32>
        tpu.vector_store %arg8[%parallel_loop3A_323, %parallel_loop3A_324], %parallel_loop3A_327 {strides = array<i32>} : memref<40x1024xf32, #tpu.memory_space<vmem>>, vector<1x16xf32>,
        %parallel_loop3A_328 = arith.index_cast %parallel_loop3A_90 : i32 to index
        %parallel_loop3A_329 = arith.constant 336 : index
        %parallel_loop3A_330 = tpu.vector_load %arg8[%parallel_loop3A_328, %parallel_loop3A_329] {strides = array<i32>} : memref<40x1024xf32, #tpu.memory_space<vmem>>, vector<1x16xf32>,
        %parallel_loop3A_331 = vector.shape_cast %parallel_loop3A_330 : vector<1x16xf32> to vector<16xf32>
        %parallel_loop3A_332 = vector.shape_cast %parallel_loop3A_322 : vector<16xf32> to vector<1x16xf32>
        tpu.vector_store %arg8[%parallel_loop3A_328, %parallel_loop3A_329], %parallel_loop3A_332 {strides = array<i32>} : memref<40x1024xf32, #tpu.memory_space<vmem>>, vector<1x16xf32>,
        %parallel_loop3A_333 = arith.index_cast %parallel_loop3A_90 : i32 to index
        %parallel_loop3A_334 = arith.constant 176 : index
        %parallel_loop3A_335 = tpu.vector_load %arg6[%parallel_loop3A_333, %parallel_loop3A_334] {strides = array<i32>} : memref<40x512xi32, #tpu.memory_space<vmem>>, vector<1x16xi32>,
        %parallel_loop3A_336 = vector.shape_cast %parallel_loop3A_335 : vector<1x16xi32> to vector<16xi32>
        %parallel_loop3A_337 = arith.constant 16 : i32
        %parallel_loop3A_338 = vector.broadcast %parallel_loop3A_337 : i32 to vector<16xi32>
        %parallel_loop3A_339 = arith.shli %parallel_loop3A_336, %parallel_loop3A_338 : vector<16xi32>
        %parallel_loop3A_340 = tpu.bitcast %parallel_loop3A_339 : vector<16xi32> -> vector<16xf32>
        %parallel_loop3A_341 = arith.constant -65536 : i32
        %parallel_loop3A_342 = vector.broadcast %parallel_loop3A_341 : i32 to vector<16xi32>
        %parallel_loop3A_343 = arith.andi %parallel_loop3A_336, %parallel_loop3A_342 : vector<16xi32>
        %parallel_loop3A_344 = tpu.bitcast %parallel_loop3A_343 : vector<16xi32> -> vector<16xf32>
        %parallel_loop3A_345 = arith.index_cast %parallel_loop3A_90 : i32 to index
        %parallel_loop3A_346 = arith.constant 352 : index
        %parallel_loop3A_347 = tpu.vector_load %arg8[%parallel_loop3A_345, %parallel_loop3A_346] {strides = array<i32>} : memref<40x1024xf32, #tpu.memory_space<vmem>>, vector<1x16xf32>,
        %parallel_loop3A_348 = vector.shape_cast %parallel_loop3A_347 : vector<1x16xf32> to vector<16xf32>
        %parallel_loop3A_349 = vector.shape_cast %parallel_loop3A_340 : vector<16xf32> to vector<1x16xf32>
        tpu.vector_store %arg8[%parallel_loop3A_345, %parallel_loop3A_346], %parallel_loop3A_349 {strides = array<i32>} : memref<40x1024xf32, #tpu.memory_space<vmem>>, vector<1x16xf32>,
        %parallel_loop3A_350 = arith.index_cast %parallel_loop3A_90 : i32 to index
        %parallel_loop3A_351 = arith.constant 368 : index
        %parallel_loop3A_352 = tpu.vector_load %arg8[%parallel_loop3A_350, %parallel_loop3A_351] {strides = array<i32>} : memref<40x1024xf32, #tpu.memory_space<vmem>>, vector<1x16xf32>,
        %parallel_loop3A_353 = vector.shape_cast %parallel_loop3A_352 : vector<1x16xf32> to vector<16xf32>
        %parallel_loop3A_354 = vector.shape_cast %parallel_loop3A_344 : vector<16xf32> to vector<1x16xf32>
        tpu.vector_store %arg8[%parallel_loop3A_350, %parallel_loop3A_351], %parallel_loop3A_354 {strides = array<i32>} : memref<40x1024xf32, #tpu.memory_space<vmem>>, vector<1x16xf32>,
        %parallel_loop3A_355 = arith.index_cast %parallel_loop3A_90 : i32 to index
        %parallel_loop3A_356 = arith.constant 192 : index
        %parallel_loop3A_357 = tpu.vector_load %arg6[%parallel_loop3A_355, %parallel_loop3A_356] {strides = array<i32>} : memref<40x512xi32, #tpu.memory_space<vmem>>, vector<1x16xi32>,
        %parallel_loop3A_358 = vector.shape_cast %parallel_loop3A_357 : vector<1x16xi32> to vector<16xi32>
        %parallel_loop3A_359 = arith.constant 16 : i32
        %parallel_loop3A_360 = vector.broadcast %parallel_loop3A_359 : i32 to vector<16xi32>
        %parallel_loop3A_361 = arith.shli %parallel_loop3A_358, %parallel_loop3A_360 : vector<16xi32>
        %parallel_loop3A_362 = tpu.bitcast %parallel_loop3A_361 : vector<16xi32> -> vector<16xf32>
        %parallel_loop3A_363 = arith.constant -65536 : i32
        %parallel_loop3A_364 = vector.broadcast %parallel_loop3A_363 : i32 to vector<16xi32>
        %parallel_loop3A_365 = arith.andi %parallel_loop3A_358, %parallel_loop3A_364 : vector<16xi32>
        %parallel_loop3A_366 = tpu.bitcast %parallel_loop3A_365 : vector<16xi32> -> vector<16xf32>
        %parallel_loop3A_367 = arith.index_cast %parallel_loop3A_90 : i32 to index
        %parallel_loop3A_368 = arith.constant 384 : index
        %parallel_loop3A_369 = tpu.vector_load %arg8[%parallel_loop3A_367, %parallel_loop3A_368] {strides = array<i32>} : memref<40x1024xf32, #tpu.memory_space<vmem>>, vector<1x16xf32>,
        %parallel_loop3A_370 = vector.shape_cast %parallel_loop3A_369 : vector<1x16xf32> to vector<16xf32>
        %parallel_loop3A_371 = vector.shape_cast %parallel_loop3A_362 : vector<16xf32> to vector<1x16xf32>
        tpu.vector_store %arg8[%parallel_loop3A_367, %parallel_loop3A_368], %parallel_loop3A_371 {strides = array<i32>} : memref<40x1024xf32, #tpu.memory_space<vmem>>, vector<1x16xf32>,
        %parallel_loop3A_372 = arith.index_cast %parallel_loop3A_90 : i32 to index
        %parallel_loop3A_373 = arith.constant 400 : index
        %parallel_loop3A_374 = tpu.vector_load %arg8[%parallel_loop3A_372, %parallel_loop3A_373] {strides = array<i32>} : memref<40x1024xf32, #tpu.memory_space<vmem>>, vector<1x16xf32>,
        %parallel_loop3A_375 = vector.shape_cast %parallel_loop3A_374 : vector<1x16xf32> to vector<16xf32>
        %parallel_loop3A_376 = vector.shape_cast %parallel_loop3A_366 : vector<16xf32> to vector<1x16xf32>
        tpu.vector_store %arg8[%parallel_loop3A_372, %parallel_loop3A_373], %parallel_loop3A_376 {strides = array<i32>} : memref<40x1024xf32, #tpu.memory_space<vmem>>, vector<1x16xf32>,
        %parallel_loop3A_377 = arith.index_cast %parallel_loop3A_90 : i32 to index
        %parallel_loop3A_378 = arith.constant 208 : index
        %parallel_loop3A_379 = tpu.vector_load %arg6[%parallel_loop3A_377, %parallel_loop3A_378] {strides = array<i32>} : memref<40x512xi32, #tpu.memory_space<vmem>>, vector<1x16xi32>,
        %parallel_loop3A_380 = vector.shape_cast %parallel_loop3A_379 : vector<1x16xi32> to vector<16xi32>
        %parallel_loop3A_381 = arith.constant 16 : i32
        %parallel_loop3A_382 = vector.broadcast %parallel_loop3A_381 : i32 to vector<16xi32>
        %parallel_loop3A_383 = arith.shli %parallel_loop3A_380, %parallel_loop3A_382 : vector<16xi32>
        %parallel_loop3A_384 = tpu.bitcast %parallel_loop3A_383 : vector<16xi32> -> vector<16xf32>
        %parallel_loop3A_385 = arith.constant -65536 : i32
        %parallel_loop3A_386 = vector.broadcast %parallel_loop3A_385 : i32 to vector<16xi32>
        %parallel_loop3A_387 = arith.andi %parallel_loop3A_380, %parallel_loop3A_386 : vector<16xi32>
        %parallel_loop3A_388 = tpu.bitcast %parallel_loop3A_387 : vector<16xi32> -> vector<16xf32>
        %parallel_loop3A_389 = arith.index_cast %parallel_loop3A_90 : i32 to index
        %parallel_loop3A_390 = arith.constant 416 : index
        %parallel_loop3A_391 = tpu.vector_load %arg8[%parallel_loop3A_389, %parallel_loop3A_390] {strides = array<i32>} : memref<40x1024xf32, #tpu.memory_space<vmem>>, vector<1x16xf32>,
        %parallel_loop3A_392 = vector.shape_cast %parallel_loop3A_391 : vector<1x16xf32> to vector<16xf32>
        %parallel_loop3A_393 = vector.shape_cast %parallel_loop3A_384 : vector<16xf32> to vector<1x16xf32>
        tpu.vector_store %arg8[%parallel_loop3A_389, %parallel_loop3A_390], %parallel_loop3A_393 {strides = array<i32>} : memref<40x1024xf32, #tpu.memory_space<vmem>>, vector<1x16xf32>,
        %parallel_loop3A_394 = arith.index_cast %parallel_loop3A_90 : i32 to index
        %parallel_loop3A_395 = arith.constant 432 : index
        %parallel_loop3A_396 = tpu.vector_load %arg8[%parallel_loop3A_394, %parallel_loop3A_395] {strides = array<i32>} : memref<40x1024xf32, #tpu.memory_space<vmem>>, vector<1x16xf32>,
        %parallel_loop3A_397 = vector.shape_cast %parallel_loop3A_396 : vector<1x16xf32> to vector<16xf32>
        %parallel_loop3A_398 = vector.shape_cast %parallel_loop3A_388 : vector<16xf32> to vector<1x16xf32>
        tpu.vector_store %arg8[%parallel_loop3A_394, %parallel_loop3A_395], %parallel_loop3A_398 {strides = array<i32>} : memref<40x1024xf32, #tpu.memory_space<vmem>>, vector<1x16xf32>,
        %parallel_loop3A_399 = arith.index_cast %parallel_loop3A_90 : i32 to index
        %parallel_loop3A_400 = arith.constant 224 : index
        %parallel_loop3A_401 = tpu.vector_load %arg6[%parallel_loop3A_399, %parallel_loop3A_400] {strides = array<i32>} : memref<40x512xi32, #tpu.memory_space<vmem>>, vector<1x16xi32>,
        %parallel_loop3A_402 = vector.shape_cast %parallel_loop3A_401 : vector<1x16xi32> to vector<16xi32>
        %parallel_loop3A_403 = arith.constant 16 : i32
        %parallel_loop3A_404 = vector.broadcast %parallel_loop3A_403 : i32 to vector<16xi32>
        %parallel_loop3A_405 = arith.shli %parallel_loop3A_402, %parallel_loop3A_404 : vector<16xi32>
        %parallel_loop3A_406 = tpu.bitcast %parallel_loop3A_405 : vector<16xi32> -> vector<16xf32>
        %parallel_loop3A_407 = arith.constant -65536 : i32
        %parallel_loop3A_408 = vector.broadcast %parallel_loop3A_407 : i32 to vector<16xi32>
        %parallel_loop3A_409 = arith.andi %parallel_loop3A_402, %parallel_loop3A_408 : vector<16xi32>
        %parallel_loop3A_410 = tpu.bitcast %parallel_loop3A_409 : vector<16xi32> -> vector<16xf32>
        %parallel_loop3A_411 = arith.index_cast %parallel_loop3A_90 : i32 to index
        %parallel_loop3A_412 = arith.constant 448 : index
        %parallel_loop3A_413 = tpu.vector_load %arg8[%parallel_loop3A_411, %parallel_loop3A_412] {strides = array<i32>} : memref<40x1024xf32, #tpu.memory_space<vmem>>, vector<1x16xf32>,
        %parallel_loop3A_414 = vector.shape_cast %parallel_loop3A_413 : vector<1x16xf32> to vector<16xf32>
        %parallel_loop3A_415 = vector.shape_cast %parallel_loop3A_406 : vector<16xf32> to vector<1x16xf32>
        tpu.vector_store %arg8[%parallel_loop3A_411, %parallel_loop3A_412], %parallel_loop3A_415 {strides = array<i32>} : memref<40x1024xf32, #tpu.memory_space<vmem>>, vector<1x16xf32>,
        %parallel_loop3A_416 = arith.index_cast %parallel_loop3A_90 : i32 to index
        %parallel_loop3A_417 = arith.constant 464 : index
        %parallel_loop3A_418 = tpu.vector_load %arg8[%parallel_loop3A_416, %parallel_loop3A_417] {strides = array<i32>} : memref<40x1024xf32, #tpu.memory_space<vmem>>, vector<1x16xf32>,
        %parallel_loop3A_419 = vector.shape_cast %parallel_loop3A_418 : vector<1x16xf32> to vector<16xf32>
        %parallel_loop3A_420 = vector.shape_cast %parallel_loop3A_410 : vector<16xf32> to vector<1x16xf32>
        tpu.vector_store %arg8[%parallel_loop3A_416, %parallel_loop3A_417], %parallel_loop3A_420 {strides = array<i32>} : memref<40x1024xf32, #tpu.memory_space<vmem>>, vector<1x16xf32>,
        %parallel_loop3A_421 = arith.index_cast %parallel_loop3A_90 : i32 to index
        %parallel_loop3A_422 = arith.constant 240 : index
        %parallel_loop3A_423 = tpu.vector_load %arg6[%parallel_loop3A_421, %parallel_loop3A_422] {strides = array<i32>} : memref<40x512xi32, #tpu.memory_space<vmem>>, vector<1x16xi32>,
        %parallel_loop3A_424 = vector.shape_cast %parallel_loop3A_423 : vector<1x16xi32> to vector<16xi32>
        %parallel_loop3A_425 = arith.constant 16 : i32
        %parallel_loop3A_426 = vector.broadcast %parallel_loop3A_425 : i32 to vector<16xi32>
        %parallel_loop3A_427 = arith.shli %parallel_loop3A_424, %parallel_loop3A_426 : vector<16xi32>
        %parallel_loop3A_428 = tpu.bitcast %parallel_loop3A_427 : vector<16xi32> -> vector<16xf32>
        %parallel_loop3A_429 = arith.constant -65536 : i32
        %parallel_loop3A_430 = vector.broadcast %parallel_loop3A_429 : i32 to vector<16xi32>
        %parallel_loop3A_431 = arith.andi %parallel_loop3A_424, %parallel_loop3A_430 : vector<16xi32>
        %parallel_loop3A_432 = tpu.bitcast %parallel_loop3A_431 : vector<16xi32> -> vector<16xf32>
        %parallel_loop3A_433 = arith.index_cast %parallel_loop3A_90 : i32 to index
        %parallel_loop3A_434 = arith.constant 480 : index
        %parallel_loop3A_435 = tpu.vector_load %arg8[%parallel_loop3A_433, %parallel_loop3A_434] {strides = array<i32>} : memref<40x1024xf32, #tpu.memory_space<vmem>>, vector<1x16xf32>,
        %parallel_loop3A_436 = vector.shape_cast %parallel_loop3A_435 : vector<1x16xf32> to vector<16xf32>
        %parallel_loop3A_437 = vector.shape_cast %parallel_loop3A_428 : vector<16xf32> to vector<1x16xf32>
        tpu.vector_store %arg8[%parallel_loop3A_433, %parallel_loop3A_434], %parallel_loop3A_437 {strides = array<i32>} : memref<40x1024xf32, #tpu.memory_space<vmem>>, vector<1x16xf32>,
        %parallel_loop3A_438 = arith.index_cast %parallel_loop3A_90 : i32 to index
        %parallel_loop3A_439 = arith.constant 496 : index
        %parallel_loop3A_440 = tpu.vector_load %arg8[%parallel_loop3A_438, %parallel_loop3A_439] {strides = array<i32>} : memref<40x1024xf32, #tpu.memory_space<vmem>>, vector<1x16xf32>,
        %parallel_loop3A_441 = vector.shape_cast %parallel_loop3A_440 : vector<1x16xf32> to vector<16xf32>
        %parallel_loop3A_442 = vector.shape_cast %parallel_loop3A_432 : vector<16xf32> to vector<1x16xf32>
        tpu.vector_store %arg8[%parallel_loop3A_438, %parallel_loop3A_439], %parallel_loop3A_442 {strides = array<i32>} : memref<40x1024xf32, #tpu.memory_space<vmem>>, vector<1x16xf32>,
        %parallel_loop3A_443 = arith.index_cast %parallel_loop3A_90 : i32 to index
        %parallel_loop3A_444 = arith.constant 256 : index
        %parallel_loop3A_445 = tpu.vector_load %arg6[%parallel_loop3A_443, %parallel_loop3A_444] {strides = array<i32>} : memref<40x512xi32, #tpu.memory_space<vmem>>, vector<1x16xi32>,
        %parallel_loop3A_446 = vector.shape_cast %parallel_loop3A_445 : vector<1x16xi32> to vector<16xi32>
        %parallel_loop3A_447 = arith.constant 16 : i32
        %parallel_loop3A_448 = vector.broadcast %parallel_loop3A_447 : i32 to vector<16xi32>
        %parallel_loop3A_449 = arith.shli %parallel_loop3A_446, %parallel_loop3A_448 : vector<16xi32>
        %parallel_loop3A_450 = tpu.bitcast %parallel_loop3A_449 : vector<16xi32> -> vector<16xf32>
        %parallel_loop3A_451 = arith.constant -65536 : i32
        %parallel_loop3A_452 = vector.broadcast %parallel_loop3A_451 : i32 to vector<16xi32>
        %parallel_loop3A_453 = arith.andi %parallel_loop3A_446, %parallel_loop3A_452 : vector<16xi32>
        %parallel_loop3A_454 = tpu.bitcast %parallel_loop3A_453 : vector<16xi32> -> vector<16xf32>
        %parallel_loop3A_455 = arith.index_cast %parallel_loop3A_90 : i32 to index
        %parallel_loop3A_456 = arith.constant 512 : index
        %parallel_loop3A_457 = tpu.vector_load %arg8[%parallel_loop3A_455, %parallel_loop3A_456] {strides = array<i32>} : memref<40x1024xf32, #tpu.memory_space<vmem>>, vector<1x16xf32>,
        %parallel_loop3A_458 = vector.shape_cast %parallel_loop3A_457 : vector<1x16xf32> to vector<16xf32>
        %parallel_loop3A_459 = vector.shape_cast %parallel_loop3A_450 : vector<16xf32> to vector<1x16xf32>
        tpu.vector_store %arg8[%parallel_loop3A_455, %parallel_loop3A_456], %parallel_loop3A_459 {strides = array<i32>} : memref<40x1024xf32, #tpu.memory_space<vmem>>, vector<1x16xf32>,
        %parallel_loop3A_460 = arith.index_cast %parallel_loop3A_90 : i32 to index
        %parallel_loop3A_461 = arith.constant 528 : index
        %parallel_loop3A_462 = tpu.vector_load %arg8[%parallel_loop3A_460, %parallel_loop3A_461] {strides = array<i32>} : memref<40x1024xf32, #tpu.memory_space<vmem>>, vector<1x16xf32>,
        %parallel_loop3A_463 = vector.shape_cast %parallel_loop3A_462 : vector<1x16xf32> to vector<16xf32>
        %parallel_loop3A_464 = vector.shape_cast %parallel_loop3A_454 : vector<16xf32> to vector<1x16xf32>
        tpu.vector_store %arg8[%parallel_loop3A_460, %parallel_loop3A_461], %parallel_loop3A_464 {strides = array<i32>} : memref<40x1024xf32, #tpu.memory_space<vmem>>, vector<1x16xf32>,
        %parallel_loop3A_465 = arith.index_cast %parallel_loop3A_90 : i32 to index
        %parallel_loop3A_466 = arith.constant 272 : index
        %parallel_loop3A_467 = tpu.vector_load %arg6[%parallel_loop3A_465, %parallel_loop3A_466] {strides = array<i32>} : memref<40x512xi32, #tpu.memory_space<vmem>>, vector<1x16xi32>,
        %parallel_loop3A_468 = vector.shape_cast %parallel_loop3A_467 : vector<1x16xi32> to vector<16xi32>
        %parallel_loop3A_469 = arith.constant 16 : i32
        %parallel_loop3A_470 = vector.broadcast %parallel_loop3A_469 : i32 to vector<16xi32>
        %parallel_loop3A_471 = arith.shli %parallel_loop3A_468, %parallel_loop3A_470 : vector<16xi32>
        %parallel_loop3A_472 = tpu.bitcast %parallel_loop3A_471 : vector<16xi32> -> vector<16xf32>
        %parallel_loop3A_473 = arith.constant -65536 : i32
        %parallel_loop3A_474 = vector.broadcast %parallel_loop3A_473 : i32 to vector<16xi32>
        %parallel_loop3A_475 = arith.andi %parallel_loop3A_468, %parallel_loop3A_474 : vector<16xi32>
        %parallel_loop3A_476 = tpu.bitcast %parallel_loop3A_475 : vector<16xi32> -> vector<16xf32>
        %parallel_loop3A_477 = arith.index_cast %parallel_loop3A_90 : i32 to index
        %parallel_loop3A_478 = arith.constant 544 : index
        %parallel_loop3A_479 = tpu.vector_load %arg8[%parallel_loop3A_477, %parallel_loop3A_478] {strides = array<i32>} : memref<40x1024xf32, #tpu.memory_space<vmem>>, vector<1x16xf32>,
        %parallel_loop3A_480 = vector.shape_cast %parallel_loop3A_479 : vector<1x16xf32> to vector<16xf32>
        %parallel_loop3A_481 = vector.shape_cast %parallel_loop3A_472 : vector<16xf32> to vector<1x16xf32>
        tpu.vector_store %arg8[%parallel_loop3A_477, %parallel_loop3A_478], %parallel_loop3A_481 {strides = array<i32>} : memref<40x1024xf32, #tpu.memory_space<vmem>>, vector<1x16xf32>,
        %parallel_loop3A_482 = arith.index_cast %parallel_loop3A_90 : i32 to index
        %parallel_loop3A_483 = arith.constant 560 : index
        %parallel_loop3A_484 = tpu.vector_load %arg8[%parallel_loop3A_482, %parallel_loop3A_483] {strides = array<i32>} : memref<40x1024xf32, #tpu.memory_space<vmem>>, vector<1x16xf32>,
        %parallel_loop3A_485 = vector.shape_cast %parallel_loop3A_484 : vector<1x16xf32> to vector<16xf32>
        %parallel_loop3A_486 = vector.shape_cast %parallel_loop3A_476 : vector<16xf32> to vector<1x16xf32>
        tpu.vector_store %arg8[%parallel_loop3A_482, %parallel_loop3A_483], %parallel_loop3A_486 {strides = array<i32>} : memref<40x1024xf32, #tpu.memory_space<vmem>>, vector<1x16xf32>,
        %parallel_loop3A_487 = arith.index_cast %parallel_loop3A_90 : i32 to index
        %parallel_loop3A_488 = arith.constant 288 : index
        %parallel_loop3A_489 = tpu.vector_load %arg6[%parallel_loop3A_487, %parallel_loop3A_488] {strides = array<i32>} : memref<40x512xi32, #tpu.memory_space<vmem>>, vector<1x16xi32>,
        %parallel_loop3A_490 = vector.shape_cast %parallel_loop3A_489 : vector<1x16xi32> to vector<16xi32>
        %parallel_loop3A_491 = arith.constant 16 : i32
        %parallel_loop3A_492 = vector.broadcast %parallel_loop3A_491 : i32 to vector<16xi32>
        %parallel_loop3A_493 = arith.shli %parallel_loop3A_490, %parallel_loop3A_492 : vector<16xi32>
        %parallel_loop3A_494 = tpu.bitcast %parallel_loop3A_493 : vector<16xi32> -> vector<16xf32>
        %parallel_loop3A_495 = arith.constant -65536 : i32
        %parallel_loop3A_496 = vector.broadcast %parallel_loop3A_495 : i32 to vector<16xi32>
        %parallel_loop3A_497 = arith.andi %parallel_loop3A_490, %parallel_loop3A_496 : vector<16xi32>
        %parallel_loop3A_498 = tpu.bitcast %parallel_loop3A_497 : vector<16xi32> -> vector<16xf32>
        %parallel_loop3A_499 = arith.index_cast %parallel_loop3A_90 : i32 to index
        %parallel_loop3A_500 = arith.constant 576 : index
        %parallel_loop3A_501 = tpu.vector_load %arg8[%parallel_loop3A_499, %parallel_loop3A_500] {strides = array<i32>} : memref<40x1024xf32, #tpu.memory_space<vmem>>, vector<1x16xf32>,
        %parallel_loop3A_502 = vector.shape_cast %parallel_loop3A_501 : vector<1x16xf32> to vector<16xf32>
        %parallel_loop3A_503 = vector.shape_cast %parallel_loop3A_494 : vector<16xf32> to vector<1x16xf32>
        tpu.vector_store %arg8[%parallel_loop3A_499, %parallel_loop3A_500], %parallel_loop3A_503 {strides = array<i32>} : memref<40x1024xf32, #tpu.memory_space<vmem>>, vector<1x16xf32>,
        %parallel_loop3A_504 = arith.index_cast %parallel_loop3A_90 : i32 to index
        %parallel_loop3A_505 = arith.constant 592 : index
        %parallel_loop3A_506 = tpu.vector_load %arg8[%parallel_loop3A_504, %parallel_loop3A_505] {strides = array<i32>} : memref<40x1024xf32, #tpu.memory_space<vmem>>, vector<1x16xf32>,
        %parallel_loop3A_507 = vector.shape_cast %parallel_loop3A_506 : vector<1x16xf32> to vector<16xf32>
        %parallel_loop3A_508 = vector.shape_cast %parallel_loop3A_498 : vector<16xf32> to vector<1x16xf32>
        tpu.vector_store %arg8[%parallel_loop3A_504, %parallel_loop3A_505], %parallel_loop3A_508 {strides = array<i32>} : memref<40x1024xf32, #tpu.memory_space<vmem>>, vector<1x16xf32>,
        %parallel_loop3A_509 = arith.index_cast %parallel_loop3A_90 : i32 to index
        %parallel_loop3A_510 = arith.constant 304 : index
        %parallel_loop3A_511 = tpu.vector_load %arg6[%parallel_loop3A_509, %parallel_loop3A_510] {strides = array<i32>} : memref<40x512xi32, #tpu.memory_space<vmem>>, vector<1x16xi32>,
        %parallel_loop3A_512 = vector.shape_cast %parallel_loop3A_511 : vector<1x16xi32> to vector<16xi32>
        %parallel_loop3A_513 = arith.constant 16 : i32
        %parallel_loop3A_514 = vector.broadcast %parallel_loop3A_513 : i32 to vector<16xi32>
        %parallel_loop3A_515 = arith.shli %parallel_loop3A_512, %parallel_loop3A_514 : vector<16xi32>
        %parallel_loop3A_516 = tpu.bitcast %parallel_loop3A_515 : vector<16xi32> -> vector<16xf32>
        %parallel_loop3A_517 = arith.constant -65536 : i32
        %parallel_loop3A_518 = vector.broadcast %parallel_loop3A_517 : i32 to vector<16xi32>
        %parallel_loop3A_519 = arith.andi %parallel_loop3A_512, %parallel_loop3A_518 : vector<16xi32>
        %parallel_loop3A_520 = tpu.bitcast %parallel_loop3A_519 : vector<16xi32> -> vector<16xf32>
        %parallel_loop3A_521 = arith.index_cast %parallel_loop3A_90 : i32 to index
        %parallel_loop3A_522 = arith.constant 608 : index
        %parallel_loop3A_523 = tpu.vector_load %arg8[%parallel_loop3A_521, %parallel_loop3A_522] {strides = array<i32>} : memref<40x1024xf32, #tpu.memory_space<vmem>>, vector<1x16xf32>,
        %parallel_loop3A_524 = vector.shape_cast %parallel_loop3A_523 : vector<1x16xf32> to vector<16xf32>
        %parallel_loop3A_525 = vector.shape_cast %parallel_loop3A_516 : vector<16xf32> to vector<1x16xf32>
        tpu.vector_store %arg8[%parallel_loop3A_521, %parallel_loop3A_522], %parallel_loop3A_525 {strides = array<i32>} : memref<40x1024xf32, #tpu.memory_space<vmem>>, vector<1x16xf32>,
        %parallel_loop3A_526 = arith.index_cast %parallel_loop3A_90 : i32 to index
        %parallel_loop3A_527 = arith.constant 624 : index
        %parallel_loop3A_528 = tpu.vector_load %arg8[%parallel_loop3A_526, %parallel_loop3A_527] {strides = array<i32>} : memref<40x1024xf32, #tpu.memory_space<vmem>>, vector<1x16xf32>,
        %parallel_loop3A_529 = vector.shape_cast %parallel_loop3A_528 : vector<1x16xf32> to vector<16xf32>
        %parallel_loop3A_530 = vector.shape_cast %parallel_loop3A_520 : vector<16xf32> to vector<1x16xf32>
        tpu.vector_store %arg8[%parallel_loop3A_526, %parallel_loop3A_527], %parallel_loop3A_530 {strides = array<i32>} : memref<40x1024xf32, #tpu.memory_space<vmem>>, vector<1x16xf32>,
        %parallel_loop3A_531 = arith.index_cast %parallel_loop3A_90 : i32 to index
        %parallel_loop3A_532 = arith.constant 320 : index
        %parallel_loop3A_533 = tpu.vector_load %arg6[%parallel_loop3A_531, %parallel_loop3A_532] {strides = array<i32>} : memref<40x512xi32, #tpu.memory_space<vmem>>, vector<1x16xi32>,
        %parallel_loop3A_534 = vector.shape_cast %parallel_loop3A_533 : vector<1x16xi32> to vector<16xi32>
        %parallel_loop3A_535 = arith.constant 16 : i32
        %parallel_loop3A_536 = vector.broadcast %parallel_loop3A_535 : i32 to vector<16xi32>
        %parallel_loop3A_537 = arith.shli %parallel_loop3A_534, %parallel_loop3A_536 : vector<16xi32>
        %parallel_loop3A_538 = tpu.bitcast %parallel_loop3A_537 : vector<16xi32> -> vector<16xf32>
        %parallel_loop3A_539 = arith.constant -65536 : i32
        %parallel_loop3A_540 = vector.broadcast %parallel_loop3A_539 : i32 to vector<16xi32>
        %parallel_loop3A_541 = arith.andi %parallel_loop3A_534, %parallel_loop3A_540 : vector<16xi32>
        %parallel_loop3A_542 = tpu.bitcast %parallel_loop3A_541 : vector<16xi32> -> vector<16xf32>
        %parallel_loop3A_543 = arith.index_cast %parallel_loop3A_90 : i32 to index
        %parallel_loop3A_544 = arith.constant 640 : index
        %parallel_loop3A_545 = tpu.vector_load %arg8[%parallel_loop3A_543, %parallel_loop3A_544] {strides = array<i32>} : memref<40x1024xf32, #tpu.memory_space<vmem>>, vector<1x16xf32>,
        %parallel_loop3A_546 = vector.shape_cast %parallel_loop3A_545 : vector<1x16xf32> to vector<16xf32>
        %parallel_loop3A_547 = vector.shape_cast %parallel_loop3A_538 : vector<16xf32> to vector<1x16xf32>
        tpu.vector_store %arg8[%parallel_loop3A_543, %parallel_loop3A_544], %parallel_loop3A_547 {strides = array<i32>} : memref<40x1024xf32, #tpu.memory_space<vmem>>, vector<1x16xf32>,
        %parallel_loop3A_548 = arith.index_cast %parallel_loop3A_90 : i32 to index
        %parallel_loop3A_549 = arith.constant 656 : index
        %parallel_loop3A_550 = tpu.vector_load %arg8[%parallel_loop3A_548, %parallel_loop3A_549] {strides = array<i32>} : memref<40x1024xf32, #tpu.memory_space<vmem>>, vector<1x16xf32>,
        %parallel_loop3A_551 = vector.shape_cast %parallel_loop3A_550 : vector<1x16xf32> to vector<16xf32>
        %parallel_loop3A_552 = vector.shape_cast %parallel_loop3A_542 : vector<16xf32> to vector<1x16xf32>
        tpu.vector_store %arg8[%parallel_loop3A_548, %parallel_loop3A_549], %parallel_loop3A_552 {strides = array<i32>} : memref<40x1024xf32, #tpu.memory_space<vmem>>, vector<1x16xf32>,
        %parallel_loop3A_553 = arith.index_cast %parallel_loop3A_90 : i32 to index
        %parallel_loop3A_554 = arith.constant 336 : index
        %parallel_loop3A_555 = tpu.vector_load %arg6[%parallel_loop3A_553, %parallel_loop3A_554] {strides = array<i32>} : memref<40x512xi32, #tpu.memory_space<vmem>>, vector<1x16xi32>,
        %parallel_loop3A_556 = vector.shape_cast %parallel_loop3A_555 : vector<1x16xi32> to vector<16xi32>
        %parallel_loop3A_557 = arith.constant 16 : i32
        %parallel_loop3A_558 = vector.broadcast %parallel_loop3A_557 : i32 to vector<16xi32>
        %parallel_loop3A_559 = arith.shli %parallel_loop3A_556, %parallel_loop3A_558 : vector<16xi32>
        %parallel_loop3A_560 = tpu.bitcast %parallel_loop3A_559 : vector<16xi32> -> vector<16xf32>
        %parallel_loop3A_561 = arith.constant -65536 : i32
        %parallel_loop3A_562 = vector.broadcast %parallel_loop3A_561 : i32 to vector<16xi32>
        %parallel_loop3A_563 = arith.andi %parallel_loop3A_556, %parallel_loop3A_562 : vector<16xi32>
        %parallel_loop3A_564 = tpu.bitcast %parallel_loop3A_563 : vector<16xi32> -> vector<16xf32>
        %parallel_loop3A_565 = arith.index_cast %parallel_loop3A_90 : i32 to index
        %parallel_loop3A_566 = arith.constant 672 : index
        %parallel_loop3A_567 = tpu.vector_load %arg8[%parallel_loop3A_565, %parallel_loop3A_566] {strides = array<i32>} : memref<40x1024xf32, #tpu.memory_space<vmem>>, vector<1x16xf32>,
        %parallel_loop3A_568 = vector.shape_cast %parallel_loop3A_567 : vector<1x16xf32> to vector<16xf32>
        %parallel_loop3A_569 = vector.shape_cast %parallel_loop3A_560 : vector<16xf32> to vector<1x16xf32>
        tpu.vector_store %arg8[%parallel_loop3A_565, %parallel_loop3A_566], %parallel_loop3A_569 {strides = array<i32>} : memref<40x1024xf32, #tpu.memory_space<vmem>>, vector<1x16xf32>,
        %parallel_loop3A_570 = arith.index_cast %parallel_loop3A_90 : i32 to index
        %parallel_loop3A_571 = arith.constant 688 : index
        %parallel_loop3A_572 = tpu.vector_load %arg8[%parallel_loop3A_570, %parallel_loop3A_571] {strides = array<i32>} : memref<40x1024xf32, #tpu.memory_space<vmem>>, vector<1x16xf32>,
        %parallel_loop3A_573 = vector.shape_cast %parallel_loop3A_572 : vector<1x16xf32> to vector<16xf32>
        %parallel_loop3A_574 = vector.shape_cast %parallel_loop3A_564 : vector<16xf32> to vector<1x16xf32>
        tpu.vector_store %arg8[%parallel_loop3A_570, %parallel_loop3A_571], %parallel_loop3A_574 {strides = array<i32>} : memref<40x1024xf32, #tpu.memory_space<vmem>>, vector<1x16xf32>,
        %parallel_loop3A_575 = arith.index_cast %parallel_loop3A_90 : i32 to index
        %parallel_loop3A_576 = arith.constant 352 : index
        %parallel_loop3A_577 = tpu.vector_load %arg6[%parallel_loop3A_575, %parallel_loop3A_576] {strides = array<i32>} : memref<40x512xi32, #tpu.memory_space<vmem>>, vector<1x16xi32>,
        %parallel_loop3A_578 = vector.shape_cast %parallel_loop3A_577 : vector<1x16xi32> to vector<16xi32>
        %parallel_loop3A_579 = arith.constant 16 : i32
        %parallel_loop3A_580 = vector.broadcast %parallel_loop3A_579 : i32 to vector<16xi32>
        %parallel_loop3A_581 = arith.shli %parallel_loop3A_578, %parallel_loop3A_580 : vector<16xi32>
        %parallel_loop3A_582 = tpu.bitcast %parallel_loop3A_581 : vector<16xi32> -> vector<16xf32>
        %parallel_loop3A_583 = arith.constant -65536 : i32
        %parallel_loop3A_584 = vector.broadcast %parallel_loop3A_583 : i32 to vector<16xi32>
        %parallel_loop3A_585 = arith.andi %parallel_loop3A_578, %parallel_loop3A_584 : vector<16xi32>
        %parallel_loop3A_586 = tpu.bitcast %parallel_loop3A_585 : vector<16xi32> -> vector<16xf32>
        %parallel_loop3A_587 = arith.index_cast %parallel_loop3A_90 : i32 to index
        %parallel_loop3A_588 = arith.constant 704 : index
        %parallel_loop3A_589 = tpu.vector_load %arg8[%parallel_loop3A_587, %parallel_loop3A_588] {strides = array<i32>} : memref<40x1024xf32, #tpu.memory_space<vmem>>, vector<1x16xf32>,
        %parallel_loop3A_590 = vector.shape_cast %parallel_loop3A_589 : vector<1x16xf32> to vector<16xf32>
        %parallel_loop3A_591 = vector.shape_cast %parallel_loop3A_582 : vector<16xf32> to vector<1x16xf32>
        tpu.vector_store %arg8[%parallel_loop3A_587, %parallel_loop3A_588], %parallel_loop3A_591 {strides = array<i32>} : memref<40x1024xf32, #tpu.memory_space<vmem>>, vector<1x16xf32>,
        %parallel_loop3A_592 = arith.index_cast %parallel_loop3A_90 : i32 to index
        %parallel_loop3A_593 = arith.constant 720 : index
        %parallel_loop3A_594 = tpu.vector_load %arg8[%parallel_loop3A_592, %parallel_loop3A_593] {strides = array<i32>} : memref<40x1024xf32, #tpu.memory_space<vmem>>, vector<1x16xf32>,
        %parallel_loop3A_595 = vector.shape_cast %parallel_loop3A_594 : vector<1x16xf32> to vector<16xf32>
        %parallel_loop3A_596 = vector.shape_cast %parallel_loop3A_586 : vector<16xf32> to vector<1x16xf32>
        tpu.vector_store %arg8[%parallel_loop3A_592, %parallel_loop3A_593], %parallel_loop3A_596 {strides = array<i32>} : memref<40x1024xf32, #tpu.memory_space<vmem>>, vector<1x16xf32>,
        %parallel_loop3A_597 = arith.index_cast %parallel_loop3A_90 : i32 to index
        %parallel_loop3A_598 = arith.constant 368 : index
        %parallel_loop3A_599 = tpu.vector_load %arg6[%parallel_loop3A_597, %parallel_loop3A_598] {strides = array<i32>} : memref<40x512xi32, #tpu.memory_space<vmem>>, vector<1x16xi32>,
        %parallel_loop3A_600 = vector.shape_cast %parallel_loop3A_599 : vector<1x16xi32> to vector<16xi32>
        %parallel_loop3A_601 = arith.constant 16 : i32
        %parallel_loop3A_602 = vector.broadcast %parallel_loop3A_601 : i32 to vector<16xi32>
        %parallel_loop3A_603 = arith.shli %parallel_loop3A_600, %parallel_loop3A_602 : vector<16xi32>
        %parallel_loop3A_604 = tpu.bitcast %parallel_loop3A_603 : vector<16xi32> -> vector<16xf32>
        %parallel_loop3A_605 = arith.constant -65536 : i32
        %parallel_loop3A_606 = vector.broadcast %parallel_loop3A_605 : i32 to vector<16xi32>
        %parallel_loop3A_607 = arith.andi %parallel_loop3A_600, %parallel_loop3A_606 : vector<16xi32>
        %parallel_loop3A_608 = tpu.bitcast %parallel_loop3A_607 : vector<16xi32> -> vector<16xf32>
        %parallel_loop3A_609 = arith.index_cast %parallel_loop3A_90 : i32 to index
        %parallel_loop3A_610 = arith.constant 736 : index
        %parallel_loop3A_611 = tpu.vector_load %arg8[%parallel_loop3A_609, %parallel_loop3A_610] {strides = array<i32>} : memref<40x1024xf32, #tpu.memory_space<vmem>>, vector<1x16xf32>,
        %parallel_loop3A_612 = vector.shape_cast %parallel_loop3A_611 : vector<1x16xf32> to vector<16xf32>
        %parallel_loop3A_613 = vector.shape_cast %parallel_loop3A_604 : vector<16xf32> to vector<1x16xf32>
        tpu.vector_store %arg8[%parallel_loop3A_609, %parallel_loop3A_610], %parallel_loop3A_613 {strides = array<i32>} : memref<40x1024xf32, #tpu.memory_space<vmem>>, vector<1x16xf32>,
        %parallel_loop3A_614 = arith.index_cast %parallel_loop3A_90 : i32 to index
        %parallel_loop3A_615 = arith.constant 752 : index
        %parallel_loop3A_616 = tpu.vector_load %arg8[%parallel_loop3A_614, %parallel_loop3A_615] {strides = array<i32>} : memref<40x1024xf32, #tpu.memory_space<vmem>>, vector<1x16xf32>,
        %parallel_loop3A_617 = vector.shape_cast %parallel_loop3A_616 : vector<1x16xf32> to vector<16xf32>
        %parallel_loop3A_618 = vector.shape_cast %parallel_loop3A_608 : vector<16xf32> to vector<1x16xf32>
        tpu.vector_store %arg8[%parallel_loop3A_614, %parallel_loop3A_615], %parallel_loop3A_618 {strides = array<i32>} : memref<40x1024xf32, #tpu.memory_space<vmem>>, vector<1x16xf32>,
        %parallel_loop3A_619 = arith.index_cast %parallel_loop3A_90 : i32 to index
        %parallel_loop3A_620 = arith.constant 384 : index
        %parallel_loop3A_621 = tpu.vector_load %arg6[%parallel_loop3A_619, %parallel_loop3A_620] {strides = array<i32>} : memref<40x512xi32, #tpu.memory_space<vmem>>, vector<1x16xi32>,
        %parallel_loop3A_622 = vector.shape_cast %parallel_loop3A_621 : vector<1x16xi32> to vector<16xi32>
        %parallel_loop3A_623 = arith.constant 16 : i32
        %parallel_loop3A_624 = vector.broadcast %parallel_loop3A_623 : i32 to vector<16xi32>
        %parallel_loop3A_625 = arith.shli %parallel_loop3A_622, %parallel_loop3A_624 : vector<16xi32>
        %parallel_loop3A_626 = tpu.bitcast %parallel_loop3A_625 : vector<16xi32> -> vector<16xf32>
        %parallel_loop3A_627 = arith.constant -65536 : i32
        %parallel_loop3A_628 = vector.broadcast %parallel_loop3A_627 : i32 to vector<16xi32>
        %parallel_loop3A_629 = arith.andi %parallel_loop3A_622, %parallel_loop3A_628 : vector<16xi32>
        %parallel_loop3A_630 = tpu.bitcast %parallel_loop3A_629 : vector<16xi32> -> vector<16xf32>
        %parallel_loop3A_631 = arith.index_cast %parallel_loop3A_90 : i32 to index
        %parallel_loop3A_632 = arith.constant 768 : index
        %parallel_loop3A_633 = tpu.vector_load %arg8[%parallel_loop3A_631, %parallel_loop3A_632] {strides = array<i32>} : memref<40x1024xf32, #tpu.memory_space<vmem>>, vector<1x16xf32>,
        %parallel_loop3A_634 = vector.shape_cast %parallel_loop3A_633 : vector<1x16xf32> to vector<16xf32>
        %parallel_loop3A_635 = vector.shape_cast %parallel_loop3A_626 : vector<16xf32> to vector<1x16xf32>
        tpu.vector_store %arg8[%parallel_loop3A_631, %parallel_loop3A_632], %parallel_loop3A_635 {strides = array<i32>} : memref<40x1024xf32, #tpu.memory_space<vmem>>, vector<1x16xf32>,
        %parallel_loop3A_636 = arith.index_cast %parallel_loop3A_90 : i32 to index
        %parallel_loop3A_637 = arith.constant 784 : index
        %parallel_loop3A_638 = tpu.vector_load %arg8[%parallel_loop3A_636, %parallel_loop3A_637] {strides = array<i32>} : memref<40x1024xf32, #tpu.memory_space<vmem>>, vector<1x16xf32>,
        %parallel_loop3A_639 = vector.shape_cast %parallel_loop3A_638 : vector<1x16xf32> to vector<16xf32>
        %parallel_loop3A_640 = vector.shape_cast %parallel_loop3A_630 : vector<16xf32> to vector<1x16xf32>
        tpu.vector_store %arg8[%parallel_loop3A_636, %parallel_loop3A_637], %parallel_loop3A_640 {strides = array<i32>} : memref<40x1024xf32, #tpu.memory_space<vmem>>, vector<1x16xf32>,
        %parallel_loop3A_641 = arith.index_cast %parallel_loop3A_90 : i32 to index
        %parallel_loop3A_642 = arith.constant 400 : index
        %parallel_loop3A_643 = tpu.vector_load %arg6[%parallel_loop3A_641, %parallel_loop3A_642] {strides = array<i32>} : memref<40x512xi32, #tpu.memory_space<vmem>>, vector<1x16xi32>,
        %parallel_loop3A_644 = vector.shape_cast %parallel_loop3A_643 : vector<1x16xi32> to vector<16xi32>
        %parallel_loop3A_645 = arith.constant 16 : i32
        %parallel_loop3A_646 = vector.broadcast %parallel_loop3A_645 : i32 to vector<16xi32>
        %parallel_loop3A_647 = arith.shli %parallel_loop3A_644, %parallel_loop3A_646 : vector<16xi32>
        %parallel_loop3A_648 = tpu.bitcast %parallel_loop3A_647 : vector<16xi32> -> vector<16xf32>
        %parallel_loop3A_649 = arith.constant -65536 : i32
        %parallel_loop3A_650 = vector.broadcast %parallel_loop3A_649 : i32 to vector<16xi32>
        %parallel_loop3A_651 = arith.andi %parallel_loop3A_644, %parallel_loop3A_650 : vector<16xi32>
        %parallel_loop3A_652 = tpu.bitcast %parallel_loop3A_651 : vector<16xi32> -> vector<16xf32>
        %parallel_loop3A_653 = arith.index_cast %parallel_loop3A_90 : i32 to index
        %parallel_loop3A_654 = arith.constant 800 : index
        %parallel_loop3A_655 = tpu.vector_load %arg8[%parallel_loop3A_653, %parallel_loop3A_654] {strides = array<i32>} : memref<40x1024xf32, #tpu.memory_space<vmem>>, vector<1x16xf32>,
        %parallel_loop3A_656 = vector.shape_cast %parallel_loop3A_655 : vector<1x16xf32> to vector<16xf32>
        %parallel_loop3A_657 = vector.shape_cast %parallel_loop3A_648 : vector<16xf32> to vector<1x16xf32>
        tpu.vector_store %arg8[%parallel_loop3A_653, %parallel_loop3A_654], %parallel_loop3A_657 {strides = array<i32>} : memref<40x1024xf32, #tpu.memory_space<vmem>>, vector<1x16xf32>,
        %parallel_loop3A_658 = arith.index_cast %parallel_loop3A_90 : i32 to index
        %parallel_loop3A_659 = arith.constant 816 : index
        %parallel_loop3A_660 = tpu.vector_load %arg8[%parallel_loop3A_658, %parallel_loop3A_659] {strides = array<i32>} : memref<40x1024xf32, #tpu.memory_space<vmem>>, vector<1x16xf32>,
        %parallel_loop3A_661 = vector.shape_cast %parallel_loop3A_660 : vector<1x16xf32> to vector<16xf32>
        %parallel_loop3A_662 = vector.shape_cast %parallel_loop3A_652 : vector<16xf32> to vector<1x16xf32>
        tpu.vector_store %arg8[%parallel_loop3A_658, %parallel_loop3A_659], %parallel_loop3A_662 {strides = array<i32>} : memref<40x1024xf32, #tpu.memory_space<vmem>>, vector<1x16xf32>,
        %parallel_loop3A_663 = arith.index_cast %parallel_loop3A_90 : i32 to index
        %parallel_loop3A_664 = arith.constant 416 : index
        %parallel_loop3A_665 = tpu.vector_load %arg6[%parallel_loop3A_663, %parallel_loop3A_664] {strides = array<i32>} : memref<40x512xi32, #tpu.memory_space<vmem>>, vector<1x16xi32>,
        %parallel_loop3A_666 = vector.shape_cast %parallel_loop3A_665 : vector<1x16xi32> to vector<16xi32>
        %parallel_loop3A_667 = arith.constant 16 : i32
        %parallel_loop3A_668 = vector.broadcast %parallel_loop3A_667 : i32 to vector<16xi32>
        %parallel_loop3A_669 = arith.shli %parallel_loop3A_666, %parallel_loop3A_668 : vector<16xi32>
        %parallel_loop3A_670 = tpu.bitcast %parallel_loop3A_669 : vector<16xi32> -> vector<16xf32>
        %parallel_loop3A_671 = arith.constant -65536 : i32
        %parallel_loop3A_672 = vector.broadcast %parallel_loop3A_671 : i32 to vector<16xi32>
        %parallel_loop3A_673 = arith.andi %parallel_loop3A_666, %parallel_loop3A_672 : vector<16xi32>
        %parallel_loop3A_674 = tpu.bitcast %parallel_loop3A_673 : vector<16xi32> -> vector<16xf32>
        %parallel_loop3A_675 = arith.index_cast %parallel_loop3A_90 : i32 to index
        %parallel_loop3A_676 = arith.constant 832 : index
        %parallel_loop3A_677 = tpu.vector_load %arg8[%parallel_loop3A_675, %parallel_loop3A_676] {strides = array<i32>} : memref<40x1024xf32, #tpu.memory_space<vmem>>, vector<1x16xf32>,
        %parallel_loop3A_678 = vector.shape_cast %parallel_loop3A_677 : vector<1x16xf32> to vector<16xf32>
        %parallel_loop3A_679 = vector.shape_cast %parallel_loop3A_670 : vector<16xf32> to vector<1x16xf32>
        tpu.vector_store %arg8[%parallel_loop3A_675, %parallel_loop3A_676], %parallel_loop3A_679 {strides = array<i32>} : memref<40x1024xf32, #tpu.memory_space<vmem>>, vector<1x16xf32>,
        %parallel_loop3A_680 = arith.index_cast %parallel_loop3A_90 : i32 to index
        %parallel_loop3A_681 = arith.constant 848 : index
        %parallel_loop3A_682 = tpu.vector_load %arg8[%parallel_loop3A_680, %parallel_loop3A_681] {strides = array<i32>} : memref<40x1024xf32, #tpu.memory_space<vmem>>, vector<1x16xf32>,
        %parallel_loop3A_683 = vector.shape_cast %parallel_loop3A_682 : vector<1x16xf32> to vector<16xf32>
        %parallel_loop3A_684 = vector.shape_cast %parallel_loop3A_674 : vector<16xf32> to vector<1x16xf32>
        tpu.vector_store %arg8[%parallel_loop3A_680, %parallel_loop3A_681], %parallel_loop3A_684 {strides = array<i32>} : memref<40x1024xf32, #tpu.memory_space<vmem>>, vector<1x16xf32>,
        %parallel_loop3A_685 = arith.index_cast %parallel_loop3A_90 : i32 to index
        %parallel_loop3A_686 = arith.constant 432 : index
        %parallel_loop3A_687 = tpu.vector_load %arg6[%parallel_loop3A_685, %parallel_loop3A_686] {strides = array<i32>} : memref<40x512xi32, #tpu.memory_space<vmem>>, vector<1x16xi32>,
        %parallel_loop3A_688 = vector.shape_cast %parallel_loop3A_687 : vector<1x16xi32> to vector<16xi32>
        %parallel_loop3A_689 = arith.constant 16 : i32
        %parallel_loop3A_690 = vector.broadcast %parallel_loop3A_689 : i32 to vector<16xi32>
        %parallel_loop3A_691 = arith.shli %parallel_loop3A_688, %parallel_loop3A_690 : vector<16xi32>
        %parallel_loop3A_692 = tpu.bitcast %parallel_loop3A_691 : vector<16xi32> -> vector<16xf32>
        %parallel_loop3A_693 = arith.constant -65536 : i32
        %parallel_loop3A_694 = vector.broadcast %parallel_loop3A_693 : i32 to vector<16xi32>
        %parallel_loop3A_695 = arith.andi %parallel_loop3A_688, %parallel_loop3A_694 : vector<16xi32>
        %parallel_loop3A_696 = tpu.bitcast %parallel_loop3A_695 : vector<16xi32> -> vector<16xf32>
        %parallel_loop3A_697 = arith.index_cast %parallel_loop3A_90 : i32 to index
        %parallel_loop3A_698 = arith.constant 864 : index
        %parallel_loop3A_699 = tpu.vector_load %arg8[%parallel_loop3A_697, %parallel_loop3A_698] {strides = array<i32>} : memref<40x1024xf32, #tpu.memory_space<vmem>>, vector<1x16xf32>,
        %parallel_loop3A_700 = vector.shape_cast %parallel_loop3A_699 : vector<1x16xf32> to vector<16xf32>
        %parallel_loop3A_701 = vector.shape_cast %parallel_loop3A_692 : vector<16xf32> to vector<1x16xf32>
        tpu.vector_store %arg8[%parallel_loop3A_697, %parallel_loop3A_698], %parallel_loop3A_701 {strides = array<i32>} : memref<40x1024xf32, #tpu.memory_space<vmem>>, vector<1x16xf32>,
        %parallel_loop3A_702 = arith.index_cast %parallel_loop3A_90 : i32 to index
        %parallel_loop3A_703 = arith.constant 880 : index
        %parallel_loop3A_704 = tpu.vector_load %arg8[%parallel_loop3A_702, %parallel_loop3A_703] {strides = array<i32>} : memref<40x1024xf32, #tpu.memory_space<vmem>>, vector<1x16xf32>,
        %parallel_loop3A_705 = vector.shape_cast %parallel_loop3A_704 : vector<1x16xf32> to vector<16xf32>
        %parallel_loop3A_706 = vector.shape_cast %parallel_loop3A_696 : vector<16xf32> to vector<1x16xf32>
        tpu.vector_store %arg8[%parallel_loop3A_702, %parallel_loop3A_703], %parallel_loop3A_706 {strides = array<i32>} : memref<40x1024xf32, #tpu.memory_space<vmem>>, vector<1x16xf32>,
        %parallel_loop3A_707 = arith.index_cast %parallel_loop3A_90 : i32 to index
        %parallel_loop3A_708 = arith.constant 448 : index
        %parallel_loop3A_709 = tpu.vector_load %arg6[%parallel_loop3A_707, %parallel_loop3A_708] {strides = array<i32>} : memref<40x512xi32, #tpu.memory_space<vmem>>, vector<1x16xi32>,
        %parallel_loop3A_710 = vector.shape_cast %parallel_loop3A_709 : vector<1x16xi32> to vector<16xi32>
        %parallel_loop3A_711 = arith.constant 16 : i32
        %parallel_loop3A_712 = vector.broadcast %parallel_loop3A_711 : i32 to vector<16xi32>
        %parallel_loop3A_713 = arith.shli %parallel_loop3A_710, %parallel_loop3A_712 : vector<16xi32>
        %parallel_loop3A_714 = tpu.bitcast %parallel_loop3A_713 : vector<16xi32> -> vector<16xf32>
        %parallel_loop3A_715 = arith.constant -65536 : i32
        %parallel_loop3A_716 = vector.broadcast %parallel_loop3A_715 : i32 to vector<16xi32>
        %parallel_loop3A_717 = arith.andi %parallel_loop3A_710, %parallel_loop3A_716 : vector<16xi32>
        %parallel_loop3A_718 = tpu.bitcast %parallel_loop3A_717 : vector<16xi32> -> vector<16xf32>
        %parallel_loop3A_719 = arith.index_cast %parallel_loop3A_90 : i32 to index
        %parallel_loop3A_720 = arith.constant 896 : index
        %parallel_loop3A_721 = tpu.vector_load %arg8[%parallel_loop3A_719, %parallel_loop3A_720] {strides = array<i32>} : memref<40x1024xf32, #tpu.memory_space<vmem>>, vector<1x16xf32>,
        %parallel_loop3A_722 = vector.shape_cast %parallel_loop3A_721 : vector<1x16xf32> to vector<16xf32>
        %parallel_loop3A_723 = vector.shape_cast %parallel_loop3A_714 : vector<16xf32> to vector<1x16xf32>
        tpu.vector_store %arg8[%parallel_loop3A_719, %parallel_loop3A_720], %parallel_loop3A_723 {strides = array<i32>} : memref<40x1024xf32, #tpu.memory_space<vmem>>, vector<1x16xf32>,
        %parallel_loop3A_724 = arith.index_cast %parallel_loop3A_90 : i32 to index
        %parallel_loop3A_725 = arith.constant 912 : index
        %parallel_loop3A_726 = tpu.vector_load %arg8[%parallel_loop3A_724, %parallel_loop3A_725] {strides = array<i32>} : memref<40x1024xf32, #tpu.memory_space<vmem>>, vector<1x16xf32>,
        %parallel_loop3A_727 = vector.shape_cast %parallel_loop3A_726 : vector<1x16xf32> to vector<16xf32>
        %parallel_loop3A_728 = vector.shape_cast %parallel_loop3A_718 : vector<16xf32> to vector<1x16xf32>
        tpu.vector_store %arg8[%parallel_loop3A_724, %parallel_loop3A_725], %parallel_loop3A_728 {strides = array<i32>} : memref<40x1024xf32, #tpu.memory_space<vmem>>, vector<1x16xf32>,
        %parallel_loop3A_729 = arith.index_cast %parallel_loop3A_90 : i32 to index
        %parallel_loop3A_730 = arith.constant 464 : index
        %parallel_loop3A_731 = tpu.vector_load %arg6[%parallel_loop3A_729, %parallel_loop3A_730] {strides = array<i32>} : memref<40x512xi32, #tpu.memory_space<vmem>>, vector<1x16xi32>,
        %parallel_loop3A_732 = vector.shape_cast %parallel_loop3A_731 : vector<1x16xi32> to vector<16xi32>
        %parallel_loop3A_733 = arith.constant 16 : i32
        %parallel_loop3A_734 = vector.broadcast %parallel_loop3A_733 : i32 to vector<16xi32>
        %parallel_loop3A_735 = arith.shli %parallel_loop3A_732, %parallel_loop3A_734 : vector<16xi32>
        %parallel_loop3A_736 = tpu.bitcast %parallel_loop3A_735 : vector<16xi32> -> vector<16xf32>
        %parallel_loop3A_737 = arith.constant -65536 : i32
        %parallel_loop3A_738 = vector.broadcast %parallel_loop3A_737 : i32 to vector<16xi32>
        %parallel_loop3A_739 = arith.andi %parallel_loop3A_732, %parallel_loop3A_738 : vector<16xi32>
        %parallel_loop3A_740 = tpu.bitcast %parallel_loop3A_739 : vector<16xi32> -> vector<16xf32>
        %parallel_loop3A_741 = arith.index_cast %parallel_loop3A_90 : i32 to index
        %parallel_loop3A_742 = arith.constant 928 : index
        %parallel_loop3A_743 = tpu.vector_load %arg8[%parallel_loop3A_741, %parallel_loop3A_742] {strides = array<i32>} : memref<40x1024xf32, #tpu.memory_space<vmem>>, vector<1x16xf32>,
        %parallel_loop3A_744 = vector.shape_cast %parallel_loop3A_743 : vector<1x16xf32> to vector<16xf32>
        %parallel_loop3A_745 = vector.shape_cast %parallel_loop3A_736 : vector<16xf32> to vector<1x16xf32>
        tpu.vector_store %arg8[%parallel_loop3A_741, %parallel_loop3A_742], %parallel_loop3A_745 {strides = array<i32>} : memref<40x1024xf32, #tpu.memory_space<vmem>>, vector<1x16xf32>,
        %parallel_loop3A_746 = arith.index_cast %parallel_loop3A_90 : i32 to index
        %parallel_loop3A_747 = arith.constant 944 : index
        %parallel_loop3A_748 = tpu.vector_load %arg8[%parallel_loop3A_746, %parallel_loop3A_747] {strides = array<i32>} : memref<40x1024xf32, #tpu.memory_space<vmem>>, vector<1x16xf32>,
        %parallel_loop3A_749 = vector.shape_cast %parallel_loop3A_748 : vector<1x16xf32> to vector<16xf32>
        %parallel_loop3A_750 = vector.shape_cast %parallel_loop3A_740 : vector<16xf32> to vector<1x16xf32>
        tpu.vector_store %arg8[%parallel_loop3A_746, %parallel_loop3A_747], %parallel_loop3A_750 {strides = array<i32>} : memref<40x1024xf32, #tpu.memory_space<vmem>>, vector<1x16xf32>,
        %parallel_loop3A_751 = arith.index_cast %parallel_loop3A_90 : i32 to index
        %parallel_loop3A_752 = arith.constant 480 : index
        %parallel_loop3A_753 = tpu.vector_load %arg6[%parallel_loop3A_751, %parallel_loop3A_752] {strides = array<i32>} : memref<40x512xi32, #tpu.memory_space<vmem>>, vector<1x16xi32>,
        %parallel_loop3A_754 = vector.shape_cast %parallel_loop3A_753 : vector<1x16xi32> to vector<16xi32>
        %parallel_loop3A_755 = arith.constant 16 : i32
        %parallel_loop3A_756 = vector.broadcast %parallel_loop3A_755 : i32 to vector<16xi32>
        %parallel_loop3A_757 = arith.shli %parallel_loop3A_754, %parallel_loop3A_756 : vector<16xi32>
        %parallel_loop3A_758 = tpu.bitcast %parallel_loop3A_757 : vector<16xi32> -> vector<16xf32>
        %parallel_loop3A_759 = arith.constant -65536 : i32
        %parallel_loop3A_760 = vector.broadcast %parallel_loop3A_759 : i32 to vector<16xi32>
        %parallel_loop3A_761 = arith.andi %parallel_loop3A_754, %parallel_loop3A_760 : vector<16xi32>
        %parallel_loop3A_762 = tpu.bitcast %parallel_loop3A_761 : vector<16xi32> -> vector<16xf32>
        %parallel_loop3A_763 = arith.index_cast %parallel_loop3A_90 : i32 to index
        %parallel_loop3A_764 = arith.constant 960 : index
        %parallel_loop3A_765 = tpu.vector_load %arg8[%parallel_loop3A_763, %parallel_loop3A_764] {strides = array<i32>} : memref<40x1024xf32, #tpu.memory_space<vmem>>, vector<1x16xf32>,
        %parallel_loop3A_766 = vector.shape_cast %parallel_loop3A_765 : vector<1x16xf32> to vector<16xf32>
        %parallel_loop3A_767 = vector.shape_cast %parallel_loop3A_758 : vector<16xf32> to vector<1x16xf32>
        tpu.vector_store %arg8[%parallel_loop3A_763, %parallel_loop3A_764], %parallel_loop3A_767 {strides = array<i32>} : memref<40x1024xf32, #tpu.memory_space<vmem>>, vector<1x16xf32>,
        %parallel_loop3A_768 = arith.index_cast %parallel_loop3A_90 : i32 to index
        %parallel_loop3A_769 = arith.constant 976 : index
        %parallel_loop3A_770 = tpu.vector_load %arg8[%parallel_loop3A_768, %parallel_loop3A_769] {strides = array<i32>} : memref<40x1024xf32, #tpu.memory_space<vmem>>, vector<1x16xf32>,
        %parallel_loop3A_771 = vector.shape_cast %parallel_loop3A_770 : vector<1x16xf32> to vector<16xf32>
        %parallel_loop3A_772 = vector.shape_cast %parallel_loop3A_762 : vector<16xf32> to vector<1x16xf32>
        tpu.vector_store %arg8[%parallel_loop3A_768, %parallel_loop3A_769], %parallel_loop3A_772 {strides = array<i32>} : memref<40x1024xf32, #tpu.memory_space<vmem>>, vector<1x16xf32>,
        %parallel_loop3A_773 = arith.index_cast %parallel_loop3A_90 : i32 to index
        %parallel_loop3A_774 = arith.constant 496 : index
        %parallel_loop3A_775 = tpu.vector_load %arg6[%parallel_loop3A_773, %parallel_loop3A_774] {strides = array<i32>} : memref<40x512xi32, #tpu.memory_space<vmem>>, vector<1x16xi32>,
        %parallel_loop3A_776 = vector.shape_cast %parallel_loop3A_775 : vector<1x16xi32> to vector<16xi32>
        %parallel_loop3A_777 = arith.constant 16 : i32
        %parallel_loop3A_778 = vector.broadcast %parallel_loop3A_777 : i32 to vector<16xi32>
        %parallel_loop3A_779 = arith.shli %parallel_loop3A_776, %parallel_loop3A_778 : vector<16xi32>
        %parallel_loop3A_780 = tpu.bitcast %parallel_loop3A_779 : vector<16xi32> -> vector<16xf32>
        %parallel_loop3A_781 = arith.constant -65536 : i32
        %parallel_loop3A_782 = vector.broadcast %parallel_loop3A_781 : i32 to vector<16xi32>
        %parallel_loop3A_783 = arith.andi %parallel_loop3A_776, %parallel_loop3A_782 : vector<16xi32>
        %parallel_loop3A_784 = tpu.bitcast %parallel_loop3A_783 : vector<16xi32> -> vector<16xf32>
        %parallel_loop3A_785 = arith.index_cast %parallel_loop3A_90 : i32 to index
        %parallel_loop3A_786 = arith.constant 992 : index
        %parallel_loop3A_787 = tpu.vector_load %arg8[%parallel_loop3A_785, %parallel_loop3A_786] {strides = array<i32>} : memref<40x1024xf32, #tpu.memory_space<vmem>>, vector<1x16xf32>,
        %parallel_loop3A_788 = vector.shape_cast %parallel_loop3A_787 : vector<1x16xf32> to vector<16xf32>
        %parallel_loop3A_789 = vector.shape_cast %parallel_loop3A_780 : vector<16xf32> to vector<1x16xf32>
        tpu.vector_store %arg8[%parallel_loop3A_785, %parallel_loop3A_786], %parallel_loop3A_789 {strides = array<i32>} : memref<40x1024xf32, #tpu.memory_space<vmem>>, vector<1x16xf32>,
        %parallel_loop3A_790 = arith.index_cast %parallel_loop3A_90 : i32 to index
        %parallel_loop3A_791 = arith.constant 1008 : index
        %parallel_loop3A_792 = tpu.vector_load %arg8[%parallel_loop3A_790, %parallel_loop3A_791] {strides = array<i32>} : memref<40x1024xf32, #tpu.memory_space<vmem>>, vector<1x16xf32>,
        %parallel_loop3A_793 = vector.shape_cast %parallel_loop3A_792 : vector<1x16xf32> to vector<16xf32>
        %parallel_loop3A_794 = vector.shape_cast %parallel_loop3A_784 : vector<16xf32> to vector<1x16xf32>
        tpu.vector_store %arg8[%parallel_loop3A_790, %parallel_loop3A_791], %parallel_loop3A_794 {strides = array<i32>} : memref<40x1024xf32, #tpu.memory_space<vmem>>, vector<1x16xf32>,
      } {sc.loop_unroll_factor = 2 : i64, sc.parallel_access}
      %add3A_45 = arith.constant 1 : i32
      %add3A_46 = arith.addi %scan3A_32, %add3A_45 : i32
      %lt3A = arith.constant 32 : i32
      %lt3A_47 = arith.cmpi slt, %add3A_46, %lt3A : i32
      %convert_element_type3A_48 = arith.extui %lt3A_47 : i1 to i32
      %cond3A_49 = arith.constant 0 : i32
      %cond3A_50 = arith.cmpi ne, %convert_element_type3A_48, %cond3A_49 : i32
      scf.if %cond3A_50 {
        %add3A_90 = arith.constant 2 : i32
        %add3A_91 = arith.addi %mul3A_34, %add3A_90 : i32
        %dma_start3A_92 = arith.constant 0 : i32
        %dma_start3A_93 = tpu.memref_slice %arg5[%add3A_91, %dma_start3A_92] : memref<64x40xi32, #tpu.memory_space<vmem>> -> memref<1x40xi32, #tpu.memory_space<vmem>>
        %dma_start3A_94 = tpu.memref_squeeze %dma_start3A_93 : memref<1x40xi32, #tpu.memory_space<vmem>> -> memref<40xi32, #tpu.memory_space<vmem>>
        %dma_start3A_95 = arith.constant 0 : i32
        %dma_start3A_96 = arith.constant 0 : i32
        %dma_start3A_97 = tpu.memref_slice %arg2[%dma_start3A_95, %dma_start3A_96] : memref<30522x512xi32, #tpu.memory_space<hbm>> -> memref<30522x512xi32, #tpu.memory_space<hbm>>
        tpu.enqueue_indirect_dma source(%dma_start3A_97 : memref<30522x512xi32, #tpu.memory_space<hbm>>) target(%arg6 : memref<40x512xi32, #tpu.memory_space<vmem>>) offsets(%dma_start3A_94 : memref<40xi32, #tpu.memory_space<vmem>>) semaphore(%arg10 : memref<!tpu.dma_semaphore, #tpu.memory_space<semaphore_mem>>)
      } else {
      }
      %mul3A_51 = arith.constant 40 : i32
      %mul3A_52 = arith.muli %mul3A_34, %mul3A_51 : i32
      %add3A_53 = arith.addi %mul3A_2, %mul3A_52 : i32
      %dma_start3A_54 = arith.constant 0 : i32
      %dma_start3A_55 = tpu.memref_slice %arg4[%add3A_53, %dma_start3A_54] : memref<81920x1024xf32, #tpu.memory_space<hbm>> -> memref<40x1024xf32, #tpu.memory_space<hbm>>
      %dma_start3A_56 = arith.constant 0 : i32
      %dma_start3A_57 = tpu.memref_slice %arg4[%add3A_53, %dma_start3A_56] : memref<81920x1024xf32, #tpu.memory_space<hbm>> -> memref<40x1024xf32, #tpu.memory_space<hbm>>
      tpu.enqueue_dma source(%arg8 : memref<40x1024xf32, #tpu.memory_space<vmem>>) target(%dma_start3A_57 : memref<40x1024xf32, #tpu.memory_space<hbm>>) target_semaphore(%arg12 : memref<!tpu.dma_semaphore, #tpu.memory_space<semaphore_mem>>)
      %add3A_58 = arith.constant 1 : i32
      %add3A_59 = arith.addi %mul3A_34, %add3A_58 : i32
      %dma_wait3A_60 = arith.constant 0 : i32
      %dma_wait3A_61 = tpu.memref_slice %arg5[%add3A_59, %dma_wait3A_60] : memref<64x40xi32, #tpu.memory_space<vmem>> -> memref<1x40xi32, #tpu.memory_space<vmem>>
      %dma_wait3A_62 = tpu.memref_squeeze %dma_wait3A_61 : memref<1x40xi32, #tpu.memory_space<vmem>> -> memref<40xi32, #tpu.memory_space<vmem>>
      %dma_wait3A_63 = arith.constant 0 : i32
      %dma_wait3A_64 = arith.constant 0 : i32
      %dma_wait3A_65 = tpu.memref_slice %arg2[%dma_wait3A_63, %dma_wait3A_64] : memref<30522x512xi32, #tpu.memory_space<hbm>> -> memref<30522x512xi32, #tpu.memory_space<hbm>>
      tpu.wait_indirect_dma semaphore(%arg11 : memref<!tpu.dma_semaphore, #tpu.memory_space<semaphore_mem>>) src(%dma_wait3A_65 : memref<30522x512xi32, #tpu.memory_space<hbm>>) dst(%arg7 : memref<40x512xi32, #tpu.memory_space<vmem>>)
      %gt3A_66 = arith.constant 0 : i32
      %gt3A_67 = arith.cmpi sgt, %scan3A_32, %gt3A_66 : i32
      %convert_element_type3A_68 = arith.extui %gt3A_67 : i1 to i32
      %cond3A_69 = arith.constant 0 : i32
      %cond3A_70 = arith.cmpi ne, %convert_element_type3A_68, %cond3A_69 : i32
      scf.if %cond3A_70 {
        %sub3A = arith.constant 1 : i32
        %sub3A_90 = arith.subi %mul3A_34, %sub3A : i32
        %mul3A_91 = arith.constant 40 : i32
        %mul3A_92 = arith.muli %sub3A_90, %mul3A_91 : i32
        %add3A_93 = arith.addi %mul3A_2, %mul3A_92 : i32
        %dma_wait3A_94 = arith.constant 0 : i32
        %dma_wait3A_95 = tpu.memref_slice %arg4[%add3A_93, %dma_wait3A_94] : memref<81920x1024xf32, #tpu.memory_space<hbm>> -> memref<40x1024xf32, #tpu.memory_space<hbm>>
        %dma_wait3A_96 = arith.constant 0 : i32
        %dma_wait3A_97 = tpu.memref_slice %arg4[%add3A_93, %dma_wait3A_96] : memref<81920x1024xf32, #tpu.memory_space<hbm>> -> memref<40x1024xf32, #tpu.memory_space<hbm>>
        tpu.wait_dma2 semaphore(%arg13 : memref<!tpu.dma_semaphore, #tpu.memory_space<semaphore_mem>>) src(%arg9 : memref<40x1024xf32, #tpu.memory_space<vmem>>) dst(%dma_wait3A_97 : memref<40x1024xf32, #tpu.memory_space<hbm>>)
      } else {
      }
      %parallel_loop3A_71 = arith.constant 0 : i32
      %parallel_loop3A_72 = arith.constant 40 : i32
      %parallel_loop3A_73 = arith.constant 1 : i32
      scf.for %parallel_loop3A_90 = %parallel_loop3A_71 to %parallel_loop3A_72 step %parallel_loop3A_73  : i32 {
        %parallel_loop3A_91 = arith.index_cast %parallel_loop3A_90 : i32 to index
        %parallel_loop3A_92 = arith.constant 0 : index
        %parallel_loop3A_93 = tpu.vector_load %arg7[%parallel_loop3A_91, %parallel_loop3A_92] {strides = array<i32>} : memref<40x512xi32, #tpu.memory_space<vmem>>, vector<1x16xi32>,
        %parallel_loop3A_94 = vector.shape_cast %parallel_loop3A_93 : vector<1x16xi32> to vector<16xi32>
        %parallel_loop3A_95 = arith.constant 16 : i32
        %parallel_loop3A_96 = vector.broadcast %parallel_loop3A_95 : i32 to vector<16xi32>
        %parallel_loop3A_97 = arith.shli %parallel_loop3A_94, %parallel_loop3A_96 : vector<16xi32>
        %parallel_loop3A_98 = tpu.bitcast %parallel_loop3A_97 : vector<16xi32> -> vector<16xf32>
        %parallel_loop3A_99 = arith.constant -65536 : i32
        %parallel_loop3A_100 = vector.broadcast %parallel_loop3A_99 : i32 to vector<16xi32>
        %parallel_loop3A_101 = arith.andi %parallel_loop3A_94, %parallel_loop3A_100 : vector<16xi32>
        %parallel_loop3A_102 = tpu.bitcast %parallel_loop3A_101 : vector<16xi32> -> vector<16xf32>
        %parallel_loop3A_103 = arith.index_cast %parallel_loop3A_90 : i32 to index
        %parallel_loop3A_104 = arith.constant 0 : index
        %parallel_loop3A_105 = tpu.vector_load %arg9[%parallel_loop3A_103, %parallel_loop3A_104] {strides = array<i32>} : memref<40x1024xf32, #tpu.memory_space<vmem>>, vector<1x16xf32>,
        %parallel_loop3A_106 = vector.shape_cast %parallel_loop3A_105 : vector<1x16xf32> to vector<16xf32>
        %parallel_loop3A_107 = vector.shape_cast %parallel_loop3A_98 : vector<16xf32> to vector<1x16xf32>
        tpu.vector_store %arg9[%parallel_loop3A_103, %parallel_loop3A_104], %parallel_loop3A_107 {strides = array<i32>} : memref<40x1024xf32, #tpu.memory_space<vmem>>, vector<1x16xf32>,
        %parallel_loop3A_108 = arith.index_cast %parallel_loop3A_90 : i32 to index
        %parallel_loop3A_109 = arith.constant 16 : index
        %parallel_loop3A_110 = tpu.vector_load %arg9[%parallel_loop3A_108, %parallel_loop3A_109] {strides = array<i32>} : memref<40x1024xf32, #tpu.memory_space<vmem>>, vector<1x16xf32>,
        %parallel_loop3A_111 = vector.shape_cast %parallel_loop3A_110 : vector<1x16xf32> to vector<16xf32>
        %parallel_loop3A_112 = vector.shape_cast %parallel_loop3A_102 : vector<16xf32> to vector<1x16xf32>
        tpu.vector_store %arg9[%parallel_loop3A_108, %parallel_loop3A_109], %parallel_loop3A_112 {strides = array<i32>} : memref<40x1024xf32, #tpu.memory_space<vmem>>, vector<1x16xf32>,
        %parallel_loop3A_113 = arith.index_cast %parallel_loop3A_90 : i32 to index
        %parallel_loop3A_114 = arith.constant 16 : index
        %parallel_loop3A_115 = tpu.vector_load %arg7[%parallel_loop3A_113, %parallel_loop3A_114] {strides = array<i32>} : memref<40x512xi32, #tpu.memory_space<vmem>>, vector<1x16xi32>,
        %parallel_loop3A_116 = vector.shape_cast %parallel_loop3A_115 : vector<1x16xi32> to vector<16xi32>
        %parallel_loop3A_117 = arith.constant 16 : i32
        %parallel_loop3A_118 = vector.broadcast %parallel_loop3A_117 : i32 to vector<16xi32>
        %parallel_loop3A_119 = arith.shli %parallel_loop3A_116, %parallel_loop3A_118 : vector<16xi32>
        %parallel_loop3A_120 = tpu.bitcast %parallel_loop3A_119 : vector<16xi32> -> vector<16xf32>
        %parallel_loop3A_121 = arith.constant -65536 : i32
        %parallel_loop3A_122 = vector.broadcast %parallel_loop3A_121 : i32 to vector<16xi32>
        %parallel_loop3A_123 = arith.andi %parallel_loop3A_116, %parallel_loop3A_122 : vector<16xi32>
        %parallel_loop3A_124 = tpu.bitcast %parallel_loop3A_123 : vector<16xi32> -> vector<16xf32>
        %parallel_loop3A_125 = arith.index_cast %parallel_loop3A_90 : i32 to index
        %parallel_loop3A_126 = arith.constant 32 : index
        %parallel_loop3A_127 = tpu.vector_load %arg9[%parallel_loop3A_125, %parallel_loop3A_126] {strides = array<i32>} : memref<40x1024xf32, #tpu.memory_space<vmem>>, vector<1x16xf32>,
        %parallel_loop3A_128 = vector.shape_cast %parallel_loop3A_127 : vector<1x16xf32> to vector<16xf32>
        %parallel_loop3A_129 = vector.shape_cast %parallel_loop3A_120 : vector<16xf32> to vector<1x16xf32>
        tpu.vector_store %arg9[%parallel_loop3A_125, %parallel_loop3A_126], %parallel_loop3A_129 {strides = array<i32>} : memref<40x1024xf32, #tpu.memory_space<vmem>>, vector<1x16xf32>,
        %parallel_loop3A_130 = arith.index_cast %parallel_loop3A_90 : i32 to index
        %parallel_loop3A_131 = arith.constant 48 : index
        %parallel_loop3A_132 = tpu.vector_load %arg9[%parallel_loop3A_130, %parallel_loop3A_131] {strides = array<i32>} : memref<40x1024xf32, #tpu.memory_space<vmem>>, vector<1x16xf32>,
        %parallel_loop3A_133 = vector.shape_cast %parallel_loop3A_132 : vector<1x16xf32> to vector<16xf32>
        %parallel_loop3A_134 = vector.shape_cast %parallel_loop3A_124 : vector<16xf32> to vector<1x16xf32>
        tpu.vector_store %arg9[%parallel_loop3A_130, %parallel_loop3A_131], %parallel_loop3A_134 {strides = array<i32>} : memref<40x1024xf32, #tpu.memory_space<vmem>>, vector<1x16xf32>,
        %parallel_loop3A_135 = arith.index_cast %parallel_loop3A_90 : i32 to index
        %parallel_loop3A_136 = arith.constant 32 : index
        %parallel_loop3A_137 = tpu.vector_load %arg7[%parallel_loop3A_135, %parallel_loop3A_136] {strides = array<i32>} : memref<40x512xi32, #tpu.memory_space<vmem>>, vector<1x16xi32>,
        %parallel_loop3A_138 = vector.shape_cast %parallel_loop3A_137 : vector<1x16xi32> to vector<16xi32>
        %parallel_loop3A_139 = arith.constant 16 : i32
        %parallel_loop3A_140 = vector.broadcast %parallel_loop3A_139 : i32 to vector<16xi32>
        %parallel_loop3A_141 = arith.shli %parallel_loop3A_138, %parallel_loop3A_140 : vector<16xi32>
        %parallel_loop3A_142 = tpu.bitcast %parallel_loop3A_141 : vector<16xi32> -> vector<16xf32>
        %parallel_loop3A_143 = arith.constant -65536 : i32
        %parallel_loop3A_144 = vector.broadcast %parallel_loop3A_143 : i32 to vector<16xi32>
        %parallel_loop3A_145 = arith.andi %parallel_loop3A_138, %parallel_loop3A_144 : vector<16xi32>
        %parallel_loop3A_146 = tpu.bitcast %parallel_loop3A_145 : vector<16xi32> -> vector<16xf32>
        %parallel_loop3A_147 = arith.index_cast %parallel_loop3A_90 : i32 to index
        %parallel_loop3A_148 = arith.constant 64 : index
        %parallel_loop3A_149 = tpu.vector_load %arg9[%parallel_loop3A_147, %parallel_loop3A_148] {strides = array<i32>} : memref<40x1024xf32, #tpu.memory_space<vmem>>, vector<1x16xf32>,
        %parallel_loop3A_150 = vector.shape_cast %parallel_loop3A_149 : vector<1x16xf32> to vector<16xf32>
        %parallel_loop3A_151 = vector.shape_cast %parallel_loop3A_142 : vector<16xf32> to vector<1x16xf32>
        tpu.vector_store %arg9[%parallel_loop3A_147, %parallel_loop3A_148], %parallel_loop3A_151 {strides = array<i32>} : memref<40x1024xf32, #tpu.memory_space<vmem>>, vector<1x16xf32>,
        %parallel_loop3A_152 = arith.index_cast %parallel_loop3A_90 : i32 to index
        %parallel_loop3A_153 = arith.constant 80 : index
        %parallel_loop3A_154 = tpu.vector_load %arg9[%parallel_loop3A_152, %parallel_loop3A_153] {strides = array<i32>} : memref<40x1024xf32, #tpu.memory_space<vmem>>, vector<1x16xf32>,
        %parallel_loop3A_155 = vector.shape_cast %parallel_loop3A_154 : vector<1x16xf32> to vector<16xf32>
        %parallel_loop3A_156 = vector.shape_cast %parallel_loop3A_146 : vector<16xf32> to vector<1x16xf32>
        tpu.vector_store %arg9[%parallel_loop3A_152, %parallel_loop3A_153], %parallel_loop3A_156 {strides = array<i32>} : memref<40x1024xf32, #tpu.memory_space<vmem>>, vector<1x16xf32>,
        %parallel_loop3A_157 = arith.index_cast %parallel_loop3A_90 : i32 to index
        %parallel_loop3A_158 = arith.constant 48 : index
        %parallel_loop3A_159 = tpu.vector_load %arg7[%parallel_loop3A_157, %parallel_loop3A_158] {strides = array<i32>} : memref<40x512xi32, #tpu.memory_space<vmem>>, vector<1x16xi32>,
        %parallel_loop3A_160 = vector.shape_cast %parallel_loop3A_159 : vector<1x16xi32> to vector<16xi32>
        %parallel_loop3A_161 = arith.constant 16 : i32
        %parallel_loop3A_162 = vector.broadcast %parallel_loop3A_161 : i32 to vector<16xi32>
        %parallel_loop3A_163 = arith.shli %parallel_loop3A_160, %parallel_loop3A_162 : vector<16xi32>
        %parallel_loop3A_164 = tpu.bitcast %parallel_loop3A_163 : vector<16xi32> -> vector<16xf32>
        %parallel_loop3A_165 = arith.constant -65536 : i32
        %parallel_loop3A_166 = vector.broadcast %parallel_loop3A_165 : i32 to vector<16xi32>
        %parallel_loop3A_167 = arith.andi %parallel_loop3A_160, %parallel_loop3A_166 : vector<16xi32>
        %parallel_loop3A_168 = tpu.bitcast %parallel_loop3A_167 : vector<16xi32> -> vector<16xf32>
        %parallel_loop3A_169 = arith.index_cast %parallel_loop3A_90 : i32 to index
        %parallel_loop3A_170 = arith.constant 96 : index
        %parallel_loop3A_171 = tpu.vector_load %arg9[%parallel_loop3A_169, %parallel_loop3A_170] {strides = array<i32>} : memref<40x1024xf32, #tpu.memory_space<vmem>>, vector<1x16xf32>,
        %parallel_loop3A_172 = vector.shape_cast %parallel_loop3A_171 : vector<1x16xf32> to vector<16xf32>
        %parallel_loop3A_173 = vector.shape_cast %parallel_loop3A_164 : vector<16xf32> to vector<1x16xf32>
        tpu.vector_store %arg9[%parallel_loop3A_169, %parallel_loop3A_170], %parallel_loop3A_173 {strides = array<i32>} : memref<40x1024xf32, #tpu.memory_space<vmem>>, vector<1x16xf32>,
        %parallel_loop3A_174 = arith.index_cast %parallel_loop3A_90 : i32 to index
        %parallel_loop3A_175 = arith.constant 112 : index
        %parallel_loop3A_176 = tpu.vector_load %arg9[%parallel_loop3A_174, %parallel_loop3A_175] {strides = array<i32>} : memref<40x1024xf32, #tpu.memory_space<vmem>>, vector<1x16xf32>,
        %parallel_loop3A_177 = vector.shape_cast %parallel_loop3A_176 : vector<1x16xf32> to vector<16xf32>
        %parallel_loop3A_178 = vector.shape_cast %parallel_loop3A_168 : vector<16xf32> to vector<1x16xf32>
        tpu.vector_store %arg9[%parallel_loop3A_174, %parallel_loop3A_175], %parallel_loop3A_178 {strides = array<i32>} : memref<40x1024xf32, #tpu.memory_space<vmem>>, vector<1x16xf32>,
        %parallel_loop3A_179 = arith.index_cast %parallel_loop3A_90 : i32 to index
        %parallel_loop3A_180 = arith.constant 64 : index
        %parallel_loop3A_181 = tpu.vector_load %arg7[%parallel_loop3A_179, %parallel_loop3A_180] {strides = array<i32>} : memref<40x512xi32, #tpu.memory_space<vmem>>, vector<1x16xi32>,
        %parallel_loop3A_182 = vector.shape_cast %parallel_loop3A_181 : vector<1x16xi32> to vector<16xi32>
        %parallel_loop3A_183 = arith.constant 16 : i32
        %parallel_loop3A_184 = vector.broadcast %parallel_loop3A_183 : i32 to vector<16xi32>
        %parallel_loop3A_185 = arith.shli %parallel_loop3A_182, %parallel_loop3A_184 : vector<16xi32>
        %parallel_loop3A_186 = tpu.bitcast %parallel_loop3A_185 : vector<16xi32> -> vector<16xf32>
        %parallel_loop3A_187 = arith.constant -65536 : i32
        %parallel_loop3A_188 = vector.broadcast %parallel_loop3A_187 : i32 to vector<16xi32>
        %parallel_loop3A_189 = arith.andi %parallel_loop3A_182, %parallel_loop3A_188 : vector<16xi32>
        %parallel_loop3A_190 = tpu.bitcast %parallel_loop3A_189 : vector<16xi32> -> vector<16xf32>
        %parallel_loop3A_191 = arith.index_cast %parallel_loop3A_90 : i32 to index
        %parallel_loop3A_192 = arith.constant 128 : index
        %parallel_loop3A_193 = tpu.vector_load %arg9[%parallel_loop3A_191, %parallel_loop3A_192] {strides = array<i32>} : memref<40x1024xf32, #tpu.memory_space<vmem>>, vector<1x16xf32>,
        %parallel_loop3A_194 = vector.shape_cast %parallel_loop3A_193 : vector<1x16xf32> to vector<16xf32>
        %parallel_loop3A_195 = vector.shape_cast %parallel_loop3A_186 : vector<16xf32> to vector<1x16xf32>
        tpu.vector_store %arg9[%parallel_loop3A_191, %parallel_loop3A_192], %parallel_loop3A_195 {strides = array<i32>} : memref<40x1024xf32, #tpu.memory_space<vmem>>, vector<1x16xf32>,
        %parallel_loop3A_196 = arith.index_cast %parallel_loop3A_90 : i32 to index
        %parallel_loop3A_197 = arith.constant 144 : index
        %parallel_loop3A_198 = tpu.vector_load %arg9[%parallel_loop3A_196, %parallel_loop3A_197] {strides = array<i32>} : memref<40x1024xf32, #tpu.memory_space<vmem>>, vector<1x16xf32>,
        %parallel_loop3A_199 = vector.shape_cast %parallel_loop3A_198 : vector<1x16xf32> to vector<16xf32>
        %parallel_loop3A_200 = vector.shape_cast %parallel_loop3A_190 : vector<16xf32> to vector<1x16xf32>
        tpu.vector_store %arg9[%parallel_loop3A_196, %parallel_loop3A_197], %parallel_loop3A_200 {strides = array<i32>} : memref<40x1024xf32, #tpu.memory_space<vmem>>, vector<1x16xf32>,
        %parallel_loop3A_201 = arith.index_cast %parallel_loop3A_90 : i32 to index
        %parallel_loop3A_202 = arith.constant 80 : index
        %parallel_loop3A_203 = tpu.vector_load %arg7[%parallel_loop3A_201, %parallel_loop3A_202] {strides = array<i32>} : memref<40x512xi32, #tpu.memory_space<vmem>>, vector<1x16xi32>,
        %parallel_loop3A_204 = vector.shape_cast %parallel_loop3A_203 : vector<1x16xi32> to vector<16xi32>
        %parallel_loop3A_205 = arith.constant 16 : i32
        %parallel_loop3A_206 = vector.broadcast %parallel_loop3A_205 : i32 to vector<16xi32>
        %parallel_loop3A_207 = arith.shli %parallel_loop3A_204, %parallel_loop3A_206 : vector<16xi32>
        %parallel_loop3A_208 = tpu.bitcast %parallel_loop3A_207 : vector<16xi32> -> vector<16xf32>
        %parallel_loop3A_209 = arith.constant -65536 : i32
        %parallel_loop3A_210 = vector.broadcast %parallel_loop3A_209 : i32 to vector<16xi32>
        %parallel_loop3A_211 = arith.andi %parallel_loop3A_204, %parallel_loop3A_210 : vector<16xi32>
        %parallel_loop3A_212 = tpu.bitcast %parallel_loop3A_211 : vector<16xi32> -> vector<16xf32>
        %parallel_loop3A_213 = arith.index_cast %parallel_loop3A_90 : i32 to index
        %parallel_loop3A_214 = arith.constant 160 : index
        %parallel_loop3A_215 = tpu.vector_load %arg9[%parallel_loop3A_213, %parallel_loop3A_214] {strides = array<i32>} : memref<40x1024xf32, #tpu.memory_space<vmem>>, vector<1x16xf32>,
        %parallel_loop3A_216 = vector.shape_cast %parallel_loop3A_215 : vector<1x16xf32> to vector<16xf32>
        %parallel_loop3A_217 = vector.shape_cast %parallel_loop3A_208 : vector<16xf32> to vector<1x16xf32>
        tpu.vector_store %arg9[%parallel_loop3A_213, %parallel_loop3A_214], %parallel_loop3A_217 {strides = array<i32>} : memref<40x1024xf32, #tpu.memory_space<vmem>>, vector<1x16xf32>,
        %parallel_loop3A_218 = arith.index_cast %parallel_loop3A_90 : i32 to index
        %parallel_loop3A_219 = arith.constant 176 : index
        %parallel_loop3A_220 = tpu.vector_load %arg9[%parallel_loop3A_218, %parallel_loop3A_219] {strides = array<i32>} : memref<40x1024xf32, #tpu.memory_space<vmem>>, vector<1x16xf32>,
        %parallel_loop3A_221 = vector.shape_cast %parallel_loop3A_220 : vector<1x16xf32> to vector<16xf32>
        %parallel_loop3A_222 = vector.shape_cast %parallel_loop3A_212 : vector<16xf32> to vector<1x16xf32>
        tpu.vector_store %arg9[%parallel_loop3A_218, %parallel_loop3A_219], %parallel_loop3A_222 {strides = array<i32>} : memref<40x1024xf32, #tpu.memory_space<vmem>>, vector<1x16xf32>,
        %parallel_loop3A_223 = arith.index_cast %parallel_loop3A_90 : i32 to index
        %parallel_loop3A_224 = arith.constant 96 : index
        %parallel_loop3A_225 = tpu.vector_load %arg7[%parallel_loop3A_223, %parallel_loop3A_224] {strides = array<i32>} : memref<40x512xi32, #tpu.memory_space<vmem>>, vector<1x16xi32>,
        %parallel_loop3A_226 = vector.shape_cast %parallel_loop3A_225 : vector<1x16xi32> to vector<16xi32>
        %parallel_loop3A_227 = arith.constant 16 : i32
        %parallel_loop3A_228 = vector.broadcast %parallel_loop3A_227 : i32 to vector<16xi32>
        %parallel_loop3A_229 = arith.shli %parallel_loop3A_226, %parallel_loop3A_228 : vector<16xi32>
        %parallel_loop3A_230 = tpu.bitcast %parallel_loop3A_229 : vector<16xi32> -> vector<16xf32>
        %parallel_loop3A_231 = arith.constant -65536 : i32
        %parallel_loop3A_232 = vector.broadcast %parallel_loop3A_231 : i32 to vector<16xi32>
        %parallel_loop3A_233 = arith.andi %parallel_loop3A_226, %parallel_loop3A_232 : vector<16xi32>
        %parallel_loop3A_234 = tpu.bitcast %parallel_loop3A_233 : vector<16xi32> -> vector<16xf32>
        %parallel_loop3A_235 = arith.index_cast %parallel_loop3A_90 : i32 to index
        %parallel_loop3A_236 = arith.constant 192 : index
        %parallel_loop3A_237 = tpu.vector_load %arg9[%parallel_loop3A_235, %parallel_loop3A_236] {strides = array<i32>} : memref<40x1024xf32, #tpu.memory_space<vmem>>, vector<1x16xf32>,
        %parallel_loop3A_238 = vector.shape_cast %parallel_loop3A_237 : vector<1x16xf32> to vector<16xf32>
        %parallel_loop3A_239 = vector.shape_cast %parallel_loop3A_230 : vector<16xf32> to vector<1x16xf32>
        tpu.vector_store %arg9[%parallel_loop3A_235, %parallel_loop3A_236], %parallel_loop3A_239 {strides = array<i32>} : memref<40x1024xf32, #tpu.memory_space<vmem>>, vector<1x16xf32>,
        %parallel_loop3A_240 = arith.index_cast %parallel_loop3A_90 : i32 to index
        %parallel_loop3A_241 = arith.constant 208 : index
        %parallel_loop3A_242 = tpu.vector_load %arg9[%parallel_loop3A_240, %parallel_loop3A_241] {strides = array<i32>} : memref<40x1024xf32, #tpu.memory_space<vmem>>, vector<1x16xf32>,
        %parallel_loop3A_243 = vector.shape_cast %parallel_loop3A_242 : vector<1x16xf32> to vector<16xf32>
        %parallel_loop3A_244 = vector.shape_cast %parallel_loop3A_234 : vector<16xf32> to vector<1x16xf32>
        tpu.vector_store %arg9[%parallel_loop3A_240, %parallel_loop3A_241], %parallel_loop3A_244 {strides = array<i32>} : memref<40x1024xf32, #tpu.memory_space<vmem>>, vector<1x16xf32>,
        %parallel_loop3A_245 = arith.index_cast %parallel_loop3A_90 : i32 to index
        %parallel_loop3A_246 = arith.constant 112 : index
        %parallel_loop3A_247 = tpu.vector_load %arg7[%parallel_loop3A_245, %parallel_loop3A_246] {strides = array<i32>} : memref<40x512xi32, #tpu.memory_space<vmem>>, vector<1x16xi32>,
        %parallel_loop3A_248 = vector.shape_cast %parallel_loop3A_247 : vector<1x16xi32> to vector<16xi32>
        %parallel_loop3A_249 = arith.constant 16 : i32
        %parallel_loop3A_250 = vector.broadcast %parallel_loop3A_249 : i32 to vector<16xi32>
        %parallel_loop3A_251 = arith.shli %parallel_loop3A_248, %parallel_loop3A_250 : vector<16xi32>
        %parallel_loop3A_252 = tpu.bitcast %parallel_loop3A_251 : vector<16xi32> -> vector<16xf32>
        %parallel_loop3A_253 = arith.constant -65536 : i32
        %parallel_loop3A_254 = vector.broadcast %parallel_loop3A_253 : i32 to vector<16xi32>
        %parallel_loop3A_255 = arith.andi %parallel_loop3A_248, %parallel_loop3A_254 : vector<16xi32>
        %parallel_loop3A_256 = tpu.bitcast %parallel_loop3A_255 : vector<16xi32> -> vector<16xf32>
        %parallel_loop3A_257 = arith.index_cast %parallel_loop3A_90 : i32 to index
        %parallel_loop3A_258 = arith.constant 224 : index
        %parallel_loop3A_259 = tpu.vector_load %arg9[%parallel_loop3A_257, %parallel_loop3A_258] {strides = array<i32>} : memref<40x1024xf32, #tpu.memory_space<vmem>>, vector<1x16xf32>,
        %parallel_loop3A_260 = vector.shape_cast %parallel_loop3A_259 : vector<1x16xf32> to vector<16xf32>
        %parallel_loop3A_261 = vector.shape_cast %parallel_loop3A_252 : vector<16xf32> to vector<1x16xf32>
        tpu.vector_store %arg9[%parallel_loop3A_257, %parallel_loop3A_258], %parallel_loop3A_261 {strides = array<i32>} : memref<40x1024xf32, #tpu.memory_space<vmem>>, vector<1x16xf32>,
        %parallel_loop3A_262 = arith.index_cast %parallel_loop3A_90 : i32 to index
        %parallel_loop3A_263 = arith.constant 240 : index
        %parallel_loop3A_264 = tpu.vector_load %arg9[%parallel_loop3A_262, %parallel_loop3A_263] {strides = array<i32>} : memref<40x1024xf32, #tpu.memory_space<vmem>>, vector<1x16xf32>,
        %parallel_loop3A_265 = vector.shape_cast %parallel_loop3A_264 : vector<1x16xf32> to vector<16xf32>
        %parallel_loop3A_266 = vector.shape_cast %parallel_loop3A_256 : vector<16xf32> to vector<1x16xf32>
        tpu.vector_store %arg9[%parallel_loop3A_262, %parallel_loop3A_263], %parallel_loop3A_266 {strides = array<i32>} : memref<40x1024xf32, #tpu.memory_space<vmem>>, vector<1x16xf32>,
        %parallel_loop3A_267 = arith.index_cast %parallel_loop3A_90 : i32 to index
        %parallel_loop3A_268 = arith.constant 128 : index
        %parallel_loop3A_269 = tpu.vector_load %arg7[%parallel_loop3A_267, %parallel_loop3A_268] {strides = array<i32>} : memref<40x512xi32, #tpu.memory_space<vmem>>, vector<1x16xi32>,
        %parallel_loop3A_270 = vector.shape_cast %parallel_loop3A_269 : vector<1x16xi32> to vector<16xi32>
        %parallel_loop3A_271 = arith.constant 16 : i32
        %parallel_loop3A_272 = vector.broadcast %parallel_loop3A_271 : i32 to vector<16xi32>
        %parallel_loop3A_273 = arith.shli %parallel_loop3A_270, %parallel_loop3A_272 : vector<16xi32>
        %parallel_loop3A_274 = tpu.bitcast %parallel_loop3A_273 : vector<16xi32> -> vector<16xf32>
        %parallel_loop3A_275 = arith.constant -65536 : i32
        %parallel_loop3A_276 = vector.broadcast %parallel_loop3A_275 : i32 to vector<16xi32>
        %parallel_loop3A_277 = arith.andi %parallel_loop3A_270, %parallel_loop3A_276 : vector<16xi32>
        %parallel_loop3A_278 = tpu.bitcast %parallel_loop3A_277 : vector<16xi32> -> vector<16xf32>
        %parallel_loop3A_279 = arith.index_cast %parallel_loop3A_90 : i32 to index
        %parallel_loop3A_280 = arith.constant 256 : index
        %parallel_loop3A_281 = tpu.vector_load %arg9[%parallel_loop3A_279, %parallel_loop3A_280] {strides = array<i32>} : memref<40x1024xf32, #tpu.memory_space<vmem>>, vector<1x16xf32>,
        %parallel_loop3A_282 = vector.shape_cast %parallel_loop3A_281 : vector<1x16xf32> to vector<16xf32>
        %parallel_loop3A_283 = vector.shape_cast %parallel_loop3A_274 : vector<16xf32> to vector<1x16xf32>
        tpu.vector_store %arg9[%parallel_loop3A_279, %parallel_loop3A_280], %parallel_loop3A_283 {strides = array<i32>} : memref<40x1024xf32, #tpu.memory_space<vmem>>, vector<1x16xf32>,
        %parallel_loop3A_284 = arith.index_cast %parallel_loop3A_90 : i32 to index
        %parallel_loop3A_285 = arith.constant 272 : index
        %parallel_loop3A_286 = tpu.vector_load %arg9[%parallel_loop3A_284, %parallel_loop3A_285] {strides = array<i32>} : memref<40x1024xf32, #tpu.memory_space<vmem>>, vector<1x16xf32>,
        %parallel_loop3A_287 = vector.shape_cast %parallel_loop3A_286 : vector<1x16xf32> to vector<16xf32>
        %parallel_loop3A_288 = vector.shape_cast %parallel_loop3A_278 : vector<16xf32> to vector<1x16xf32>
        tpu.vector_store %arg9[%parallel_loop3A_284, %parallel_loop3A_285], %parallel_loop3A_288 {strides = array<i32>} : memref<40x1024xf32, #tpu.memory_space<vmem>>, vector<1x16xf32>,
        %parallel_loop3A_289 = arith.index_cast %parallel_loop3A_90 : i32 to index
        %parallel_loop3A_290 = arith.constant 144 : index
        %parallel_loop3A_291 = tpu.vector_load %arg7[%parallel_loop3A_289, %parallel_loop3A_290] {strides = array<i32>} : memref<40x512xi32, #tpu.memory_space<vmem>>, vector<1x16xi32>,
        %parallel_loop3A_292 = vector.shape_cast %parallel_loop3A_291 : vector<1x16xi32> to vector<16xi32>
        %parallel_loop3A_293 = arith.constant 16 : i32
        %parallel_loop3A_294 = vector.broadcast %parallel_loop3A_293 : i32 to vector<16xi32>
        %parallel_loop3A_295 = arith.shli %parallel_loop3A_292, %parallel_loop3A_294 : vector<16xi32>
        %parallel_loop3A_296 = tpu.bitcast %parallel_loop3A_295 : vector<16xi32> -> vector<16xf32>
        %parallel_loop3A_297 = arith.constant -65536 : i32
        %parallel_loop3A_298 = vector.broadcast %parallel_loop3A_297 : i32 to vector<16xi32>
        %parallel_loop3A_299 = arith.andi %parallel_loop3A_292, %parallel_loop3A_298 : vector<16xi32>
        %parallel_loop3A_300 = tpu.bitcast %parallel_loop3A_299 : vector<16xi32> -> vector<16xf32>
        %parallel_loop3A_301 = arith.index_cast %parallel_loop3A_90 : i32 to index
        %parallel_loop3A_302 = arith.constant 288 : index
        %parallel_loop3A_303 = tpu.vector_load %arg9[%parallel_loop3A_301, %parallel_loop3A_302] {strides = array<i32>} : memref<40x1024xf32, #tpu.memory_space<vmem>>, vector<1x16xf32>,
        %parallel_loop3A_304 = vector.shape_cast %parallel_loop3A_303 : vector<1x16xf32> to vector<16xf32>
        %parallel_loop3A_305 = vector.shape_cast %parallel_loop3A_296 : vector<16xf32> to vector<1x16xf32>
        tpu.vector_store %arg9[%parallel_loop3A_301, %parallel_loop3A_302], %parallel_loop3A_305 {strides = array<i32>} : memref<40x1024xf32, #tpu.memory_space<vmem>>, vector<1x16xf32>,
        %parallel_loop3A_306 = arith.index_cast %parallel_loop3A_90 : i32 to index
        %parallel_loop3A_307 = arith.constant 304 : index
        %parallel_loop3A_308 = tpu.vector_load %arg9[%parallel_loop3A_306, %parallel_loop3A_307] {strides = array<i32>} : memref<40x1024xf32, #tpu.memory_space<vmem>>, vector<1x16xf32>,
        %parallel_loop3A_309 = vector.shape_cast %parallel_loop3A_308 : vector<1x16xf32> to vector<16xf32>
        %parallel_loop3A_310 = vector.shape_cast %parallel_loop3A_300 : vector<16xf32> to vector<1x16xf32>
        tpu.vector_store %arg9[%parallel_loop3A_306, %parallel_loop3A_307], %parallel_loop3A_310 {strides = array<i32>} : memref<40x1024xf32, #tpu.memory_space<vmem>>, vector<1x16xf32>,
        %parallel_loop3A_311 = arith.index_cast %parallel_loop3A_90 : i32 to index
        %parallel_loop3A_312 = arith.constant 160 : index
        %parallel_loop3A_313 = tpu.vector_load %arg7[%parallel_loop3A_311, %parallel_loop3A_312] {strides = array<i32>} : memref<40x512xi32, #tpu.memory_space<vmem>>, vector<1x16xi32>,
        %parallel_loop3A_314 = vector.shape_cast %parallel_loop3A_313 : vector<1x16xi32> to vector<16xi32>
        %parallel_loop3A_315 = arith.constant 16 : i32
        %parallel_loop3A_316 = vector.broadcast %parallel_loop3A_315 : i32 to vector<16xi32>
        %parallel_loop3A_317 = arith.shli %parallel_loop3A_314, %parallel_loop3A_316 : vector<16xi32>
        %parallel_loop3A_318 = tpu.bitcast %parallel_loop3A_317 : vector<16xi32> -> vector<16xf32>
        %parallel_loop3A_319 = arith.constant -65536 : i32
        %parallel_loop3A_320 = vector.broadcast %parallel_loop3A_319 : i32 to vector<16xi32>
        %parallel_loop3A_321 = arith.andi %parallel_loop3A_314, %parallel_loop3A_320 : vector<16xi32>
        %parallel_loop3A_322 = tpu.bitcast %parallel_loop3A_321 : vector<16xi32> -> vector<16xf32>
        %parallel_loop3A_323 = arith.index_cast %parallel_loop3A_90 : i32 to index
        %parallel_loop3A_324 = arith.constant 320 : index
        %parallel_loop3A_325 = tpu.vector_load %arg9[%parallel_loop3A_323, %parallel_loop3A_324] {strides = array<i32>} : memref<40x1024xf32, #tpu.memory_space<vmem>>, vector<1x16xf32>,
        %parallel_loop3A_326 = vector.shape_cast %parallel_loop3A_325 : vector<1x16xf32> to vector<16xf32>
        %parallel_loop3A_327 = vector.shape_cast %parallel_loop3A_318 : vector<16xf32> to vector<1x16xf32>
        tpu.vector_store %arg9[%parallel_loop3A_323, %parallel_loop3A_324], %parallel_loop3A_327 {strides = array<i32>} : memref<40x1024xf32, #tpu.memory_space<vmem>>, vector<1x16xf32>,
        %parallel_loop3A_328 = arith.index_cast %parallel_loop3A_90 : i32 to index
        %parallel_loop3A_329 = arith.constant 336 : index
        %parallel_loop3A_330 = tpu.vector_load %arg9[%parallel_loop3A_328, %parallel_loop3A_329] {strides = array<i32>} : memref<40x1024xf32, #tpu.memory_space<vmem>>, vector<1x16xf32>,
        %parallel_loop3A_331 = vector.shape_cast %parallel_loop3A_330 : vector<1x16xf32> to vector<16xf32>
        %parallel_loop3A_332 = vector.shape_cast %parallel_loop3A_322 : vector<16xf32> to vector<1x16xf32>
        tpu.vector_store %arg9[%parallel_loop3A_328, %parallel_loop3A_329], %parallel_loop3A_332 {strides = array<i32>} : memref<40x1024xf32, #tpu.memory_space<vmem>>, vector<1x16xf32>,
        %parallel_loop3A_333 = arith.index_cast %parallel_loop3A_90 : i32 to index
        %parallel_loop3A_334 = arith.constant 176 : index
        %parallel_loop3A_335 = tpu.vector_load %arg7[%parallel_loop3A_333, %parallel_loop3A_334] {strides = array<i32>} : memref<40x512xi32, #tpu.memory_space<vmem>>, vector<1x16xi32>,
        %parallel_loop3A_336 = vector.shape_cast %parallel_loop3A_335 : vector<1x16xi32> to vector<16xi32>
        %parallel_loop3A_337 = arith.constant 16 : i32
        %parallel_loop3A_338 = vector.broadcast %parallel_loop3A_337 : i32 to vector<16xi32>
        %parallel_loop3A_339 = arith.shli %parallel_loop3A_336, %parallel_loop3A_338 : vector<16xi32>
        %parallel_loop3A_340 = tpu.bitcast %parallel_loop3A_339 : vector<16xi32> -> vector<16xf32>
        %parallel_loop3A_341 = arith.constant -65536 : i32
        %parallel_loop3A_342 = vector.broadcast %parallel_loop3A_341 : i32 to vector<16xi32>
        %parallel_loop3A_343 = arith.andi %parallel_loop3A_336, %parallel_loop3A_342 : vector<16xi32>
        %parallel_loop3A_344 = tpu.bitcast %parallel_loop3A_343 : vector<16xi32> -> vector<16xf32>
        %parallel_loop3A_345 = arith.index_cast %parallel_loop3A_90 : i32 to index
        %parallel_loop3A_346 = arith.constant 352 : index
        %parallel_loop3A_347 = tpu.vector_load %arg9[%parallel_loop3A_345, %parallel_loop3A_346] {strides = array<i32>} : memref<40x1024xf32, #tpu.memory_space<vmem>>, vector<1x16xf32>,
        %parallel_loop3A_348 = vector.shape_cast %parallel_loop3A_347 : vector<1x16xf32> to vector<16xf32>
        %parallel_loop3A_349 = vector.shape_cast %parallel_loop3A_340 : vector<16xf32> to vector<1x16xf32>
        tpu.vector_store %arg9[%parallel_loop3A_345, %parallel_loop3A_346], %parallel_loop3A_349 {strides = array<i32>} : memref<40x1024xf32, #tpu.memory_space<vmem>>, vector<1x16xf32>,
        %parallel_loop3A_350 = arith.index_cast %parallel_loop3A_90 : i32 to index
        %parallel_loop3A_351 = arith.constant 368 : index
        %parallel_loop3A_352 = tpu.vector_load %arg9[%parallel_loop3A_350, %parallel_loop3A_351] {strides = array<i32>} : memref<40x1024xf32, #tpu.memory_space<vmem>>, vector<1x16xf32>,
        %parallel_loop3A_353 = vector.shape_cast %parallel_loop3A_352 : vector<1x16xf32> to vector<16xf32>
        %parallel_loop3A_354 = vector.shape_cast %parallel_loop3A_344 : vector<16xf32> to vector<1x16xf32>
        tpu.vector_store %arg9[%parallel_loop3A_350, %parallel_loop3A_351], %parallel_loop3A_354 {strides = array<i32>} : memref<40x1024xf32, #tpu.memory_space<vmem>>, vector<1x16xf32>,
        %parallel_loop3A_355 = arith.index_cast %parallel_loop3A_90 : i32 to index
        %parallel_loop3A_356 = arith.constant 192 : index
        %parallel_loop3A_357 = tpu.vector_load %arg7[%parallel_loop3A_355, %parallel_loop3A_356] {strides = array<i32>} : memref<40x512xi32, #tpu.memory_space<vmem>>, vector<1x16xi32>,
        %parallel_loop3A_358 = vector.shape_cast %parallel_loop3A_357 : vector<1x16xi32> to vector<16xi32>
        %parallel_loop3A_359 = arith.constant 16 : i32
        %parallel_loop3A_360 = vector.broadcast %parallel_loop3A_359 : i32 to vector<16xi32>
        %parallel_loop3A_361 = arith.shli %parallel_loop3A_358, %parallel_loop3A_360 : vector<16xi32>
        %parallel_loop3A_362 = tpu.bitcast %parallel_loop3A_361 : vector<16xi32> -> vector<16xf32>
        %parallel_loop3A_363 = arith.constant -65536 : i32
        %parallel_loop3A_364 = vector.broadcast %parallel_loop3A_363 : i32 to vector<16xi32>
        %parallel_loop3A_365 = arith.andi %parallel_loop3A_358, %parallel_loop3A_364 : vector<16xi32>
        %parallel_loop3A_366 = tpu.bitcast %parallel_loop3A_365 : vector<16xi32> -> vector<16xf32>
        %parallel_loop3A_367 = arith.index_cast %parallel_loop3A_90 : i32 to index
        %parallel_loop3A_368 = arith.constant 384 : index
        %parallel_loop3A_369 = tpu.vector_load %arg9[%parallel_loop3A_367, %parallel_loop3A_368] {strides = array<i32>} : memref<40x1024xf32, #tpu.memory_space<vmem>>, vector<1x16xf32>,
        %parallel_loop3A_370 = vector.shape_cast %parallel_loop3A_369 : vector<1x16xf32> to vector<16xf32>
        %parallel_loop3A_371 = vector.shape_cast %parallel_loop3A_362 : vector<16xf32> to vector<1x16xf32>
        tpu.vector_store %arg9[%parallel_loop3A_367, %parallel_loop3A_368], %parallel_loop3A_371 {strides = array<i32>} : memref<40x1024xf32, #tpu.memory_space<vmem>>, vector<1x16xf32>,
        %parallel_loop3A_372 = arith.index_cast %parallel_loop3A_90 : i32 to index
        %parallel_loop3A_373 = arith.constant 400 : index
        %parallel_loop3A_374 = tpu.vector_load %arg9[%parallel_loop3A_372, %parallel_loop3A_373] {strides = array<i32>} : memref<40x1024xf32, #tpu.memory_space<vmem>>, vector<1x16xf32>,
        %parallel_loop3A_375 = vector.shape_cast %parallel_loop3A_374 : vector<1x16xf32> to vector<16xf32>
        %parallel_loop3A_376 = vector.shape_cast %parallel_loop3A_366 : vector<16xf32> to vector<1x16xf32>
        tpu.vector_store %arg9[%parallel_loop3A_372, %parallel_loop3A_373], %parallel_loop3A_376 {strides = array<i32>} : memref<40x1024xf32, #tpu.memory_space<vmem>>, vector<1x16xf32>,
        %parallel_loop3A_377 = arith.index_cast %parallel_loop3A_90 : i32 to index
        %parallel_loop3A_378 = arith.constant 208 : index
        %parallel_loop3A_379 = tpu.vector_load %arg7[%parallel_loop3A_377, %parallel_loop3A_378] {strides = array<i32>} : memref<40x512xi32, #tpu.memory_space<vmem>>, vector<1x16xi32>,
        %parallel_loop3A_380 = vector.shape_cast %parallel_loop3A_379 : vector<1x16xi32> to vector<16xi32>
        %parallel_loop3A_381 = arith.constant 16 : i32
        %parallel_loop3A_382 = vector.broadcast %parallel_loop3A_381 : i32 to vector<16xi32>
        %parallel_loop3A_383 = arith.shli %parallel_loop3A_380, %parallel_loop3A_382 : vector<16xi32>
        %parallel_loop3A_384 = tpu.bitcast %parallel_loop3A_383 : vector<16xi32> -> vector<16xf32>
        %parallel_loop3A_385 = arith.constant -65536 : i32
        %parallel_loop3A_386 = vector.broadcast %parallel_loop3A_385 : i32 to vector<16xi32>
        %parallel_loop3A_387 = arith.andi %parallel_loop3A_380, %parallel_loop3A_386 : vector<16xi32>
        %parallel_loop3A_388 = tpu.bitcast %parallel_loop3A_387 : vector<16xi32> -> vector<16xf32>
        %parallel_loop3A_389 = arith.index_cast %parallel_loop3A_90 : i32 to index
        %parallel_loop3A_390 = arith.constant 416 : index
        %parallel_loop3A_391 = tpu.vector_load %arg9[%parallel_loop3A_389, %parallel_loop3A_390] {strides = array<i32>} : memref<40x1024xf32, #tpu.memory_space<vmem>>, vector<1x16xf32>,
        %parallel_loop3A_392 = vector.shape_cast %parallel_loop3A_391 : vector<1x16xf32> to vector<16xf32>
        %parallel_loop3A_393 = vector.shape_cast %parallel_loop3A_384 : vector<16xf32> to vector<1x16xf32>
        tpu.vector_store %arg9[%parallel_loop3A_389, %parallel_loop3A_390], %parallel_loop3A_393 {strides = array<i32>} : memref<40x1024xf32, #tpu.memory_space<vmem>>, vector<1x16xf32>,
        %parallel_loop3A_394 = arith.index_cast %parallel_loop3A_90 : i32 to index
        %parallel_loop3A_395 = arith.constant 432 : index
        %parallel_loop3A_396 = tpu.vector_load %arg9[%parallel_loop3A_394, %parallel_loop3A_395] {strides = array<i32>} : memref<40x1024xf32, #tpu.memory_space<vmem>>, vector<1x16xf32>,
        %parallel_loop3A_397 = vector.shape_cast %parallel_loop3A_396 : vector<1x16xf32> to vector<16xf32>
        %parallel_loop3A_398 = vector.shape_cast %parallel_loop3A_388 : vector<16xf32> to vector<1x16xf32>
        tpu.vector_store %arg9[%parallel_loop3A_394, %parallel_loop3A_395], %parallel_loop3A_398 {strides = array<i32>} : memref<40x1024xf32, #tpu.memory_space<vmem>>, vector<1x16xf32>,
        %parallel_loop3A_399 = arith.index_cast %parallel_loop3A_90 : i32 to index
        %parallel_loop3A_400 = arith.constant 224 : index
        %parallel_loop3A_401 = tpu.vector_load %arg7[%parallel_loop3A_399, %parallel_loop3A_400] {strides = array<i32>} : memref<40x512xi32, #tpu.memory_space<vmem>>, vector<1x16xi32>,
        %parallel_loop3A_402 = vector.shape_cast %parallel_loop3A_401 : vector<1x16xi32> to vector<16xi32>
        %parallel_loop3A_403 = arith.constant 16 : i32
        %parallel_loop3A_404 = vector.broadcast %parallel_loop3A_403 : i32 to vector<16xi32>
        %parallel_loop3A_405 = arith.shli %parallel_loop3A_402, %parallel_loop3A_404 : vector<16xi32>
        %parallel_loop3A_406 = tpu.bitcast %parallel_loop3A_405 : vector<16xi32> -> vector<16xf32>
        %parallel_loop3A_407 = arith.constant -65536 : i32
        %parallel_loop3A_408 = vector.broadcast %parallel_loop3A_407 : i32 to vector<16xi32>
        %parallel_loop3A_409 = arith.andi %parallel_loop3A_402, %parallel_loop3A_408 : vector<16xi32>
        %parallel_loop3A_410 = tpu.bitcast %parallel_loop3A_409 : vector<16xi32> -> vector<16xf32>
        %parallel_loop3A_411 = arith.index_cast %parallel_loop3A_90 : i32 to index
        %parallel_loop3A_412 = arith.constant 448 : index
        %parallel_loop3A_413 = tpu.vector_load %arg9[%parallel_loop3A_411, %parallel_loop3A_412] {strides = array<i32>} : memref<40x1024xf32, #tpu.memory_space<vmem>>, vector<1x16xf32>,
        %parallel_loop3A_414 = vector.shape_cast %parallel_loop3A_413 : vector<1x16xf32> to vector<16xf32>
        %parallel_loop3A_415 = vector.shape_cast %parallel_loop3A_406 : vector<16xf32> to vector<1x16xf32>
        tpu.vector_store %arg9[%parallel_loop3A_411, %parallel_loop3A_412], %parallel_loop3A_415 {strides = array<i32>} : memref<40x1024xf32, #tpu.memory_space<vmem>>, vector<1x16xf32>,
        %parallel_loop3A_416 = arith.index_cast %parallel_loop3A_90 : i32 to index
        %parallel_loop3A_417 = arith.constant 464 : index
        %parallel_loop3A_418 = tpu.vector_load %arg9[%parallel_loop3A_416, %parallel_loop3A_417] {strides = array<i32>} : memref<40x1024xf32, #tpu.memory_space<vmem>>, vector<1x16xf32>,
        %parallel_loop3A_419 = vector.shape_cast %parallel_loop3A_418 : vector<1x16xf32> to vector<16xf32>
        %parallel_loop3A_420 = vector.shape_cast %parallel_loop3A_410 : vector<16xf32> to vector<1x16xf32>
        tpu.vector_store %arg9[%parallel_loop3A_416, %parallel_loop3A_417], %parallel_loop3A_420 {strides = array<i32>} : memref<40x1024xf32, #tpu.memory_space<vmem>>, vector<1x16xf32>,
        %parallel_loop3A_421 = arith.index_cast %parallel_loop3A_90 : i32 to index
        %parallel_loop3A_422 = arith.constant 240 : index
        %parallel_loop3A_423 = tpu.vector_load %arg7[%parallel_loop3A_421, %parallel_loop3A_422] {strides = array<i32>} : memref<40x512xi32, #tpu.memory_space<vmem>>, vector<1x16xi32>,
        %parallel_loop3A_424 = vector.shape_cast %parallel_loop3A_423 : vector<1x16xi32> to vector<16xi32>
        %parallel_loop3A_425 = arith.constant 16 : i32
        %parallel_loop3A_426 = vector.broadcast %parallel_loop3A_425 : i32 to vector<16xi32>
        %parallel_loop3A_427 = arith.shli %parallel_loop3A_424, %parallel_loop3A_426 : vector<16xi32>
        %parallel_loop3A_428 = tpu.bitcast %parallel_loop3A_427 : vector<16xi32> -> vector<16xf32>
        %parallel_loop3A_429 = arith.constant -65536 : i32
        %parallel_loop3A_430 = vector.broadcast %parallel_loop3A_429 : i32 to vector<16xi32>
        %parallel_loop3A_431 = arith.andi %parallel_loop3A_424, %parallel_loop3A_430 : vector<16xi32>
        %parallel_loop3A_432 = tpu.bitcast %parallel_loop3A_431 : vector<16xi32> -> vector<16xf32>
        %parallel_loop3A_433 = arith.index_cast %parallel_loop3A_90 : i32 to index
        %parallel_loop3A_434 = arith.constant 480 : index
        %parallel_loop3A_435 = tpu.vector_load %arg9[%parallel_loop3A_433, %parallel_loop3A_434] {strides = array<i32>} : memref<40x1024xf32, #tpu.memory_space<vmem>>, vector<1x16xf32>,
        %parallel_loop3A_436 = vector.shape_cast %parallel_loop3A_435 : vector<1x16xf32> to vector<16xf32>
        %parallel_loop3A_437 = vector.shape_cast %parallel_loop3A_428 : vector<16xf32> to vector<1x16xf32>
        tpu.vector_store %arg9[%parallel_loop3A_433, %parallel_loop3A_434], %parallel_loop3A_437 {strides = array<i32>} : memref<40x1024xf32, #tpu.memory_space<vmem>>, vector<1x16xf32>,
        %parallel_loop3A_438 = arith.index_cast %parallel_loop3A_90 : i32 to index
        %parallel_loop3A_439 = arith.constant 496 : index
        %parallel_loop3A_440 = tpu.vector_load %arg9[%parallel_loop3A_438, %parallel_loop3A_439] {strides = array<i32>} : memref<40x1024xf32, #tpu.memory_space<vmem>>, vector<1x16xf32>,
        %parallel_loop3A_441 = vector.shape_cast %parallel_loop3A_440 : vector<1x16xf32> to vector<16xf32>
        %parallel_loop3A_442 = vector.shape_cast %parallel_loop3A_432 : vector<16xf32> to vector<1x16xf32>
        tpu.vector_store %arg9[%parallel_loop3A_438, %parallel_loop3A_439], %parallel_loop3A_442 {strides = array<i32>} : memref<40x1024xf32, #tpu.memory_space<vmem>>, vector<1x16xf32>,
        %parallel_loop3A_443 = arith.index_cast %parallel_loop3A_90 : i32 to index
        %parallel_loop3A_444 = arith.constant 256 : index
        %parallel_loop3A_445 = tpu.vector_load %arg7[%parallel_loop3A_443, %parallel_loop3A_444] {strides = array<i32>} : memref<40x512xi32, #tpu.memory_space<vmem>>, vector<1x16xi32>,
        %parallel_loop3A_446 = vector.shape_cast %parallel_loop3A_445 : vector<1x16xi32> to vector<16xi32>
        %parallel_loop3A_447 = arith.constant 16 : i32
        %parallel_loop3A_448 = vector.broadcast %parallel_loop3A_447 : i32 to vector<16xi32>
        %parallel_loop3A_449 = arith.shli %parallel_loop3A_446, %parallel_loop3A_448 : vector<16xi32>
        %parallel_loop3A_450 = tpu.bitcast %parallel_loop3A_449 : vector<16xi32> -> vector<16xf32>
        %parallel_loop3A_451 = arith.constant -65536 : i32
        %parallel_loop3A_452 = vector.broadcast %parallel_loop3A_451 : i32 to vector<16xi32>
        %parallel_loop3A_453 = arith.andi %parallel_loop3A_446, %parallel_loop3A_452 : vector<16xi32>
        %parallel_loop3A_454 = tpu.bitcast %parallel_loop3A_453 : vector<16xi32> -> vector<16xf32>
        %parallel_loop3A_455 = arith.index_cast %parallel_loop3A_90 : i32 to index
        %parallel_loop3A_456 = arith.constant 512 : index
        %parallel_loop3A_457 = tpu.vector_load %arg9[%parallel_loop3A_455, %parallel_loop3A_456] {strides = array<i32>} : memref<40x1024xf32, #tpu.memory_space<vmem>>, vector<1x16xf32>,
        %parallel_loop3A_458 = vector.shape_cast %parallel_loop3A_457 : vector<1x16xf32> to vector<16xf32>
        %parallel_loop3A_459 = vector.shape_cast %parallel_loop3A_450 : vector<16xf32> to vector<1x16xf32>
        tpu.vector_store %arg9[%parallel_loop3A_455, %parallel_loop3A_456], %parallel_loop3A_459 {strides = array<i32>} : memref<40x1024xf32, #tpu.memory_space<vmem>>, vector<1x16xf32>,
        %parallel_loop3A_460 = arith.index_cast %parallel_loop3A_90 : i32 to index
        %parallel_loop3A_461 = arith.constant 528 : index
        %parallel_loop3A_462 = tpu.vector_load %arg9[%parallel_loop3A_460, %parallel_loop3A_461] {strides = array<i32>} : memref<40x1024xf32, #tpu.memory_space<vmem>>, vector<1x16xf32>,
        %parallel_loop3A_463 = vector.shape_cast %parallel_loop3A_462 : vector<1x16xf32> to vector<16xf32>
        %parallel_loop3A_464 = vector.shape_cast %parallel_loop3A_454 : vector<16xf32> to vector<1x16xf32>
        tpu.vector_store %arg9[%parallel_loop3A_460, %parallel_loop3A_461], %parallel_loop3A_464 {strides = array<i32>} : memref<40x1024xf32, #tpu.memory_space<vmem>>, vector<1x16xf32>,
        %parallel_loop3A_465 = arith.index_cast %parallel_loop3A_90 : i32 to index
        %parallel_loop3A_466 = arith.constant 272 : index
        %parallel_loop3A_467 = tpu.vector_load %arg7[%parallel_loop3A_465, %parallel_loop3A_466] {strides = array<i32>} : memref<40x512xi32, #tpu.memory_space<vmem>>, vector<1x16xi32>,
        %parallel_loop3A_468 = vector.shape_cast %parallel_loop3A_467 : vector<1x16xi32> to vector<16xi32>
        %parallel_loop3A_469 = arith.constant 16 : i32
        %parallel_loop3A_470 = vector.broadcast %parallel_loop3A_469 : i32 to vector<16xi32>
        %parallel_loop3A_471 = arith.shli %parallel_loop3A_468, %parallel_loop3A_470 : vector<16xi32>
        %parallel_loop3A_472 = tpu.bitcast %parallel_loop3A_471 : vector<16xi32> -> vector<16xf32>
        %parallel_loop3A_473 = arith.constant -65536 : i32
        %parallel_loop3A_474 = vector.broadcast %parallel_loop3A_473 : i32 to vector<16xi32>
        %parallel_loop3A_475 = arith.andi %parallel_loop3A_468, %parallel_loop3A_474 : vector<16xi32>
        %parallel_loop3A_476 = tpu.bitcast %parallel_loop3A_475 : vector<16xi32> -> vector<16xf32>
        %parallel_loop3A_477 = arith.index_cast %parallel_loop3A_90 : i32 to index
        %parallel_loop3A_478 = arith.constant 544 : index
        %parallel_loop3A_479 = tpu.vector_load %arg9[%parallel_loop3A_477, %parallel_loop3A_478] {strides = array<i32>} : memref<40x1024xf32, #tpu.memory_space<vmem>>, vector<1x16xf32>,
        %parallel_loop3A_480 = vector.shape_cast %parallel_loop3A_479 : vector<1x16xf32> to vector<16xf32>
        %parallel_loop3A_481 = vector.shape_cast %parallel_loop3A_472 : vector<16xf32> to vector<1x16xf32>
        tpu.vector_store %arg9[%parallel_loop3A_477, %parallel_loop3A_478], %parallel_loop3A_481 {strides = array<i32>} : memref<40x1024xf32, #tpu.memory_space<vmem>>, vector<1x16xf32>,
        %parallel_loop3A_482 = arith.index_cast %parallel_loop3A_90 : i32 to index
        %parallel_loop3A_483 = arith.constant 560 : index
        %parallel_loop3A_484 = tpu.vector_load %arg9[%parallel_loop3A_482, %parallel_loop3A_483] {strides = array<i32>} : memref<40x1024xf32, #tpu.memory_space<vmem>>, vector<1x16xf32>,
        %parallel_loop3A_485 = vector.shape_cast %parallel_loop3A_484 : vector<1x16xf32> to vector<16xf32>
        %parallel_loop3A_486 = vector.shape_cast %parallel_loop3A_476 : vector<16xf32> to vector<1x16xf32>
        tpu.vector_store %arg9[%parallel_loop3A_482, %parallel_loop3A_483], %parallel_loop3A_486 {strides = array<i32>} : memref<40x1024xf32, #tpu.memory_space<vmem>>, vector<1x16xf32>,
        %parallel_loop3A_487 = arith.index_cast %parallel_loop3A_90 : i32 to index
        %parallel_loop3A_488 = arith.constant 288 : index
        %parallel_loop3A_489 = tpu.vector_load %arg7[%parallel_loop3A_487, %parallel_loop3A_488] {strides = array<i32>} : memref<40x512xi32, #tpu.memory_space<vmem>>, vector<1x16xi32>,
        %parallel_loop3A_490 = vector.shape_cast %parallel_loop3A_489 : vector<1x16xi32> to vector<16xi32>
        %parallel_loop3A_491 = arith.constant 16 : i32
        %parallel_loop3A_492 = vector.broadcast %parallel_loop3A_491 : i32 to vector<16xi32>
        %parallel_loop3A_493 = arith.shli %parallel_loop3A_490, %parallel_loop3A_492 : vector<16xi32>
        %parallel_loop3A_494 = tpu.bitcast %parallel_loop3A_493 : vector<16xi32> -> vector<16xf32>
        %parallel_loop3A_495 = arith.constant -65536 : i32
        %parallel_loop3A_496 = vector.broadcast %parallel_loop3A_495 : i32 to vector<16xi32>
        %parallel_loop3A_497 = arith.andi %parallel_loop3A_490, %parallel_loop3A_496 : vector<16xi32>
        %parallel_loop3A_498 = tpu.bitcast %parallel_loop3A_497 : vector<16xi32> -> vector<16xf32>
        %parallel_loop3A_499 = arith.index_cast %parallel_loop3A_90 : i32 to index
        %parallel_loop3A_500 = arith.constant 576 : index
        %parallel_loop3A_501 = tpu.vector_load %arg9[%parallel_loop3A_499, %parallel_loop3A_500] {strides = array<i32>} : memref<40x1024xf32, #tpu.memory_space<vmem>>, vector<1x16xf32>,
        %parallel_loop3A_502 = vector.shape_cast %parallel_loop3A_501 : vector<1x16xf32> to vector<16xf32>
        %parallel_loop3A_503 = vector.shape_cast %parallel_loop3A_494 : vector<16xf32> to vector<1x16xf32>
        tpu.vector_store %arg9[%parallel_loop3A_499, %parallel_loop3A_500], %parallel_loop3A_503 {strides = array<i32>} : memref<40x1024xf32, #tpu.memory_space<vmem>>, vector<1x16xf32>,
        %parallel_loop3A_504 = arith.index_cast %parallel_loop3A_90 : i32 to index
        %parallel_loop3A_505 = arith.constant 592 : index
        %parallel_loop3A_506 = tpu.vector_load %arg9[%parallel_loop3A_504, %parallel_loop3A_505] {strides = array<i32>} : memref<40x1024xf32, #tpu.memory_space<vmem>>, vector<1x16xf32>,
        %parallel_loop3A_507 = vector.shape_cast %parallel_loop3A_506 : vector<1x16xf32> to vector<16xf32>
        %parallel_loop3A_508 = vector.shape_cast %parallel_loop3A_498 : vector<16xf32> to vector<1x16xf32>
        tpu.vector_store %arg9[%parallel_loop3A_504, %parallel_loop3A_505], %parallel_loop3A_508 {strides = array<i32>} : memref<40x1024xf32, #tpu.memory_space<vmem>>, vector<1x16xf32>,
        %parallel_loop3A_509 = arith.index_cast %parallel_loop3A_90 : i32 to index
        %parallel_loop3A_510 = arith.constant 304 : index
        %parallel_loop3A_511 = tpu.vector_load %arg7[%parallel_loop3A_509, %parallel_loop3A_510] {strides = array<i32>} : memref<40x512xi32, #tpu.memory_space<vmem>>, vector<1x16xi32>,
        %parallel_loop3A_512 = vector.shape_cast %parallel_loop3A_511 : vector<1x16xi32> to vector<16xi32>
        %parallel_loop3A_513 = arith.constant 16 : i32
        %parallel_loop3A_514 = vector.broadcast %parallel_loop3A_513 : i32 to vector<16xi32>
        %parallel_loop3A_515 = arith.shli %parallel_loop3A_512, %parallel_loop3A_514 : vector<16xi32>
        %parallel_loop3A_516 = tpu.bitcast %parallel_loop3A_515 : vector<16xi32> -> vector<16xf32>
        %parallel_loop3A_517 = arith.constant -65536 : i32
        %parallel_loop3A_518 = vector.broadcast %parallel_loop3A_517 : i32 to vector<16xi32>
        %parallel_loop3A_519 = arith.andi %parallel_loop3A_512, %parallel_loop3A_518 : vector<16xi32>
        %parallel_loop3A_520 = tpu.bitcast %parallel_loop3A_519 : vector<16xi32> -> vector<16xf32>
        %parallel_loop3A_521 = arith.index_cast %parallel_loop3A_90 : i32 to index
        %parallel_loop3A_522 = arith.constant 608 : index
        %parallel_loop3A_523 = tpu.vector_load %arg9[%parallel_loop3A_521, %parallel_loop3A_522] {strides = array<i32>} : memref<40x1024xf32, #tpu.memory_space<vmem>>, vector<1x16xf32>,
        %parallel_loop3A_524 = vector.shape_cast %parallel_loop3A_523 : vector<1x16xf32> to vector<16xf32>
        %parallel_loop3A_525 = vector.shape_cast %parallel_loop3A_516 : vector<16xf32> to vector<1x16xf32>
        tpu.vector_store %arg9[%parallel_loop3A_521, %parallel_loop3A_522], %parallel_loop3A_525 {strides = array<i32>} : memref<40x1024xf32, #tpu.memory_space<vmem>>, vector<1x16xf32>,
        %parallel_loop3A_526 = arith.index_cast %parallel_loop3A_90 : i32 to index
        %parallel_loop3A_527 = arith.constant 624 : index
        %parallel_loop3A_528 = tpu.vector_load %arg9[%parallel_loop3A_526, %parallel_loop3A_527] {strides = array<i32>} : memref<40x1024xf32, #tpu.memory_space<vmem>>, vector<1x16xf32>,
        %parallel_loop3A_529 = vector.shape_cast %parallel_loop3A_528 : vector<1x16xf32> to vector<16xf32>
        %parallel_loop3A_530 = vector.shape_cast %parallel_loop3A_520 : vector<16xf32> to vector<1x16xf32>
        tpu.vector_store %arg9[%parallel_loop3A_526, %parallel_loop3A_527], %parallel_loop3A_530 {strides = array<i32>} : memref<40x1024xf32, #tpu.memory_space<vmem>>, vector<1x16xf32>,
        %parallel_loop3A_531 = arith.index_cast %parallel_loop3A_90 : i32 to index
        %parallel_loop3A_532 = arith.constant 320 : index
        %parallel_loop3A_533 = tpu.vector_load %arg7[%parallel_loop3A_531, %parallel_loop3A_532] {strides = array<i32>} : memref<40x512xi32, #tpu.memory_space<vmem>>, vector<1x16xi32>,
        %parallel_loop3A_534 = vector.shape_cast %parallel_loop3A_533 : vector<1x16xi32> to vector<16xi32>
        %parallel_loop3A_535 = arith.constant 16 : i32
        %parallel_loop3A_536 = vector.broadcast %parallel_loop3A_535 : i32 to vector<16xi32>
        %parallel_loop3A_537 = arith.shli %parallel_loop3A_534, %parallel_loop3A_536 : vector<16xi32>
        %parallel_loop3A_538 = tpu.bitcast %parallel_loop3A_537 : vector<16xi32> -> vector<16xf32>
        %parallel_loop3A_539 = arith.constant -65536 : i32
        %parallel_loop3A_540 = vector.broadcast %parallel_loop3A_539 : i32 to vector<16xi32>
        %parallel_loop3A_541 = arith.andi %parallel_loop3A_534, %parallel_loop3A_540 : vector<16xi32>
        %parallel_loop3A_542 = tpu.bitcast %parallel_loop3A_541 : vector<16xi32> -> vector<16xf32>
        %parallel_loop3A_543 = arith.index_cast %parallel_loop3A_90 : i32 to index
        %parallel_loop3A_544 = arith.constant 640 : index
        %parallel_loop3A_545 = tpu.vector_load %arg9[%parallel_loop3A_543, %parallel_loop3A_544] {strides = array<i32>} : memref<40x1024xf32, #tpu.memory_space<vmem>>, vector<1x16xf32>,
        %parallel_loop3A_546 = vector.shape_cast %parallel_loop3A_545 : vector<1x16xf32> to vector<16xf32>
        %parallel_loop3A_547 = vector.shape_cast %parallel_loop3A_538 : vector<16xf32> to vector<1x16xf32>
        tpu.vector_store %arg9[%parallel_loop3A_543, %parallel_loop3A_544], %parallel_loop3A_547 {strides = array<i32>} : memref<40x1024xf32, #tpu.memory_space<vmem>>, vector<1x16xf32>,
        %parallel_loop3A_548 = arith.index_cast %parallel_loop3A_90 : i32 to index
        %parallel_loop3A_549 = arith.constant 656 : index
        %parallel_loop3A_550 = tpu.vector_load %arg9[%parallel_loop3A_548, %parallel_loop3A_549] {strides = array<i32>} : memref<40x1024xf32, #tpu.memory_space<vmem>>, vector<1x16xf32>,
        %parallel_loop3A_551 = vector.shape_cast %parallel_loop3A_550 : vector<1x16xf32> to vector<16xf32>
        %parallel_loop3A_552 = vector.shape_cast %parallel_loop3A_542 : vector<16xf32> to vector<1x16xf32>
        tpu.vector_store %arg9[%parallel_loop3A_548, %parallel_loop3A_549], %parallel_loop3A_552 {strides = array<i32>} : memref<40x1024xf32, #tpu.memory_space<vmem>>, vector<1x16xf32>,
        %parallel_loop3A_553 = arith.index_cast %parallel_loop3A_90 : i32 to index
        %parallel_loop3A_554 = arith.constant 336 : index
        %parallel_loop3A_555 = tpu.vector_load %arg7[%parallel_loop3A_553, %parallel_loop3A_554] {strides = array<i32>} : memref<40x512xi32, #tpu.memory_space<vmem>>, vector<1x16xi32>,
        %parallel_loop3A_556 = vector.shape_cast %parallel_loop3A_555 : vector<1x16xi32> to vector<16xi32>
        %parallel_loop3A_557 = arith.constant 16 : i32
        %parallel_loop3A_558 = vector.broadcast %parallel_loop3A_557 : i32 to vector<16xi32>
        %parallel_loop3A_559 = arith.shli %parallel_loop3A_556, %parallel_loop3A_558 : vector<16xi32>
        %parallel_loop3A_560 = tpu.bitcast %parallel_loop3A_559 : vector<16xi32> -> vector<16xf32>
        %parallel_loop3A_561 = arith.constant -65536 : i32
        %parallel_loop3A_562 = vector.broadcast %parallel_loop3A_561 : i32 to vector<16xi32>
        %parallel_loop3A_563 = arith.andi %parallel_loop3A_556, %parallel_loop3A_562 : vector<16xi32>
        %parallel_loop3A_564 = tpu.bitcast %parallel_loop3A_563 : vector<16xi32> -> vector<16xf32>
        %parallel_loop3A_565 = arith.index_cast %parallel_loop3A_90 : i32 to index
        %parallel_loop3A_566 = arith.constant 672 : index
        %parallel_loop3A_567 = tpu.vector_load %arg9[%parallel_loop3A_565, %parallel_loop3A_566] {strides = array<i32>} : memref<40x1024xf32, #tpu.memory_space<vmem>>, vector<1x16xf32>,
        %parallel_loop3A_568 = vector.shape_cast %parallel_loop3A_567 : vector<1x16xf32> to vector<16xf32>
        %parallel_loop3A_569 = vector.shape_cast %parallel_loop3A_560 : vector<16xf32> to vector<1x16xf32>
        tpu.vector_store %arg9[%parallel_loop3A_565, %parallel_loop3A_566], %parallel_loop3A_569 {strides = array<i32>} : memref<40x1024xf32, #tpu.memory_space<vmem>>, vector<1x16xf32>,
        %parallel_loop3A_570 = arith.index_cast %parallel_loop3A_90 : i32 to index
        %parallel_loop3A_571 = arith.constant 688 : index
        %parallel_loop3A_572 = tpu.vector_load %arg9[%parallel_loop3A_570, %parallel_loop3A_571] {strides = array<i32>} : memref<40x1024xf32, #tpu.memory_space<vmem>>, vector<1x16xf32>,
        %parallel_loop3A_573 = vector.shape_cast %parallel_loop3A_572 : vector<1x16xf32> to vector<16xf32>
        %parallel_loop3A_574 = vector.shape_cast %parallel_loop3A_564 : vector<16xf32> to vector<1x16xf32>
        tpu.vector_store %arg9[%parallel_loop3A_570, %parallel_loop3A_571], %parallel_loop3A_574 {strides = array<i32>} : memref<40x1024xf32, #tpu.memory_space<vmem>>, vector<1x16xf32>,
        %parallel_loop3A_575 = arith.index_cast %parallel_loop3A_90 : i32 to index
        %parallel_loop3A_576 = arith.constant 352 : index
        %parallel_loop3A_577 = tpu.vector_load %arg7[%parallel_loop3A_575, %parallel_loop3A_576] {strides = array<i32>} : memref<40x512xi32, #tpu.memory_space<vmem>>, vector<1x16xi32>,
        %parallel_loop3A_578 = vector.shape_cast %parallel_loop3A_577 : vector<1x16xi32> to vector<16xi32>
        %parallel_loop3A_579 = arith.constant 16 : i32
        %parallel_loop3A_580 = vector.broadcast %parallel_loop3A_579 : i32 to vector<16xi32>
        %parallel_loop3A_581 = arith.shli %parallel_loop3A_578, %parallel_loop3A_580 : vector<16xi32>
        %parallel_loop3A_582 = tpu.bitcast %parallel_loop3A_581 : vector<16xi32> -> vector<16xf32>
        %parallel_loop3A_583 = arith.constant -65536 : i32
        %parallel_loop3A_584 = vector.broadcast %parallel_loop3A_583 : i32 to vector<16xi32>
        %parallel_loop3A_585 = arith.andi %parallel_loop3A_578, %parallel_loop3A_584 : vector<16xi32>
        %parallel_loop3A_586 = tpu.bitcast %parallel_loop3A_585 : vector<16xi32> -> vector<16xf32>
        %parallel_loop3A_587 = arith.index_cast %parallel_loop3A_90 : i32 to index
        %parallel_loop3A_588 = arith.constant 704 : index
        %parallel_loop3A_589 = tpu.vector_load %arg9[%parallel_loop3A_587, %parallel_loop3A_588] {strides = array<i32>} : memref<40x1024xf32, #tpu.memory_space<vmem>>, vector<1x16xf32>,
        %parallel_loop3A_590 = vector.shape_cast %parallel_loop3A_589 : vector<1x16xf32> to vector<16xf32>
        %parallel_loop3A_591 = vector.shape_cast %parallel_loop3A_582 : vector<16xf32> to vector<1x16xf32>
        tpu.vector_store %arg9[%parallel_loop3A_587, %parallel_loop3A_588], %parallel_loop3A_591 {strides = array<i32>} : memref<40x1024xf32, #tpu.memory_space<vmem>>, vector<1x16xf32>,
        %parallel_loop3A_592 = arith.index_cast %parallel_loop3A_90 : i32 to index
        %parallel_loop3A_593 = arith.constant 720 : index
        %parallel_loop3A_594 = tpu.vector_load %arg9[%parallel_loop3A_592, %parallel_loop3A_593] {strides = array<i32>} : memref<40x1024xf32, #tpu.memory_space<vmem>>, vector<1x16xf32>,
        %parallel_loop3A_595 = vector.shape_cast %parallel_loop3A_594 : vector<1x16xf32> to vector<16xf32>
        %parallel_loop3A_596 = vector.shape_cast %parallel_loop3A_586 : vector<16xf32> to vector<1x16xf32>
        tpu.vector_store %arg9[%parallel_loop3A_592, %parallel_loop3A_593], %parallel_loop3A_596 {strides = array<i32>} : memref<40x1024xf32, #tpu.memory_space<vmem>>, vector<1x16xf32>,
        %parallel_loop3A_597 = arith.index_cast %parallel_loop3A_90 : i32 to index
        %parallel_loop3A_598 = arith.constant 368 : index
        %parallel_loop3A_599 = tpu.vector_load %arg7[%parallel_loop3A_597, %parallel_loop3A_598] {strides = array<i32>} : memref<40x512xi32, #tpu.memory_space<vmem>>, vector<1x16xi32>,
        %parallel_loop3A_600 = vector.shape_cast %parallel_loop3A_599 : vector<1x16xi32> to vector<16xi32>
        %parallel_loop3A_601 = arith.constant 16 : i32
        %parallel_loop3A_602 = vector.broadcast %parallel_loop3A_601 : i32 to vector<16xi32>
        %parallel_loop3A_603 = arith.shli %parallel_loop3A_600, %parallel_loop3A_602 : vector<16xi32>
        %parallel_loop3A_604 = tpu.bitcast %parallel_loop3A_603 : vector<16xi32> -> vector<16xf32>
        %parallel_loop3A_605 = arith.constant -65536 : i32
        %parallel_loop3A_606 = vector.broadcast %parallel_loop3A_605 : i32 to vector<16xi32>
        %parallel_loop3A_607 = arith.andi %parallel_loop3A_600, %parallel_loop3A_606 : vector<16xi32>
        %parallel_loop3A_608 = tpu.bitcast %parallel_loop3A_607 : vector<16xi32> -> vector<16xf32>
        %parallel_loop3A_609 = arith.index_cast %parallel_loop3A_90 : i32 to index
        %parallel_loop3A_610 = arith.constant 736 : index
        %parallel_loop3A_611 = tpu.vector_load %arg9[%parallel_loop3A_609, %parallel_loop3A_610] {strides = array<i32>} : memref<40x1024xf32, #tpu.memory_space<vmem>>, vector<1x16xf32>,
        %parallel_loop3A_612 = vector.shape_cast %parallel_loop3A_611 : vector<1x16xf32> to vector<16xf32>
        %parallel_loop3A_613 = vector.shape_cast %parallel_loop3A_604 : vector<16xf32> to vector<1x16xf32>
        tpu.vector_store %arg9[%parallel_loop3A_609, %parallel_loop3A_610], %parallel_loop3A_613 {strides = array<i32>} : memref<40x1024xf32, #tpu.memory_space<vmem>>, vector<1x16xf32>,
        %parallel_loop3A_614 = arith.index_cast %parallel_loop3A_90 : i32 to index
        %parallel_loop3A_615 = arith.constant 752 : index
        %parallel_loop3A_616 = tpu.vector_load %arg9[%parallel_loop3A_614, %parallel_loop3A_615] {strides = array<i32>} : memref<40x1024xf32, #tpu.memory_space<vmem>>, vector<1x16xf32>,
        %parallel_loop3A_617 = vector.shape_cast %parallel_loop3A_616 : vector<1x16xf32> to vector<16xf32>
        %parallel_loop3A_618 = vector.shape_cast %parallel_loop3A_608 : vector<16xf32> to vector<1x16xf32>
        tpu.vector_store %arg9[%parallel_loop3A_614, %parallel_loop3A_615], %parallel_loop3A_618 {strides = array<i32>} : memref<40x1024xf32, #tpu.memory_space<vmem>>, vector<1x16xf32>,
        %parallel_loop3A_619 = arith.index_cast %parallel_loop3A_90 : i32 to index
        %parallel_loop3A_620 = arith.constant 384 : index
        %parallel_loop3A_621 = tpu.vector_load %arg7[%parallel_loop3A_619, %parallel_loop3A_620] {strides = array<i32>} : memref<40x512xi32, #tpu.memory_space<vmem>>, vector<1x16xi32>,
        %parallel_loop3A_622 = vector.shape_cast %parallel_loop3A_621 : vector<1x16xi32> to vector<16xi32>
        %parallel_loop3A_623 = arith.constant 16 : i32
        %parallel_loop3A_624 = vector.broadcast %parallel_loop3A_623 : i32 to vector<16xi32>
        %parallel_loop3A_625 = arith.shli %parallel_loop3A_622, %parallel_loop3A_624 : vector<16xi32>
        %parallel_loop3A_626 = tpu.bitcast %parallel_loop3A_625 : vector<16xi32> -> vector<16xf32>
        %parallel_loop3A_627 = arith.constant -65536 : i32
        %parallel_loop3A_628 = vector.broadcast %parallel_loop3A_627 : i32 to vector<16xi32>
        %parallel_loop3A_629 = arith.andi %parallel_loop3A_622, %parallel_loop3A_628 : vector<16xi32>
        %parallel_loop3A_630 = tpu.bitcast %parallel_loop3A_629 : vector<16xi32> -> vector<16xf32>
        %parallel_loop3A_631 = arith.index_cast %parallel_loop3A_90 : i32 to index
        %parallel_loop3A_632 = arith.constant 768 : index
        %parallel_loop3A_633 = tpu.vector_load %arg9[%parallel_loop3A_631, %parallel_loop3A_632] {strides = array<i32>} : memref<40x1024xf32, #tpu.memory_space<vmem>>, vector<1x16xf32>,
        %parallel_loop3A_634 = vector.shape_cast %parallel_loop3A_633 : vector<1x16xf32> to vector<16xf32>
        %parallel_loop3A_635 = vector.shape_cast %parallel_loop3A_626 : vector<16xf32> to vector<1x16xf32>
        tpu.vector_store %arg9[%parallel_loop3A_631, %parallel_loop3A_632], %parallel_loop3A_635 {strides = array<i32>} : memref<40x1024xf32, #tpu.memory_space<vmem>>, vector<1x16xf32>,
        %parallel_loop3A_636 = arith.index_cast %parallel_loop3A_90 : i32 to index
        %parallel_loop3A_637 = arith.constant 784 : index
        %parallel_loop3A_638 = tpu.vector_load %arg9[%parallel_loop3A_636, %parallel_loop3A_637] {strides = array<i32>} : memref<40x1024xf32, #tpu.memory_space<vmem>>, vector<1x16xf32>,
        %parallel_loop3A_639 = vector.shape_cast %parallel_loop3A_638 : vector<1x16xf32> to vector<16xf32>
        %parallel_loop3A_640 = vector.shape_cast %parallel_loop3A_630 : vector<16xf32> to vector<1x16xf32>
        tpu.vector_store %arg9[%parallel_loop3A_636, %parallel_loop3A_637], %parallel_loop3A_640 {strides = array<i32>} : memref<40x1024xf32, #tpu.memory_space<vmem>>, vector<1x16xf32>,
        %parallel_loop3A_641 = arith.index_cast %parallel_loop3A_90 : i32 to index
        %parallel_loop3A_642 = arith.constant 400 : index
        %parallel_loop3A_643 = tpu.vector_load %arg7[%parallel_loop3A_641, %parallel_loop3A_642] {strides = array<i32>} : memref<40x512xi32, #tpu.memory_space<vmem>>, vector<1x16xi32>,
        %parallel_loop3A_644 = vector.shape_cast %parallel_loop3A_643 : vector<1x16xi32> to vector<16xi32>
        %parallel_loop3A_645 = arith.constant 16 : i32
        %parallel_loop3A_646 = vector.broadcast %parallel_loop3A_645 : i32 to vector<16xi32>
        %parallel_loop3A_647 = arith.shli %parallel_loop3A_644, %parallel_loop3A_646 : vector<16xi32>
        %parallel_loop3A_648 = tpu.bitcast %parallel_loop3A_647 : vector<16xi32> -> vector<16xf32>
        %parallel_loop3A_649 = arith.constant -65536 : i32
        %parallel_loop3A_650 = vector.broadcast %parallel_loop3A_649 : i32 to vector<16xi32>
        %parallel_loop3A_651 = arith.andi %parallel_loop3A_644, %parallel_loop3A_650 : vector<16xi32>
        %parallel_loop3A_652 = tpu.bitcast %parallel_loop3A_651 : vector<16xi32> -> vector<16xf32>
        %parallel_loop3A_653 = arith.index_cast %parallel_loop3A_90 : i32 to index
        %parallel_loop3A_654 = arith.constant 800 : index
        %parallel_loop3A_655 = tpu.vector_load %arg9[%parallel_loop3A_653, %parallel_loop3A_654] {strides = array<i32>} : memref<40x1024xf32, #tpu.memory_space<vmem>>, vector<1x16xf32>,
        %parallel_loop3A_656 = vector.shape_cast %parallel_loop3A_655 : vector<1x16xf32> to vector<16xf32>
        %parallel_loop3A_657 = vector.shape_cast %parallel_loop3A_648 : vector<16xf32> to vector<1x16xf32>
        tpu.vector_store %arg9[%parallel_loop3A_653, %parallel_loop3A_654], %parallel_loop3A_657 {strides = array<i32>} : memref<40x1024xf32, #tpu.memory_space<vmem>>, vector<1x16xf32>,
        %parallel_loop3A_658 = arith.index_cast %parallel_loop3A_90 : i32 to index
        %parallel_loop3A_659 = arith.constant 816 : index
        %parallel_loop3A_660 = tpu.vector_load %arg9[%parallel_loop3A_658, %parallel_loop3A_659] {strides = array<i32>} : memref<40x1024xf32, #tpu.memory_space<vmem>>, vector<1x16xf32>,
        %parallel_loop3A_661 = vector.shape_cast %parallel_loop3A_660 : vector<1x16xf32> to vector<16xf32>
        %parallel_loop3A_662 = vector.shape_cast %parallel_loop3A_652 : vector<16xf32> to vector<1x16xf32>
        tpu.vector_store %arg9[%parallel_loop3A_658, %parallel_loop3A_659], %parallel_loop3A_662 {strides = array<i32>} : memref<40x1024xf32, #tpu.memory_space<vmem>>, vector<1x16xf32>,
        %parallel_loop3A_663 = arith.index_cast %parallel_loop3A_90 : i32 to index
        %parallel_loop3A_664 = arith.constant 416 : index
        %parallel_loop3A_665 = tpu.vector_load %arg7[%parallel_loop3A_663, %parallel_loop3A_664] {strides = array<i32>} : memref<40x512xi32, #tpu.memory_space<vmem>>, vector<1x16xi32>,
        %parallel_loop3A_666 = vector.shape_cast %parallel_loop3A_665 : vector<1x16xi32> to vector<16xi32>
        %parallel_loop3A_667 = arith.constant 16 : i32
        %parallel_loop3A_668 = vector.broadcast %parallel_loop3A_667 : i32 to vector<16xi32>
        %parallel_loop3A_669 = arith.shli %parallel_loop3A_666, %parallel_loop3A_668 : vector<16xi32>
        %parallel_loop3A_670 = tpu.bitcast %parallel_loop3A_669 : vector<16xi32> -> vector<16xf32>
        %parallel_loop3A_671 = arith.constant -65536 : i32
        %parallel_loop3A_672 = vector.broadcast %parallel_loop3A_671 : i32 to vector<16xi32>
        %parallel_loop3A_673 = arith.andi %parallel_loop3A_666, %parallel_loop3A_672 : vector<16xi32>
        %parallel_loop3A_674 = tpu.bitcast %parallel_loop3A_673 : vector<16xi32> -> vector<16xf32>
        %parallel_loop3A_675 = arith.index_cast %parallel_loop3A_90 : i32 to index
        %parallel_loop3A_676 = arith.constant 832 : index
        %parallel_loop3A_677 = tpu.vector_load %arg9[%parallel_loop3A_675, %parallel_loop3A_676] {strides = array<i32>} : memref<40x1024xf32, #tpu.memory_space<vmem>>, vector<1x16xf32>,
        %parallel_loop3A_678 = vector.shape_cast %parallel_loop3A_677 : vector<1x16xf32> to vector<16xf32>
        %parallel_loop3A_679 = vector.shape_cast %parallel_loop3A_670 : vector<16xf32> to vector<1x16xf32>
        tpu.vector_store %arg9[%parallel_loop3A_675, %parallel_loop3A_676], %parallel_loop3A_679 {strides = array<i32>} : memref<40x1024xf32, #tpu.memory_space<vmem>>, vector<1x16xf32>,
        %parallel_loop3A_680 = arith.index_cast %parallel_loop3A_90 : i32 to index
        %parallel_loop3A_681 = arith.constant 848 : index
        %parallel_loop3A_682 = tpu.vector_load %arg9[%parallel_loop3A_680, %parallel_loop3A_681] {strides = array<i32>} : memref<40x1024xf32, #tpu.memory_space<vmem>>, vector<1x16xf32>,
        %parallel_loop3A_683 = vector.shape_cast %parallel_loop3A_682 : vector<1x16xf32> to vector<16xf32>
        %parallel_loop3A_684 = vector.shape_cast %parallel_loop3A_674 : vector<16xf32> to vector<1x16xf32>
        tpu.vector_store %arg9[%parallel_loop3A_680, %parallel_loop3A_681], %parallel_loop3A_684 {strides = array<i32>} : memref<40x1024xf32, #tpu.memory_space<vmem>>, vector<1x16xf32>,
        %parallel_loop3A_685 = arith.index_cast %parallel_loop3A_90 : i32 to index
        %parallel_loop3A_686 = arith.constant 432 : index
        %parallel_loop3A_687 = tpu.vector_load %arg7[%parallel_loop3A_685, %parallel_loop3A_686] {strides = array<i32>} : memref<40x512xi32, #tpu.memory_space<vmem>>, vector<1x16xi32>,
        %parallel_loop3A_688 = vector.shape_cast %parallel_loop3A_687 : vector<1x16xi32> to vector<16xi32>
        %parallel_loop3A_689 = arith.constant 16 : i32
        %parallel_loop3A_690 = vector.broadcast %parallel_loop3A_689 : i32 to vector<16xi32>
        %parallel_loop3A_691 = arith.shli %parallel_loop3A_688, %parallel_loop3A_690 : vector<16xi32>
        %parallel_loop3A_692 = tpu.bitcast %parallel_loop3A_691 : vector<16xi32> -> vector<16xf32>
        %parallel_loop3A_693 = arith.constant -65536 : i32
        %parallel_loop3A_694 = vector.broadcast %parallel_loop3A_693 : i32 to vector<16xi32>
        %parallel_loop3A_695 = arith.andi %parallel_loop3A_688, %parallel_loop3A_694 : vector<16xi32>
        %parallel_loop3A_696 = tpu.bitcast %parallel_loop3A_695 : vector<16xi32> -> vector<16xf32>
        %parallel_loop3A_697 = arith.index_cast %parallel_loop3A_90 : i32 to index
        %parallel_loop3A_698 = arith.constant 864 : index
        %parallel_loop3A_699 = tpu.vector_load %arg9[%parallel_loop3A_697, %parallel_loop3A_698] {strides = array<i32>} : memref<40x1024xf32, #tpu.memory_space<vmem>>, vector<1x16xf32>,
        %parallel_loop3A_700 = vector.shape_cast %parallel_loop3A_699 : vector<1x16xf32> to vector<16xf32>
        %parallel_loop3A_701 = vector.shape_cast %parallel_loop3A_692 : vector<16xf32> to vector<1x16xf32>
        tpu.vector_store %arg9[%parallel_loop3A_697, %parallel_loop3A_698], %parallel_loop3A_701 {strides = array<i32>} : memref<40x1024xf32, #tpu.memory_space<vmem>>, vector<1x16xf32>,
        %parallel_loop3A_702 = arith.index_cast %parallel_loop3A_90 : i32 to index
        %parallel_loop3A_703 = arith.constant 880 : index
        %parallel_loop3A_704 = tpu.vector_load %arg9[%parallel_loop3A_702, %parallel_loop3A_703] {strides = array<i32>} : memref<40x1024xf32, #tpu.memory_space<vmem>>, vector<1x16xf32>,
        %parallel_loop3A_705 = vector.shape_cast %parallel_loop3A_704 : vector<1x16xf32> to vector<16xf32>
        %parallel_loop3A_706 = vector.shape_cast %parallel_loop3A_696 : vector<16xf32> to vector<1x16xf32>
        tpu.vector_store %arg9[%parallel_loop3A_702, %parallel_loop3A_703], %parallel_loop3A_706 {strides = array<i32>} : memref<40x1024xf32, #tpu.memory_space<vmem>>, vector<1x16xf32>,
        %parallel_loop3A_707 = arith.index_cast %parallel_loop3A_90 : i32 to index
        %parallel_loop3A_708 = arith.constant 448 : index
        %parallel_loop3A_709 = tpu.vector_load %arg7[%parallel_loop3A_707, %parallel_loop3A_708] {strides = array<i32>} : memref<40x512xi32, #tpu.memory_space<vmem>>, vector<1x16xi32>,
        %parallel_loop3A_710 = vector.shape_cast %parallel_loop3A_709 : vector<1x16xi32> to vector<16xi32>
        %parallel_loop3A_711 = arith.constant 16 : i32
        %parallel_loop3A_712 = vector.broadcast %parallel_loop3A_711 : i32 to vector<16xi32>
        %parallel_loop3A_713 = arith.shli %parallel_loop3A_710, %parallel_loop3A_712 : vector<16xi32>
        %parallel_loop3A_714 = tpu.bitcast %parallel_loop3A_713 : vector<16xi32> -> vector<16xf32>
        %parallel_loop3A_715 = arith.constant -65536 : i32
        %parallel_loop3A_716 = vector.broadcast %parallel_loop3A_715 : i32 to vector<16xi32>
        %parallel_loop3A_717 = arith.andi %parallel_loop3A_710, %parallel_loop3A_716 : vector<16xi32>
        %parallel_loop3A_718 = tpu.bitcast %parallel_loop3A_717 : vector<16xi32> -> vector<16xf32>
        %parallel_loop3A_719 = arith.index_cast %parallel_loop3A_90 : i32 to index
        %parallel_loop3A_720 = arith.constant 896 : index
        %parallel_loop3A_721 = tpu.vector_load %arg9[%parallel_loop3A_719, %parallel_loop3A_720] {strides = array<i32>} : memref<40x1024xf32, #tpu.memory_space<vmem>>, vector<1x16xf32>,
        %parallel_loop3A_722 = vector.shape_cast %parallel_loop3A_721 : vector<1x16xf32> to vector<16xf32>
        %parallel_loop3A_723 = vector.shape_cast %parallel_loop3A_714 : vector<16xf32> to vector<1x16xf32>
        tpu.vector_store %arg9[%parallel_loop3A_719, %parallel_loop3A_720], %parallel_loop3A_723 {strides = array<i32>} : memref<40x1024xf32, #tpu.memory_space<vmem>>, vector<1x16xf32>,
        %parallel_loop3A_724 = arith.index_cast %parallel_loop3A_90 : i32 to index
        %parallel_loop3A_725 = arith.constant 912 : index
        %parallel_loop3A_726 = tpu.vector_load %arg9[%parallel_loop3A_724, %parallel_loop3A_725] {strides = array<i32>} : memref<40x1024xf32, #tpu.memory_space<vmem>>, vector<1x16xf32>,
        %parallel_loop3A_727 = vector.shape_cast %parallel_loop3A_726 : vector<1x16xf32> to vector<16xf32>
        %parallel_loop3A_728 = vector.shape_cast %parallel_loop3A_718 : vector<16xf32> to vector<1x16xf32>
        tpu.vector_store %arg9[%parallel_loop3A_724, %parallel_loop3A_725], %parallel_loop3A_728 {strides = array<i32>} : memref<40x1024xf32, #tpu.memory_space<vmem>>, vector<1x16xf32>,
        %parallel_loop3A_729 = arith.index_cast %parallel_loop3A_90 : i32 to index
        %parallel_loop3A_730 = arith.constant 464 : index
        %parallel_loop3A_731 = tpu.vector_load %arg7[%parallel_loop3A_729, %parallel_loop3A_730] {strides = array<i32>} : memref<40x512xi32, #tpu.memory_space<vmem>>, vector<1x16xi32>,
        %parallel_loop3A_732 = vector.shape_cast %parallel_loop3A_731 : vector<1x16xi32> to vector<16xi32>
        %parallel_loop3A_733 = arith.constant 16 : i32
        %parallel_loop3A_734 = vector.broadcast %parallel_loop3A_733 : i32 to vector<16xi32>
        %parallel_loop3A_735 = arith.shli %parallel_loop3A_732, %parallel_loop3A_734 : vector<16xi32>
        %parallel_loop3A_736 = tpu.bitcast %parallel_loop3A_735 : vector<16xi32> -> vector<16xf32>
        %parallel_loop3A_737 = arith.constant -65536 : i32
        %parallel_loop3A_738 = vector.broadcast %parallel_loop3A_737 : i32 to vector<16xi32>
        %parallel_loop3A_739 = arith.andi %parallel_loop3A_732, %parallel_loop3A_738 : vector<16xi32>
        %parallel_loop3A_740 = tpu.bitcast %parallel_loop3A_739 : vector<16xi32> -> vector<16xf32>
        %parallel_loop3A_741 = arith.index_cast %parallel_loop3A_90 : i32 to index
        %parallel_loop3A_742 = arith.constant 928 : index
        %parallel_loop3A_743 = tpu.vector_load %arg9[%parallel_loop3A_741, %parallel_loop3A_742] {strides = array<i32>} : memref<40x1024xf32, #tpu.memory_space<vmem>>, vector<1x16xf32>,
        %parallel_loop3A_744 = vector.shape_cast %parallel_loop3A_743 : vector<1x16xf32> to vector<16xf32>
        %parallel_loop3A_745 = vector.shape_cast %parallel_loop3A_736 : vector<16xf32> to vector<1x16xf32>
        tpu.vector_store %arg9[%parallel_loop3A_741, %parallel_loop3A_742], %parallel_loop3A_745 {strides = array<i32>} : memref<40x1024xf32, #tpu.memory_space<vmem>>, vector<1x16xf32>,
        %parallel_loop3A_746 = arith.index_cast %parallel_loop3A_90 : i32 to index
        %parallel_loop3A_747 = arith.constant 944 : index
        %parallel_loop3A_748 = tpu.vector_load %arg9[%parallel_loop3A_746, %parallel_loop3A_747] {strides = array<i32>} : memref<40x1024xf32, #tpu.memory_space<vmem>>, vector<1x16xf32>,
        %parallel_loop3A_749 = vector.shape_cast %parallel_loop3A_748 : vector<1x16xf32> to vector<16xf32>
        %parallel_loop3A_750 = vector.shape_cast %parallel_loop3A_740 : vector<16xf32> to vector<1x16xf32>
        tpu.vector_store %arg9[%parallel_loop3A_746, %parallel_loop3A_747], %parallel_loop3A_750 {strides = array<i32>} : memref<40x1024xf32, #tpu.memory_space<vmem>>, vector<1x16xf32>,
        %parallel_loop3A_751 = arith.index_cast %parallel_loop3A_90 : i32 to index
        %parallel_loop3A_752 = arith.constant 480 : index
        %parallel_loop3A_753 = tpu.vector_load %arg7[%parallel_loop3A_751, %parallel_loop3A_752] {strides = array<i32>} : memref<40x512xi32, #tpu.memory_space<vmem>>, vector<1x16xi32>,
        %parallel_loop3A_754 = vector.shape_cast %parallel_loop3A_753 : vector<1x16xi32> to vector<16xi32>
        %parallel_loop3A_755 = arith.constant 16 : i32
        %parallel_loop3A_756 = vector.broadcast %parallel_loop3A_755 : i32 to vector<16xi32>
        %parallel_loop3A_757 = arith.shli %parallel_loop3A_754, %parallel_loop3A_756 : vector<16xi32>
        %parallel_loop3A_758 = tpu.bitcast %parallel_loop3A_757 : vector<16xi32> -> vector<16xf32>
        %parallel_loop3A_759 = arith.constant -65536 : i32
        %parallel_loop3A_760 = vector.broadcast %parallel_loop3A_759 : i32 to vector<16xi32>
        %parallel_loop3A_761 = arith.andi %parallel_loop3A_754, %parallel_loop3A_760 : vector<16xi32>
        %parallel_loop3A_762 = tpu.bitcast %parallel_loop3A_761 : vector<16xi32> -> vector<16xf32>
        %parallel_loop3A_763 = arith.index_cast %parallel_loop3A_90 : i32 to index
        %parallel_loop3A_764 = arith.constant 960 : index
        %parallel_loop3A_765 = tpu.vector_load %arg9[%parallel_loop3A_763, %parallel_loop3A_764] {strides = array<i32>} : memref<40x1024xf32, #tpu.memory_space<vmem>>, vector<1x16xf32>,
        %parallel_loop3A_766 = vector.shape_cast %parallel_loop3A_765 : vector<1x16xf32> to vector<16xf32>
        %parallel_loop3A_767 = vector.shape_cast %parallel_loop3A_758 : vector<16xf32> to vector<1x16xf32>
        tpu.vector_store %arg9[%parallel_loop3A_763, %parallel_loop3A_764], %parallel_loop3A_767 {strides = array<i32>} : memref<40x1024xf32, #tpu.memory_space<vmem>>, vector<1x16xf32>,
        %parallel_loop3A_768 = arith.index_cast %parallel_loop3A_90 : i32 to index
        %parallel_loop3A_769 = arith.constant 976 : index
        %parallel_loop3A_770 = tpu.vector_load %arg9[%parallel_loop3A_768, %parallel_loop3A_769] {strides = array<i32>} : memref<40x1024xf32, #tpu.memory_space<vmem>>, vector<1x16xf32>,
        %parallel_loop3A_771 = vector.shape_cast %parallel_loop3A_770 : vector<1x16xf32> to vector<16xf32>
        %parallel_loop3A_772 = vector.shape_cast %parallel_loop3A_762 : vector<16xf32> to vector<1x16xf32>
        tpu.vector_store %arg9[%parallel_loop3A_768, %parallel_loop3A_769], %parallel_loop3A_772 {strides = array<i32>} : memref<40x1024xf32, #tpu.memory_space<vmem>>, vector<1x16xf32>,
        %parallel_loop3A_773 = arith.index_cast %parallel_loop3A_90 : i32 to index
        %parallel_loop3A_774 = arith.constant 496 : index
        %parallel_loop3A_775 = tpu.vector_load %arg7[%parallel_loop3A_773, %parallel_loop3A_774] {strides = array<i32>} : memref<40x512xi32, #tpu.memory_space<vmem>>, vector<1x16xi32>,
        %parallel_loop3A_776 = vector.shape_cast %parallel_loop3A_775 : vector<1x16xi32> to vector<16xi32>
        %parallel_loop3A_777 = arith.constant 16 : i32
        %parallel_loop3A_778 = vector.broadcast %parallel_loop3A_777 : i32 to vector<16xi32>
        %parallel_loop3A_779 = arith.shli %parallel_loop3A_776, %parallel_loop3A_778 : vector<16xi32>
        %parallel_loop3A_780 = tpu.bitcast %parallel_loop3A_779 : vector<16xi32> -> vector<16xf32>
        %parallel_loop3A_781 = arith.constant -65536 : i32
        %parallel_loop3A_782 = vector.broadcast %parallel_loop3A_781 : i32 to vector<16xi32>
        %parallel_loop3A_783 = arith.andi %parallel_loop3A_776, %parallel_loop3A_782 : vector<16xi32>
        %parallel_loop3A_784 = tpu.bitcast %parallel_loop3A_783 : vector<16xi32> -> vector<16xf32>
        %parallel_loop3A_785 = arith.index_cast %parallel_loop3A_90 : i32 to index
        %parallel_loop3A_786 = arith.constant 992 : index
        %parallel_loop3A_787 = tpu.vector_load %arg9[%parallel_loop3A_785, %parallel_loop3A_786] {strides = array<i32>} : memref<40x1024xf32, #tpu.memory_space<vmem>>, vector<1x16xf32>,
        %parallel_loop3A_788 = vector.shape_cast %parallel_loop3A_787 : vector<1x16xf32> to vector<16xf32>
        %parallel_loop3A_789 = vector.shape_cast %parallel_loop3A_780 : vector<16xf32> to vector<1x16xf32>
        tpu.vector_store %arg9[%parallel_loop3A_785, %parallel_loop3A_786], %parallel_loop3A_789 {strides = array<i32>} : memref<40x1024xf32, #tpu.memory_space<vmem>>, vector<1x16xf32>,
        %parallel_loop3A_790 = arith.index_cast %parallel_loop3A_90 : i32 to index
        %parallel_loop3A_791 = arith.constant 1008 : index
        %parallel_loop3A_792 = tpu.vector_load %arg9[%parallel_loop3A_790, %parallel_loop3A_791] {strides = array<i32>} : memref<40x1024xf32, #tpu.memory_space<vmem>>, vector<1x16xf32>,
        %parallel_loop3A_793 = vector.shape_cast %parallel_loop3A_792 : vector<1x16xf32> to vector<16xf32>
        %parallel_loop3A_794 = vector.shape_cast %parallel_loop3A_784 : vector<16xf32> to vector<1x16xf32>
        tpu.vector_store %arg9[%parallel_loop3A_790, %parallel_loop3A_791], %parallel_loop3A_794 {strides = array<i32>} : memref<40x1024xf32, #tpu.memory_space<vmem>>, vector<1x16xf32>,
      } {sc.loop_unroll_factor = 2 : i64, sc.parallel_access}
      %add3A_74 = arith.constant 1 : i32
      %add3A_75 = arith.addi %scan3A_32, %add3A_74 : i32
      %lt3A_76 = arith.constant 32 : i32
      %lt3A_77 = arith.cmpi slt, %add3A_75, %lt3A_76 : i32
      %convert_element_type3A_78 = arith.extui %lt3A_77 : i1 to i32
      %cond3A_79 = arith.constant 0 : i32
      %cond3A_80 = arith.cmpi ne, %convert_element_type3A_78, %cond3A_79 : i32
      scf.if %cond3A_80 {
        %add3A_90 = arith.constant 3 : i32
        %add3A_91 = arith.addi %mul3A_34, %add3A_90 : i32
        %dma_start3A_92 = arith.constant 0 : i32
        %dma_start3A_93 = tpu.memref_slice %arg5[%add3A_91, %dma_start3A_92] : memref<64x40xi32, #tpu.memory_space<vmem>> -> memref<1x40xi32, #tpu.memory_space<vmem>>
        %dma_start3A_94 = tpu.memref_squeeze %dma_start3A_93 : memref<1x40xi32, #tpu.memory_space<vmem>> -> memref<40xi32, #tpu.memory_space<vmem>>
        %dma_start3A_95 = arith.constant 0 : i32
        %dma_start3A_96 = arith.constant 0 : i32
        %dma_start3A_97 = tpu.memref_slice %arg2[%dma_start3A_95, %dma_start3A_96] : memref<30522x512xi32, #tpu.memory_space<hbm>> -> memref<30522x512xi32, #tpu.memory_space<hbm>>
        tpu.enqueue_indirect_dma source(%dma_start3A_97 : memref<30522x512xi32, #tpu.memory_space<hbm>>) target(%arg7 : memref<40x512xi32, #tpu.memory_space<vmem>>) offsets(%dma_start3A_94 : memref<40xi32, #tpu.memory_space<vmem>>) semaphore(%arg11 : memref<!tpu.dma_semaphore, #tpu.memory_space<semaphore_mem>>)
      } else {
      }
      %add3A_81 = arith.constant 1 : i32
      %add3A_82 = arith.addi %mul3A_34, %add3A_81 : i32
      %mul3A_83 = arith.constant 40 : i32
      %mul3A_84 = arith.muli %add3A_82, %mul3A_83 : i32
      %add3A_85 = arith.addi %mul3A_2, %mul3A_84 : i32
      %dma_start3A_86 = arith.constant 0 : i32
      %dma_start3A_87 = tpu.memref_slice %arg4[%add3A_85, %dma_start3A_86] : memref<81920x1024xf32, #tpu.memory_space<hbm>> -> memref<40x1024xf32, #tpu.memory_space<hbm>>
      %dma_start3A_88 = arith.constant 0 : i32
      %dma_start3A_89 = tpu.memref_slice %arg4[%add3A_85, %dma_start3A_88] : memref<81920x1024xf32, #tpu.memory_space<hbm>> -> memref<40x1024xf32, #tpu.memory_space<hbm>>
      tpu.enqueue_dma source(%arg9 : memref<40x1024xf32, #tpu.memory_space<vmem>>) target(%dma_start3A_89 : memref<40x1024xf32, #tpu.memory_space<hbm>>) target_semaphore(%arg13 : memref<!tpu.dma_semaphore, #tpu.memory_space<semaphore_mem>>)
    }
    %scan3A_20 = arith.constant 32 : i32
    %add3A_21 = arith.constant 2480 : i32
    %add3A_22 = arith.addi %mul3A_2, %add3A_21 : i32
    %dma_wait3A = arith.constant 0 : i32
    %dma_wait3A_23 = tpu.memref_slice %arg4[%add3A_22, %dma_wait3A] : memref<81920x1024xf32, #tpu.memory_space<hbm>> -> memref<40x1024xf32, #tpu.memory_space<hbm>>
    %dma_wait3A_24 = arith.constant 0 : i32
    %dma_wait3A_25 = tpu.memref_slice %arg4[%add3A_22, %dma_wait3A_24] : memref<81920x1024xf32, #tpu.memory_space<hbm>> -> memref<40x1024xf32, #tpu.memory_space<hbm>>
    tpu.wait_dma2 semaphore(%arg12 : memref<!tpu.dma_semaphore, #tpu.memory_space<semaphore_mem>>) src(%arg8 : memref<40x1024xf32, #tpu.memory_space<vmem>>) dst(%dma_wait3A_25 : memref<40x1024xf32, #tpu.memory_space<hbm>>)
    %add3A_26 = arith.constant 2520 : i32
    %add3A_27 = arith.addi %mul3A_2, %add3A_26 : i32
    %dma_wait3A_28 = arith.constant 0 : i32
    %dma_wait3A_29 = tpu.memref_slice %arg4[%add3A_27, %dma_wait3A_28] : memref<81920x1024xf32, #tpu.memory_space<hbm>> -> memref<40x1024xf32, #tpu.memory_space<hbm>>
    %dma_wait3A_30 = arith.constant 0 : i32
    %dma_wait3A_31 = tpu.memref_slice %arg4[%add3A_27, %dma_wait3A_30] : memref<81920x1024xf32, #tpu.memory_space<hbm>> -> memref<40x1024xf32, #tpu.memory_space<hbm>>
    tpu.wait_dma2 semaphore(%arg13 : memref<!tpu.dma_semaphore, #tpu.memory_space<semaphore_mem>>) src(%arg9 : memref<40x1024xf32, #tpu.memory_space<vmem>>) dst(%dma_wait3A_31 : memref<40x1024xf32, #tpu.memory_space<hbm>>)
    return
  }
}

module attributes {stable_mosaic.version = 14 : i64} {
  func.func @_proj_pack_body(%arg0: i32, %arg1: memref<1024x768xf32, #tpu.memory_space<vmem>>, %arg2: memref<768x1024xf32, #tpu.memory_space<vmem>>, %arg3: memref<1x1024xf32, #tpu.memory_space<vmem>>, %arg4: memref<1024x512xi32, #tpu.memory_space<vmem>>) attributes {dimension_semantics = [#tpu.dimension_semantics<arbitrary>], iteration_bounds = array<i64: 30>, scalar_prefetch = 0 : i64, scratch_operands = 0 : i64, tpu.core_type = #tpu.core_type<tc>, window_params = [{transform_indices = @transform_0, window_bounds = array<i64: 1024, 768>}, {pipeline_mode = #tpu.pipeline_mode<synchronous>, transform_indices = @transform_1, window_bounds = array<i64: 768, 1024>}, {pipeline_mode = #tpu.pipeline_mode<synchronous>, transform_indices = @transform_2, window_bounds = array<i64: 1, 1024>}, {transform_indices = @transform_3, window_bounds = array<i64: 1024, 512>}]} {
    %get3A = arith.constant 0 : index
    %get3A_0 = arith.constant 0 : index
    %get3A_1 = vector.load %arg1[%get3A, %get3A_0] : memref<1024x768xf32, #tpu.memory_space<vmem>>, vector<1024x768xf32>
    %get3A_2 = arith.constant 0 : index
    %get3A_3 = arith.constant 0 : index
    %get3A_4 = vector.load %arg2[%get3A_2, %get3A_3] : memref<768x1024xf32, #tpu.memory_space<vmem>>, vector<768x1024xf32>
    %dot_general3A = arith.constant dense<0.000000e+00> : vector<1024x1024xf32>
    %dot_general3A_5 = tpu.matmul %get3A_1, %get3A_4, %dot_general3A {dimension_numbers = #tpu.dot_dimension_numbers<[1], [0], [0], [1], [0, 0, 1, 1], [], []>, transpose_lhs_hint = false} : vector<1024x768xf32>, vector<768x1024xf32>, vector<1024x1024xf32> -> vector<1024x1024xf32>
    %get3A_6 = arith.constant 0 : index
    %get3A_7 = arith.constant 0 : index
    %get3A_8 = vector.load %arg3[%get3A_6, %get3A_7] : memref<1x1024xf32, #tpu.memory_space<vmem>>, vector<1x1024xf32>
    %add3A = vector.broadcast %get3A_8 : vector<1x1024xf32> to vector<1024x1024xf32>
    %add3A_9 = arith.addf %dot_general3A_5, %add3A : vector<1024x1024xf32>
    %bitcast_convert_type3A = tpu.bitcast %add3A_9 : vector<1024x1024xf32> -> vector<1024x1024xi32>
    %slice3A = vector.extract_strided_slice %bitcast_convert_type3A {offsets = [0, 0], sizes = [1024, 512], strides = [1, 1]} : vector<1024x1024xi32> to vector<1024x512xi32>
    %shift_right_logical3A = arith.constant 16 : i32
    %shift_right_logical3A_10 = vector.broadcast %shift_right_logical3A : i32 to vector<1024x512xi32>
    %shift_right_logical3A_11 = arith.shrui %slice3A, %shift_right_logical3A_10 : vector<1024x512xi32>
    %slice3A_12 = vector.extract_strided_slice %bitcast_convert_type3A {offsets = [0, 512], sizes = [1024, 512], strides = [1, 1]} : vector<1024x1024xi32> to vector<1024x512xi32>
    %and3A = arith.constant -65536 : i32
    %and3A_13 = vector.broadcast %and3A : i32 to vector<1024x512xi32>
    %and3A_14 = arith.andi %slice3A_12, %and3A_13 : vector<1024x512xi32>
    %or3A = arith.ori %shift_right_logical3A_11, %and3A_14 : vector<1024x512xi32>
    %bitcast_convert_type3A_15 = tpu.bitcast %or3A : vector<1024x512xi32> -> vector<1024x512xi32>
    %swap3A = arith.constant 0 : index
    %swap3A_16 = arith.constant 0 : index
    %swap3A_17 = vector.load %arg4[%swap3A, %swap3A_16] : memref<1024x512xi32, #tpu.memory_space<vmem>>, vector<1024x512xi32>
    tpu.vector_store %arg4[%swap3A, %swap3A_16], %bitcast_convert_type3A_15 {strides = array<i32>} : memref<1024x512xi32, #tpu.memory_space<vmem>>, vector<1024x512xi32>,
    return
  }
  func.func @transform_0(%arg0: i32) -> (i32, i32) {
    %c0_i32 = arith.constant 0 : i32
    %c0_i32_0 = arith.constant 0 : i32
    return %arg0, %c0_i32 : i32, i32
  }
  func.func @transform_1(%arg0: i32) -> (i32, i32) {
    %c0_i32 = arith.constant 0 : i32
    %c0_i32_0 = arith.constant 0 : i32
    %c0_i32_1 = arith.constant 0 : i32
    return %c0_i32, %c0_i32_0 : i32, i32
  }
  func.func @transform_2(%arg0: i32) -> (i32, i32) {
    %c0_i32 = arith.constant 0 : i32
    %c0_i32_0 = arith.constant 0 : i32
    %c0_i32_1 = arith.constant 0 : i32
    return %c0_i32, %c0_i32_0 : i32, i32
  }
  func.func @transform_3(%arg0: i32) -> (i32, i32) {
    %c0_i32 = arith.constant 0 : i32
    %c0_i32_0 = arith.constant 0 : i32
    return %arg0, %c0_i32 : i32, i32
  }
}

module attributes {stable_mosaic.version = 14 : i64} {
  func.func @_mask_body(%arg0: memref<4096x20xi32, #tpu.memory_space<vmem>>, %arg1: memref<4096x20xi32, #tpu.memory_space<vmem>>) attributes {dimension_semantics = [], scalar_prefetch = 0 : i64, scratch_operands = 0 : i64, tpu.core_type = #tpu.core_type<tc>} {
    %get3A = arith.constant 0 : index
    %get3A_0 = arith.constant 0 : index
    %get3A_1 = vector.load %arg0[%get3A, %get3A_0] : memref<4096x20xi32, #tpu.memory_space<vmem>>, vector<4096x20xi32>
    %eq3A = arith.constant 0 : i32
    %eq3A_2 = vector.broadcast %eq3A : i32 to vector<4096x20xi32>
    %eq3A_3 = arith.cmpi eq, %get3A_1, %eq3A_2 : vector<4096x20xi32>
    %swap3A = arith.constant 0 : index
    %swap3A_4 = arith.constant 0 : index
    %swap3A_5 = vector.load %arg1[%swap3A, %swap3A_4] : memref<4096x20xi32, #tpu.memory_space<vmem>>, vector<4096x20xi32>
    %swap3A_6 = arith.extui %eq3A_3 : vector<4096x20xi1> to vector<4096x20xi32>
    %swap3A_7 = arith.constant dense<0> : vector<4096x20xi32>
    %swap3A_8 = arith.cmpi ne, %swap3A_5, %swap3A_7 : vector<4096x20xi32>
    tpu.vector_store %arg1[%swap3A, %swap3A_4], %swap3A_6 {strides = array<i32>} : memref<4096x20xi32, #tpu.memory_space<vmem>>, vector<4096x20xi32>,
    return
  }
}

</mosaic_0001>

<sc_bundles>
// kernel: kernel.5.cloned.1.call-start
scs
__scs_entry_jumppad:
0x0: {  	(pc) =	sbr.rel $0x88, $3  }
0x1: {  	(tag) =	ssettag $0x0;
	lr =	simm.s32 $0x1  }
0x2: {  	[smem:$0x3F9C] =	sst lr;
	_ =	strace $0xD0000000  }
0x3: {  	_ = 	snop  }
0x4: {  	_ = 	snop  }
0x5: {  	_ = 	snop  }
0x6: {  	_ = 	snop  }
0x7: {  	_ = 	snop  }
__scs_overlays_trampoline_lowered:
0x8: {  	[smem:$0x3FAB] =	sst s0  }
0x9: {  	[smem:$0x3FAC] =	sst s1  }
0xa: {  	[smem:$0x3FAD] =	sst s2  }
0xb: {  	[smem:$0x3FAE] =	sst s3  }
0xc: {  	[smem:$0x3FAF] =	sst s4  }
0xd: {  	[smem:$0x3FB0] =	sst s5  }
0xe: {  	[smem:$0x3FB1] =	sst s6  }
0xf: {  	[smem:$0x3FB2] =	sst s7  }
0x10: {  	[smem:$0x3FB3] =	sst s8  }
0x11: {  	[smem:$0x3FB4] =	sst s9;
	s0 =	simm.s32 @!p0 $0x0  }
0x12: {  	s1 =	sld [smem:$0x3F9A];
	s0 =	simm.s32 @p0 $0x1  }
0x13: {  	[smem:$0x3FB5] =	sst s0;
	s0 =	simm.s32 @!p1 $0x0  }
0x14: {  	s2 =	sld [smem:$0x3F99];
	s0 =	simm.s32 @p1 $0x1  }
0x15: {  	[smem:$0x3FB6] =	sst s0;
	s0 =	simm.s32 @!p2 $0x0  }
0x16: {  	s3 =	sld [smem:$0x3FDB];
	s0 =	simm.s32 @p2 $0x1  }
0x17: {  	s4 =	simm.s32 $0x1BF5;
	[smem:$0x3FB8] =	sst s0  }
0x18: {  	s0 =	sld [smem:$0x3F9B];
	_ =	swait.ge [sflag:s4], $0x0  }
0x19: {  	s7 =	sld [smem:$0x3F9C]  }
0x1a: {  	s8 =	sadd.s32 $0xFFFFE003, lr  }
0x1b: {  	s9 =	sadd.s32 $0xFFFFFEF7, lr;
	s5 =	simm.s32 $0xFFFFFFFF;
	p2 =	slt.u32 s8, $0xFFFFF086  }
0x1c: {  	p1 =	slt.u32 s9, $0xF7A;
	s5 =	simm.s32 @!p2 $0x0  }
0x1d: {  	s5 =	simm.s32 @p1 $0x1;
	p0 =	seq.s32 s7, s2  }
0x1e: {  	s7 =	smul.u32 @!p0 $0xF7A, s2;
	p2 =	seq.s32 @!p0 s5, $0x0  }
0x1f: {  	s9 =	smul.u32 $0xF7A, s1;
	s8 =	simm.s32 @!p0 $0x1BF5;
	p2 =	por !p2, p0  }
0x20: {  	[sflag:s8] =	ssyncset.s32 @!p0 $0xFFFFF086;
	s6 =	sadd.s32 @!p0 s3, s7;
	s7 =	simm.s32 @!p0 $0x108  }
0x21: {  	s3 =	sadd.s32 s3, s9;
	s6 =	sadd.s32 @!p0 $0x88, s6;
	s7 =	simm.s32 @p2 $0x1082  }
0x22: {  	[simem:s7], [sflag:s8] =	dma.local @!p0 [hbm:s6], $0xF7A  }
0x23: {  	s9 =	sor.u32 $0xD0000000, s2;
	s6 =	simm.s32 $0x108;
	_ =	swait.ge @!p0 [sflag:s8], $0x0  }
0x24: {  	s3 =	sadd.s32 $0x88, s3;
	s6 =	simm.s32 @!p1 $0x1082;
	[sflag:s4] =	ssyncset.s32 $0xFFFFF086  }
0x25: {  	[simem:s6], [sflag:s4] =	dma.local [hbm:s3], $0xF7A  }
0x26: {  	[smem:$0x3F9C] =	sst s1;
	(tag) =	ssettag s2;
	_ =	strace s9  }
0x27: {  	s1 =	sld [smem:$0x3FAC]  }
0x28: {  	s2 =	sld [smem:$0x3FAD]  }
0x29: {  	s4 =	sld [smem:$0x3FAF]  }
0x2a: {  	p0 =	seq.s32 s5, $0x0;
	s5 =	sld [smem:$0x3FB0]  }
0x2b: {  	s6 =	sld [smem:$0x3FB1]  }
0x2c: {  	s7 =	sld [smem:$0x3FB2]  }
0x2d: {  	s3 =	simm.s32 $0x108;
	s8 =	sld [smem:$0x3FB3]  }
0x2e: {  	s3 =	simm.s32 @!p0 $0x1082;
	s9 =	sld [smem:$0x3FB4]  }
0x2f: {  	lr =	sadd.s32 s0, s3;
	s0 =	sld [smem:$0x3FAB]  }
0x30: {  	s3 =	sld [smem:$0x3FAE]  }
0x31: {  	[smem:$0x3FB7] =	sst s10  }
0x32: {  	s10 =	sld [smem:$0x3FB5];
	_ =	sdelay $0x3  }
0x33: {  	p0 =	seq.s32 s10, $0x1;
	s10 =	sld [smem:$0x3FB7];
	_ =	sdelay $0x3  }
0x34: {  	[smem:$0x3FB7] =	sst s10  }
0x35: {  	s10 =	sld [smem:$0x3FB6];
	_ =	sdelay $0x3  }
0x36: {  	p1 =	seq.s32 s10, $0x1;
	s10 =	sld [smem:$0x3FB7];
	_ =	sdelay $0x3  }
0x37: {  	[smem:$0x3FB7] =	sst s10  }
0x38: {  	s10 =	sld [smem:$0x3FB8]  }
0x39: {  	_ = 	snop;
	(pc) =	sbr.ind lr, $3  }
0x3a: {  	_ = 	snop  }
0x3b: {  	_ = 	snop  }
0x3c: {  	p2 =	seq.s32 s10, $0x1;
	s10 =	sld [smem:$0x3FB7]  }
0x3d: {  	_ =	shalt  }
0x3e: {  	_ =	shalt  }
0x3f: {  	_ =	shalt  }
0x40: {  	_ =	shalt  }
0x41: {  	_ =	shalt  }
0x42: {  	_ =	shalt  }
0x43: {  	_ =	shalt  }
0x44: {  	_ =	shalt  }
0x45: {  	_ =	shalt  }
0x46: {  	_ =	shalt  }
0x47: {  	_ =	shalt  }
0x48: {  	_ =	shalt  }
0x49: {  	_ =	shalt  }
0x4a: {  	_ =	shalt  }
0x4b: {  	_ =	shalt  }
0x4c: {  	_ =	shalt  }
0x4d: {  	_ =	shalt  }
0x4e: {  	_ =	shalt  }
0x4f: {  	_ =	shalt  }
0x50: {  	_ =	shalt  }
0x51: {  	_ =	shalt  }
0x52: {  	_ =	shalt  }
0x53: {  	_ =	shalt  }
0x54: {  	_ =	shalt  }
0x55: {  	_ =	shalt  }
0x56: {  	_ =	shalt  }
0x57: {  	_ =	shalt  }
0x58: {  	_ =	shalt  }
0x59: {  	_ =	shalt  }
0x5a: {  	_ =	shalt  }
0x5b: {  	_ =	shalt  }
0x5c: {  	_ =	shalt  }
0x5d: {  	_ =	shalt  }
0x5e: {  	_ =	shalt  }
0x5f: {  	_ =	shalt  }
0x60: {  	_ =	shalt  }
0x61: {  	_ =	shalt  }
0x62: {  	_ =	shalt  }
0x63: {  	_ =	shalt  }
0x64: {  	_ =	shalt  }
0x65: {  	_ =	shalt  }
0x66: {  	_ =	shalt  }
0x67: {  	_ =	shalt  }
0x68: {  	_ =	shalt  }
0x69: {  	_ =	shalt  }
0x6a: {  	_ =	shalt  }
0x6b: {  	_ =	shalt  }
0x6c: {  	_ =	shalt  }
0x6d: {  	_ =	shalt  }
0x6e: {  	_ =	shalt  }
0x6f: {  	_ =	shalt  }
0x70: {  	_ =	shalt  }
0x71: {  	_ =	shalt  }
0x72: {  	_ =	shalt  }
0x73: {  	_ =	shalt  }
0x74: {  	_ =	shalt  }
0x75: {  	_ =	shalt  }
0x76: {  	_ =	shalt  }
0x77: {  	_ =	shalt  }
0x78: {  	_ =	shalt  }
0x79: {  	_ =	shalt  }
0x7a: {  	_ =	shalt  }
0x7b: {  	_ =	shalt  }
0x7c: {  	_ =	shalt  }
0x7d: {  	_ =	shalt  }
0x7e: {  	_ =	shalt  }
0x7f: {  	_ =	shalt  }
0x80: {  	_ =	shalt  }
0x81: {  	_ =	shalt  }
0x82: {  	_ =	shalt  }
0x83: {  	_ =	shalt  }
0x84: {  	_ =	shalt  }
0x85: {  	_ =	shalt  }
0x86: {  	_ =	shalt  }
0x87: {  	_ =	shalt  }
.Lfunc_end0:
.L_simem_size_0:
called_computation_lowered:
.L_overlay_start_0:
0x88: {  	s2 =	sld [smem:$0x3FD9]  }
0x89: {  	s3 =	sld [smem:$0x3FFE];
	_ =	sdelay $0x1  }
0x8a: {  	s1 =	srdreg.scid  }
0x8b: {  	s0 =	sand.u32 $0x1, s1  }
0x8c: {  	s14 =	sshll.u32 s0, $0xA;
	s2 =	sadd.s32 s3, s2  }
0x8d: {  	s2 =	sadd.s32 s2, s14  }
0x8e: {  	[smem:$0x3FC3] =	sst s2  }
0x8f: {  	_ = 	snop  }
0x90: {  	s2 =	sld [smem:$0x3FD0];
	_ =	sdelay $0x2  }
0x91: {  	s15 =	simm.s32 $0xA;
	s4 =	simm.s32 $0x10  }
0x92: {  	[smem:s4], [sflag:s15] =	dma.local [hbm:s2], $0x1  }
0x93: {  	_ =	swait.eq [sflag:s15], $0x1  }
0x94: {  	[sflag:s15] =	ssyncset.done $0x0  }
0x95: {  	[sflag:s15] =	ssyncadd.s32 $0xFFFFFFFF  }
0x96: {  	s16 =	sld [smem:$0x10];
	(tm) =	ssettm $0x1  }
0x97: {  	s17 =	sld [smem:$0x3FFB];
	_ =	sdelay $0x3  }
0x98: {  	_ =	strace s17  }
0x99: {  	s3 =	sld [smem:$0x3FFC];
	_ =	sdelay $0x3  }
0x9a: {  	_ =	strace s3  }
0x9b: {  	s3 =	sld [smem:$0x3FFD];
	_ =	sdelay $0x3  }
0x9c: {  	_ =	strace s3  }
0x9d: {  	_ =	strace $0x8FFFFFFF  }
0x9e: {  	s18 =	sld [smem:$0x3FDB];
	_ =	sdelay $0x1  }
0x9f: {  	s19 =	simm.s32 $_scs_section_size  }
0xa0: {  	s5 =	simm.s32 $_size__tile_overlayer_lowered;
	s6 =	simm.s32 $_tile_overlayer_lowered  }
0xa1: {  	s22 =	simm.s32 $0x1BFF;
	s21 =	sshll.u32 s6, $0x1;
	s3 =	sadd.s32 s19, s18  }
0xa2: {  	s7 =	simm.s32 $0x0;
	s20 =	sshll.u32 s5, $0x1;
	s5 =	sadd.s32 s21, s3  }
0xa3: {  	[timem:s7], [sflag:s22] =	dma.local [hbm:s5], s20  }
0xa4: {  	_ =	swait.ge [sflag:s22], s20  }
0xa5: {  	s4 =	ssub.s32 $0x0, s20;
	[sflag:s22] =	ssyncset.done $0x0  }
0xa6: {  	[sflag:s22] =	ssyncadd.s32 s4;
	_ =	sdelay $0x1  }
0xa7: {  	s23 =	simm.s32 $0x1B8B  }
0xa8: {  	_ =	swait.ge [sflag:s23], $0x1  }
0xa9: {  	[sflag:s23] =	ssyncset.done $0x0  }
0xaa: {  	s25 =	simm.s32 $0x1B8E;
	s24 =	sld [smem:$0x3FFE];
	[sflag:s23] =	ssyncadd.s32 $0xFFFFFFFF  }
0xab: {  	s26 =	simm.s32 $execute0_lowered;
	[smem:$0x3FD2] =	sst s25  }
0xac: {  	s5 =	sshll.u32 s26, $0x1;
	_ =	strace $0x80000046;
	[dreg:$0x1] =	wrdreg $0xFFFFFFFF  }
0xad: {  	s28 =	simm.s32 $_size_execute0_lowered;
	s3 =	sadd.s32 s3, s5;
	[dreg:$0x0] =	wrdreg $0x0  }
0xae: {  	s5 =	sshll.u32 s28, $0x1;
	[dreg:$0x2] =	wrdreg s3  }
0xaf: {  	[dreg:$0x3] =	wrdreg s5  }
0xb0: {  	[dreg:$0x4] =	wrdreg $0xC0  }
0xb1: {  	_ =	task [dreg:s7], $0x5FFFF  }
0xb2: {  	[dreg:$0x1] =	wrdreg $0xFFFFFFFF  }
0xb3: {  	[dreg:$0x0] =	wrdreg $0x60  }
0xb4: {  	[dreg:$0x2] =	wrdreg s24  }
0xb5: {  	[dreg:$0x3] =	wrdreg s16  }
0xb6: {  	[dreg:$0x4] =	wrdreg $0x9  }
0xb7: {  	_ =	task.clear_ibuf [dreg:s7], $0x5FFFF;
	_ =	strace $0x90000046  }
0xb8: {  	s29 =	simm.s32 $0x9;
	_ =	strace $0x80000048  }
0xb9: {  	_ =	swait.ge [sflag:s29], $0x1  }
0xba: {  	[sflag:s29] =	ssyncadd.s32 $0xFFFFFFFF  }
0xbb: {  	_ =	strace $0x90000048  }
0xbc: {  	_ =	sfence  }
0xbd: {  	s30 =	sld [smem:$0x0];
	_ =	sdelay $0x2  }
0xbe: {  	s31 =	sshll.u32 s1, $0xD;
	s1 =	sshrl.u32 s1, $0x2  }
0xbf: {  	s3 =	sand.u32 $0x4000, s31;
	s1 =	sadd.s32 s1, s30  }
0xc0: {  	s0 =	sor.u32 s3, s0;
	s1 =	sshll.u32 s1, $0x11  }
0xc1: {  	s0 =	sor.u32 s1, s0  }
0xc2: {  	s0 =	sadd.s32 $0x8F2B, s0  }
0xc3: {  	[sflag:s0] =	ssyncadd.remote.s32 $0x1  }
0xc4: {  	_ =	sfence.sel $0xFFFF  }
0xc5: {  	[dreg:$0x0] =	wrdreg $0xFFFFFFFF;
	(pc) =	sbr.abs _section_cstart, $3  }
0xc6: {  	[dreg:$0x1] =	wrdreg $0xFFFFFFFF  }
0xc7: {  	_ =	task.clear_ibuf [dreg:s7], $0x2FFFF;
	_ =	strace $0x9FFFFFFF  }
0xc8: {  	(tm) =	ssettm $0x7FFFFFFF  }
0xc9: {  	_ =	shalt  }
tec
execute0_lowered:
.L_overlay_start_1:
0x0: {  	(tag) =	ssettag $0x1  }
0x1: {  	s0 =	rddreg [dreg:$0x0]  }
0x2: {  	s2 =	rddreg [dreg:$0x1];
	s3 =	simm.s32 $0x0;
	s1 =	srdreg.scid  }
0x3: {  	s4 =	stileid.u32;
	s10 =	simm.s32 $0x5;
	s11 =	simm.s32 $0x2  }
0x4: {  	s12 =	simm.s32 $0x16000;
	s13 =	simm.s32 $0x3;
	s14 =	simm.s32 $0x4  }
0x5: {  	[smem:$0x7FF] =	sst s3;
	s1 =	sand.u32 $0x1, s1;
	s4 =	sshll.u32 s4, $0x1  }
0x6: {  	s15 =	simm.s32 $0x0;
	_ =	strace $0x80000047;
	s5 =	sor.u32 s1, s4  }
0x7: {  	s4 =	sadd.s32 $0x8C00, s0;
	s1 =	ssub.s32 $0x2, s1;
	s6 =	sshll.u32 s5, $0xA  }
0x8: {  	s7 =	sshrl.u32 s1, $0x1;
	s5 =	smul.u32 $0xA00, s5;
	s6 =	sadd.s32 s6, s0  }
0x9: {  	v2 =	vlaneseq.u32;
	s1 =	ssub.s32 s1, s7;
	s7 =	sadd.s32 $0x8D00, s0;
	s6 =	sadd.s32 $0xC00, s6  }
0xa: {  	vm0 =	vmmov $0xffff;
	v1 =	vshrl.u32 v2, $0x3;
	s0 =	simm.s32 $0x1;
	s31 =	smax.u32 s1, $0x1;
	[dreg:$0x3] =	wrdreg s6  }
0xb: {  	v0 =	vand.u32 $0x7, v2;
	v2 =	vor.u32 $0x8, v2;
	v1 =	vmul.u32 $0x8, v1;
	s8 =	sor.u32 $0x28, s5;
	s1 =	simm.s32 $0xC000;
	[dreg:$0x4] =	wrdreg s31  }
.LBB2_1:
0xc: {  	s6 =	rddreg [dreg:$0x3]  }
0xd: {  	[tilespmem:s3], [sflag:$0x5] =	stream.linear.gather [hbm4b:s6+s3], $0x2000, $0x38;
	v63 =	vld [tilespmem:$0x0]  }
0xe: {  	_ =	swait.ge [sflag:s10], $0x2000  }
0xf: {  	[sflag:s10] =	ssyncset.done $0x0  }
0x10: {  	[sflag:s10] =	ssyncadd.s32 $0xFFFFE000  }
0x11: {  	v3 =	vld [tilespmem:$0x0];
	_ =	sdelay $0x4  }
0x12: {  	v4 =	vshll.u32 v3, $0x2  }
0x13: {  	v3 =	vand.u32 $0x7, v3;
	v4 =	vand.u32 $0xFFFFFFE0, v4  }
0x14: {  	v3 =	vor.u32 v3, v4  }
0x15: {  	v4 =	vperm.xlane v3, v0;
	_ =	sdelay $0x1  }
0x16: {  	v4 =	vadd.s32 v1, v4;
	_ =	sdelay $0x1  }
0x17: {  	v3 =	vperm.xlane v3, v2;
	_ =	sdelay $0x1  }
0x18: {  	s28 =	simm.s32 $0x2000;
	v3 =	vadd.s32 v1, v3  }
0x19: {  	[tilespmem:s28], [sflag:$0x1] =	stream.indirect_vreg.gather [hbm4b:s4+s3], $0x80, v4, vm0, $0xb8;
	v63 =	vld [tilespmem:$0x0]  }
0x1a: {  	s29 =	simm.s32 $0x2800  }
0x1b: {  	[tilespmem:s29], [sflag:$0x1] =	stream.indirect_vreg.gather [hbm4b:s7+s3], $0x80, v4, vm0, $0xb8;
	v63 =	vld [tilespmem:$0x0]  }
0x1c: {  	s30 =	simm.s32 $0x3000  }
0x1d: {  	[tilespmem:s30], [sflag:$0x1] =	stream.indirect_vreg.gather [hbm4b:s4+s3], $0x80, v3, vm0, $0xb8;
	v63 =	vld [tilespmem:$0x0]  }
0x1e: {  	s31 =	simm.s32 $0x3800  }
0x1f: {  	[tilespmem:s31], [sflag:$0x1] =	stream.indirect_vreg.gather [hbm4b:s7+s3], $0x80, v3, vm0, $0xb8;
	v63 =	vld [tilespmem:$0x0]  }
0x20: {  	v3 =	vld [tilespmem:$0x10];
	_ =	sdelay $0x4  }
0x21: {  	v58 =	vshll.u32 v3, $0x2  }
0x22: {  	v3 =	vand.u32 $0x7, v3;
	v4 =	vand.u32 $0xFFFFFFE0, v58  }
0x23: {  	v3 =	vor.u32 v3, v4  }
0x24: {  	v4 =	vperm.xlane v3, v0;
	_ =	sdelay $0x1  }
0x25: {  	v4 =	vadd.s32 v1, v4;
	_ =	sdelay $0x1  }
0x26: {  	v3 =	vperm.xlane v3, v2;
	_ =	sdelay $0x1  }
0x27: {  	s9 =	simm.s32 $0x4000;
	v3 =	vadd.s32 v1, v3  }
0x28: {  	[tilespmem:s9], [sflag:$0x1] =	stream.indirect_vreg.gather [hbm4b:s4+s3], $0x80, v4, vm0, $0xb8;
	v63 =	vld [tilespmem:$0x0]  }
0x29: {  	s16 =	simm.s32 $0x4800  }
0x2a: {  	[tilespmem:s16], [sflag:$0x1] =	stream.indirect_vreg.gather [hbm4b:s7+s3], $0x80, v4, vm0, $0xb8;
	v63 =	vld [tilespmem:$0x0]  }
0x2b: {  	s17 =	simm.s32 $0x5000  }
0x2c: {  	[tilespmem:s17], [sflag:$0x1] =	stream.indirect_vreg.gather [hbm4b:s4+s3], $0x80, v3, vm0, $0xb8;
	v63 =	vld [tilespmem:$0x0]  }
0x2d: {  	s18 =	simm.s32 $0x5800  }
0x2e: {  	[tilespmem:s18], [sflag:$0x1] =	stream.indirect_vreg.gather [hbm4b:s7+s3], $0x80, v3, vm0, $0xb8;
	v63 =	vld [tilespmem:$0x0]  }
0x2f: {  	v3 =	vld.msk [tilespmem:$0x20], $0xff;
	_ =	sdelay $0x4  }
0x30: {  	v59 =	vshll.u32 v3, $0x2  }
0x31: {  	v3 =	vand.u32 $0x7, v3;
	v4 =	vand.u32 $0xFFFFFFE0, v59  }
0x32: {  	v3 =	vor.u32 v3, v4  }
0x33: {  	v3 =	vperm.xlane v3, v0;
	_ =	sdelay $0x1  }
0x34: {  	v3 =	vadd.s32 v1, v3;
	_ =	sdelay $0x3  }
0x35: {  	s19 =	simm.s32 $0x6000  }
0x36: {  	[tilespmem:s19], [sflag:$0x1] =	stream.indirect_vreg.gather [hbm4b:s4+s3], $0x80, v3, vm0, $0xb8;
	v63 =	vld [tilespmem:$0x0]  }
0x37: {  	s20 =	simm.s32 $0x6800  }
0x38: {  	[tilespmem:s20], [sflag:$0x1] =	stream.indirect_vreg.gather [hbm4b:s7+s3], $0x80, v3, vm0, $0xb8;
	v63 =	vld [tilespmem:$0x0]  }
0x39: {  	v3 =	vld [tilespmem:$0x80];
	_ =	sdelay $0x4  }
0x3a: {  	v60 =	vshll.u32 v3, $0x2  }
0x3b: {  	v3 =	vand.u32 $0x7, v3;
	v4 =	vand.u32 $0xFFFFFFE0, v60  }
0x3c: {  	v3 =	vor.u32 v3, v4  }
0x3d: {  	v4 =	vperm.xlane v3, v0;
	_ =	sdelay $0x1  }
0x3e: {  	v4 =	vadd.s32 v1, v4;
	_ =	sdelay $0x1  }
0x3f: {  	v3 =	vperm.xlane v3, v2;
	_ =	sdelay $0x1  }
0x40: {  	s21 =	simm.s32 $0x7000;
	v3 =	vadd.s32 v1, v3  }
0x41: {  	[tilespmem:s21], [sflag:$0x2] =	stream.indirect_vreg.gather [hbm4b:s4+s3], $0x80, v4, vm0, $0xb8;
	v63 =	vld [tilespmem:$0x0]  }
0x42: {  	s22 =	simm.s32 $0x7800  }
0x43: {  	[tilespmem:s22], [sflag:$0x2] =	stream.indirect_vreg.gather [hbm4b:s7+s3], $0x80, v4, vm0, $0xb8;
	v63 =	vld [tilespmem:$0x0]  }
0x44: {  	s23 =	simm.s32 $0x8000  }
0x45: {  	[tilespmem:s23], [sflag:$0x2] =	stream.indirect_vreg.gather [hbm4b:s4+s3], $0x80, v3, vm0, $0xb8;
	v63 =	vld [tilespmem:$0x0]  }
0x46: {  	s24 =	simm.s32 $0x8800  }
0x47: {  	[tilespmem:s24], [sflag:$0x2] =	stream.indirect_vreg.gather [hbm4b:s7+s3], $0x80, v3, vm0, $0xb8;
	v63 =	vld [tilespmem:$0x0]  }
0x48: {  	v3 =	vld [tilespmem:$0x90];
	_ =	sdelay $0x4  }
0x49: {  	v61 =	vshll.u32 v3, $0x2  }
0x4a: {  	v3 =	vand.u32 $0x7, v3;
	v4 =	vand.u32 $0xFFFFFFE0, v61  }
0x4b: {  	v3 =	vor.u32 v3, v4  }
0x4c: {  	v4 =	vperm.xlane v3, v0;
	_ =	sdelay $0x1  }
0x4d: {  	v4 =	vadd.s32 v1, v4;
	_ =	sdelay $0x1  }
0x4e: {  	v3 =	vperm.xlane v3, v2;
	_ =	sdelay $0x1  }
0x4f: {  	s25 =	simm.s32 $0x9000;
	v3 =	vadd.s32 v1, v3  }
0x50: {  	[tilespmem:s25], [sflag:$0x2] =	stream.indirect_vreg.gather [hbm4b:s4+s3], $0x80, v4, vm0, $0xb8;
	v63 =	vld [tilespmem:$0x0]  }
0x51: {  	s26 =	simm.s32 $0x9800  }
0x52: {  	[tilespmem:s26], [sflag:$0x2] =	stream.indirect_vreg.gather [hbm4b:s7+s3], $0x80, v4, vm0, $0xb8;
	v63 =	vld [tilespmem:$0x0]  }
0x53: {  	s28 =	simm.s32 $0xA000  }
0x54: {  	[tilespmem:s28], [sflag:$0x2] =	stream.indirect_vreg.gather [hbm4b:s4+s3], $0x80, v3, vm0, $0xb8;
	v63 =	vld [tilespmem:$0x0]  }
0x55: {  	s29 =	simm.s32 $0xA800  }
0x56: {  	[tilespmem:s29], [sflag:$0x2] =	stream.indirect_vreg.gather [hbm4b:s7+s3], $0x80, v3, vm0, $0xb8;
	v63 =	vld [tilespmem:$0x0]  }
0x57: {  	v3 =	vld.msk [tilespmem:$0xA0], $0xff;
	_ =	sdelay $0x4  }
0x58: {  	v62 =	vshll.u32 v3, $0x2  }
0x59: {  	v3 =	vand.u32 $0x7, v3;
	v4 =	vand.u32 $0xFFFFFFE0, v62  }
0x5a: {  	v3 =	vor.u32 v3, v4  }
0x5b: {  	v3 =	vperm.xlane v3, v0;
	_ =	sdelay $0x1  }
0x5c: {  	v3 =	vadd.s32 v1, v3;
	_ =	sdelay $0x3  }
0x5d: {  	s30 =	simm.s32 $0xB000  }
0x5e: {  	[tilespmem:s30], [sflag:$0x2] =	stream.indirect_vreg.gather [hbm4b:s4+s3], $0x80, v3, vm0, $0xb8;
	v63 =	vld [tilespmem:$0x0]  }
0x5f: {  	s31 =	simm.s32 $0xB800;
	s16 =	simm.s32 $0x0  }
0x60: {  	[tilespmem:s31], [sflag:$0x2] =	stream.indirect_vreg.gather [hbm4b:s7+s3], $0x80, v3, vm0, $0xb8;
	v63 =	vld [tilespmem:$0x0]  }
.LBB2_2:
0x61: {  	_ =	swait.ge [sflag:s0], $0x5000  }
0x62: {  	p1 =	seq.s32 s16, $0x0;
	s18 =	simm.s32 $0x0;
	[sflag:s0] =	ssyncset.done $0x0  }
0x63: {  	s19 =	simm.s32 $0x0;
	s17 =	simm.s32 @!p1 $0x3;
	[sflag:s0] =	ssyncadd.s32 $0xFFFFB000  }
0x64: {  	s18 =	sand.u32 $0x300, s18;
	s19 =	sand.u32 $0x3FFFF000, s19;
	_ =	swait.ge @!p1 [sflag:s17], $0xA000  }
0x65: {  	s19 =	sadd.s32 $0x2000, s19;
	s20 =	sor.u32 $0x80, s18;
	[sflag:s17] =	ssyncset.done @!p1 $0x0  }
0x66: {  	s22 =	sor.u32 s20, s19;
	[sflag:s17] =	ssyncadd.s32 @!p1 $0xFFFF6000  }
0x67: {  	v3 =	vld [tilespmem:s22+$0x0];
	_ =	sdelay $0x1  }
0x68: {  	s29 =	simm.s32 $0x0  }
0x69: {  	s21 =	sor.u32 s18, s19;
	s17 =	sand.u32 $0x3FFFE000, s29  }
0x6a: {  	v4 =	vld [tilespmem:s21+$0x0];
	s30 =	sadd.s32 $0xC000, s17  }
0x6b: {  	s17 =	sor.u32 s20, s30;
	v5 =	vshll.u32 v3, $0x10  }
0x6c: {  	v3 =	vand.u32 $0xFFFF0000, v3;
	[tilespmem:s17+$0x0] =	vst v5  }
0x6d: {  	[tilespmem:s17+$0x10] =	vst v3  }
0x6e: {  	v3 =	vld [tilespmem:s22+$0x10]  }
0x6f: {  	s23 =	sor.u32 s18, s30;
	v5 =	vshll.u32 v4, $0x10  }
0x70: {  	v4 =	vand.u32 $0xFFFF0000, v4;
	[tilespmem:s23+$0x0] =	vst v5  }
0x71: {  	[tilespmem:s23+$0x10] =	vst v4  }
0x72: {  	v4 =	vld [tilespmem:s21+$0x10]  }
0x73: {  	v5 =	vshll.u32 v3, $0x10  }
0x74: {  	v3 =	vand.u32 $0xFFFF0000, v3;
	[tilespmem:s17+$0x20] =	vst v5  }
0x75: {  	[tilespmem:s17+$0x30] =	vst v3  }
0x76: {  	v3 =	vld [tilespmem:s22+$0x20]  }
0x77: {  	v5 =	vshll.u32 v4, $0x10  }
0x78: {  	v4 =	vand.u32 $0xFFFF0000, v4;
	[tilespmem:s23+$0x20] =	vst v5  }
0x79: {  	[tilespmem:s23+$0x30] =	vst v4  }
0x7a: {  	v4 =	vld [tilespmem:s21+$0x20]  }
0x7b: {  	v5 =	vshll.u32 v3, $0x10  }
0x7c: {  	v3 =	vand.u32 $0xFFFF0000, v3;
	[tilespmem:s17+$0x40] =	vst v5  }
0x7d: {  	[tilespmem:s17+$0x50] =	vst v3  }
0x7e: {  	v3 =	vld [tilespmem:s22+$0x30]  }
0x7f: {  	v5 =	vshll.u32 v4, $0x10  }
0x80: {  	v4 =	vand.u32 $0xFFFF0000, v4;
	[tilespmem:s23+$0x40] =	vst v5  }
0x81: {  	[tilespmem:s23+$0x50] =	vst v4  }
0x82: {  	v4 =	vld [tilespmem:s21+$0x30]  }
0x83: {  	v5 =	vshll.u32 v3, $0x10  }
0x84: {  	v3 =	vand.u32 $0xFFFF0000, v3;
	[tilespmem:s17+$0x60] =	vst v5  }
0x85: {  	[tilespmem:s17+$0x70] =	vst v3  }
0x86: {  	v3 =	vld [tilespmem:s22+$0x40]  }
0x87: {  	v5 =	vshll.u32 v4, $0x10  }
0x88: {  	v4 =	vand.u32 $0xFFFF0000, v4;
	[tilespmem:s23+$0x60] =	vst v5  }
0x89: {  	[tilespmem:s23+$0x70] =	vst v4  }
0x8a: {  	v4 =	vld [tilespmem:s21+$0x40]  }
0x8b: {  	v5 =	vshll.u32 v3, $0x10  }
0x8c: {  	v3 =	vand.u32 $0xFFFF0000, v3;
	[tilespmem:s17+$0x400] =	vst v5  }
0x8d: {  	[tilespmem:s17+$0x410] =	vst v3  }
0x8e: {  	v3 =	vld [tilespmem:s22+$0x50]  }
0x8f: {  	v5 =	vshll.u32 v4, $0x10  }
0x90: {  	v4 =	vand.u32 $0xFFFF0000, v4;
	[tilespmem:s23+$0x400] =	vst v5  }
0x91: {  	[tilespmem:s23+$0x410] =	vst v4  }
0x92: {  	v4 =	vld [tilespmem:s21+$0x50]  }
0x93: {  	v5 =	vshll.u32 v3, $0x10  }
0x94: {  	v3 =	vand.u32 $0xFFFF0000, v3;
	[tilespmem:s17+$0x420] =	vst v5  }
0x95: {  	[tilespmem:s17+$0x430] =	vst v3  }
0x96: {  	v3 =	vld [tilespmem:s22+$0x60]  }
0x97: {  	v5 =	vshll.u32 v4, $0x10  }
0x98: {  	v4 =	vand.u32 $0xFFFF0000, v4;
	[tilespmem:s23+$0x420] =	vst v5  }
0x99: {  	[tilespmem:s23+$0x430] =	vst v4  }
0x9a: {  	v4 =	vld [tilespmem:s21+$0x60]  }
0x9b: {  	v5 =	vshll.u32 v3, $0x10  }
0x9c: {  	v3 =	vand.u32 $0xFFFF0000, v3;
	[tilespmem:s17+$0x440] =	vst v5  }
0x9d: {  	[tilespmem:s17+$0x450] =	vst v3  }
0x9e: {  	v3 =	vld [tilespmem:s22+$0x70]  }
0x9f: {  	v5 =	vshll.u32 v4, $0x10  }
0xa0: {  	v4 =	vand.u32 $0xFFFF0000, v4;
	[tilespmem:s23+$0x440] =	vst v5  }
0xa1: {  	[tilespmem:s23+$0x450] =	vst v4  }
0xa2: {  	v4 =	vld [tilespmem:s21+$0x70]  }
0xa3: {  	v5 =	vshll.u32 v3, $0x10  }
0xa4: {  	v3 =	vand.u32 $0xFFFF0000, v3;
	[tilespmem:s17+$0x460] =	vst v5  }
0xa5: {  	[tilespmem:s17+$0x470] =	vst v3  }
0xa6: {  	v3 =	vld [tilespmem:s22+$0x400]  }
0xa7: {  	v5 =	vshll.u32 v4, $0x10  }
0xa8: {  	v4 =	vand.u32 $0xFFFF0000, v4;
	[tilespmem:s23+$0x460] =	vst v5  }
0xa9: {  	[tilespmem:s23+$0x470] =	vst v4  }
0xaa: {  	v4 =	vld [tilespmem:s21+$0x400]  }
0xab: {  	v5 =	vshll.u32 v3, $0x10  }
0xac: {  	v3 =	vand.u32 $0xFFFF0000, v3;
	[tilespmem:s17+$0x800] =	vst v5  }
0xad: {  	[tilespmem:s17+$0x810] =	vst v3  }
0xae: {  	v3 =	vld [tilespmem:s22+$0x410]  }
0xaf: {  	v5 =	vshll.u32 v4, $0x10  }
0xb0: {  	v4 =	vand.u32 $0xFFFF0000, v4;
	[tilespmem:s23+$0x800] =	vst v5  }
0xb1: {  	[tilespmem:s23+$0x810] =	vst v4  }
0xb2: {  	v4 =	vld [tilespmem:s21+$0x410]  }
0xb3: {  	v5 =	vshll.u32 v3, $0x10  }
0xb4: {  	v3 =	vand.u32 $0xFFFF0000, v3;
	[tilespmem:s17+$0x820] =	vst v5  }
0xb5: {  	[tilespmem:s17+$0x830] =	vst v3  }
0xb6: {  	v3 =	vld [tilespmem:s22+$0x420]  }
0xb7: {  	v5 =	vshll.u32 v4, $0x10  }
0xb8: {  	v4 =	vand.u32 $0xFFFF0000, v4;
	[tilespmem:s23+$0x820] =	vst v5  }
0xb9: {  	[tilespmem:s23+$0x830] =	vst v4  }
0xba: {  	v4 =	vld [tilespmem:s21+$0x420]  }
0xbb: {  	v5 =	vshll.u32 v3, $0x10  }
0xbc: {  	v3 =	vand.u32 $0xFFFF0000, v3;
	[tilespmem:s17+$0x840] =	vst v5  }
0xbd: {  	[tilespmem:s17+$0x850] =	vst v3  }
0xbe: {  	v3 =	vld [tilespmem:s22+$0x430]  }
0xbf: {  	v5 =	vshll.u32 v4, $0x10  }
0xc0: {  	v4 =	vand.u32 $0xFFFF0000, v4;
	[tilespmem:s23+$0x840] =	vst v5  }
0xc1: {  	[tilespmem:s23+$0x850] =	vst v4  }
0xc2: {  	v4 =	vld [tilespmem:s21+$0x430]  }
0xc3: {  	v5 =	vshll.u32 v3, $0x10  }
0xc4: {  	v3 =	vand.u32 $0xFFFF0000, v3;
	[tilespmem:s17+$0x860] =	vst v5  }
0xc5: {  	[tilespmem:s17+$0x870] =	vst v3  }
0xc6: {  	v3 =	vld [tilespmem:s22+$0x440]  }
0xc7: {  	v5 =	vshll.u32 v4, $0x10  }
0xc8: {  	v4 =	vand.u32 $0xFFFF0000, v4;
	[tilespmem:s23+$0x860] =	vst v5  }
0xc9: {  	[tilespmem:s23+$0x870] =	vst v4  }
0xca: {  	v4 =	vld [tilespmem:s21+$0x440]  }
0xcb: {  	v5 =	vshll.u32 v3, $0x10  }
0xcc: {  	v3 =	vand.u32 $0xFFFF0000, v3;
	[tilespmem:s17+$0xC00] =	vst v5  }
0xcd: {  	[tilespmem:s17+$0xC10] =	vst v3  }
0xce: {  	v3 =	vld [tilespmem:s22+$0x450]  }
0xcf: {  	v5 =	vshll.u32 v4, $0x10  }
0xd0: {  	v4 =	vand.u32 $0xFFFF0000, v4;
	[tilespmem:s23+$0xC00] =	vst v5  }
0xd1: {  	[tilespmem:s23+$0xC10] =	vst v4  }
0xd2: {  	v4 =	vld [tilespmem:s21+$0x450]  }
0xd3: {  	v5 =	vshll.u32 v3, $0x10  }
0xd4: {  	v3 =	vand.u32 $0xFFFF0000, v3;
	[tilespmem:s17+$0xC20] =	vst v5  }
0xd5: {  	[tilespmem:s17+$0xC30] =	vst v3  }
0xd6: {  	v3 =	vld [tilespmem:s22+$0x460]  }
0xd7: {  	v5 =	vshll.u32 v4, $0x10  }
0xd8: {  	v4 =	vand.u32 $0xFFFF0000, v4;
	[tilespmem:s23+$0xC20] =	vst v5  }
0xd9: {  	[tilespmem:s23+$0xC30] =	vst v4  }
0xda: {  	v4 =	vld [tilespmem:s21+$0x460]  }
0xdb: {  	v5 =	vshll.u32 v3, $0x10  }
0xdc: {  	v3 =	vand.u32 $0xFFFF0000, v3;
	[tilespmem:s17+$0xC40] =	vst v5  }
0xdd: {  	[tilespmem:s17+$0xC50] =	vst v3  }
0xde: {  	v3 =	vld [tilespmem:s22+$0x470]  }
0xdf: {  	v5 =	vshll.u32 v4, $0x10  }
0xe0: {  	s31 =	simm.s32 $0x400;
	s6 =	simm.s32 $0x100;
	v4 =	vand.u32 $0xFFFF0000, v4;
	[tilespmem:s23+$0xC40] =	vst v5  }
0xe1: {  	s9 =	sand.u32 $0x300, s6;
	s18 =	sand.u32 $0x3FFFF000, s31;
	[tilespmem:s23+$0xC50] =	vst v4  }
0xe2: {  	s24 =	sor.u32 $0x80, s9;
	s18 =	sadd.s32 $0x2000, s18;
	v4 =	vld [tilespmem:s21+$0x470]  }
0xe3: {  	s26 =	sor.u32 s24, s18;
	v5 =	vshll.u32 v3, $0x10  }
0xe4: {  	v3 =	vand.u32 $0xFFFF0000, v3;
	[tilespmem:s17+$0xC60] =	vst v5;
	v5 =	vld [tilespmem:s26+$0x0]  }
0xe5: {  	[tilespmem:s17+$0xC70] =	vst v3  }
0xe6: {  	s25 =	simm.s32 $0x800;
	v3 =	vld [tilespmem:s22+$0x800]  }
0xe7: {  	s29 =	sand.u32 $0x3FFFE000, s25;
	s19 =	sor.u32 s9, s18;
	v6 =	vshll.u32 v4, $0x10  }
0xe8: {  	s25 =	sadd.s32 $0xC000, s29;
	v7 =	vld [tilespmem:s19+$0x0];
	v4 =	vand.u32 $0xFFFF0000, v4;
	[tilespmem:s23+$0xC60] =	vst v6  }
0xe9: {  	s18 =	sor.u32 s24, s25;
	[tilespmem:s23+$0xC70] =	vst v4;
	v4 =	vshll.u32 v5, $0x10  }
0xea: {  	v6 =	vld [tilespmem:s21+$0x800];
	v5 =	vand.u32 $0xFFFF0000, v5;
	[tilespmem:s18+$0x0] =	vst v4  }
0xeb: {  	[tilespmem:s18+$0x10] =	vst v5;
	v4 =	vshll.u32 v3, $0x10  }
0xec: {  	v3 =	vand.u32 $0xFFFF0000, v3;
	v5 =	vld [tilespmem:s26+$0x10];
	[tilespmem:s17+$0x1000] =	vst v4  }
0xed: {  	s20 =	sor.u32 s9, s25;
	v4 =	vshll.u32 v7, $0x10;
	[tilespmem:s17+$0x1010] =	vst v3  }
0xee: {  	v3 =	vand.u32 $0xFFFF0000, v7;
	[tilespmem:s20+$0x0] =	vst v4;
	v4 =	vld [tilespmem:s22+$0x810]  }
0xef: {  	v7 =	vshll.u32 v6, $0x10;
	[tilespmem:s20+$0x10] =	vst v3  }
0xf0: {  	v3 =	vand.u32 $0xFFFF0000, v6;
	[tilespmem:s23+$0x1000] =	vst v7;
	v6 =	vld [tilespmem:s19+$0x10]  }
0xf1: {  	[tilespmem:s23+$0x1010] =	vst v3;
	v7 =	vshll.u32 v5, $0x10  }
0xf2: {  	v3 =	vand.u32 $0xFFFF0000, v5;
	v5 =	vld [tilespmem:s21+$0x810];
	[tilespmem:s18+$0x20] =	vst v7  }
0xf3: {  	[tilespmem:s18+$0x30] =	vst v3;
	v3 =	vshll.u32 v4, $0x10  }
0xf4: {  	v4 =	vand.u32 $0xFFFF0000, v4;
	v7 =	vld [tilespmem:s26+$0x20];
	[tilespmem:s17+$0x1020] =	vst v3  }
0xf5: {  	v3 =	vshll.u32 v6, $0x10;
	[tilespmem:s17+$0x1030] =	vst v4  }
0xf6: {  	v4 =	vand.u32 $0xFFFF0000, v6;
	[tilespmem:s20+$0x20] =	vst v3;
	v3 =	vld [tilespmem:s22+$0x820]  }
0xf7: {  	[tilespmem:s20+$0x30] =	vst v4;
	v4 =	vshll.u32 v5, $0x10  }
0xf8: {  	v6 =	vld [tilespmem:s19+$0x20];
	v5 =	vand.u32 $0xFFFF0000, v5;
	[tilespmem:s23+$0x1020] =	vst v4  }
0xf9: {  	[tilespmem:s23+$0x1030] =	vst v5;
	v4 =	vshll.u32 v7, $0x10  }
0xfa: {  	v5 =	vand.u32 $0xFFFF0000, v7;
	[tilespmem:s18+$0x40] =	vst v4;
	v4 =	vld [tilespmem:s21+$0x820]  }
0xfb: {  	[tilespmem:s18+$0x50] =	vst v5;
	v5 =	vshll.u32 v3, $0x10  }
0xfc: {  	v3 =	vand.u32 $0xFFFF0000, v3;
	v7 =	vld [tilespmem:s26+$0x30];
	[tilespmem:s17+$0x1040] =	vst v5  }
0xfd: {  	v5 =	vshll.u32 v6, $0x10;
	[tilespmem:s17+$0x1050] =	vst v3  }
0xfe: {  	v3 =	vand.u32 $0xFFFF0000, v6;
	[tilespmem:s20+$0x40] =	vst v5;
	v5 =	vld [tilespmem:s22+$0x830]  }
0xff: {  	[tilespmem:s20+$0x50] =	vst v3;
	v3 =	vshll.u32 v4, $0x10  }
0x100: {  	v6 =	vld [tilespmem:s19+$0x30];
	v4 =	vand.u32 $0xFFFF0000, v4;
	[tilespmem:s23+$0x1040] =	vst v3  }
0x101: {  	v3 =	vshll.u32 v7, $0x10;
	[tilespmem:s23+$0x1050] =	vst v4  }
0x102: {  	v4 =	vand.u32 $0xFFFF0000, v7;
	[tilespmem:s18+$0x60] =	vst v3;
	v3 =	vld [tilespmem:s21+$0x830]  }
0x103: {  	[tilespmem:s18+$0x70] =	vst v4;
	v4 =	vshll.u32 v5, $0x10  }
0x104: {  	v5 =	vand.u32 $0xFFFF0000, v5;
	v7 =	vld [tilespmem:s26+$0x40];
	[tilespmem:s17+$0x1060] =	vst v4  }
0x105: {  	v4 =	vshll.u32 v6, $0x10;
	[tilespmem:s17+$0x1070] =	vst v5  }
0x106: {  	v5 =	vand.u32 $0xFFFF0000, v6;
	[tilespmem:s20+$0x60] =	vst v4;
	v4 =	vld [tilespmem:s22+$0x840]  }
0x107: {  	[tilespmem:s20+$0x70] =	vst v5;
	v5 =	vshll.u32 v3, $0x10  }
0x108: {  	v6 =	vld [tilespmem:s19+$0x40];
	v3 =	vand.u32 $0xFFFF0000, v3;
	[tilespmem:s23+$0x1060] =	vst v5  }
0x109: {  	v5 =	vshll.u32 v7, $0x10;
	[tilespmem:s23+$0x1070] =	vst v3  }
0x10a: {  	v3 =	vand.u32 $0xFFFF0000, v7;
	[tilespmem:s18+$0x400] =	vst v5;
	v5 =	vld [tilespmem:s21+$0x840]  }
0x10b: {  	[tilespmem:s18+$0x410] =	vst v3;
	v3 =	vshll.u32 v4, $0x10  }
0x10c: {  	v4 =	vand.u32 $0xFFFF0000, v4;
	v7 =	vld [tilespmem:s26+$0x50];
	[tilespmem:s17+$0x1400] =	vst v3  }
0x10d: {  	v3 =	vshll.u32 v6, $0x10;
	[tilespmem:s17+$0x1410] =	vst v4  }
0x10e: {  	v4 =	vand.u32 $0xFFFF0000, v6;
	[tilespmem:s20+$0x400] =	vst v3;
	v3 =	vld [tilespmem:s22+$0x850]  }
0x10f: {  	[tilespmem:s20+$0x410] =	vst v4;
	v4 =	vshll.u32 v5, $0x10  }
0x110: {  	v6 =	vld [tilespmem:s19+$0x50];
	v5 =	vand.u32 $0xFFFF0000, v5;
	[tilespmem:s23+$0x1400] =	vst v4  }
0x111: {  	v4 =	vshll.u32 v7, $0x10;
	[tilespmem:s23+$0x1410] =	vst v5  }
0x112: {  	v5 =	vand.u32 $0xFFFF0000, v7;
	[tilespmem:s18+$0x420] =	vst v4;
	v4 =	vld [tilespmem:s21+$0x850]  }
0x113: {  	[tilespmem:s18+$0x430] =	vst v5;
	v5 =	vshll.u32 v3, $0x10  }
0x114: {  	v3 =	vand.u32 $0xFFFF0000, v3;
	v7 =	vld [tilespmem:s26+$0x60];
	[tilespmem:s17+$0x1420] =	vst v5  }
0x115: {  	v5 =	vshll.u32 v6, $0x10;
	[tilespmem:s17+$0x1430] =	vst v3  }
0x116: {  	v3 =	vand.u32 $0xFFFF0000, v6;
	[tilespmem:s20+$0x420] =	vst v5;
	v5 =	vld [tilespmem:s22+$0x860]  }
0x117: {  	[tilespmem:s20+$0x430] =	vst v3;
	v3 =	vshll.u32 v4, $0x10  }
0x118: {  	v6 =	vld [tilespmem:s19+$0x60];
	v4 =	vand.u32 $0xFFFF0000, v4;
	[tilespmem:s23+$0x1420] =	vst v3  }
0x119: {  	v3 =	vshll.u32 v7, $0x10;
	[tilespmem:s23+$0x1430] =	vst v4  }
0x11a: {  	v4 =	vand.u32 $0xFFFF0000, v7;
	[tilespmem:s18+$0x440] =	vst v3;
	v3 =	vld [tilespmem:s21+$0x860]  }
0x11b: {  	[tilespmem:s18+$0x450] =	vst v4;
	v4 =	vshll.u32 v5, $0x10  }
0x11c: {  	v5 =	vand.u32 $0xFFFF0000, v5;
	v7 =	vld [tilespmem:s26+$0x70];
	[tilespmem:s17+$0x1440] =	vst v4  }
0x11d: {  	v4 =	vshll.u32 v6, $0x10;
	[tilespmem:s17+$0x1450] =	vst v5  }
0x11e: {  	v5 =	vand.u32 $0xFFFF0000, v6;
	[tilespmem:s20+$0x440] =	vst v4;
	v4 =	vld [tilespmem:s22+$0x870]  }
0x11f: {  	[tilespmem:s20+$0x450] =	vst v5;
	v5 =	vshll.u32 v3, $0x10  }
0x120: {  	v6 =	vld [tilespmem:s19+$0x70];
	v3 =	vand.u32 $0xFFFF0000, v3;
	[tilespmem:s23+$0x1440] =	vst v5  }
0x121: {  	v5 =	vshll.u32 v7, $0x10;
	[tilespmem:s23+$0x1450] =	vst v3  }
0x122: {  	v3 =	vand.u32 $0xFFFF0000, v7;
	[tilespmem:s18+$0x460] =	vst v5;
	v5 =	vld [tilespmem:s21+$0x870]  }
0x123: {  	[tilespmem:s18+$0x470] =	vst v3;
	v3 =	vshll.u32 v4, $0x10  }
0x124: {  	v4 =	vand.u32 $0xFFFF0000, v4;
	v7 =	vld [tilespmem:s26+$0x400];
	[tilespmem:s17+$0x1460] =	vst v3  }
0x125: {  	v3 =	vshll.u32 v6, $0x10;
	[tilespmem:s17+$0x1470] =	vst v4  }
0x126: {  	v4 =	vand.u32 $0xFFFF0000, v6;
	[tilespmem:s20+$0x460] =	vst v3;
	v3 =	vld [tilespmem:s22+$0xC00]  }
0x127: {  	[tilespmem:s20+$0x470] =	vst v4;
	v4 =	vshll.u32 v5, $0x10  }
0x128: {  	v6 =	vld [tilespmem:s19+$0x400];
	v5 =	vand.u32 $0xFFFF0000, v5;
	[tilespmem:s23+$0x1460] =	vst v4  }
0x129: {  	v4 =	vshll.u32 v7, $0x10;
	[tilespmem:s23+$0x1470] =	vst v5  }
0x12a: {  	v5 =	vand.u32 $0xFFFF0000, v7;
	[tilespmem:s18+$0x800] =	vst v4;
	v4 =	vld [tilespmem:s21+$0xC00]  }
0x12b: {  	[tilespmem:s18+$0x810] =	vst v5;
	v5 =	vshll.u32 v3, $0x10  }
0x12c: {  	v3 =	vand.u32 $0xFFFF0000, v3;
	v7 =	vld [tilespmem:s26+$0x410];
	[tilespmem:s17+$0x1800] =	vst v5  }
0x12d: {  	v5 =	vshll.u32 v6, $0x10;
	[tilespmem:s17+$0x1810] =	vst v3  }
0x12e: {  	v3 =	vand.u32 $0xFFFF0000, v6;
	[tilespmem:s20+$0x800] =	vst v5;
	v5 =	vld [tilespmem:s22+$0xC10]  }
0x12f: {  	[tilespmem:s20+$0x810] =	vst v3;
	v3 =	vshll.u32 v4, $0x10  }
0x130: {  	v6 =	vld [tilespmem:s19+$0x410];
	v4 =	vand.u32 $0xFFFF0000, v4;
	[tilespmem:s23+$0x1800] =	vst v3  }
0x131: {  	v3 =	vshll.u32 v7, $0x10;
	[tilespmem:s23+$0x1810] =	vst v4  }
0x132: {  	v4 =	vand.u32 $0xFFFF0000, v7;
	[tilespmem:s18+$0x820] =	vst v3;
	v3 =	vld [tilespmem:s21+$0xC10]  }
0x133: {  	[tilespmem:s18+$0x830] =	vst v4;
	v4 =	vshll.u32 v5, $0x10  }
0x134: {  	v5 =	vand.u32 $0xFFFF0000, v5;
	v7 =	vld [tilespmem:s26+$0x420];
	[tilespmem:s17+$0x1820] =	vst v4  }
0x135: {  	v4 =	vshll.u32 v6, $0x10;
	[tilespmem:s17+$0x1830] =	vst v5  }
0x136: {  	v5 =	vand.u32 $0xFFFF0000, v6;
	[tilespmem:s20+$0x820] =	vst v4;
	v4 =	vld [tilespmem:s22+$0xC20]  }
0x137: {  	[tilespmem:s20+$0x830] =	vst v5;
	v5 =	vshll.u32 v3, $0x10  }
0x138: {  	v6 =	vld [tilespmem:s19+$0x420];
	v3 =	vand.u32 $0xFFFF0000, v3;
	[tilespmem:s23+$0x1820] =	vst v5  }
0x139: {  	v5 =	vshll.u32 v7, $0x10;
	[tilespmem:s23+$0x1830] =	vst v3  }
0x13a: {  	v3 =	vand.u32 $0xFFFF0000, v7;
	[tilespmem:s18+$0x840] =	vst v5;
	v5 =	vld [tilespmem:s21+$0xC20]  }
0x13b: {  	[tilespmem:s18+$0x850] =	vst v3;
	v3 =	vshll.u32 v4, $0x10  }
0x13c: {  	v4 =	vand.u32 $0xFFFF0000, v4;
	v7 =	vld [tilespmem:s26+$0x430];
	[tilespmem:s17+$0x1840] =	vst v3  }
0x13d: {  	v3 =	vshll.u32 v6, $0x10;
	[tilespmem:s17+$0x1850] =	vst v4  }
0x13e: {  	v4 =	vand.u32 $0xFFFF0000, v6;
	[tilespmem:s20+$0x840] =	vst v3;
	v3 =	vld [tilespmem:s22+$0xC30]  }
0x13f: {  	[tilespmem:s20+$0x850] =	vst v4;
	v4 =	vshll.u32 v5, $0x10  }
0x140: {  	v6 =	vld [tilespmem:s19+$0x430];
	v5 =	vand.u32 $0xFFFF0000, v5;
	[tilespmem:s23+$0x1840] =	vst v4  }
0x141: {  	v4 =	vshll.u32 v7, $0x10;
	[tilespmem:s23+$0x1850] =	vst v5  }
0x142: {  	v5 =	vand.u32 $0xFFFF0000, v7;
	[tilespmem:s18+$0x860] =	vst v4;
	v4 =	vld [tilespmem:s21+$0xC30]  }
0x143: {  	[tilespmem:s18+$0x870] =	vst v5;
	v5 =	vshll.u32 v3, $0x10  }
0x144: {  	v3 =	vand.u32 $0xFFFF0000, v3;
	v7 =	vld [tilespmem:s26+$0x440];
	[tilespmem:s17+$0x1860] =	vst v5  }
0x145: {  	v5 =	vshll.u32 v6, $0x10;
	[tilespmem:s17+$0x1870] =	vst v3  }
0x146: {  	v3 =	vand.u32 $0xFFFF0000, v6;
	[tilespmem:s20+$0x860] =	vst v5;
	v5 =	vld [tilespmem:s22+$0xC40]  }
0x147: {  	[tilespmem:s20+$0x870] =	vst v3;
	v3 =	vshll.u32 v4, $0x10  }
0x148: {  	v6 =	vld [tilespmem:s19+$0x440];
	v4 =	vand.u32 $0xFFFF0000, v4;
	[tilespmem:s23+$0x1860] =	vst v3  }
0x149: {  	v3 =	vshll.u32 v7, $0x10;
	[tilespmem:s23+$0x1870] =	vst v4  }
0x14a: {  	v4 =	vand.u32 $0xFFFF0000, v7;
	[tilespmem:s18+$0xC00] =	vst v3;
	v3 =	vld [tilespmem:s21+$0xC40]  }
0x14b: {  	[tilespmem:s18+$0xC10] =	vst v4;
	v4 =	vshll.u32 v5, $0x10  }
0x14c: {  	v5 =	vand.u32 $0xFFFF0000, v5;
	v7 =	vld [tilespmem:s26+$0x450];
	[tilespmem:s17+$0x1C00] =	vst v4  }
0x14d: {  	v4 =	vshll.u32 v6, $0x10;
	[tilespmem:s17+$0x1C10] =	vst v5  }
0x14e: {  	v5 =	vand.u32 $0xFFFF0000, v6;
	[tilespmem:s20+$0xC00] =	vst v4;
	v4 =	vld [tilespmem:s22+$0xC50]  }
0x14f: {  	[tilespmem:s20+$0xC10] =	vst v5;
	v5 =	vshll.u32 v3, $0x10  }
0x150: {  	v6 =	vld [tilespmem:s19+$0x450];
	v3 =	vand.u32 $0xFFFF0000, v3;
	[tilespmem:s23+$0x1C00] =	vst v5  }
0x151: {  	v5 =	vshll.u32 v7, $0x10;
	[tilespmem:s23+$0x1C10] =	vst v3  }
0x152: {  	v3 =	vand.u32 $0xFFFF0000, v7;
	[tilespmem:s18+$0xC20] =	vst v5;
	v5 =	vld [tilespmem:s21+$0xC50]  }
0x153: {  	[tilespmem:s18+$0xC30] =	vst v3;
	v3 =	vshll.u32 v4, $0x10  }
0x154: {  	v4 =	vand.u32 $0xFFFF0000, v4;
	v7 =	vld [tilespmem:s26+$0x460];
	[tilespmem:s17+$0x1C20] =	vst v3  }
0x155: {  	v3 =	vshll.u32 v6, $0x10;
	[tilespmem:s17+$0x1C30] =	vst v4  }
0x156: {  	v4 =	vand.u32 $0xFFFF0000, v6;
	[tilespmem:s20+$0xC20] =	vst v3;
	v3 =	vld [tilespmem:s22+$0xC60]  }
0x157: {  	[tilespmem:s20+$0xC30] =	vst v4;
	v4 =	vshll.u32 v5, $0x10  }
0x158: {  	v6 =	vld [tilespmem:s19+$0x460];
	v5 =	vand.u32 $0xFFFF0000, v5;
	[tilespmem:s23+$0x1C20] =	vst v4  }
0x159: {  	v4 =	vshll.u32 v7, $0x10;
	[tilespmem:s23+$0x1C30] =	vst v5  }
0x15a: {  	v5 =	vand.u32 $0xFFFF0000, v7;
	[tilespmem:s18+$0xC40] =	vst v4;
	v4 =	vld [tilespmem:s21+$0xC60]  }
0x15b: {  	[tilespmem:s18+$0xC50] =	vst v5;
	v5 =	vshll.u32 v3, $0x10  }
0x15c: {  	v3 =	vand.u32 $0xFFFF0000, v3;
	[tilespmem:s17+$0x1C40] =	vst v5  }
0x15d: {  	v5 =	vshll.u32 v6, $0x10;
	v7 =	vld [tilespmem:s26+$0x470];
	[tilespmem:s17+$0x1C50] =	vst v3  }
0x15e: {  	v6 =	vand.u32 $0xFFFF0000, v6;
	[tilespmem:s20+$0xC40] =	vst v5  }
0x15f: {  	v3 =	vld [tilespmem:s22+$0xC70];
	[tilespmem:s20+$0xC50] =	vst v6;
	v5 =	vshll.u32 v4, $0x10  }
0x160: {  	s30 =	simm.s32 $0x800;
	s25 =	simm.s32 $0x200;
	v6 =	vld [tilespmem:s19+$0x470];
	v4 =	vand.u32 $0xFFFF0000, v4;
	[tilespmem:s23+$0x1C40] =	vst v5  }
0x161: {  	s28 =	sand.u32 $0x300, s25;
	s22 =	sand.u32 $0x3FFFF000, s30;
	[tilespmem:s23+$0x1C50] =	vst v4  }
0x162: {  	s31 =	sor.u32 $0x80, s28;
	s22 =	sadd.s32 $0x2000, s22;
	v4 =	vshll.u32 v7, $0x10;
	v5 =	vld [tilespmem:s21+$0xC70]  }
0x163: {  	v7 =	vand.u32 $0xFFFF0000, v7;
	s21 =	sor.u32 s31, s22;
	[tilespmem:s18+$0xC60] =	vst v4  }
0x164: {  	v4 =	vand.u32 $0xFFFF0000, v3;
	[tilespmem:s18+$0xC70] =	vst v7;
	v8 =	vld [tilespmem:s21+$0x0]  }
0x165: {  	[tilespmem:s17+$0x1C70] =	vst v4;
	v4 =	vshll.u32 v6, $0x10  }
0x166: {  	s29 =	simm.s32 $0x1000;
	v6 =	vand.u32 $0xFFFF0000, v6;
	[tilespmem:s20+$0xC60] =	vst v4;
	v4 =	vld [tilespmem:s26+$0x800]  }
0x167: {  	s29 =	sand.u32 $0x3FFFE000, s29;
	s22 =	sor.u32 s28, s22;
	[tilespmem:s20+$0xC70] =	vst v6;
	v6 =	vshll.u32 v5, $0x10  }
0x168: {  	s29 =	sadd.s32 $0xC000, s29;
	v7 =	vld [tilespmem:s22+$0x0];
	v5 =	vand.u32 $0xFFFF0000, v5;
	[tilespmem:s23+$0x1C60] =	vst v6  }
0x169: {  	s24 =	sor.u32 s31, s29;
	v6 =	vshll.u32 v8, $0x10;
	[tilespmem:s23+$0x1C70] =	vst v5  }
0x16a: {  	v5 =	vld [tilespmem:s19+$0x800];
	v8 =	vand.u32 $0xFFFF0000, v8;
	[tilespmem:s24+$0x0] =	vst v6  }
0x16b: {  	[tilespmem:s24+$0x10] =	vst v8;
	v6 =	vshll.u32 v4, $0x10  }
0x16c: {  	v4 =	vand.u32 $0xFFFF0000, v4;
	v8 =	vld [tilespmem:s21+$0x10];
	[tilespmem:s18+$0x1000] =	vst v6  }
0x16d: {  	s23 =	sor.u32 s28, s29;
	v6 =	vshll.u32 v7, $0x10;
	[tilespmem:s18+$0x1010] =	vst v4  }
0x16e: {  	v4 =	vand.u32 $0xFFFF0000, v7;
	[tilespmem:s23+$0x0] =	vst v6;
	v6 =	vld [tilespmem:s26+$0x810]  }
0x16f: {  	[tilespmem:s23+$0x10] =	vst v4;
	v7 =	vshll.u32 v5, $0x10  }
0x170: {  	v4 =	vand.u32 $0xFFFF0000, v5;
	v5 =	vld [tilespmem:s22+$0x10];
	[tilespmem:s20+$0x1000] =	vst v7  }
0x171: {  	[tilespmem:s20+$0x1010] =	vst v4;
	v7 =	vshll.u32 v8, $0x10  }
0x172: {  	v4 =	vand.u32 $0xFFFF0000, v8;
	[tilespmem:s24+$0x20] =	vst v7;
	v7 =	vld [tilespmem:s19+$0x810]  }
0x173: {  	[tilespmem:s24+$0x30] =	vst v4;
	v4 =	vshll.u32 v6, $0x10  }
0x174: {  	v6 =	vand.u32 $0xFFFF0000, v6;
	v8 =	vld [tilespmem:s21+$0x20];
	[tilespmem:s18+$0x1020] =	vst v4  }
0x175: {  	[tilespmem:s18+$0x1030] =	vst v6;
	v4 =	vshll.u32 v5, $0x10  }
0x176: {  	v5 =	vand.u32 $0xFFFF0000, v5;
	[tilespmem:s23+$0x20] =	vst v4;
	v4 =	vld [tilespmem:s26+$0x820]  }
0x177: {  	[tilespmem:s23+$0x30] =	vst v5;
	v5 =	vshll.u32 v7, $0x10  }
0x178: {  	v6 =	vand.u32 $0xFFFF0000, v7;
	v7 =	vld [tilespmem:s22+$0x20];
	[tilespmem:s20+$0x1020] =	vst v5  }
0x179: {  	v5 =	vshll.u32 v8, $0x10;
	[tilespmem:s20+$0x1030] =	vst v6  }
0x17a: {  	v6 =	vand.u32 $0xFFFF0000, v8;
	[tilespmem:s24+$0x40] =	vst v5;
	v5 =	vld [tilespmem:s19+$0x820]  }
0x17b: {  	[tilespmem:s24+$0x50] =	vst v6;
	v6 =	vshll.u32 v4, $0x10  }
0x17c: {  	v8 =	vld [tilespmem:s21+$0x30];
	v4 =	vand.u32 $0xFFFF0000, v4;
	[tilespmem:s18+$0x1040] =	vst v6  }
0x17d: {  	[tilespmem:s18+$0x1050] =	vst v4;
	v6 =	vshll.u32 v7, $0x10  }
0x17e: {  	v4 =	vand.u32 $0xFFFF0000, v7;
	[tilespmem:s23+$0x40] =	vst v6;
	v6 =	vld [tilespmem:s26+$0x830]  }
0x17f: {  	[tilespmem:s23+$0x50] =	vst v4;
	v4 =	vshll.u32 v5, $0x10  }
0x180: {  	v5 =	vand.u32 $0xFFFF0000, v5;
	v7 =	vld [tilespmem:s22+$0x30];
	[tilespmem:s20+$0x1040] =	vst v4  }
0x181: {  	v4 =	vshll.u32 v8, $0x10;
	[tilespmem:s20+$0x1050] =	vst v5  }
0x182: {  	v5 =	vand.u32 $0xFFFF0000, v8;
	[tilespmem:s24+$0x60] =	vst v4;
	v4 =	vld [tilespmem:s19+$0x830]  }
0x183: {  	[tilespmem:s24+$0x70] =	vst v5;
	v5 =	vshll.u32 v6, $0x10  }
0x184: {  	v8 =	vld [tilespmem:s21+$0x40];
	v6 =	vand.u32 $0xFFFF0000, v6;
	[tilespmem:s18+$0x1060] =	vst v5  }
0x185: {  	v5 =	vshll.u32 v7, $0x10;
	[tilespmem:s18+$0x1070] =	vst v6  }
0x186: {  	v6 =	vand.u32 $0xFFFF0000, v7;
	[tilespmem:s23+$0x60] =	vst v5;
	v5 =	vld [tilespmem:s26+$0x840]  }
0x187: {  	[tilespmem:s23+$0x70] =	vst v6;
	v6 =	vshll.u32 v4, $0x10  }
0x188: {  	v4 =	vand.u32 $0xFFFF0000, v4;
	v7 =	vld [tilespmem:s22+$0x40];
	[tilespmem:s20+$0x1060] =	vst v6  }
0x189: {  	v6 =	vshll.u32 v8, $0x10;
	[tilespmem:s20+$0x1070] =	vst v4  }
0x18a: {  	v4 =	vand.u32 $0xFFFF0000, v8;
	[tilespmem:s24+$0x400] =	vst v6;
	v6 =	vld [tilespmem:s19+$0x840]  }
0x18b: {  	[tilespmem:s24+$0x410] =	vst v4;
	v4 =	vshll.u32 v5, $0x10  }
0x18c: {  	v8 =	vld [tilespmem:s21+$0x50];
	v5 =	vand.u32 $0xFFFF0000, v5;
	[tilespmem:s18+$0x1400] =	vst v4  }
0x18d: {  	v4 =	vshll.u32 v7, $0x10;
	[tilespmem:s18+$0x1410] =	vst v5  }
0x18e: {  	v5 =	vand.u32 $0xFFFF0000, v7;
	[tilespmem:s23+$0x400] =	vst v4;
	v4 =	vld [tilespmem:s26+$0x850]  }
0x18f: {  	[tilespmem:s23+$0x410] =	vst v5;
	v5 =	vshll.u32 v6, $0x10  }
0x190: {  	v6 =	vand.u32 $0xFFFF0000, v6;
	v7 =	vld [tilespmem:s22+$0x50];
	[tilespmem:s20+$0x1400] =	vst v5  }
0x191: {  	v5 =	vshll.u32 v8, $0x10;
	[tilespmem:s20+$0x1410] =	vst v6  }
0x192: {  	v6 =	vand.u32 $0xFFFF0000, v8;
	[tilespmem:s24+$0x420] =	vst v5;
	v5 =	vld [tilespmem:s19+$0x850]  }
0x193: {  	[tilespmem:s24+$0x430] =	vst v6;
	v6 =	vshll.u32 v4, $0x10  }
0x194: {  	v8 =	vld [tilespmem:s21+$0x60];
	v4 =	vand.u32 $0xFFFF0000, v4;
	[tilespmem:s18+$0x1420] =	vst v6  }
0x195: {  	v6 =	vshll.u32 v7, $0x10;
	[tilespmem:s18+$0x1430] =	vst v4  }
0x196: {  	v4 =	vand.u32 $0xFFFF0000, v7;
	[tilespmem:s23+$0x420] =	vst v6;
	v6 =	vld [tilespmem:s26+$0x860]  }
0x197: {  	[tilespmem:s23+$0x430] =	vst v4;
	v4 =	vshll.u32 v5, $0x10  }
0x198: {  	v5 =	vand.u32 $0xFFFF0000, v5;
	v7 =	vld [tilespmem:s22+$0x60];
	[tilespmem:s20+$0x1420] =	vst v4  }
0x199: {  	v4 =	vshll.u32 v8, $0x10;
	[tilespmem:s20+$0x1430] =	vst v5  }
0x19a: {  	v5 =	vand.u32 $0xFFFF0000, v8;
	[tilespmem:s24+$0x440] =	vst v4;
	v4 =	vld [tilespmem:s19+$0x860]  }
0x19b: {  	[tilespmem:s24+$0x450] =	vst v5;
	v5 =	vshll.u32 v6, $0x10  }
0x19c: {  	v8 =	vld [tilespmem:s21+$0x70];
	v6 =	vand.u32 $0xFFFF0000, v6;
	[tilespmem:s18+$0x1440] =	vst v5  }
0x19d: {  	v5 =	vshll.u32 v7, $0x10;
	[tilespmem:s18+$0x1450] =	vst v6  }
0x19e: {  	v6 =	vand.u32 $0xFFFF0000, v7;
	[tilespmem:s23+$0x440] =	vst v5;
	v5 =	vld [tilespmem:s26+$0x870]  }
0x19f: {  	[tilespmem:s23+$0x450] =	vst v6;
	v6 =	vshll.u32 v4, $0x10  }
0x1a0: {  	v4 =	vand.u32 $0xFFFF0000, v4;
	v7 =	vld [tilespmem:s22+$0x70];
	[tilespmem:s20+$0x1440] =	vst v6  }
0x1a1: {  	v6 =	vshll.u32 v8, $0x10;
	[tilespmem:s20+$0x1450] =	vst v4  }
0x1a2: {  	v4 =	vand.u32 $0xFFFF0000, v8;
	[tilespmem:s24+$0x460] =	vst v6;
	v6 =	vld [tilespmem:s19+$0x870]  }
0x1a3: {  	[tilespmem:s24+$0x470] =	vst v4;
	v4 =	vshll.u32 v5, $0x10  }
0x1a4: {  	v8 =	vld [tilespmem:s21+$0x400];
	v5 =	vand.u32 $0xFFFF0000, v5;
	[tilespmem:s18+$0x1460] =	vst v4  }
0x1a5: {  	v4 =	vshll.u32 v7, $0x10;
	[tilespmem:s18+$0x1470] =	vst v5  }
0x1a6: {  	v5 =	vand.u32 $0xFFFF0000, v7;
	[tilespmem:s23+$0x460] =	vst v4;
	v4 =	vld [tilespmem:s26+$0xC00]  }
0x1a7: {  	[tilespmem:s23+$0x470] =	vst v5;
	v5 =	vshll.u32 v6, $0x10  }
0x1a8: {  	v6 =	vand.u32 $0xFFFF0000, v6;
	v7 =	vld [tilespmem:s22+$0x400];
	[tilespmem:s20+$0x1460] =	vst v5  }
0x1a9: {  	v5 =	vshll.u32 v8, $0x10;
	[tilespmem:s20+$0x1470] =	vst v6  }
0x1aa: {  	v6 =	vand.u32 $0xFFFF0000, v8;
	[tilespmem:s24+$0x800] =	vst v5;
	v5 =	vld [tilespmem:s19+$0xC00]  }
0x1ab: {  	[tilespmem:s24+$0x810] =	vst v6;
	v6 =	vshll.u32 v4, $0x10  }
0x1ac: {  	v8 =	vld [tilespmem:s21+$0x410];
	v4 =	vand.u32 $0xFFFF0000, v4;
	[tilespmem:s18+$0x1800] =	vst v6  }
0x1ad: {  	v6 =	vshll.u32 v7, $0x10;
	[tilespmem:s18+$0x1810] =	vst v4  }
0x1ae: {  	v4 =	vand.u32 $0xFFFF0000, v7;
	[tilespmem:s23+$0x800] =	vst v6;
	v6 =	vld [tilespmem:s26+$0xC10]  }
0x1af: {  	[tilespmem:s23+$0x810] =	vst v4;
	v4 =	vshll.u32 v5, $0x10  }
0x1b0: {  	v5 =	vand.u32 $0xFFFF0000, v5;
	v7 =	vld [tilespmem:s22+$0x410];
	[tilespmem:s20+$0x1800] =	vst v4  }
0x1b1: {  	v4 =	vshll.u32 v8, $0x10;
	[tilespmem:s20+$0x1810] =	vst v5  }
0x1b2: {  	v5 =	vand.u32 $0xFFFF0000, v8;
	[tilespmem:s24+$0x820] =	vst v4;
	v4 =	vld [tilespmem:s19+$0xC10]  }
0x1b3: {  	[tilespmem:s24+$0x830] =	vst v5;
	v5 =	vshll.u32 v6, $0x10  }
0x1b4: {  	v8 =	vld [tilespmem:s21+$0x420];
	v6 =	vand.u32 $0xFFFF0000, v6;
	[tilespmem:s18+$0x1820] =	vst v5  }
0x1b5: {  	v5 =	vshll.u32 v7, $0x10;
	[tilespmem:s18+$0x1830] =	vst v6  }
0x1b6: {  	v6 =	vand.u32 $0xFFFF0000, v7;
	[tilespmem:s23+$0x820] =	vst v5;
	v5 =	vld [tilespmem:s26+$0xC20]  }
0x1b7: {  	[tilespmem:s23+$0x830] =	vst v6;
	v6 =	vshll.u32 v4, $0x10  }
0x1b8: {  	v4 =	vand.u32 $0xFFFF0000, v4;
	v7 =	vld [tilespmem:s22+$0x420];
	[tilespmem:s20+$0x1820] =	vst v6  }
0x1b9: {  	v6 =	vshll.u32 v8, $0x10;
	[tilespmem:s20+$0x1830] =	vst v4  }
0x1ba: {  	v4 =	vand.u32 $0xFFFF0000, v8;
	[tilespmem:s24+$0x840] =	vst v6;
	v6 =	vld [tilespmem:s19+$0xC20]  }
0x1bb: {  	[tilespmem:s24+$0x850] =	vst v4;
	v4 =	vshll.u32 v5, $0x10  }
0x1bc: {  	v8 =	vld [tilespmem:s21+$0x430];
	v5 =	vand.u32 $0xFFFF0000, v5;
	[tilespmem:s18+$0x1840] =	vst v4  }
0x1bd: {  	v4 =	vshll.u32 v7, $0x10;
	[tilespmem:s18+$0x1850] =	vst v5  }
0x1be: {  	v5 =	vand.u32 $0xFFFF0000, v7;
	[tilespmem:s23+$0x840] =	vst v4;
	v4 =	vld [tilespmem:s26+$0xC30]  }
0x1bf: {  	[tilespmem:s23+$0x850] =	vst v5;
	v5 =	vshll.u32 v6, $0x10  }
0x1c0: {  	v6 =	vand.u32 $0xFFFF0000, v6;
	v7 =	vld [tilespmem:s22+$0x430];
	[tilespmem:s20+$0x1840] =	vst v5  }
0x1c1: {  	v5 =	vshll.u32 v8, $0x10;
	[tilespmem:s20+$0x1850] =	vst v6  }
0x1c2: {  	v6 =	vand.u32 $0xFFFF0000, v8;
	[tilespmem:s24+$0x860] =	vst v5;
	v5 =	vld [tilespmem:s19+$0xC30]  }
0x1c3: {  	[tilespmem:s24+$0x870] =	vst v6;
	v6 =	vshll.u32 v4, $0x10  }
0x1c4: {  	v8 =	vld [tilespmem:s21+$0x440];
	v4 =	vand.u32 $0xFFFF0000, v4;
	[tilespmem:s18+$0x1860] =	vst v6  }
0x1c5: {  	v6 =	vshll.u32 v7, $0x10;
	[tilespmem:s18+$0x1870] =	vst v4  }
0x1c6: {  	v4 =	vand.u32 $0xFFFF0000, v7;
	[tilespmem:s23+$0x860] =	vst v6;
	v6 =	vld [tilespmem:s26+$0xC40]  }
0x1c7: {  	[tilespmem:s23+$0x870] =	vst v4;
	v4 =	vshll.u32 v5, $0x10  }
0x1c8: {  	v5 =	vand.u32 $0xFFFF0000, v5;
	v7 =	vld [tilespmem:s22+$0x440];
	[tilespmem:s20+$0x1860] =	vst v4  }
0x1c9: {  	v4 =	vshll.u32 v8, $0x10;
	[tilespmem:s20+$0x1870] =	vst v5  }
0x1ca: {  	v5 =	vand.u32 $0xFFFF0000, v8;
	[tilespmem:s24+$0xC00] =	vst v4;
	v4 =	vld [tilespmem:s19+$0xC40]  }
0x1cb: {  	[tilespmem:s24+$0xC10] =	vst v5;
	v5 =	vshll.u32 v6, $0x10  }
0x1cc: {  	v8 =	vld [tilespmem:s21+$0x450];
	v6 =	vand.u32 $0xFFFF0000, v6;
	[tilespmem:s18+$0x1C00] =	vst v5  }
0x1cd: {  	v5 =	vshll.u32 v7, $0x10;
	[tilespmem:s18+$0x1C10] =	vst v6  }
0x1ce: {  	v6 =	vand.u32 $0xFFFF0000, v7;
	[tilespmem:s23+$0xC00] =	vst v5;
	v5 =	vld [tilespmem:s26+$0xC50]  }
0x1cf: {  	[tilespmem:s23+$0xC10] =	vst v6;
	v6 =	vshll.u32 v4, $0x10  }
0x1d0: {  	v4 =	vand.u32 $0xFFFF0000, v4;
	v7 =	vld [tilespmem:s22+$0x450];
	[tilespmem:s20+$0x1C00] =	vst v6  }
0x1d1: {  	v6 =	vshll.u32 v8, $0x10;
	[tilespmem:s20+$0x1C10] =	vst v4  }
0x1d2: {  	v4 =	vand.u32 $0xFFFF0000, v8;
	[tilespmem:s24+$0xC20] =	vst v6;
	v6 =	vld [tilespmem:s19+$0xC50]  }
0x1d3: {  	[tilespmem:s24+$0xC30] =	vst v4;
	v4 =	vshll.u32 v5, $0x10  }
0x1d4: {  	v8 =	vld [tilespmem:s21+$0x460];
	v5 =	vand.u32 $0xFFFF0000, v5;
	[tilespmem:s18+$0x1C20] =	vst v4  }
0x1d5: {  	v4 =	vshll.u32 v7, $0x10;
	[tilespmem:s18+$0x1C30] =	vst v5  }
0x1d6: {  	v5 =	vand.u32 $0xFFFF0000, v7;
	[tilespmem:s23+$0xC20] =	vst v4;
	v4 =	vld [tilespmem:s26+$0xC60]  }
0x1d7: {  	[tilespmem:s23+$0xC30] =	vst v5;
	v5 =	vshll.u32 v6, $0x10  }
0x1d8: {  	v6 =	vand.u32 $0xFFFF0000, v6;
	v7 =	vld [tilespmem:s22+$0x460];
	[tilespmem:s20+$0x1C20] =	vst v5  }
0x1d9: {  	v5 =	vshll.u32 v8, $0x10;
	[tilespmem:s20+$0x1C30] =	vst v6  }
0x1da: {  	v6 =	vand.u32 $0xFFFF0000, v8;
	[tilespmem:s24+$0xC40] =	vst v5;
	v5 =	vld [tilespmem:s19+$0xC60]  }
0x1db: {  	[tilespmem:s24+$0xC50] =	vst v6;
	v6 =	vshll.u32 v4, $0x10  }
0x1dc: {  	v4 =	vand.u32 $0xFFFF0000, v4;
	[tilespmem:s18+$0x1C40] =	vst v6  }
0x1dd: {  	v8 =	vshll.u32 v7, $0x10;
	v6 =	vld [tilespmem:s21+$0x470];
	[tilespmem:s18+$0x1C50] =	vst v4  }
0x1de: {  	v3 =	vshll.u32 v3, $0x10;
	s28 =	simm.s32 $0x4;
	v7 =	vand.u32 $0xFFFF0000, v7;
	[tilespmem:s23+$0xC40] =	vst v8;
	v4 =	vld [tilespmem:s26+$0xC70]  }
.LBB2_3:
0x1df: {  	s28 =	sadd.s32 $0x2, s28;
	[tilespmem:s23+$0xC50] =	vst v7;
	v7 =	vshll.u32 v5, $0x10;
	v5 =	vand.u32 $0xFFFF0000, v5  }
0x1e0: {  	s25 =	sadd.s32 $0x100, s25;
	s26 =	sshll.u32 s28, $0x9;
	p0 =	slt.u32 s28, $0x26;
	v8 =	vld [tilespmem:s22+$0x470];
	[tilespmem:s20+$0x1C40] =	vst v7  }
0x1e1: {  	s29 =	sand.u32 $0x300, s25;
	s26 =	sand.u32 $0x3FFFF000, s26;
	[tilespmem:s20+$0x1C50] =	vst v5  }
0x1e2: {  	s30 =	sor.u32 $0x80, s29;
	s26 =	sadd.s32 $0x2000, s26;
	v5 =	vshll.u32 v6, $0x10;
	v7 =	vld [tilespmem:s19+$0xC70];
	[tilespmem:s17+$0x1C60] =	vst v3;
	s19 =	smov.u32 s22  }
0x1e3: {  	s17 =	smov.u32 s18;
	s22 =	sor.u32 s29, s26;
	s26 =	sor.u32 s30, s26;
	[tilespmem:s24+$0xC60] =	vst v5;
	v3 =	vshll.u32 v4, $0x10;
	v4 =	vand.u32 $0xFFFF0000, v4  }
0x1e4: {  	v6 =	vand.u32 $0xFFFF0000, v6;
	s18 =	smov.u32 s24;
	v5 =	vld [tilespmem:s26+$0x0];
	[tilespmem:s17+$0x1C70] =	vst v4  }
0x1e5: {  	v4 =	vld [tilespmem:s22+$0x0];
	v9 =	vshll.u32 v8, $0x10;
	v8 =	vand.u32 $0xFFFF0000, v8;
	[tilespmem:s18+$0xC70] =	vst v6  }
0x1e6: {  	s24 =	sshll.u32 s28, $0xA;
	[tilespmem:s23+$0xC60] =	vst v9;
	v6 =	vld [tilespmem:s21+$0x800]  }
0x1e7: {  	s24 =	sand.u32 $0x3FFFE000, s24;
	[tilespmem:s23+$0xC70] =	vst v8;
	v8 =	vshll.u32 v7, $0x10;
	v7 =	vand.u32 $0xFFFF0000, v7  }
0x1e8: {  	s31 =	sadd.s32 $0xC000, s24;
	v9 =	vld [tilespmem:s19+$0x800];
	[tilespmem:s20+$0x1C60] =	vst v8  }
0x1e9: {  	s24 =	sor.u32 s30, s31;
	v8 =	vshll.u32 v5, $0x10;
	[tilespmem:s20+$0x1C70] =	vst v7;
	s20 =	smov.u32 s23;
	s23 =	sor.u32 s29, s31  }
0x1ea: {  	v5 =	vand.u32 $0xFFFF0000, v5;
	v7 =	vshll.u32 v4, $0x10;
	v4 =	vand.u32 $0xFFFF0000, v4;
	[tilespmem:s24+$0x0] =	vst v8  }
0x1eb: {  	[tilespmem:s24+$0x10] =	vst v5;
	v5 =	vshll.u32 v6, $0x10  }
0x1ec: {  	v6 =	vand.u32 $0xFFFF0000, v6;
	v8 =	vld [tilespmem:s26+$0x10];
	[tilespmem:s18+$0x1000] =	vst v5  }
0x1ed: {  	v5 =	vshll.u32 v9, $0x10;
	v9 =	vand.u32 $0xFFFF0000, v9;
	[tilespmem:s18+$0x1010] =	vst v6  }
0x1ee: {  	[tilespmem:s23+$0x0] =	vst v7;
	v6 =	vld [tilespmem:s21+$0x810]  }
0x1ef: {  	[tilespmem:s23+$0x10] =	vst v4  }
0x1f0: {  	v4 =	vld [tilespmem:s22+$0x10];
	[tilespmem:s20+$0x1000] =	vst v5  }
0x1f1: {  	v5 =	vshll.u32 v8, $0x10;
	[tilespmem:s20+$0x1010] =	vst v9  }
0x1f2: {  	v7 =	vand.u32 $0xFFFF0000, v8;
	[tilespmem:s24+$0x20] =	vst v5;
	v5 =	vld [tilespmem:s19+$0x810]  }
0x1f3: {  	[tilespmem:s24+$0x30] =	vst v7;
	v7 =	vshll.u32 v6, $0x10  }
0x1f4: {  	v6 =	vand.u32 $0xFFFF0000, v6;
	v8 =	vld [tilespmem:s26+$0x20];
	[tilespmem:s18+$0x1020] =	vst v7  }
0x1f5: {  	v7 =	vshll.u32 v4, $0x10;
	v4 =	vand.u32 $0xFFFF0000, v4;
	[tilespmem:s18+$0x1030] =	vst v6  }
0x1f6: {  	[tilespmem:s23+$0x20] =	vst v7;
	v6 =	vld [tilespmem:s21+$0x820]  }
0x1f7: {  	[tilespmem:s23+$0x30] =	vst v4;
	v4 =	vshll.u32 v5, $0x10;
	v5 =	vand.u32 $0xFFFF0000, v5  }
0x1f8: {  	v7 =	vld [tilespmem:s22+$0x20];
	[tilespmem:s20+$0x1020] =	vst v4  }
0x1f9: {  	v4 =	vshll.u32 v8, $0x10;
	[tilespmem:s20+$0x1030] =	vst v5  }
0x1fa: {  	v5 =	vand.u32 $0xFFFF0000, v8;
	[tilespmem:s24+$0x40] =	vst v4;
	v4 =	vld [tilespmem:s19+$0x820]  }
0x1fb: {  	[tilespmem:s24+$0x50] =	vst v5;
	v5 =	vshll.u32 v6, $0x10  }
0x1fc: {  	v6 =	vand.u32 $0xFFFF0000, v6;
	v8 =	vld [tilespmem:s26+$0x30];
	[tilespmem:s18+$0x1040] =	vst v5  }
0x1fd: {  	v5 =	vshll.u32 v7, $0x10;
	v7 =	vand.u32 $0xFFFF0000, v7;
	[tilespmem:s18+$0x1050] =	vst v6  }
0x1fe: {  	[tilespmem:s23+$0x40] =	vst v5;
	v5 =	vld [tilespmem:s21+$0x830]  }
0x1ff: {  	[tilespmem:s23+$0x50] =	vst v7;
	v6 =	vshll.u32 v4, $0x10;
	v4 =	vand.u32 $0xFFFF0000, v4  }
0x200: {  	v7 =	vld [tilespmem:s22+$0x30];
	[tilespmem:s20+$0x1040] =	vst v6  }
0x201: {  	v6 =	vshll.u32 v8, $0x10;
	[tilespmem:s20+$0x1050] =	vst v4  }
0x202: {  	v4 =	vand.u32 $0xFFFF0000, v8;
	[tilespmem:s24+$0x60] =	vst v6;
	v6 =	vld [tilespmem:s19+$0x830]  }
0x203: {  	[tilespmem:s24+$0x70] =	vst v4;
	v4 =	vshll.u32 v5, $0x10  }
0x204: {  	v5 =	vand.u32 $0xFFFF0000, v5;
	v8 =	vld [tilespmem:s26+$0x40];
	[tilespmem:s18+$0x1060] =	vst v4  }
0x205: {  	v4 =	vshll.u32 v7, $0x10;
	v7 =	vand.u32 $0xFFFF0000, v7;
	[tilespmem:s18+$0x1070] =	vst v5  }
0x206: {  	[tilespmem:s23+$0x60] =	vst v4;
	v4 =	vld [tilespmem:s21+$0x840]  }
0x207: {  	[tilespmem:s23+$0x70] =	vst v7;
	v5 =	vshll.u32 v6, $0x10;
	v6 =	vand.u32 $0xFFFF0000, v6  }
0x208: {  	v7 =	vld [tilespmem:s22+$0x40];
	[tilespmem:s20+$0x1060] =	vst v5  }
0x209: {  	v5 =	vshll.u32 v8, $0x10;
	[tilespmem:s20+$0x1070] =	vst v6  }
0x20a: {  	v6 =	vand.u32 $0xFFFF0000, v8;
	[tilespmem:s24+$0x400] =	vst v5;
	v5 =	vld [tilespmem:s19+$0x840]  }
0x20b: {  	[tilespmem:s24+$0x410] =	vst v6;
	v6 =	vshll.u32 v4, $0x10  }
0x20c: {  	v4 =	vand.u32 $0xFFFF0000, v4;
	v8 =	vld [tilespmem:s26+$0x50];
	[tilespmem:s18+$0x1400] =	vst v6  }
0x20d: {  	v6 =	vshll.u32 v7, $0x10;
	v7 =	vand.u32 $0xFFFF0000, v7;
	[tilespmem:s18+$0x1410] =	vst v4  }
0x20e: {  	[tilespmem:s23+$0x400] =	vst v6;
	v4 =	vld [tilespmem:s21+$0x850]  }
0x20f: {  	[tilespmem:s23+$0x410] =	vst v7;
	v6 =	vshll.u32 v5, $0x10;
	v5 =	vand.u32 $0xFFFF0000, v5  }
0x210: {  	v7 =	vld [tilespmem:s22+$0x50];
	[tilespmem:s20+$0x1400] =	vst v6  }
0x211: {  	v6 =	vshll.u32 v8, $0x10;
	[tilespmem:s20+$0x1410] =	vst v5  }
0x212: {  	v5 =	vand.u32 $0xFFFF0000, v8;
	[tilespmem:s24+$0x420] =	vst v6;
	v6 =	vld [tilespmem:s19+$0x850]  }
0x213: {  	[tilespmem:s24+$0x430] =	vst v5;
	v5 =	vshll.u32 v4, $0x10  }
0x214: {  	v4 =	vand.u32 $0xFFFF0000, v4;
	v8 =	vld [tilespmem:s26+$0x60];
	[tilespmem:s18+$0x1420] =	vst v5  }
0x215: {  	v5 =	vshll.u32 v7, $0x10;
	v7 =	vand.u32 $0xFFFF0000, v7;
	[tilespmem:s18+$0x1430] =	vst v4  }
0x216: {  	[tilespmem:s23+$0x420] =	vst v5;
	v4 =	vld [tilespmem:s21+$0x860]  }
0x217: {  	[tilespmem:s23+$0x430] =	vst v7;
	v5 =	vshll.u32 v6, $0x10;
	v6 =	vand.u32 $0xFFFF0000, v6  }
0x218: {  	v7 =	vld [tilespmem:s22+$0x60];
	[tilespmem:s20+$0x1420] =	vst v5  }
0x219: {  	v5 =	vshll.u32 v8, $0x10;
	[tilespmem:s20+$0x1430] =	vst v6  }
0x21a: {  	v6 =	vand.u32 $0xFFFF0000, v8;
	[tilespmem:s24+$0x440] =	vst v5;
	v5 =	vld [tilespmem:s19+$0x860]  }
0x21b: {  	[tilespmem:s24+$0x450] =	vst v6;
	v6 =	vshll.u32 v4, $0x10  }
0x21c: {  	v4 =	vand.u32 $0xFFFF0000, v4;
	v8 =	vld [tilespmem:s26+$0x70];
	[tilespmem:s18+$0x1440] =	vst v6  }
0x21d: {  	v6 =	vshll.u32 v7, $0x10;
	v7 =	vand.u32 $0xFFFF0000, v7;
	[tilespmem:s18+$0x1450] =	vst v4  }
0x21e: {  	[tilespmem:s23+$0x440] =	vst v6;
	v4 =	vld [tilespmem:s21+$0x870]  }
0x21f: {  	[tilespmem:s23+$0x450] =	vst v7;
	v6 =	vshll.u32 v5, $0x10;
	v5 =	vand.u32 $0xFFFF0000, v5  }
0x220: {  	v7 =	vld [tilespmem:s22+$0x70];
	[tilespmem:s20+$0x1440] =	vst v6  }
0x221: {  	v6 =	vshll.u32 v8, $0x10;
	[tilespmem:s20+$0x1450] =	vst v5  }
0x222: {  	v5 =	vand.u32 $0xFFFF0000, v8;
	[tilespmem:s24+$0x460] =	vst v6;
	v6 =	vld [tilespmem:s19+$0x870]  }
0x223: {  	[tilespmem:s24+$0x470] =	vst v5;
	v5 =	vshll.u32 v4, $0x10  }
0x224: {  	v4 =	vand.u32 $0xFFFF0000, v4;
	v8 =	vld [tilespmem:s26+$0x400];
	[tilespmem:s18+$0x1460] =	vst v5  }
0x225: {  	v5 =	vshll.u32 v7, $0x10;
	v7 =	vand.u32 $0xFFFF0000, v7;
	[tilespmem:s18+$0x1470] =	vst v4  }
0x226: {  	[tilespmem:s23+$0x460] =	vst v5;
	v4 =	vld [tilespmem:s21+$0xC00]  }
0x227: {  	[tilespmem:s23+$0x470] =	vst v7;
	v5 =	vshll.u32 v6, $0x10;
	v6 =	vand.u32 $0xFFFF0000, v6  }
0x228: {  	v7 =	vld [tilespmem:s22+$0x400];
	[tilespmem:s20+$0x1460] =	vst v5  }
0x229: {  	v5 =	vshll.u32 v8, $0x10;
	[tilespmem:s20+$0x1470] =	vst v6  }
0x22a: {  	v6 =	vand.u32 $0xFFFF0000, v8;
	[tilespmem:s24+$0x800] =	vst v5;
	v5 =	vld [tilespmem:s19+$0xC00]  }
0x22b: {  	[tilespmem:s24+$0x810] =	vst v6;
	v6 =	vshll.u32 v4, $0x10  }
0x22c: {  	v4 =	vand.u32 $0xFFFF0000, v4;
	v8 =	vld [tilespmem:s26+$0x410];
	[tilespmem:s18+$0x1800] =	vst v6  }
0x22d: {  	v6 =	vshll.u32 v7, $0x10;
	v7 =	vand.u32 $0xFFFF0000, v7;
	[tilespmem:s18+$0x1810] =	vst v4  }
0x22e: {  	[tilespmem:s23+$0x800] =	vst v6;
	v4 =	vld [tilespmem:s21+$0xC10]  }
0x22f: {  	[tilespmem:s23+$0x810] =	vst v7;
	v6 =	vshll.u32 v5, $0x10;
	v5 =	vand.u32 $0xFFFF0000, v5  }
0x230: {  	v7 =	vld [tilespmem:s22+$0x410];
	[tilespmem:s20+$0x1800] =	vst v6  }
0x231: {  	v6 =	vshll.u32 v8, $0x10;
	[tilespmem:s20+$0x1810] =	vst v5  }
0x232: {  	v5 =	vand.u32 $0xFFFF0000, v8;
	[tilespmem:s24+$0x820] =	vst v6;
	v6 =	vld [tilespmem:s19+$0xC10]  }
0x233: {  	[tilespmem:s24+$0x830] =	vst v5;
	v5 =	vshll.u32 v4, $0x10  }
0x234: {  	v4 =	vand.u32 $0xFFFF0000, v4;
	v8 =	vld [tilespmem:s26+$0x420];
	[tilespmem:s18+$0x1820] =	vst v5  }
0x235: {  	v5 =	vshll.u32 v7, $0x10;
	v7 =	vand.u32 $0xFFFF0000, v7;
	[tilespmem:s18+$0x1830] =	vst v4  }
0x236: {  	[tilespmem:s23+$0x820] =	vst v5;
	v4 =	vld [tilespmem:s21+$0xC20]  }
0x237: {  	[tilespmem:s23+$0x830] =	vst v7;
	v5 =	vshll.u32 v6, $0x10;
	v6 =	vand.u32 $0xFFFF0000, v6  }
0x238: {  	v7 =	vld [tilespmem:s22+$0x420];
	[tilespmem:s20+$0x1820] =	vst v5  }
0x239: {  	v5 =	vshll.u32 v8, $0x10;
	[tilespmem:s20+$0x1830] =	vst v6  }
0x23a: {  	v6 =	vand.u32 $0xFFFF0000, v8;
	[tilespmem:s24+$0x840] =	vst v5;
	v5 =	vld [tilespmem:s19+$0xC20]  }
0x23b: {  	[tilespmem:s24+$0x850] =	vst v6;
	v6 =	vshll.u32 v4, $0x10  }
0x23c: {  	v4 =	vand.u32 $0xFFFF0000, v4;
	v8 =	vld [tilespmem:s26+$0x430];
	[tilespmem:s18+$0x1840] =	vst v6  }
0x23d: {  	v6 =	vshll.u32 v7, $0x10;
	v7 =	vand.u32 $0xFFFF0000, v7;
	[tilespmem:s18+$0x1850] =	vst v4  }
0x23e: {  	[tilespmem:s23+$0x840] =	vst v6;
	v4 =	vld [tilespmem:s21+$0xC30]  }
0x23f: {  	[tilespmem:s23+$0x850] =	vst v7;
	v6 =	vshll.u32 v5, $0x10;
	v5 =	vand.u32 $0xFFFF0000, v5  }
0x240: {  	v7 =	vld [tilespmem:s22+$0x430];
	[tilespmem:s20+$0x1840] =	vst v6  }
0x241: {  	v6 =	vshll.u32 v8, $0x10;
	[tilespmem:s20+$0x1850] =	vst v5  }
0x242: {  	v5 =	vand.u32 $0xFFFF0000, v8;
	[tilespmem:s24+$0x860] =	vst v6;
	v6 =	vld [tilespmem:s19+$0xC30]  }
0x243: {  	[tilespmem:s24+$0x870] =	vst v5;
	v5 =	vshll.u32 v4, $0x10  }
0x244: {  	v4 =	vand.u32 $0xFFFF0000, v4;
	v8 =	vld [tilespmem:s26+$0x440];
	[tilespmem:s18+$0x1860] =	vst v5  }
0x245: {  	v5 =	vshll.u32 v7, $0x10;
	v7 =	vand.u32 $0xFFFF0000, v7;
	[tilespmem:s18+$0x1870] =	vst v4  }
0x246: {  	[tilespmem:s23+$0x860] =	vst v5;
	v4 =	vld [tilespmem:s21+$0xC40]  }
0x247: {  	[tilespmem:s23+$0x870] =	vst v7;
	v5 =	vshll.u32 v6, $0x10;
	v6 =	vand.u32 $0xFFFF0000, v6  }
0x248: {  	v7 =	vld [tilespmem:s22+$0x440];
	[tilespmem:s20+$0x1860] =	vst v5  }
0x249: {  	v5 =	vshll.u32 v8, $0x10;
	[tilespmem:s20+$0x1870] =	vst v6  }
0x24a: {  	v6 =	vand.u32 $0xFFFF0000, v8;
	[tilespmem:s24+$0xC00] =	vst v5;
	v5 =	vld [tilespmem:s19+$0xC40]  }
0x24b: {  	[tilespmem:s24+$0xC10] =	vst v6;
	v6 =	vshll.u32 v4, $0x10  }
0x24c: {  	v4 =	vand.u32 $0xFFFF0000, v4;
	v8 =	vld [tilespmem:s26+$0x450];
	[tilespmem:s18+$0x1C00] =	vst v6  }
0x24d: {  	v6 =	vshll.u32 v7, $0x10;
	v7 =	vand.u32 $0xFFFF0000, v7;
	[tilespmem:s18+$0x1C10] =	vst v4  }
0x24e: {  	[tilespmem:s23+$0xC00] =	vst v6;
	v4 =	vld [tilespmem:s21+$0xC50]  }
0x24f: {  	[tilespmem:s23+$0xC10] =	vst v7;
	v6 =	vshll.u32 v5, $0x10;
	v5 =	vand.u32 $0xFFFF0000, v5  }
0x250: {  	v7 =	vld [tilespmem:s22+$0x450];
	[tilespmem:s20+$0x1C00] =	vst v6  }
0x251: {  	v6 =	vshll.u32 v8, $0x10;
	[tilespmem:s20+$0x1C10] =	vst v5  }
0x252: {  	v5 =	vand.u32 $0xFFFF0000, v8;
	[tilespmem:s24+$0xC20] =	vst v6;
	v6 =	vld [tilespmem:s19+$0xC50]  }
0x253: {  	[tilespmem:s24+$0xC30] =	vst v5;
	v5 =	vshll.u32 v4, $0x10  }
0x254: {  	v4 =	vand.u32 $0xFFFF0000, v4;
	v8 =	vld [tilespmem:s26+$0x460];
	[tilespmem:s18+$0x1C20] =	vst v5  }
0x255: {  	v5 =	vshll.u32 v7, $0x10;
	v7 =	vand.u32 $0xFFFF0000, v7;
	[tilespmem:s18+$0x1C30] =	vst v4  }
0x256: {  	[tilespmem:s23+$0xC20] =	vst v5;
	v4 =	vld [tilespmem:s21+$0xC60]  }
0x257: {  	[tilespmem:s23+$0xC30] =	vst v7;
	v5 =	vshll.u32 v6, $0x10;
	v6 =	vand.u32 $0xFFFF0000, v6  }
0x258: {  	v7 =	vld [tilespmem:s22+$0x460];
	[tilespmem:s20+$0x1C20] =	vst v5  }
0x259: {  	v5 =	vshll.u32 v8, $0x10;
	[tilespmem:s20+$0x1C30] =	vst v6  }
.Ltmp0:
0x25a: {  	v6 =	vand.u32 $0xFFFF0000, v8;
	[tilespmem:s24+$0xC40] =	vst v5;
	v5 =	vld [tilespmem:s19+$0xC60];
	(pc) =	sbr.rel @p0 .LBB2_3-.Ltmp0, $4  }
0x25b: {  	[tilespmem:s24+$0xC50] =	vst v6;
	v6 =	vshll.u32 v4, $0x10  }
0x25c: {  	v4 =	vand.u32 $0xFFFF0000, v4;
	[tilespmem:s18+$0x1C40] =	vst v6  }
0x25d: {  	v8 =	vshll.u32 v7, $0x10;
	v7 =	vand.u32 $0xFFFF0000, v7;
	v6 =	vld [tilespmem:s26+$0x470];
	[tilespmem:s18+$0x1C50] =	vst v4  }
0x25e: {  	[tilespmem:s23+$0xC40] =	vst v8;
	v4 =	vld [tilespmem:s21+$0xC70];
	s21 =	smov.u32 s26  }
0x25f: {  	[tilespmem:s23+$0xC50] =	vst v7  }
0x260: {  	v7 =	vld [tilespmem:s22+$0x470];
	_ =	sdelay $0x2  }
0x261: {  	v8 =	vshll.u32 v6, $0x10  }
0x262: {  	v6 =	vand.u32 $0xFFFF0000, v6;
	[tilespmem:s24+$0xC60] =	vst v8  }
0x263: {  	[tilespmem:s24+$0xC70] =	vst v6;
	v8 =	vshll.u32 v7, $0x10  }
0x264: {  	v6 =	vand.u32 $0xFFFF0000, v7;
	v7 =	vld [tilespmem:s21+$0x800];
	[tilespmem:s23+$0xC60] =	vst v8  }
0x265: {  	[tilespmem:s23+$0xC70] =	vst v6  }
0x266: {  	v6 =	vld [tilespmem:s22+$0x800];
	_ =	sdelay $0x2  }
0x267: {  	v8 =	vshll.u32 v7, $0x10  }
0x268: {  	v7 =	vand.u32 $0xFFFF0000, v7;
	[tilespmem:s24+$0x1000] =	vst v8  }
0x269: {  	[tilespmem:s24+$0x1010] =	vst v7;
	v8 =	vshll.u32 v6, $0x10  }
0x26a: {  	v6 =	vand.u32 $0xFFFF0000, v6;
	v7 =	vld [tilespmem:s21+$0x810];
	[tilespmem:s23+$0x1000] =	vst v8  }
0x26b: {  	[tilespmem:s23+$0x1010] =	vst v6  }
0x26c: {  	v6 =	vld [tilespmem:s22+$0x810];
	_ =	sdelay $0x2  }
0x26d: {  	v8 =	vshll.u32 v7, $0x10  }
0x26e: {  	v7 =	vand.u32 $0xFFFF0000, v7;
	[tilespmem:s24+$0x1020] =	vst v8  }
0x26f: {  	[tilespmem:s24+$0x1030] =	vst v7;
	v7 =	vshll.u32 v6, $0x10  }
0x270: {  	v8 =	vld [tilespmem:s21+$0x820];
	v6 =	vand.u32 $0xFFFF0000, v6;
	[tilespmem:s23+$0x1020] =	vst v7  }
0x271: {  	[tilespmem:s23+$0x1030] =	vst v6  }
0x272: {  	v6 =	vld [tilespmem:s22+$0x820];
	_ =	sdelay $0x2  }
0x273: {  	v7 =	vshll.u32 v8, $0x10  }
0x274: {  	v8 =	vand.u32 $0xFFFF0000, v8;
	[tilespmem:s24+$0x1040] =	vst v7  }
0x275: {  	[tilespmem:s24+$0x1050] =	vst v8;
	v7 =	vshll.u32 v6, $0x10  }
0x276: {  	v8 =	vld [tilespmem:s21+$0x830];
	v6 =	vand.u32 $0xFFFF0000, v6;
	[tilespmem:s23+$0x1040] =	vst v7  }
0x277: {  	[tilespmem:s23+$0x1050] =	vst v6  }
0x278: {  	v6 =	vld [tilespmem:s22+$0x830];
	_ =	sdelay $0x2  }
0x279: {  	v7 =	vshll.u32 v8, $0x10  }
0x27a: {  	v8 =	vand.u32 $0xFFFF0000, v8;
	[tilespmem:s24+$0x1060] =	vst v7  }
0x27b: {  	[tilespmem:s24+$0x1070] =	vst v8;
	v7 =	vshll.u32 v6, $0x10  }
0x27c: {  	v8 =	vld [tilespmem:s21+$0x840];
	v6 =	vand.u32 $0xFFFF0000, v6;
	[tilespmem:s23+$0x1060] =	vst v7  }
0x27d: {  	[tilespmem:s23+$0x1070] =	vst v6  }
0x27e: {  	v6 =	vld [tilespmem:s22+$0x840];
	_ =	sdelay $0x2  }
0x27f: {  	v7 =	vshll.u32 v8, $0x10  }
0x280: {  	v8 =	vand.u32 $0xFFFF0000, v8;
	[tilespmem:s24+$0x1400] =	vst v7  }
0x281: {  	[tilespmem:s24+$0x1410] =	vst v8;
	v7 =	vshll.u32 v6, $0x10  }
0x282: {  	v8 =	vld [tilespmem:s21+$0x850];
	v6 =	vand.u32 $0xFFFF0000, v6;
	[tilespmem:s23+$0x1400] =	vst v7  }
0x283: {  	[tilespmem:s23+$0x1410] =	vst v6  }
0x284: {  	v6 =	vld [tilespmem:s22+$0x850];
	_ =	sdelay $0x2  }
0x285: {  	v7 =	vshll.u32 v8, $0x10  }
0x286: {  	v8 =	vand.u32 $0xFFFF0000, v8;
	[tilespmem:s24+$0x1420] =	vst v7  }
0x287: {  	[tilespmem:s24+$0x1430] =	vst v8;
	v7 =	vshll.u32 v6, $0x10  }
0x288: {  	v8 =	vld [tilespmem:s21+$0x860];
	v6 =	vand.u32 $0xFFFF0000, v6;
	[tilespmem:s23+$0x1420] =	vst v7  }
0x289: {  	[tilespmem:s23+$0x1430] =	vst v6  }
0x28a: {  	v6 =	vld [tilespmem:s22+$0x860];
	_ =	sdelay $0x2  }
0x28b: {  	v7 =	vshll.u32 v8, $0x10  }
0x28c: {  	v8 =	vand.u32 $0xFFFF0000, v8;
	[tilespmem:s24+$0x1440] =	vst v7  }
0x28d: {  	[tilespmem:s24+$0x1450] =	vst v8;
	v7 =	vshll.u32 v6, $0x10  }
0x28e: {  	v8 =	vld [tilespmem:s21+$0x870];
	v6 =	vand.u32 $0xFFFF0000, v6;
	[tilespmem:s23+$0x1440] =	vst v7  }
0x28f: {  	[tilespmem:s23+$0x1450] =	vst v6  }
0x290: {  	v6 =	vld [tilespmem:s22+$0x870];
	_ =	sdelay $0x2  }
0x291: {  	v7 =	vshll.u32 v8, $0x10  }
0x292: {  	v8 =	vand.u32 $0xFFFF0000, v8;
	[tilespmem:s24+$0x1460] =	vst v7  }
0x293: {  	[tilespmem:s24+$0x1470] =	vst v8;
	v7 =	vshll.u32 v6, $0x10  }
0x294: {  	v8 =	vld [tilespmem:s21+$0xC00];
	v6 =	vand.u32 $0xFFFF0000, v6;
	[tilespmem:s23+$0x1460] =	vst v7  }
0x295: {  	[tilespmem:s23+$0x1470] =	vst v6  }
0x296: {  	v6 =	vld [tilespmem:s22+$0xC00];
	_ =	sdelay $0x2  }
0x297: {  	v7 =	vshll.u32 v8, $0x10  }
0x298: {  	v8 =	vand.u32 $0xFFFF0000, v8;
	[tilespmem:s24+$0x1800] =	vst v7  }
0x299: {  	[tilespmem:s24+$0x1810] =	vst v8;
	v7 =	vshll.u32 v6, $0x10  }
0x29a: {  	v8 =	vld [tilespmem:s21+$0xC10];
	v6 =	vand.u32 $0xFFFF0000, v6;
	[tilespmem:s23+$0x1800] =	vst v7  }
0x29b: {  	[tilespmem:s23+$0x1810] =	vst v6  }
0x29c: {  	v6 =	vld [tilespmem:s22+$0xC10];
	_ =	sdelay $0x2  }
0x29d: {  	v7 =	vshll.u32 v8, $0x10  }
0x29e: {  	v8 =	vand.u32 $0xFFFF0000, v8;
	[tilespmem:s24+$0x1820] =	vst v7  }
0x29f: {  	[tilespmem:s24+$0x1830] =	vst v8;
	v7 =	vshll.u32 v6, $0x10  }
0x2a0: {  	v8 =	vld [tilespmem:s21+$0xC20];
	v6 =	vand.u32 $0xFFFF0000, v6;
	[tilespmem:s23+$0x1820] =	vst v7  }
0x2a1: {  	[tilespmem:s23+$0x1830] =	vst v6  }
0x2a2: {  	v6 =	vld [tilespmem:s22+$0xC20];
	_ =	sdelay $0x2  }
0x2a3: {  	v7 =	vshll.u32 v8, $0x10  }
0x2a4: {  	v8 =	vand.u32 $0xFFFF0000, v8;
	[tilespmem:s24+$0x1840] =	vst v7  }
0x2a5: {  	[tilespmem:s24+$0x1850] =	vst v8;
	v7 =	vshll.u32 v6, $0x10  }
0x2a6: {  	v8 =	vld [tilespmem:s21+$0xC30];
	v6 =	vand.u32 $0xFFFF0000, v6;
	[tilespmem:s23+$0x1840] =	vst v7  }
0x2a7: {  	[tilespmem:s23+$0x1850] =	vst v6  }
0x2a8: {  	v6 =	vld [tilespmem:s22+$0xC30];
	_ =	sdelay $0x2  }
0x2a9: {  	v7 =	vshll.u32 v8, $0x10  }
0x2aa: {  	v8 =	vand.u32 $0xFFFF0000, v8;
	[tilespmem:s24+$0x1860] =	vst v7  }
0x2ab: {  	[tilespmem:s24+$0x1870] =	vst v8;
	v7 =	vshll.u32 v6, $0x10  }
0x2ac: {  	v8 =	vld [tilespmem:s21+$0xC40];
	v6 =	vand.u32 $0xFFFF0000, v6;
	[tilespmem:s23+$0x1860] =	vst v7  }
0x2ad: {  	[tilespmem:s23+$0x1870] =	vst v6  }
0x2ae: {  	v6 =	vld [tilespmem:s22+$0xC40]  }
0x2af: {  	v7 =	vshll.u32 v5, $0x10  }
0x2b0: {  	v5 =	vand.u32 $0xFFFF0000, v5;
	[tilespmem:s20+$0x1C40] =	vst v7  }
0x2b1: {  	[tilespmem:s20+$0x1C50] =	vst v5;
	v5 =	vshll.u32 v8, $0x10  }
0x2b2: {  	v7 =	vld [tilespmem:s19+$0xC70];
	v8 =	vand.u32 $0xFFFF0000, v8;
	[tilespmem:s24+$0x1C00] =	vst v5  }
0x2b3: {  	[tilespmem:s24+$0x1C10] =	vst v8;
	v5 =	vshll.u32 v6, $0x10  }
0x2b4: {  	v8 =	vld [tilespmem:s21+$0xC50];
	v6 =	vand.u32 $0xFFFF0000, v6;
	[tilespmem:s23+$0x1C00] =	vst v5  }
0x2b5: {  	[tilespmem:s23+$0x1C10] =	vst v6  }
0x2b6: {  	[tilespmem:s17+$0x1C60] =	vst v3;
	v3 =	vand.u32 $0xFFFF0000, v4;
	v5 =	vld [tilespmem:s22+$0xC50]  }
0x2b7: {  	[tilespmem:s18+$0x1C70] =	vst v3;
	v3 =	vshll.u32 v7, $0x10  }
0x2b8: {  	v6 =	vand.u32 $0xFFFF0000, v7;
	[tilespmem:s20+$0x1C60] =	vst v3  }
0x2b9: {  	[tilespmem:s20+$0x1C70] =	vst v6;
	v3 =	vshll.u32 v8, $0x10  }
0x2ba: {  	v6 =	vand.u32 $0xFFFF0000, v8;
	[tilespmem:s24+$0x1C20] =	vst v3  }
0x2bb: {  	[tilespmem:s24+$0x1C30] =	vst v6;
	v3 =	vshll.u32 v5, $0x10  }
0x2bc: {  	v6 =	vld [tilespmem:s21+$0xC60];
	v5 =	vand.u32 $0xFFFF0000, v5;
	[tilespmem:s23+$0x1C20] =	vst v3  }
0x2bd: {  	[tilespmem:s23+$0x1C30] =	vst v5  }
0x2be: {  	v3 =	vld [tilespmem:s22+$0xC60];
	_ =	sdelay $0x2  }
0x2bf: {  	v5 =	vshll.u32 v6, $0x10  }
0x2c0: {  	v6 =	vand.u32 $0xFFFF0000, v6;
	[tilespmem:s24+$0x1C40] =	vst v5  }
0x2c1: {  	[tilespmem:s24+$0x1C50] =	vst v6;
	v5 =	vshll.u32 v3, $0x10  }
0x2c2: {  	v3 =	vand.u32 $0xFFFF0000, v3;
	[tilespmem:s23+$0x1C40] =	vst v5  }
0x2c3: {  	v5 =	vld [tilespmem:s21+$0xC70];
	[tilespmem:s23+$0x1C50] =	vst v3  }
0x2c4: {  	v3 =	vld [tilespmem:s22+$0xC70];
	_ =	sdelay $0x2  }
0x2c5: {  	v4 =	vshll.u32 v4, $0x10  }
0x2c6: {  	[tilespmem:s18+$0x1C60] =	vst v4;
	v4 =	vand.u32 $0xFFFF0000, v5  }
0x2c7: {  	[tilespmem:s24+$0x1C70] =	vst v4;
	v4 =	vshll.u32 v3, $0x10  }
0x2c8: {  	p0 =	seq.s32 s16, $0x1F;
	v3 =	vand.u32 $0xFFFF0000, v3;
	[tilespmem:s23+$0x1C60] =	vst v4  }
0x2c9: {  	s17 =	sshll.u32 @!p0 s16, $0x8;
	v4 =	vshll.u32 v5, $0x10;
	[tilespmem:s23+$0x1C70] =	vst v3  }
0x2ca: {  	s17 =	sand.u32 @!p0 $0x3FFFFF00, s17;
	[tilespmem:s24+$0x1C60] =	vst v4  }
0x2cb: {  	v3 =	vld @!p0 [tilespmem:s17+$0x100];
	_ =	sdelay $0x4  }
0x2cc: {  	v4 =	vshll.u32 @!p0 v3, $0x2  }
0x2cd: {  	v5 =	vlaneseq.u32 @!p0;
	v3 =	vand.u32 @!p0 $0x7, v3;
	v4 =	vand.u32 @!p0 $0xFFFFFFE0, v4  }
0x2ce: {  	v6 =	vshrl.u32 @!p0 v5, $0x3;
	v3 =	vor.u32 @!p0 v3, v4;
	v4 =	vand.u32 @!p0 $0x7, v5  }
0x2cf: {  	v6 =	vmul.u32 @!p0 $0x8, v6;
	v7 =	vperm.xlane @!p0 v3, v4;
	_ =	sdelay $0x1  }
0x2d0: {  	v7 =	vadd.s32 @!p0 v6, v7  }
0x2d1: {  	v5 =	vor.u32 @!p0 $0x8, v5  }
0x2d2: {  	v3 =	vperm.xlane @!p0 v3, v5;
	_ =	sdelay $0x1  }
0x2d3: {  	vm1 =	vmmov @!p0 $0xffff;
	s19 =	simm.s32 @!p0 $0x0;
	s18 =	simm.s32 @!p0 $0x2000;
	v3 =	vadd.s32 @!p0 v6, v3  }
0x2d4: {  	[tilespmem:s18], [sflag:$0x1] =	stream.indirect_vreg.gather @!p0 [hbm4b:s4+s19], $0x80, v7, vm1, $0xb8;
	v63 =	vld [tilespmem:$0x0]  }
0x2d5: {  	s18 =	simm.s32 @!p0 $0x2800  }
0x2d6: {  	[tilespmem:s18], [sflag:$0x1] =	stream.indirect_vreg.gather @!p0 [hbm4b:s7+s19], $0x80, v7, vm1, $0xb8;
	v63 =	vld [tilespmem:$0x0]  }
0x2d7: {  	s18 =	simm.s32 @!p0 $0x3000  }
0x2d8: {  	[tilespmem:s18], [sflag:$0x1] =	stream.indirect_vreg.gather @!p0 [hbm4b:s4+s19], $0x80, v3, vm1, $0xb8;
	v63 =	vld [tilespmem:$0x0]  }
0x2d9: {  	s18 =	simm.s32 @!p0 $0x3800  }
0x2da: {  	[tilespmem:s18], [sflag:$0x1] =	stream.indirect_vreg.gather @!p0 [hbm4b:s7+s19], $0x80, v3, vm1, $0xb8;
	v63 =	vld [tilespmem:$0x0]  }
0x2db: {  	v3 =	vld @!p0 [tilespmem:s17+$0x110];
	_ =	sdelay $0x4  }
0x2dc: {  	v7 =	vshll.u32 @!p0 v3, $0x2  }
0x2dd: {  	v3 =	vand.u32 @!p0 $0x7, v3;
	v7 =	vand.u32 @!p0 $0xFFFFFFE0, v7  }
0x2de: {  	v3 =	vor.u32 @!p0 v3, v7  }
0x2df: {  	v7 =	vperm.xlane @!p0 v3, v4;
	_ =	sdelay $0x1  }
0x2e0: {  	v7 =	vadd.s32 @!p0 v6, v7;
	_ =	sdelay $0x1  }
0x2e1: {  	v3 =	vperm.xlane @!p0 v3, v5;
	_ =	sdelay $0x1  }
0x2e2: {  	s18 =	simm.s32 @!p0 $0x4000;
	v3 =	vadd.s32 @!p0 v6, v3  }
0x2e3: {  	[tilespmem:s18], [sflag:$0x1] =	stream.indirect_vreg.gather @!p0 [hbm4b:s4+s19], $0x80, v7, vm1, $0xb8;
	v63 =	vld [tilespmem:$0x0]  }
0x2e4: {  	s18 =	simm.s32 @!p0 $0x4800  }
0x2e5: {  	[tilespmem:s18], [sflag:$0x1] =	stream.indirect_vreg.gather @!p0 [hbm4b:s7+s19], $0x80, v7, vm1, $0xb8;
	v63 =	vld [tilespmem:$0x0]  }
0x2e6: {  	s18 =	simm.s32 @!p0 $0x5000  }
0x2e7: {  	[tilespmem:s18], [sflag:$0x1] =	stream.indirect_vreg.gather @!p0 [hbm4b:s4+s19], $0x80, v3, vm1, $0xb8;
	v63 =	vld [tilespmem:$0x0]  }
0x2e8: {  	s18 =	simm.s32 @!p0 $0x5800  }
0x2e9: {  	[tilespmem:s18], [sflag:$0x1] =	stream.indirect_vreg.gather @!p0 [hbm4b:s7+s19], $0x80, v3, vm1, $0xb8;
	v63 =	vld [tilespmem:$0x0]  }
0x2ea: {  	v3 =	vld.msk @!p0 [tilespmem:s17+$0x120], $0xff;
	_ =	sdelay $0x4  }
0x2eb: {  	v5 =	vshll.u32 @!p0 v3, $0x2  }
0x2ec: {  	v3 =	vand.u32 @!p0 $0x7, v3;
	v5 =	vand.u32 @!p0 $0xFFFFFFE0, v5  }
0x2ed: {  	v3 =	vor.u32 @!p0 v3, v5  }
0x2ee: {  	v3 =	vperm.xlane @!p0 v3, v4;
	_ =	sdelay $0x1  }
0x2ef: {  	v3 =	vadd.s32 @!p0 v6, v3;
	_ =	sdelay $0x3  }
0x2f0: {  	s18 =	simm.s32 @!p0 $0x6000  }
0x2f1: {  	[tilespmem:s18], [sflag:$0x1] =	stream.indirect_vreg.gather @!p0 [hbm4b:s4+s19], $0x80, v3, vm1, $0xb8;
	v63 =	vld [tilespmem:$0x0]  }
0x2f2: {  	s20 =	simm.s32 @!p0 $0x6800;
	s18 =	smul.u32 $0x50, s16  }
0x2f3: {  	[tilespmem:s20], [sflag:$0x1] =	stream.indirect_vreg.gather @!p0 [hbm4b:s7+s19], $0x80, v3, vm1, $0xb8;
	v63 =	vld [tilespmem:$0x0]  }
0x2f4: {  	s25 =	sadd.s32 s5, s18  }
0x2f5: {  	s19 =	sshll.u32 s25, $0x7  }
0x2f6: {  	s19 =	sadd.s32 s2, s19  }
0x2f7: {  	[hbm4b:s19+s3] =	stream.linear.scatter [tilespmem:s1], [sflag:$0x3], $0xA000, $0x38;
	v63 =	vld [tilespmem:$0x0]  }
0x2f8: {  	_ =	swait.ge [sflag:s11], $0x5000  }
0x2f9: {  	s26 =	simm.s32 $0x0;
	[sflag:s11] =	ssyncset.done $0x0  }
0x2fa: {  	s29 =	simm.s32 $0x0;
	s19 =	simm.s32 @!p1 $0x4;
	[sflag:s11] =	ssyncadd.s32 $0xFFFFB000  }
0x2fb: {  	s21 =	sand.u32 $0x3FFFF000, s29;
	s20 =	sand.u32 $0x300, s26;
	_ =	swait.ge @!p1 [sflag:s19], $0xA000  }
0x2fc: {  	s21 =	sadd.s32 $0x7000, s21;
	s31 =	sor.u32 $0x80, s20;
	[sflag:s19] =	ssyncset.done @!p1 $0x0  }
0x2fd: {  	s6 =	sor.u32 s31, s21;
	[sflag:s19] =	ssyncadd.s32 @!p1 $0xFFFF6000  }
0x2fe: {  	v3 =	vld [tilespmem:s6+$0x0];
	_ =	sdelay $0x1  }
0x2ff: {  	s9 =	simm.s32 $0x0  }
0x300: {  	s23 =	sor.u32 s20, s21;
	s19 =	sand.u32 $0x3FFFE000, s9  }
0x301: {  	v4 =	vld [tilespmem:s23+$0x0];
	s25 =	sadd.s32 $0x16000, s19  }
0x302: {  	s19 =	sor.u32 s31, s25;
	v5 =	vshll.u32 v3, $0x10  }
0x303: {  	v3 =	vand.u32 $0xFFFF0000, v3;
	[tilespmem:s19+$0x0] =	vst v5  }
0x304: {  	[tilespmem:s19+$0x10] =	vst v3  }
0x305: {  	v3 =	vld [tilespmem:s6+$0x10]  }
0x306: {  	s25 =	sor.u32 s20, s25;
	v5 =	vshll.u32 v4, $0x10  }
0x307: {  	v4 =	vand.u32 $0xFFFF0000, v4;
	[tilespmem:s25+$0x0] =	vst v5  }
0x308: {  	[tilespmem:s25+$0x10] =	vst v4  }
0x309: {  	v4 =	vld [tilespmem:s23+$0x10]  }
0x30a: {  	v5 =	vshll.u32 v3, $0x10  }
0x30b: {  	v3 =	vand.u32 $0xFFFF0000, v3;
	[tilespmem:s19+$0x20] =	vst v5  }
0x30c: {  	[tilespmem:s19+$0x30] =	vst v3  }
0x30d: {  	v3 =	vld [tilespmem:s6+$0x20]  }
0x30e: {  	v5 =	vshll.u32 v4, $0x10  }
0x30f: {  	v4 =	vand.u32 $0xFFFF0000, v4;
	[tilespmem:s25+$0x20] =	vst v5  }
0x310: {  	[tilespmem:s25+$0x30] =	vst v4  }
0x311: {  	v4 =	vld [tilespmem:s23+$0x20]  }
0x312: {  	v5 =	vshll.u32 v3, $0x10  }
0x313: {  	v3 =	vand.u32 $0xFFFF0000, v3;
	[tilespmem:s19+$0x40] =	vst v5  }
0x314: {  	[tilespmem:s19+$0x50] =	vst v3  }
0x315: {  	v3 =	vld [tilespmem:s6+$0x30]  }
0x316: {  	v5 =	vshll.u32 v4, $0x10  }
0x317: {  	v4 =	vand.u32 $0xFFFF0000, v4;
	[tilespmem:s25+$0x40] =	vst v5  }
0x318: {  	[tilespmem:s25+$0x50] =	vst v4  }
0x319: {  	v4 =	vld [tilespmem:s23+$0x30]  }
0x31a: {  	v5 =	vshll.u32 v3, $0x10  }
0x31b: {  	v3 =	vand.u32 $0xFFFF0000, v3;
	[tilespmem:s19+$0x60] =	vst v5  }
0x31c: {  	[tilespmem:s19+$0x70] =	vst v3  }
0x31d: {  	v3 =	vld [tilespmem:s6+$0x40]  }
0x31e: {  	v5 =	vshll.u32 v4, $0x10  }
0x31f: {  	v4 =	vand.u32 $0xFFFF0000, v4;
	[tilespmem:s25+$0x60] =	vst v5  }
0x320: {  	[tilespmem:s25+$0x70] =	vst v4  }
0x321: {  	v4 =	vld [tilespmem:s23+$0x40]  }
0x322: {  	v5 =	vshll.u32 v3, $0x10  }
0x323: {  	v3 =	vand.u32 $0xFFFF0000, v3;
	[tilespmem:s19+$0x400] =	vst v5  }
0x324: {  	[tilespmem:s19+$0x410] =	vst v3  }
0x325: {  	v3 =	vld [tilespmem:s6+$0x50]  }
0x326: {  	v5 =	vshll.u32 v4, $0x10  }
0x327: {  	v4 =	vand.u32 $0xFFFF0000, v4;
	[tilespmem:s25+$0x400] =	vst v5  }
0x328: {  	[tilespmem:s25+$0x410] =	vst v4  }
0x329: {  	v4 =	vld [tilespmem:s23+$0x50]  }
0x32a: {  	v5 =	vshll.u32 v3, $0x10  }
0x32b: {  	v3 =	vand.u32 $0xFFFF0000, v3;
	[tilespmem:s19+$0x420] =	vst v5  }
0x32c: {  	[tilespmem:s19+$0x430] =	vst v3  }
0x32d: {  	v3 =	vld [tilespmem:s6+$0x60]  }
0x32e: {  	v5 =	vshll.u32 v4, $0x10  }
0x32f: {  	v4 =	vand.u32 $0xFFFF0000, v4;
	[tilespmem:s25+$0x420] =	vst v5  }
0x330: {  	[tilespmem:s25+$0x430] =	vst v4  }
0x331: {  	v4 =	vld [tilespmem:s23+$0x60]  }
0x332: {  	v5 =	vshll.u32 v3, $0x10  }
0x333: {  	v3 =	vand.u32 $0xFFFF0000, v3;
	[tilespmem:s19+$0x440] =	vst v5  }
0x334: {  	[tilespmem:s19+$0x450] =	vst v3  }
0x335: {  	v3 =	vld [tilespmem:s6+$0x70]  }
0x336: {  	v5 =	vshll.u32 v4, $0x10  }
0x337: {  	v4 =	vand.u32 $0xFFFF0000, v4;
	[tilespmem:s25+$0x440] =	vst v5  }
0x338: {  	[tilespmem:s25+$0x450] =	vst v4  }
0x339: {  	v4 =	vld [tilespmem:s23+$0x70]  }
0x33a: {  	v5 =	vshll.u32 v3, $0x10  }
0x33b: {  	v3 =	vand.u32 $0xFFFF0000, v3;
	[tilespmem:s19+$0x460] =	vst v5  }
0x33c: {  	[tilespmem:s19+$0x470] =	vst v3  }
0x33d: {  	v3 =	vld [tilespmem:s6+$0x400]  }
0x33e: {  	v5 =	vshll.u32 v4, $0x10  }
0x33f: {  	v4 =	vand.u32 $0xFFFF0000, v4;
	[tilespmem:s25+$0x460] =	vst v5  }
0x340: {  	[tilespmem:s25+$0x470] =	vst v4  }
0x341: {  	v4 =	vld [tilespmem:s23+$0x400]  }
0x342: {  	v5 =	vshll.u32 v3, $0x10  }
0x343: {  	v3 =	vand.u32 $0xFFFF0000, v3;
	[tilespmem:s19+$0x800] =	vst v5  }
0x344: {  	[tilespmem:s19+$0x810] =	vst v3  }
0x345: {  	v3 =	vld [tilespmem:s6+$0x410]  }
0x346: {  	v5 =	vshll.u32 v4, $0x10  }
0x347: {  	v4 =	vand.u32 $0xFFFF0000, v4;
	[tilespmem:s25+$0x800] =	vst v5  }
0x348: {  	[tilespmem:s25+$0x810] =	vst v4  }
0x349: {  	v4 =	vld [tilespmem:s23+$0x410]  }
0x34a: {  	v5 =	vshll.u32 v3, $0x10  }
0x34b: {  	v3 =	vand.u32 $0xFFFF0000, v3;
	[tilespmem:s19+$0x820] =	vst v5  }
0x34c: {  	[tilespmem:s19+$0x830] =	vst v3  }
0x34d: {  	v3 =	vld [tilespmem:s6+$0x420]  }
0x34e: {  	v5 =	vshll.u32 v4, $0x10  }
0x34f: {  	v4 =	vand.u32 $0xFFFF0000, v4;
	[tilespmem:s25+$0x820] =	vst v5  }
0x350: {  	[tilespmem:s25+$0x830] =	vst v4  }
0x351: {  	v4 =	vld [tilespmem:s23+$0x420]  }
0x352: {  	v5 =	vshll.u32 v3, $0x10  }
0x353: {  	v3 =	vand.u32 $0xFFFF0000, v3;
	[tilespmem:s19+$0x840] =	vst v5  }
0x354: {  	[tilespmem:s19+$0x850] =	vst v3  }
0x355: {  	v3 =	vld [tilespmem:s6+$0x430]  }
0x356: {  	v5 =	vshll.u32 v4, $0x10  }
0x357: {  	v4 =	vand.u32 $0xFFFF0000, v4;
	[tilespmem:s25+$0x840] =	vst v5  }
0x358: {  	[tilespmem:s25+$0x850] =	vst v4  }
0x359: {  	v4 =	vld [tilespmem:s23+$0x430]  }
0x35a: {  	v5 =	vshll.u32 v3, $0x10  }
0x35b: {  	v3 =	vand.u32 $0xFFFF0000, v3;
	[tilespmem:s19+$0x860] =	vst v5  }
0x35c: {  	[tilespmem:s19+$0x870] =	vst v3  }
0x35d: {  	v3 =	vld [tilespmem:s6+$0x440]  }
0x35e: {  	v5 =	vshll.u32 v4, $0x10  }
0x35f: {  	v4 =	vand.u32 $0xFFFF0000, v4;
	[tilespmem:s25+$0x860] =	vst v5  }
0x360: {  	[tilespmem:s25+$0x870] =	vst v4  }
0x361: {  	v4 =	vld [tilespmem:s23+$0x440]  }
0x362: {  	v5 =	vshll.u32 v3, $0x10  }
0x363: {  	v3 =	vand.u32 $0xFFFF0000, v3;
	[tilespmem:s19+$0xC00] =	vst v5  }
0x364: {  	[tilespmem:s19+$0xC10] =	vst v3  }
0x365: {  	v3 =	vld [tilespmem:s6+$0x450]  }
0x366: {  	v5 =	vshll.u32 v4, $0x10  }
0x367: {  	v4 =	vand.u32 $0xFFFF0000, v4;
	[tilespmem:s25+$0xC00] =	vst v5  }
0x368: {  	[tilespmem:s25+$0xC10] =	vst v4  }
0x369: {  	v4 =	vld [tilespmem:s23+$0x450]  }
0x36a: {  	v5 =	vshll.u32 v3, $0x10  }
0x36b: {  	v3 =	vand.u32 $0xFFFF0000, v3;
	[tilespmem:s19+$0xC20] =	vst v5  }
0x36c: {  	[tilespmem:s19+$0xC30] =	vst v3  }
0x36d: {  	v3 =	vld [tilespmem:s6+$0x460]  }
0x36e: {  	v5 =	vshll.u32 v4, $0x10  }
0x36f: {  	v4 =	vand.u32 $0xFFFF0000, v4;
	[tilespmem:s25+$0xC20] =	vst v5  }
0x370: {  	[tilespmem:s25+$0xC30] =	vst v4  }
0x371: {  	v4 =	vld [tilespmem:s23+$0x460]  }
0x372: {  	v5 =	vshll.u32 v3, $0x10  }
0x373: {  	v3 =	vand.u32 $0xFFFF0000, v3;
	[tilespmem:s19+$0xC40] =	vst v5  }
0x374: {  	[tilespmem:s19+$0xC50] =	vst v3  }
0x375: {  	v3 =	vld [tilespmem:s6+$0x470]  }
0x376: {  	v5 =	vshll.u32 v4, $0x10  }
0x377: {  	s29 =	simm.s32 $0x100;
	s26 =	simm.s32 $0x400;
	v4 =	vand.u32 $0xFFFF0000, v4;
	[tilespmem:s25+$0xC40] =	vst v5  }
0x378: {  	s21 =	sand.u32 $0x300, s29;
	s20 =	sand.u32 $0x3FFFF000, s26;
	[tilespmem:s25+$0xC50] =	vst v4  }
0x379: {  	s26 =	sor.u32 $0x80, s21;
	s20 =	sadd.s32 $0x7000, s20;
	v4 =	vld [tilespmem:s23+$0x470]  }
0x37a: {  	s29 =	sor.u32 s26, s20;
	v5 =	vshll.u32 v3, $0x10  }
0x37b: {  	v3 =	vand.u32 $0xFFFF0000, v3;
	[tilespmem:s19+$0xC60] =	vst v5;
	v5 =	vld [tilespmem:s29+$0x0]  }
0x37c: {  	[tilespmem:s19+$0xC70] =	vst v3  }
0x37d: {  	s28 =	simm.s32 $0x800;
	v3 =	vld [tilespmem:s6+$0x800]  }
0x37e: {  	s31 =	sand.u32 $0x3FFFE000, s28;
	s22 =	sor.u32 s21, s20;
	v6 =	vshll.u32 v4, $0x10  }
0x37f: {  	s28 =	sadd.s32 $0x16000, s31;
	v7 =	vld [tilespmem:s22+$0x0];
	v4 =	vand.u32 $0xFFFF0000, v4;
	[tilespmem:s25+$0xC60] =	vst v6  }
0x380: {  	s20 =	sor.u32 s26, s28;
	[tilespmem:s25+$0xC70] =	vst v4;
	v4 =	vshll.u32 v5, $0x10  }
0x381: {  	v6 =	vld [tilespmem:s23+$0x800];
	v5 =	vand.u32 $0xFFFF0000, v5;
	[tilespmem:s20+$0x0] =	vst v4  }
0x382: {  	[tilespmem:s20+$0x10] =	vst v5;
	v4 =	vshll.u32 v3, $0x10  }
0x383: {  	v3 =	vand.u32 $0xFFFF0000, v3;
	v5 =	vld [tilespmem:s29+$0x10];
	[tilespmem:s19+$0x1000] =	vst v4  }
0x384: {  	s21 =	sor.u32 s21, s28;
	v4 =	vshll.u32 v7, $0x10;
	[tilespmem:s19+$0x1010] =	vst v3  }
0x385: {  	v3 =	vand.u32 $0xFFFF0000, v7;
	[tilespmem:s21+$0x0] =	vst v4;
	v4 =	vld [tilespmem:s6+$0x810]  }
0x386: {  	v7 =	vshll.u32 v6, $0x10;
	[tilespmem:s21+$0x10] =	vst v3  }
0x387: {  	v3 =	vand.u32 $0xFFFF0000, v6;
	[tilespmem:s25+$0x1000] =	vst v7;
	v6 =	vld [tilespmem:s22+$0x10]  }
0x388: {  	[tilespmem:s25+$0x1010] =	vst v3;
	v7 =	vshll.u32 v5, $0x10  }
0x389: {  	v3 =	vand.u32 $0xFFFF0000, v5;
	v5 =	vld [tilespmem:s23+$0x810];
	[tilespmem:s20+$0x20] =	vst v7  }
0x38a: {  	[tilespmem:s20+$0x30] =	vst v3;
	v3 =	vshll.u32 v4, $0x10  }
0x38b: {  	v4 =	vand.u32 $0xFFFF0000, v4;
	v7 =	vld [tilespmem:s29+$0x20];
	[tilespmem:s19+$0x1020] =	vst v3  }
0x38c: {  	v3 =	vshll.u32 v6, $0x10;
	[tilespmem:s19+$0x1030] =	vst v4  }
0x38d: {  	v4 =	vand.u32 $0xFFFF0000, v6;
	[tilespmem:s21+$0x20] =	vst v3;
	v3 =	vld [tilespmem:s6+$0x820]  }
0x38e: {  	[tilespmem:s21+$0x30] =	vst v4;
	v4 =	vshll.u32 v5, $0x10  }
0x38f: {  	v6 =	vld [tilespmem:s22+$0x20];
	v5 =	vand.u32 $0xFFFF0000, v5;
	[tilespmem:s25+$0x1020] =	vst v4  }
0x390: {  	[tilespmem:s25+$0x1030] =	vst v5;
	v4 =	vshll.u32 v7, $0x10  }
0x391: {  	v5 =	vand.u32 $0xFFFF0000, v7;
	[tilespmem:s20+$0x40] =	vst v4;
	v4 =	vld [tilespmem:s23+$0x820]  }
0x392: {  	[tilespmem:s20+$0x50] =	vst v5;
	v5 =	vshll.u32 v3, $0x10  }
0x393: {  	v3 =	vand.u32 $0xFFFF0000, v3;
	v7 =	vld [tilespmem:s29+$0x30];
	[tilespmem:s19+$0x1040] =	vst v5  }
0x394: {  	v5 =	vshll.u32 v6, $0x10;
	[tilespmem:s19+$0x1050] =	vst v3  }
0x395: {  	v3 =	vand.u32 $0xFFFF0000, v6;
	[tilespmem:s21+$0x40] =	vst v5;
	v5 =	vld [tilespmem:s6+$0x830]  }
0x396: {  	[tilespmem:s21+$0x50] =	vst v3;
	v3 =	vshll.u32 v4, $0x10  }
0x397: {  	v6 =	vld [tilespmem:s22+$0x30];
	v4 =	vand.u32 $0xFFFF0000, v4;
	[tilespmem:s25+$0x1040] =	vst v3  }
0x398: {  	v3 =	vshll.u32 v7, $0x10;
	[tilespmem:s25+$0x1050] =	vst v4  }
0x399: {  	v4 =	vand.u32 $0xFFFF0000, v7;
	[tilespmem:s20+$0x60] =	vst v3;
	v3 =	vld [tilespmem:s23+$0x830]  }
0x39a: {  	[tilespmem:s20+$0x70] =	vst v4;
	v4 =	vshll.u32 v5, $0x10  }
0x39b: {  	v5 =	vand.u32 $0xFFFF0000, v5;
	v7 =	vld [tilespmem:s29+$0x40];
	[tilespmem:s19+$0x1060] =	vst v4  }
0x39c: {  	v4 =	vshll.u32 v6, $0x10;
	[tilespmem:s19+$0x1070] =	vst v5  }
0x39d: {  	v5 =	vand.u32 $0xFFFF0000, v6;
	[tilespmem:s21+$0x60] =	vst v4;
	v4 =	vld [tilespmem:s6+$0x840]  }
0x39e: {  	[tilespmem:s21+$0x70] =	vst v5;
	v5 =	vshll.u32 v3, $0x10  }
0x39f: {  	v6 =	vld [tilespmem:s22+$0x40];
	v3 =	vand.u32 $0xFFFF0000, v3;
	[tilespmem:s25+$0x1060] =	vst v5  }
0x3a0: {  	v5 =	vshll.u32 v7, $0x10;
	[tilespmem:s25+$0x1070] =	vst v3  }
0x3a1: {  	v3 =	vand.u32 $0xFFFF0000, v7;
	[tilespmem:s20+$0x400] =	vst v5;
	v5 =	vld [tilespmem:s23+$0x840]  }
0x3a2: {  	[tilespmem:s20+$0x410] =	vst v3;
	v3 =	vshll.u32 v4, $0x10  }
0x3a3: {  	v4 =	vand.u32 $0xFFFF0000, v4;
	v7 =	vld [tilespmem:s29+$0x50];
	[tilespmem:s19+$0x1400] =	vst v3  }
0x3a4: {  	v3 =	vshll.u32 v6, $0x10;
	[tilespmem:s19+$0x1410] =	vst v4  }
0x3a5: {  	v4 =	vand.u32 $0xFFFF0000, v6;
	[tilespmem:s21+$0x400] =	vst v3;
	v3 =	vld [tilespmem:s6+$0x850]  }
0x3a6: {  	[tilespmem:s21+$0x410] =	vst v4;
	v4 =	vshll.u32 v5, $0x10  }
0x3a7: {  	v6 =	vld [tilespmem:s22+$0x50];
	v5 =	vand.u32 $0xFFFF0000, v5;
	[tilespmem:s25+$0x1400] =	vst v4  }
0x3a8: {  	v4 =	vshll.u32 v7, $0x10;
	[tilespmem:s25+$0x1410] =	vst v5  }
0x3a9: {  	v5 =	vand.u32 $0xFFFF0000, v7;
	[tilespmem:s20+$0x420] =	vst v4;
	v4 =	vld [tilespmem:s23+$0x850]  }
0x3aa: {  	[tilespmem:s20+$0x430] =	vst v5;
	v5 =	vshll.u32 v3, $0x10  }
0x3ab: {  	v3 =	vand.u32 $0xFFFF0000, v3;
	v7 =	vld [tilespmem:s29+$0x60];
	[tilespmem:s19+$0x1420] =	vst v5  }
0x3ac: {  	v5 =	vshll.u32 v6, $0x10;
	[tilespmem:s19+$0x1430] =	vst v3  }
0x3ad: {  	v3 =	vand.u32 $0xFFFF0000, v6;
	[tilespmem:s21+$0x420] =	vst v5;
	v5 =	vld [tilespmem:s6+$0x860]  }
0x3ae: {  	[tilespmem:s21+$0x430] =	vst v3;
	v3 =	vshll.u32 v4, $0x10  }
0x3af: {  	v6 =	vld [tilespmem:s22+$0x60];
	v4 =	vand.u32 $0xFFFF0000, v4;
	[tilespmem:s25+$0x1420] =	vst v3  }
0x3b0: {  	v3 =	vshll.u32 v7, $0x10;
	[tilespmem:s25+$0x1430] =	vst v4  }
0x3b1: {  	v4 =	vand.u32 $0xFFFF0000, v7;
	[tilespmem:s20+$0x440] =	vst v3;
	v3 =	vld [tilespmem:s23+$0x860]  }
0x3b2: {  	[tilespmem:s20+$0x450] =	vst v4;
	v4 =	vshll.u32 v5, $0x10  }
0x3b3: {  	v5 =	vand.u32 $0xFFFF0000, v5;
	v7 =	vld [tilespmem:s29+$0x70];
	[tilespmem:s19+$0x1440] =	vst v4  }
0x3b4: {  	v4 =	vshll.u32 v6, $0x10;
	[tilespmem:s19+$0x1450] =	vst v5  }
0x3b5: {  	v5 =	vand.u32 $0xFFFF0000, v6;
	[tilespmem:s21+$0x440] =	vst v4;
	v4 =	vld [tilespmem:s6+$0x870]  }
0x3b6: {  	[tilespmem:s21+$0x450] =	vst v5;
	v5 =	vshll.u32 v3, $0x10  }
0x3b7: {  	v6 =	vld [tilespmem:s22+$0x70];
	v3 =	vand.u32 $0xFFFF0000, v3;
	[tilespmem:s25+$0x1440] =	vst v5  }
0x3b8: {  	v5 =	vshll.u32 v7, $0x10;
	[tilespmem:s25+$0x1450] =	vst v3  }
0x3b9: {  	v3 =	vand.u32 $0xFFFF0000, v7;
	[tilespmem:s20+$0x460] =	vst v5;
	v5 =	vld [tilespmem:s23+$0x870]  }
0x3ba: {  	[tilespmem:s20+$0x470] =	vst v3;
	v3 =	vshll.u32 v4, $0x10  }
0x3bb: {  	v4 =	vand.u32 $0xFFFF0000, v4;
	v7 =	vld [tilespmem:s29+$0x400];
	[tilespmem:s19+$0x1460] =	vst v3  }
0x3bc: {  	v3 =	vshll.u32 v6, $0x10;
	[tilespmem:s19+$0x1470] =	vst v4  }
0x3bd: {  	v4 =	vand.u32 $0xFFFF0000, v6;
	[tilespmem:s21+$0x460] =	vst v3;
	v3 =	vld [tilespmem:s6+$0xC00]  }
0x3be: {  	[tilespmem:s21+$0x470] =	vst v4;
	v4 =	vshll.u32 v5, $0x10  }
0x3bf: {  	v6 =	vld [tilespmem:s22+$0x400];
	v5 =	vand.u32 $0xFFFF0000, v5;
	[tilespmem:s25+$0x1460] =	vst v4  }
0x3c0: {  	v4 =	vshll.u32 v7, $0x10;
	[tilespmem:s25+$0x1470] =	vst v5  }
0x3c1: {  	v5 =	vand.u32 $0xFFFF0000, v7;
	[tilespmem:s20+$0x800] =	vst v4;
	v4 =	vld [tilespmem:s23+$0xC00]  }
0x3c2: {  	[tilespmem:s20+$0x810] =	vst v5;
	v5 =	vshll.u32 v3, $0x10  }
0x3c3: {  	v3 =	vand.u32 $0xFFFF0000, v3;
	v7 =	vld [tilespmem:s29+$0x410];
	[tilespmem:s19+$0x1800] =	vst v5  }
0x3c4: {  	v5 =	vshll.u32 v6, $0x10;
	[tilespmem:s19+$0x1810] =	vst v3  }
0x3c5: {  	v3 =	vand.u32 $0xFFFF0000, v6;
	[tilespmem:s21+$0x800] =	vst v5;
	v5 =	vld [tilespmem:s6+$0xC10]  }
0x3c6: {  	[tilespmem:s21+$0x810] =	vst v3;
	v3 =	vshll.u32 v4, $0x10  }
0x3c7: {  	v6 =	vld [tilespmem:s22+$0x410];
	v4 =	vand.u32 $0xFFFF0000, v4;
	[tilespmem:s25+$0x1800] =	vst v3  }
0x3c8: {  	v3 =	vshll.u32 v7, $0x10;
	[tilespmem:s25+$0x1810] =	vst v4  }
0x3c9: {  	v4 =	vand.u32 $0xFFFF0000, v7;
	[tilespmem:s20+$0x820] =	vst v3;
	v3 =	vld [tilespmem:s23+$0xC10]  }
0x3ca: {  	[tilespmem:s20+$0x830] =	vst v4;
	v4 =	vshll.u32 v5, $0x10  }
0x3cb: {  	v5 =	vand.u32 $0xFFFF0000, v5;
	v7 =	vld [tilespmem:s29+$0x420];
	[tilespmem:s19+$0x1820] =	vst v4  }
0x3cc: {  	v4 =	vshll.u32 v6, $0x10;
	[tilespmem:s19+$0x1830] =	vst v5  }
0x3cd: {  	v5 =	vand.u32 $0xFFFF0000, v6;
	[tilespmem:s21+$0x820] =	vst v4;
	v4 =	vld [tilespmem:s6+$0xC20]  }
0x3ce: {  	[tilespmem:s21+$0x830] =	vst v5;
	v5 =	vshll.u32 v3, $0x10  }
0x3cf: {  	v6 =	vld [tilespmem:s22+$0x420];
	v3 =	vand.u32 $0xFFFF0000, v3;
	[tilespmem:s25+$0x1820] =	vst v5  }
0x3d0: {  	v5 =	vshll.u32 v7, $0x10;
	[tilespmem:s25+$0x1830] =	vst v3  }
0x3d1: {  	v3 =	vand.u32 $0xFFFF0000, v7;
	[tilespmem:s20+$0x840] =	vst v5;
	v5 =	vld [tilespmem:s23+$0xC20]  }
0x3d2: {  	[tilespmem:s20+$0x850] =	vst v3;
	v3 =	vshll.u32 v4, $0x10  }
0x3d3: {  	v4 =	vand.u32 $0xFFFF0000, v4;
	v7 =	vld [tilespmem:s29+$0x430];
	[tilespmem:s19+$0x1840] =	vst v3  }
0x3d4: {  	v3 =	vshll.u32 v6, $0x10;
	[tilespmem:s19+$0x1850] =	vst v4  }
0x3d5: {  	v4 =	vand.u32 $0xFFFF0000, v6;
	[tilespmem:s21+$0x840] =	vst v3;
	v3 =	vld [tilespmem:s6+$0xC30]  }
0x3d6: {  	[tilespmem:s21+$0x850] =	vst v4;
	v4 =	vshll.u32 v5, $0x10  }
0x3d7: {  	v6 =	vld [tilespmem:s22+$0x430];
	v5 =	vand.u32 $0xFFFF0000, v5;
	[tilespmem:s25+$0x1840] =	vst v4  }
0x3d8: {  	v4 =	vshll.u32 v7, $0x10;
	[tilespmem:s25+$0x1850] =	vst v5  }
0x3d9: {  	v5 =	vand.u32 $0xFFFF0000, v7;
	[tilespmem:s20+$0x860] =	vst v4;
	v4 =	vld [tilespmem:s23+$0xC30]  }
0x3da: {  	[tilespmem:s20+$0x870] =	vst v5;
	v5 =	vshll.u32 v3, $0x10  }
0x3db: {  	v3 =	vand.u32 $0xFFFF0000, v3;
	v7 =	vld [tilespmem:s29+$0x440];
	[tilespmem:s19+$0x1860] =	vst v5  }
0x3dc: {  	v5 =	vshll.u32 v6, $0x10;
	[tilespmem:s19+$0x1870] =	vst v3  }
0x3dd: {  	v3 =	vand.u32 $0xFFFF0000, v6;
	[tilespmem:s21+$0x860] =	vst v5;
	v5 =	vld [tilespmem:s6+$0xC40]  }
0x3de: {  	[tilespmem:s21+$0x870] =	vst v3;
	v3 =	vshll.u32 v4, $0x10  }
0x3df: {  	v6 =	vld [tilespmem:s22+$0x440];
	v4 =	vand.u32 $0xFFFF0000, v4;
	[tilespmem:s25+$0x1860] =	vst v3  }
0x3e0: {  	v3 =	vshll.u32 v7, $0x10;
	[tilespmem:s25+$0x1870] =	vst v4  }
0x3e1: {  	v4 =	vand.u32 $0xFFFF0000, v7;
	[tilespmem:s20+$0xC00] =	vst v3;
	v3 =	vld [tilespmem:s23+$0xC40]  }
0x3e2: {  	[tilespmem:s20+$0xC10] =	vst v4;
	v4 =	vshll.u32 v5, $0x10  }
0x3e3: {  	v5 =	vand.u32 $0xFFFF0000, v5;
	v7 =	vld [tilespmem:s29+$0x450];
	[tilespmem:s19+$0x1C00] =	vst v4  }
0x3e4: {  	v4 =	vshll.u32 v6, $0x10;
	[tilespmem:s19+$0x1C10] =	vst v5  }
0x3e5: {  	v5 =	vand.u32 $0xFFFF0000, v6;
	[tilespmem:s21+$0xC00] =	vst v4;
	v4 =	vld [tilespmem:s6+$0xC50]  }
0x3e6: {  	[tilespmem:s21+$0xC10] =	vst v5;
	v5 =	vshll.u32 v3, $0x10  }
0x3e7: {  	v6 =	vld [tilespmem:s22+$0x450];
	v3 =	vand.u32 $0xFFFF0000, v3;
	[tilespmem:s25+$0x1C00] =	vst v5  }
0x3e8: {  	v5 =	vshll.u32 v7, $0x10;
	[tilespmem:s25+$0x1C10] =	vst v3  }
0x3e9: {  	v3 =	vand.u32 $0xFFFF0000, v7;
	[tilespmem:s20+$0xC20] =	vst v5;
	v5 =	vld [tilespmem:s23+$0xC50]  }
0x3ea: {  	[tilespmem:s20+$0xC30] =	vst v3;
	v3 =	vshll.u32 v4, $0x10  }
0x3eb: {  	v4 =	vand.u32 $0xFFFF0000, v4;
	v7 =	vld [tilespmem:s29+$0x460];
	[tilespmem:s19+$0x1C20] =	vst v3  }
0x3ec: {  	v3 =	vshll.u32 v6, $0x10;
	[tilespmem:s19+$0x1C30] =	vst v4  }
0x3ed: {  	v4 =	vand.u32 $0xFFFF0000, v6;
	[tilespmem:s21+$0xC20] =	vst v3;
	v3 =	vld [tilespmem:s6+$0xC60]  }
0x3ee: {  	[tilespmem:s21+$0xC30] =	vst v4;
	v4 =	vshll.u32 v5, $0x10  }
0x3ef: {  	v6 =	vld [tilespmem:s22+$0x460];
	v5 =	vand.u32 $0xFFFF0000, v5;
	[tilespmem:s25+$0x1C20] =	vst v4  }
0x3f0: {  	v4 =	vshll.u32 v7, $0x10;
	[tilespmem:s25+$0x1C30] =	vst v5  }
0x3f1: {  	v5 =	vand.u32 $0xFFFF0000, v7;
	[tilespmem:s20+$0xC40] =	vst v4;
	v4 =	vld [tilespmem:s23+$0xC60]  }
0x3f2: {  	[tilespmem:s20+$0xC50] =	vst v5;
	v5 =	vshll.u32 v3, $0x10  }
0x3f3: {  	v3 =	vand.u32 $0xFFFF0000, v3;
	[tilespmem:s19+$0x1C40] =	vst v5  }
0x3f4: {  	v5 =	vshll.u32 v6, $0x10;
	v7 =	vld [tilespmem:s29+$0x470];
	[tilespmem:s19+$0x1C50] =	vst v3  }
0x3f5: {  	v6 =	vand.u32 $0xFFFF0000, v6;
	[tilespmem:s21+$0xC40] =	vst v5  }
0x3f6: {  	v3 =	vld [tilespmem:s6+$0xC70];
	[tilespmem:s21+$0xC50] =	vst v6;
	v5 =	vshll.u32 v4, $0x10  }
0x3f7: {  	s28 =	simm.s32 $0x200;
	s6 =	simm.s32 $0x800;
	v6 =	vld [tilespmem:s22+$0x470];
	v4 =	vand.u32 $0xFFFF0000, v4;
	[tilespmem:s25+$0x1C40] =	vst v5  }
0x3f8: {  	s30 =	sand.u32 $0x300, s28;
	s24 =	sand.u32 $0x3FFFF000, s6;
	[tilespmem:s25+$0x1C50] =	vst v4  }
0x3f9: {  	s9 =	sor.u32 $0x80, s30;
	s24 =	sadd.s32 $0x7000, s24;
	v4 =	vshll.u32 v7, $0x10;
	v5 =	vld [tilespmem:s23+$0xC70]  }
0x3fa: {  	v7 =	vand.u32 $0xFFFF0000, v7;
	s23 =	sor.u32 s9, s24;
	[tilespmem:s20+$0xC60] =	vst v4  }
0x3fb: {  	v4 =	vand.u32 $0xFFFF0000, v3;
	[tilespmem:s20+$0xC70] =	vst v7;
	v8 =	vld [tilespmem:s23+$0x0]  }
0x3fc: {  	[tilespmem:s19+$0x1C70] =	vst v4;
	v4 =	vshll.u32 v6, $0x10  }
0x3fd: {  	s31 =	simm.s32 $0x1000;
	v6 =	vand.u32 $0xFFFF0000, v6;
	[tilespmem:s21+$0xC60] =	vst v4;
	v4 =	vld [tilespmem:s29+$0x800]  }
0x3fe: {  	s31 =	sand.u32 $0x3FFFE000, s31;
	s24 =	sor.u32 s30, s24;
	[tilespmem:s21+$0xC70] =	vst v6;
	v6 =	vshll.u32 v5, $0x10  }
0x3ff: {  	s31 =	sadd.s32 $0x16000, s31;
	v7 =	vld [tilespmem:s24+$0x0];
	v5 =	vand.u32 $0xFFFF0000, v5;
	[tilespmem:s25+$0x1C60] =	vst v6  }
0x400: {  	s26 =	sor.u32 s9, s31;
	v6 =	vshll.u32 v8, $0x10;
	[tilespmem:s25+$0x1C70] =	vst v5  }
0x401: {  	v5 =	vld [tilespmem:s22+$0x800];
	v8 =	vand.u32 $0xFFFF0000, v8;
	[tilespmem:s26+$0x0] =	vst v6  }
0x402: {  	[tilespmem:s26+$0x10] =	vst v8;
	v6 =	vshll.u32 v4, $0x10  }
0x403: {  	v4 =	vand.u32 $0xFFFF0000, v4;
	v8 =	vld [tilespmem:s23+$0x10];
	[tilespmem:s20+$0x1000] =	vst v6  }
0x404: {  	s25 =	sor.u32 s30, s31;
	v6 =	vshll.u32 v7, $0x10;
	[tilespmem:s20+$0x1010] =	vst v4  }
0x405: {  	v4 =	vand.u32 $0xFFFF0000, v7;
	[tilespmem:s25+$0x0] =	vst v6;
	v6 =	vld [tilespmem:s29+$0x810]  }
0x406: {  	[tilespmem:s25+$0x10] =	vst v4;
	v7 =	vshll.u32 v5, $0x10  }
0x407: {  	v4 =	vand.u32 $0xFFFF0000, v5;
	v5 =	vld [tilespmem:s24+$0x10];
	[tilespmem:s21+$0x1000] =	vst v7  }
0x408: {  	[tilespmem:s21+$0x1010] =	vst v4;
	v7 =	vshll.u32 v8, $0x10  }
0x409: {  	v4 =	vand.u32 $0xFFFF0000, v8;
	[tilespmem:s26+$0x20] =	vst v7;
	v7 =	vld [tilespmem:s22+$0x810]  }
0x40a: {  	[tilespmem:s26+$0x30] =	vst v4;
	v4 =	vshll.u32 v6, $0x10  }
0x40b: {  	v6 =	vand.u32 $0xFFFF0000, v6;
	v8 =	vld [tilespmem:s23+$0x20];
	[tilespmem:s20+$0x1020] =	vst v4  }
0x40c: {  	[tilespmem:s20+$0x1030] =	vst v6;
	v4 =	vshll.u32 v5, $0x10  }
0x40d: {  	v5 =	vand.u32 $0xFFFF0000, v5;
	[tilespmem:s25+$0x20] =	vst v4;
	v4 =	vld [tilespmem:s29+$0x820]  }
0x40e: {  	[tilespmem:s25+$0x30] =	vst v5;
	v5 =	vshll.u32 v7, $0x10  }
0x40f: {  	v6 =	vand.u32 $0xFFFF0000, v7;
	v7 =	vld [tilespmem:s24+$0x20];
	[tilespmem:s21+$0x1020] =	vst v5  }
0x410: {  	v5 =	vshll.u32 v8, $0x10;
	[tilespmem:s21+$0x1030] =	vst v6  }
0x411: {  	v6 =	vand.u32 $0xFFFF0000, v8;
	[tilespmem:s26+$0x40] =	vst v5;
	v5 =	vld [tilespmem:s22+$0x820]  }
0x412: {  	[tilespmem:s26+$0x50] =	vst v6;
	v6 =	vshll.u32 v4, $0x10  }
0x413: {  	v8 =	vld [tilespmem:s23+$0x30];
	v4 =	vand.u32 $0xFFFF0000, v4;
	[tilespmem:s20+$0x1040] =	vst v6  }
0x414: {  	[tilespmem:s20+$0x1050] =	vst v4;
	v6 =	vshll.u32 v7, $0x10  }
0x415: {  	v4 =	vand.u32 $0xFFFF0000, v7;
	[tilespmem:s25+$0x40] =	vst v6;
	v6 =	vld [tilespmem:s29+$0x830]  }
0x416: {  	[tilespmem:s25+$0x50] =	vst v4;
	v4 =	vshll.u32 v5, $0x10  }
0x417: {  	v5 =	vand.u32 $0xFFFF0000, v5;
	v7 =	vld [tilespmem:s24+$0x30];
	[tilespmem:s21+$0x1040] =	vst v4  }
0x418: {  	v4 =	vshll.u32 v8, $0x10;
	[tilespmem:s21+$0x1050] =	vst v5  }
0x419: {  	v5 =	vand.u32 $0xFFFF0000, v8;
	[tilespmem:s26+$0x60] =	vst v4;
	v4 =	vld [tilespmem:s22+$0x830]  }
0x41a: {  	[tilespmem:s26+$0x70] =	vst v5;
	v5 =	vshll.u32 v6, $0x10  }
0x41b: {  	v8 =	vld [tilespmem:s23+$0x40];
	v6 =	vand.u32 $0xFFFF0000, v6;
	[tilespmem:s20+$0x1060] =	vst v5  }
0x41c: {  	v5 =	vshll.u32 v7, $0x10;
	[tilespmem:s20+$0x1070] =	vst v6  }
0x41d: {  	v6 =	vand.u32 $0xFFFF0000, v7;
	[tilespmem:s25+$0x60] =	vst v5;
	v5 =	vld [tilespmem:s29+$0x840]  }
0x41e: {  	[tilespmem:s25+$0x70] =	vst v6;
	v6 =	vshll.u32 v4, $0x10  }
0x41f: {  	v4 =	vand.u32 $0xFFFF0000, v4;
	v7 =	vld [tilespmem:s24+$0x40];
	[tilespmem:s21+$0x1060] =	vst v6  }
0x420: {  	v6 =	vshll.u32 v8, $0x10;
	[tilespmem:s21+$0x1070] =	vst v4  }
0x421: {  	v4 =	vand.u32 $0xFFFF0000, v8;
	[tilespmem:s26+$0x400] =	vst v6;
	v6 =	vld [tilespmem:s22+$0x840]  }
0x422: {  	[tilespmem:s26+$0x410] =	vst v4;
	v4 =	vshll.u32 v5, $0x10  }
0x423: {  	v8 =	vld [tilespmem:s23+$0x50];
	v5 =	vand.u32 $0xFFFF0000, v5;
	[tilespmem:s20+$0x1400] =	vst v4  }
0x424: {  	v4 =	vshll.u32 v7, $0x10;
	[tilespmem:s20+$0x1410] =	vst v5  }
0x425: {  	v5 =	vand.u32 $0xFFFF0000, v7;
	[tilespmem:s25+$0x400] =	vst v4;
	v4 =	vld [tilespmem:s29+$0x850]  }
0x426: {  	[tilespmem:s25+$0x410] =	vst v5;
	v5 =	vshll.u32 v6, $0x10  }
0x427: {  	v6 =	vand.u32 $0xFFFF0000, v6;
	v7 =	vld [tilespmem:s24+$0x50];
	[tilespmem:s21+$0x1400] =	vst v5  }
0x428: {  	v5 =	vshll.u32 v8, $0x10;
	[tilespmem:s21+$0x1410] =	vst v6  }
0x429: {  	v6 =	vand.u32 $0xFFFF0000, v8;
	[tilespmem:s26+$0x420] =	vst v5;
	v5 =	vld [tilespmem:s22+$0x850]  }
0x42a: {  	[tilespmem:s26+$0x430] =	vst v6;
	v6 =	vshll.u32 v4, $0x10  }
0x42b: {  	v8 =	vld [tilespmem:s23+$0x60];
	v4 =	vand.u32 $0xFFFF0000, v4;
	[tilespmem:s20+$0x1420] =	vst v6  }
0x42c: {  	v6 =	vshll.u32 v7, $0x10;
	[tilespmem:s20+$0x1430] =	vst v4  }
0x42d: {  	v4 =	vand.u32 $0xFFFF0000, v7;
	[tilespmem:s25+$0x420] =	vst v6;
	v6 =	vld [tilespmem:s29+$0x860]  }
0x42e: {  	[tilespmem:s25+$0x430] =	vst v4;
	v4 =	vshll.u32 v5, $0x10  }
0x42f: {  	v5 =	vand.u32 $0xFFFF0000, v5;
	v7 =	vld [tilespmem:s24+$0x60];
	[tilespmem:s21+$0x1420] =	vst v4  }
0x430: {  	v4 =	vshll.u32 v8, $0x10;
	[tilespmem:s21+$0x1430] =	vst v5  }
0x431: {  	v5 =	vand.u32 $0xFFFF0000, v8;
	[tilespmem:s26+$0x440] =	vst v4;
	v4 =	vld [tilespmem:s22+$0x860]  }
0x432: {  	[tilespmem:s26+$0x450] =	vst v5;
	v5 =	vshll.u32 v6, $0x10  }
0x433: {  	v8 =	vld [tilespmem:s23+$0x70];
	v6 =	vand.u32 $0xFFFF0000, v6;
	[tilespmem:s20+$0x1440] =	vst v5  }
0x434: {  	v5 =	vshll.u32 v7, $0x10;
	[tilespmem:s20+$0x1450] =	vst v6  }
0x435: {  	v6 =	vand.u32 $0xFFFF0000, v7;
	[tilespmem:s25+$0x440] =	vst v5;
	v5 =	vld [tilespmem:s29+$0x870]  }
0x436: {  	[tilespmem:s25+$0x450] =	vst v6;
	v6 =	vshll.u32 v4, $0x10  }
0x437: {  	v4 =	vand.u32 $0xFFFF0000, v4;
	v7 =	vld [tilespmem:s24+$0x70];
	[tilespmem:s21+$0x1440] =	vst v6  }
0x438: {  	v6 =	vshll.u32 v8, $0x10;
	[tilespmem:s21+$0x1450] =	vst v4  }
0x439: {  	v4 =	vand.u32 $0xFFFF0000, v8;
	[tilespmem:s26+$0x460] =	vst v6;
	v6 =	vld [tilespmem:s22+$0x870]  }
0x43a: {  	[tilespmem:s26+$0x470] =	vst v4;
	v4 =	vshll.u32 v5, $0x10  }
0x43b: {  	v8 =	vld [tilespmem:s23+$0x400];
	v5 =	vand.u32 $0xFFFF0000, v5;
	[tilespmem:s20+$0x1460] =	vst v4  }
0x43c: {  	v4 =	vshll.u32 v7, $0x10;
	[tilespmem:s20+$0x1470] =	vst v5  }
0x43d: {  	v5 =	vand.u32 $0xFFFF0000, v7;
	[tilespmem:s25+$0x460] =	vst v4;
	v4 =	vld [tilespmem:s29+$0xC00]  }
0x43e: {  	[tilespmem:s25+$0x470] =	vst v5;
	v5 =	vshll.u32 v6, $0x10  }
0x43f: {  	v6 =	vand.u32 $0xFFFF0000, v6;
	v7 =	vld [tilespmem:s24+$0x400];
	[tilespmem:s21+$0x1460] =	vst v5  }
0x440: {  	v5 =	vshll.u32 v8, $0x10;
	[tilespmem:s21+$0x1470] =	vst v6  }
0x441: {  	v6 =	vand.u32 $0xFFFF0000, v8;
	[tilespmem:s26+$0x800] =	vst v5;
	v5 =	vld [tilespmem:s22+$0xC00]  }
0x442: {  	[tilespmem:s26+$0x810] =	vst v6;
	v6 =	vshll.u32 v4, $0x10  }
0x443: {  	v8 =	vld [tilespmem:s23+$0x410];
	v4 =	vand.u32 $0xFFFF0000, v4;
	[tilespmem:s20+$0x1800] =	vst v6  }
0x444: {  	v6 =	vshll.u32 v7, $0x10;
	[tilespmem:s20+$0x1810] =	vst v4  }
0x445: {  	v4 =	vand.u32 $0xFFFF0000, v7;
	[tilespmem:s25+$0x800] =	vst v6;
	v6 =	vld [tilespmem:s29+$0xC10]  }
0x446: {  	[tilespmem:s25+$0x810] =	vst v4;
	v4 =	vshll.u32 v5, $0x10  }
0x447: {  	v5 =	vand.u32 $0xFFFF0000, v5;
	v7 =	vld [tilespmem:s24+$0x410];
	[tilespmem:s21+$0x1800] =	vst v4  }
0x448: {  	v4 =	vshll.u32 v8, $0x10;
	[tilespmem:s21+$0x1810] =	vst v5  }
0x449: {  	v5 =	vand.u32 $0xFFFF0000, v8;
	[tilespmem:s26+$0x820] =	vst v4;
	v4 =	vld [tilespmem:s22+$0xC10]  }
0x44a: {  	[tilespmem:s26+$0x830] =	vst v5;
	v5 =	vshll.u32 v6, $0x10  }
0x44b: {  	v8 =	vld [tilespmem:s23+$0x420];
	v6 =	vand.u32 $0xFFFF0000, v6;
	[tilespmem:s20+$0x1820] =	vst v5  }
0x44c: {  	v5 =	vshll.u32 v7, $0x10;
	[tilespmem:s20+$0x1830] =	vst v6  }
0x44d: {  	v6 =	vand.u32 $0xFFFF0000, v7;
	[tilespmem:s25+$0x820] =	vst v5;
	v5 =	vld [tilespmem:s29+$0xC20]  }
0x44e: {  	[tilespmem:s25+$0x830] =	vst v6;
	v6 =	vshll.u32 v4, $0x10  }
0x44f: {  	v4 =	vand.u32 $0xFFFF0000, v4;
	v7 =	vld [tilespmem:s24+$0x420];
	[tilespmem:s21+$0x1820] =	vst v6  }
0x450: {  	v6 =	vshll.u32 v8, $0x10;
	[tilespmem:s21+$0x1830] =	vst v4  }
0x451: {  	v4 =	vand.u32 $0xFFFF0000, v8;
	[tilespmem:s26+$0x840] =	vst v6;
	v6 =	vld [tilespmem:s22+$0xC20]  }
0x452: {  	[tilespmem:s26+$0x850] =	vst v4;
	v4 =	vshll.u32 v5, $0x10  }
0x453: {  	v8 =	vld [tilespmem:s23+$0x430];
	v5 =	vand.u32 $0xFFFF0000, v5;
	[tilespmem:s20+$0x1840] =	vst v4  }
0x454: {  	v4 =	vshll.u32 v7, $0x10;
	[tilespmem:s20+$0x1850] =	vst v5  }
0x455: {  	v5 =	vand.u32 $0xFFFF0000, v7;
	[tilespmem:s25+$0x840] =	vst v4;
	v4 =	vld [tilespmem:s29+$0xC30]  }
0x456: {  	[tilespmem:s25+$0x850] =	vst v5;
	v5 =	vshll.u32 v6, $0x10  }
0x457: {  	v6 =	vand.u32 $0xFFFF0000, v6;
	v7 =	vld [tilespmem:s24+$0x430];
	[tilespmem:s21+$0x1840] =	vst v5  }
0x458: {  	v5 =	vshll.u32 v8, $0x10;
	[tilespmem:s21+$0x1850] =	vst v6  }
0x459: {  	v6 =	vand.u32 $0xFFFF0000, v8;
	[tilespmem:s26+$0x860] =	vst v5;
	v5 =	vld [tilespmem:s22+$0xC30]  }
0x45a: {  	[tilespmem:s26+$0x870] =	vst v6;
	v6 =	vshll.u32 v4, $0x10  }
0x45b: {  	v8 =	vld [tilespmem:s23+$0x440];
	v4 =	vand.u32 $0xFFFF0000, v4;
	[tilespmem:s20+$0x1860] =	vst v6  }
0x45c: {  	v6 =	vshll.u32 v7, $0x10;
	[tilespmem:s20+$0x1870] =	vst v4  }
0x45d: {  	v4 =	vand.u32 $0xFFFF0000, v7;
	[tilespmem:s25+$0x860] =	vst v6;
	v6 =	vld [tilespmem:s29+$0xC40]  }
0x45e: {  	[tilespmem:s25+$0x870] =	vst v4;
	v4 =	vshll.u32 v5, $0x10  }
0x45f: {  	v5 =	vand.u32 $0xFFFF0000, v5;
	v7 =	vld [tilespmem:s24+$0x440];
	[tilespmem:s21+$0x1860] =	vst v4  }
0x460: {  	v4 =	vshll.u32 v8, $0x10;
	[tilespmem:s21+$0x1870] =	vst v5  }
0x461: {  	v5 =	vand.u32 $0xFFFF0000, v8;
	[tilespmem:s26+$0xC00] =	vst v4;
	v4 =	vld [tilespmem:s22+$0xC40]  }
0x462: {  	[tilespmem:s26+$0xC10] =	vst v5;
	v5 =	vshll.u32 v6, $0x10  }
0x463: {  	v8 =	vld [tilespmem:s23+$0x450];
	v6 =	vand.u32 $0xFFFF0000, v6;
	[tilespmem:s20+$0x1C00] =	vst v5  }
0x464: {  	v5 =	vshll.u32 v7, $0x10;
	[tilespmem:s20+$0x1C10] =	vst v6  }
0x465: {  	v6 =	vand.u32 $0xFFFF0000, v7;
	[tilespmem:s25+$0xC00] =	vst v5;
	v5 =	vld [tilespmem:s29+$0xC50]  }
0x466: {  	[tilespmem:s25+$0xC10] =	vst v6;
	v6 =	vshll.u32 v4, $0x10  }
0x467: {  	v4 =	vand.u32 $0xFFFF0000, v4;
	v7 =	vld [tilespmem:s24+$0x450];
	[tilespmem:s21+$0x1C00] =	vst v6  }
0x468: {  	v6 =	vshll.u32 v8, $0x10;
	[tilespmem:s21+$0x1C10] =	vst v4  }
0x469: {  	v4 =	vand.u32 $0xFFFF0000, v8;
	[tilespmem:s26+$0xC20] =	vst v6;
	v6 =	vld [tilespmem:s22+$0xC50]  }
0x46a: {  	[tilespmem:s26+$0xC30] =	vst v4;
	v4 =	vshll.u32 v5, $0x10  }
0x46b: {  	v8 =	vld [tilespmem:s23+$0x460];
	v5 =	vand.u32 $0xFFFF0000, v5;
	[tilespmem:s20+$0x1C20] =	vst v4  }
0x46c: {  	v4 =	vshll.u32 v7, $0x10;
	[tilespmem:s20+$0x1C30] =	vst v5  }
0x46d: {  	v5 =	vand.u32 $0xFFFF0000, v7;
	[tilespmem:s25+$0xC20] =	vst v4;
	v4 =	vld [tilespmem:s29+$0xC60]  }
0x46e: {  	[tilespmem:s25+$0xC30] =	vst v5;
	v5 =	vshll.u32 v6, $0x10  }
0x46f: {  	v6 =	vand.u32 $0xFFFF0000, v6;
	v7 =	vld [tilespmem:s24+$0x460];
	[tilespmem:s21+$0x1C20] =	vst v5  }
0x470: {  	v5 =	vshll.u32 v8, $0x10;
	[tilespmem:s21+$0x1C30] =	vst v6  }
0x471: {  	v6 =	vand.u32 $0xFFFF0000, v8;
	[tilespmem:s26+$0xC40] =	vst v5;
	v5 =	vld [tilespmem:s22+$0xC60]  }
0x472: {  	[tilespmem:s26+$0xC50] =	vst v6;
	v6 =	vshll.u32 v4, $0x10  }
0x473: {  	v4 =	vand.u32 $0xFFFF0000, v4;
	[tilespmem:s20+$0x1C40] =	vst v6  }
0x474: {  	v8 =	vshll.u32 v7, $0x10;
	v6 =	vld [tilespmem:s23+$0x470];
	[tilespmem:s20+$0x1C50] =	vst v4  }
0x475: {  	s16 =	sadd.s32 $0x1, s16;
	v3 =	vshll.u32 v3, $0x10;
	s30 =	simm.s32 $0x4;
	v7 =	vand.u32 $0xFFFF0000, v7;
	[tilespmem:s25+$0xC40] =	vst v8;
	v4 =	vld [tilespmem:s29+$0xC70]  }
.LBB2_5:
0x476: {  	s30 =	sadd.s32 $0x2, s30;
	[tilespmem:s25+$0xC50] =	vst v7;
	v7 =	vshll.u32 v5, $0x10;
	v5 =	vand.u32 $0xFFFF0000, v5  }
0x477: {  	s28 =	sadd.s32 $0x100, s28;
	s29 =	sshll.u32 s30, $0x9;
	p1 =	slt.u32 s30, $0x26;
	v8 =	vld [tilespmem:s24+$0x470];
	[tilespmem:s21+$0x1C40] =	vst v7  }
0x478: {  	s31 =	sand.u32 $0x300, s28;
	s29 =	sand.u32 $0x3FFFF000, s29;
	[tilespmem:s21+$0x1C50] =	vst v5  }
0x479: {  	s6 =	sor.u32 $0x80, s31;
	s29 =	sadd.s32 $0x7000, s29;
	v5 =	vshll.u32 v6, $0x10;
	v7 =	vld [tilespmem:s22+$0xC70];
	[tilespmem:s19+$0x1C60] =	vst v3;
	s22 =	smov.u32 s24  }
0x47a: {  	s19 =	smov.u32 s20;
	s24 =	sor.u32 s31, s29;
	s29 =	sor.u32 s6, s29;
	[tilespmem:s26+$0xC60] =	vst v5;
	v3 =	vshll.u32 v4, $0x10;
	v4 =	vand.u32 $0xFFFF0000, v4  }
0x47b: {  	v6 =	vand.u32 $0xFFFF0000, v6;
	s20 =	smov.u32 s26;
	v5 =	vld [tilespmem:s29+$0x0];
	[tilespmem:s19+$0x1C70] =	vst v4  }
0x47c: {  	v4 =	vld [tilespmem:s24+$0x0];
	v9 =	vshll.u32 v8, $0x10;
	v8 =	vand.u32 $0xFFFF0000, v8;
	[tilespmem:s20+$0xC70] =	vst v6  }
0x47d: {  	s26 =	sshll.u32 s30, $0xA;
	[tilespmem:s25+$0xC60] =	vst v9;
	v6 =	vld [tilespmem:s23+$0x800]  }
0x47e: {  	s26 =	sand.u32 $0x3FFFE000, s26;
	[tilespmem:s25+$0xC70] =	vst v8;
	v8 =	vshll.u32 v7, $0x10;
	v7 =	vand.u32 $0xFFFF0000, v7  }
0x47f: {  	s9 =	sadd.s32 $0x16000, s26;
	v9 =	vld [tilespmem:s22+$0x800];
	[tilespmem:s21+$0x1C60] =	vst v8  }
0x480: {  	s26 =	sor.u32 s6, s9;
	v8 =	vshll.u32 v5, $0x10;
	[tilespmem:s21+$0x1C70] =	vst v7;
	s21 =	smov.u32 s25;
	s25 =	sor.u32 s31, s9  }
0x481: {  	v5 =	vand.u32 $0xFFFF0000, v5;
	v7 =	vshll.u32 v4, $0x10;
	v4 =	vand.u32 $0xFFFF0000, v4;
	[tilespmem:s26+$0x0] =	vst v8  }
0x482: {  	[tilespmem:s26+$0x10] =	vst v5;
	v5 =	vshll.u32 v6, $0x10  }
0x483: {  	v6 =	vand.u32 $0xFFFF0000, v6;
	v8 =	vld [tilespmem:s29+$0x10];
	[tilespmem:s20+$0x1000] =	vst v5  }
0x484: {  	v5 =	vshll.u32 v9, $0x10;
	v9 =	vand.u32 $0xFFFF0000, v9;
	[tilespmem:s20+$0x1010] =	vst v6  }
0x485: {  	[tilespmem:s25+$0x0] =	vst v7;
	v6 =	vld [tilespmem:s23+$0x810]  }
0x486: {  	[tilespmem:s25+$0x10] =	vst v4  }
0x487: {  	v4 =	vld [tilespmem:s24+$0x10];
	[tilespmem:s21+$0x1000] =	vst v5  }
0x488: {  	v5 =	vshll.u32 v8, $0x10;
	[tilespmem:s21+$0x1010] =	vst v9  }
0x489: {  	v7 =	vand.u32 $0xFFFF0000, v8;
	[tilespmem:s26+$0x20] =	vst v5;
	v5 =	vld [tilespmem:s22+$0x810]  }
0x48a: {  	[tilespmem:s26+$0x30] =	vst v7;
	v7 =	vshll.u32 v6, $0x10  }
0x48b: {  	v6 =	vand.u32 $0xFFFF0000, v6;
	v8 =	vld [tilespmem:s29+$0x20];
	[tilespmem:s20+$0x1020] =	vst v7  }
0x48c: {  	v7 =	vshll.u32 v4, $0x10;
	v4 =	vand.u32 $0xFFFF0000, v4;
	[tilespmem:s20+$0x1030] =	vst v6  }
0x48d: {  	[tilespmem:s25+$0x20] =	vst v7;
	v6 =	vld [tilespmem:s23+$0x820]  }
0x48e: {  	[tilespmem:s25+$0x30] =	vst v4;
	v4 =	vshll.u32 v5, $0x10;
	v5 =	vand.u32 $0xFFFF0000, v5  }
0x48f: {  	v7 =	vld [tilespmem:s24+$0x20];
	[tilespmem:s21+$0x1020] =	vst v4  }
0x490: {  	v4 =	vshll.u32 v8, $0x10;
	[tilespmem:s21+$0x1030] =	vst v5  }
0x491: {  	v5 =	vand.u32 $0xFFFF0000, v8;
	[tilespmem:s26+$0x40] =	vst v4;
	v4 =	vld [tilespmem:s22+$0x820]  }
0x492: {  	[tilespmem:s26+$0x50] =	vst v5;
	v5 =	vshll.u32 v6, $0x10  }
0x493: {  	v6 =	vand.u32 $0xFFFF0000, v6;
	v8 =	vld [tilespmem:s29+$0x30];
	[tilespmem:s20+$0x1040] =	vst v5  }
0x494: {  	v5 =	vshll.u32 v7, $0x10;
	v7 =	vand.u32 $0xFFFF0000, v7;
	[tilespmem:s20+$0x1050] =	vst v6  }
0x495: {  	[tilespmem:s25+$0x40] =	vst v5;
	v5 =	vld [tilespmem:s23+$0x830]  }
0x496: {  	[tilespmem:s25+$0x50] =	vst v7;
	v6 =	vshll.u32 v4, $0x10;
	v4 =	vand.u32 $0xFFFF0000, v4  }
0x497: {  	v7 =	vld [tilespmem:s24+$0x30];
	[tilespmem:s21+$0x1040] =	vst v6  }
0x498: {  	v6 =	vshll.u32 v8, $0x10;
	[tilespmem:s21+$0x1050] =	vst v4  }
0x499: {  	v4 =	vand.u32 $0xFFFF0000, v8;
	[tilespmem:s26+$0x60] =	vst v6;
	v6 =	vld [tilespmem:s22+$0x830]  }
0x49a: {  	[tilespmem:s26+$0x70] =	vst v4;
	v4 =	vshll.u32 v5, $0x10  }
0x49b: {  	v5 =	vand.u32 $0xFFFF0000, v5;
	v8 =	vld [tilespmem:s29+$0x40];
	[tilespmem:s20+$0x1060] =	vst v4  }
0x49c: {  	v4 =	vshll.u32 v7, $0x10;
	v7 =	vand.u32 $0xFFFF0000, v7;
	[tilespmem:s20+$0x1070] =	vst v5  }
0x49d: {  	[tilespmem:s25+$0x60] =	vst v4;
	v4 =	vld [tilespmem:s23+$0x840]  }
0x49e: {  	[tilespmem:s25+$0x70] =	vst v7;
	v5 =	vshll.u32 v6, $0x10;
	v6 =	vand.u32 $0xFFFF0000, v6  }
0x49f: {  	v7 =	vld [tilespmem:s24+$0x40];
	[tilespmem:s21+$0x1060] =	vst v5  }
0x4a0: {  	v5 =	vshll.u32 v8, $0x10;
	[tilespmem:s21+$0x1070] =	vst v6  }
0x4a1: {  	v6 =	vand.u32 $0xFFFF0000, v8;
	[tilespmem:s26+$0x400] =	vst v5;
	v5 =	vld [tilespmem:s22+$0x840]  }
0x4a2: {  	[tilespmem:s26+$0x410] =	vst v6;
	v6 =	vshll.u32 v4, $0x10  }
0x4a3: {  	v4 =	vand.u32 $0xFFFF0000, v4;
	v8 =	vld [tilespmem:s29+$0x50];
	[tilespmem:s20+$0x1400] =	vst v6  }
0x4a4: {  	v6 =	vshll.u32 v7, $0x10;
	v7 =	vand.u32 $0xFFFF0000, v7;
	[tilespmem:s20+$0x1410] =	vst v4  }
0x4a5: {  	[tilespmem:s25+$0x400] =	vst v6;
	v4 =	vld [tilespmem:s23+$0x850]  }
0x4a6: {  	[tilespmem:s25+$0x410] =	vst v7;
	v6 =	vshll.u32 v5, $0x10;
	v5 =	vand.u32 $0xFFFF0000, v5  }
0x4a7: {  	v7 =	vld [tilespmem:s24+$0x50];
	[tilespmem:s21+$0x1400] =	vst v6  }
0x4a8: {  	v6 =	vshll.u32 v8, $0x10;
	[tilespmem:s21+$0x1410] =	vst v5  }
0x4a9: {  	v5 =	vand.u32 $0xFFFF0000, v8;
	[tilespmem:s26+$0x420] =	vst v6;
	v6 =	vld [tilespmem:s22+$0x850]  }
0x4aa: {  	[tilespmem:s26+$0x430] =	vst v5;
	v5 =	vshll.u32 v4, $0x10  }
0x4ab: {  	v4 =	vand.u32 $0xFFFF0000, v4;
	v8 =	vld [tilespmem:s29+$0x60];
	[tilespmem:s20+$0x1420] =	vst v5  }
0x4ac: {  	v5 =	vshll.u32 v7, $0x10;
	v7 =	vand.u32 $0xFFFF0000, v7;
	[tilespmem:s20+$0x1430] =	vst v4  }
0x4ad: {  	[tilespmem:s25+$0x420] =	vst v5;
	v4 =	vld [tilespmem:s23+$0x860]  }
0x4ae: {  	[tilespmem:s25+$0x430] =	vst v7;
	v5 =	vshll.u32 v6, $0x10;
	v6 =	vand.u32 $0xFFFF0000, v6  }
0x4af: {  	v7 =	vld [tilespmem:s24+$0x60];
	[tilespmem:s21+$0x1420] =	vst v5  }
0x4b0: {  	v5 =	vshll.u32 v8, $0x10;
	[tilespmem:s21+$0x1430] =	vst v6  }
0x4b1: {  	v6 =	vand.u32 $0xFFFF0000, v8;
	[tilespmem:s26+$0x440] =	vst v5;
	v5 =	vld [tilespmem:s22+$0x860]  }
0x4b2: {  	[tilespmem:s26+$0x450] =	vst v6;
	v6 =	vshll.u32 v4, $0x10  }
0x4b3: {  	v4 =	vand.u32 $0xFFFF0000, v4;
	v8 =	vld [tilespmem:s29+$0x70];
	[tilespmem:s20+$0x1440] =	vst v6  }
0x4b4: {  	v6 =	vshll.u32 v7, $0x10;
	v7 =	vand.u32 $0xFFFF0000, v7;
	[tilespmem:s20+$0x1450] =	vst v4  }
0x4b5: {  	[tilespmem:s25+$0x440] =	vst v6;
	v4 =	vld [tilespmem:s23+$0x870]  }
0x4b6: {  	[tilespmem:s25+$0x450] =	vst v7;
	v6 =	vshll.u32 v5, $0x10;
	v5 =	vand.u32 $0xFFFF0000, v5  }
0x4b7: {  	v7 =	vld [tilespmem:s24+$0x70];
	[tilespmem:s21+$0x1440] =	vst v6  }
0x4b8: {  	v6 =	vshll.u32 v8, $0x10;
	[tilespmem:s21+$0x1450] =	vst v5  }
0x4b9: {  	v5 =	vand.u32 $0xFFFF0000, v8;
	[tilespmem:s26+$0x460] =	vst v6;
	v6 =	vld [tilespmem:s22+$0x870]  }
0x4ba: {  	[tilespmem:s26+$0x470] =	vst v5;
	v5 =	vshll.u32 v4, $0x10  }
0x4bb: {  	v4 =	vand.u32 $0xFFFF0000, v4;
	v8 =	vld [tilespmem:s29+$0x400];
	[tilespmem:s20+$0x1460] =	vst v5  }
0x4bc: {  	v5 =	vshll.u32 v7, $0x10;
	v7 =	vand.u32 $0xFFFF0000, v7;
	[tilespmem:s20+$0x1470] =	vst v4  }
0x4bd: {  	[tilespmem:s25+$0x460] =	vst v5;
	v4 =	vld [tilespmem:s23+$0xC00]  }
0x4be: {  	[tilespmem:s25+$0x470] =	vst v7;
	v5 =	vshll.u32 v6, $0x10;
	v6 =	vand.u32 $0xFFFF0000, v6  }
0x4bf: {  	v7 =	vld [tilespmem:s24+$0x400];
	[tilespmem:s21+$0x1460] =	vst v5  }
0x4c0: {  	v5 =	vshll.u32 v8, $0x10;
	[tilespmem:s21+$0x1470] =	vst v6  }
0x4c1: {  	v6 =	vand.u32 $0xFFFF0000, v8;
	[tilespmem:s26+$0x800] =	vst v5;
	v5 =	vld [tilespmem:s22+$0xC00]  }
0x4c2: {  	[tilespmem:s26+$0x810] =	vst v6;
	v6 =	vshll.u32 v4, $0x10  }
0x4c3: {  	v4 =	vand.u32 $0xFFFF0000, v4;
	v8 =	vld [tilespmem:s29+$0x410];
	[tilespmem:s20+$0x1800] =	vst v6  }
0x4c4: {  	v6 =	vshll.u32 v7, $0x10;
	v7 =	vand.u32 $0xFFFF0000, v7;
	[tilespmem:s20+$0x1810] =	vst v4  }
0x4c5: {  	[tilespmem:s25+$0x800] =	vst v6;
	v4 =	vld [tilespmem:s23+$0xC10]  }
0x4c6: {  	[tilespmem:s25+$0x810] =	vst v7;
	v6 =	vshll.u32 v5, $0x10;
	v5 =	vand.u32 $0xFFFF0000, v5  }
0x4c7: {  	v7 =	vld [tilespmem:s24+$0x410];
	[tilespmem:s21+$0x1800] =	vst v6  }
0x4c8: {  	v6 =	vshll.u32 v8, $0x10;
	[tilespmem:s21+$0x1810] =	vst v5  }
0x4c9: {  	v5 =	vand.u32 $0xFFFF0000, v8;
	[tilespmem:s26+$0x820] =	vst v6;
	v6 =	vld [tilespmem:s22+$0xC10]  }
0x4ca: {  	[tilespmem:s26+$0x830] =	vst v5;
	v5 =	vshll.u32 v4, $0x10  }
0x4cb: {  	v4 =	vand.u32 $0xFFFF0000, v4;
	v8 =	vld [tilespmem:s29+$0x420];
	[tilespmem:s20+$0x1820] =	vst v5  }
0x4cc: {  	v5 =	vshll.u32 v7, $0x10;
	v7 =	vand.u32 $0xFFFF0000, v7;
	[tilespmem:s20+$0x1830] =	vst v4  }
0x4cd: {  	[tilespmem:s25+$0x820] =	vst v5;
	v4 =	vld [tilespmem:s23+$0xC20]  }
0x4ce: {  	[tilespmem:s25+$0x830] =	vst v7;
	v5 =	vshll.u32 v6, $0x10;
	v6 =	vand.u32 $0xFFFF0000, v6  }
0x4cf: {  	v7 =	vld [tilespmem:s24+$0x420];
	[tilespmem:s21+$0x1820] =	vst v5  }
0x4d0: {  	v5 =	vshll.u32 v8, $0x10;
	[tilespmem:s21+$0x1830] =	vst v6  }
0x4d1: {  	v6 =	vand.u32 $0xFFFF0000, v8;
	[tilespmem:s26+$0x840] =	vst v5;
	v5 =	vld [tilespmem:s22+$0xC20]  }
0x4d2: {  	[tilespmem:s26+$0x850] =	vst v6;
	v6 =	vshll.u32 v4, $0x10  }
0x4d3: {  	v4 =	vand.u32 $0xFFFF0000, v4;
	v8 =	vld [tilespmem:s29+$0x430];
	[tilespmem:s20+$0x1840] =	vst v6  }
0x4d4: {  	v6 =	vshll.u32 v7, $0x10;
	v7 =	vand.u32 $0xFFFF0000, v7;
	[tilespmem:s20+$0x1850] =	vst v4  }
0x4d5: {  	[tilespmem:s25+$0x840] =	vst v6;
	v4 =	vld [tilespmem:s23+$0xC30]  }
0x4d6: {  	[tilespmem:s25+$0x850] =	vst v7;
	v6 =	vshll.u32 v5, $0x10;
	v5 =	vand.u32 $0xFFFF0000, v5  }
0x4d7: {  	v7 =	vld [tilespmem:s24+$0x430];
	[tilespmem:s21+$0x1840] =	vst v6  }
0x4d8: {  	v6 =	vshll.u32 v8, $0x10;
	[tilespmem:s21+$0x1850] =	vst v5  }
0x4d9: {  	v5 =	vand.u32 $0xFFFF0000, v8;
	[tilespmem:s26+$0x860] =	vst v6;
	v6 =	vld [tilespmem:s22+$0xC30]  }
0x4da: {  	[tilespmem:s26+$0x870] =	vst v5;
	v5 =	vshll.u32 v4, $0x10  }
0x4db: {  	v4 =	vand.u32 $0xFFFF0000, v4;
	v8 =	vld [tilespmem:s29+$0x440];
	[tilespmem:s20+$0x1860] =	vst v5  }
0x4dc: {  	v5 =	vshll.u32 v7, $0x10;
	v7 =	vand.u32 $0xFFFF0000, v7;
	[tilespmem:s20+$0x1870] =	vst v4  }
0x4dd: {  	[tilespmem:s25+$0x860] =	vst v5;
	v4 =	vld [tilespmem:s23+$0xC40]  }
0x4de: {  	[tilespmem:s25+$0x870] =	vst v7;
	v5 =	vshll.u32 v6, $0x10;
	v6 =	vand.u32 $0xFFFF0000, v6  }
0x4df: {  	v7 =	vld [tilespmem:s24+$0x440];
	[tilespmem:s21+$0x1860] =	vst v5  }
0x4e0: {  	v5 =	vshll.u32 v8, $0x10;
	[tilespmem:s21+$0x1870] =	vst v6  }
0x4e1: {  	v6 =	vand.u32 $0xFFFF0000, v8;
	[tilespmem:s26+$0xC00] =	vst v5;
	v5 =	vld [tilespmem:s22+$0xC40]  }
0x4e2: {  	[tilespmem:s26+$0xC10] =	vst v6;
	v6 =	vshll.u32 v4, $0x10  }
0x4e3: {  	v4 =	vand.u32 $0xFFFF0000, v4;
	v8 =	vld [tilespmem:s29+$0x450];
	[tilespmem:s20+$0x1C00] =	vst v6  }
0x4e4: {  	v6 =	vshll.u32 v7, $0x10;
	v7 =	vand.u32 $0xFFFF0000, v7;
	[tilespmem:s20+$0x1C10] =	vst v4  }
0x4e5: {  	[tilespmem:s25+$0xC00] =	vst v6;
	v4 =	vld [tilespmem:s23+$0xC50]  }
0x4e6: {  	[tilespmem:s25+$0xC10] =	vst v7;
	v6 =	vshll.u32 v5, $0x10;
	v5 =	vand.u32 $0xFFFF0000, v5  }
0x4e7: {  	v7 =	vld [tilespmem:s24+$0x450];
	[tilespmem:s21+$0x1C00] =	vst v6  }
0x4e8: {  	v6 =	vshll.u32 v8, $0x10;
	[tilespmem:s21+$0x1C10] =	vst v5  }
0x4e9: {  	v5 =	vand.u32 $0xFFFF0000, v8;
	[tilespmem:s26+$0xC20] =	vst v6;
	v6 =	vld [tilespmem:s22+$0xC50]  }
0x4ea: {  	[tilespmem:s26+$0xC30] =	vst v5;
	v5 =	vshll.u32 v4, $0x10  }
0x4eb: {  	v4 =	vand.u32 $0xFFFF0000, v4;
	v8 =	vld [tilespmem:s29+$0x460];
	[tilespmem:s20+$0x1C20] =	vst v5  }
0x4ec: {  	v5 =	vshll.u32 v7, $0x10;
	v7 =	vand.u32 $0xFFFF0000, v7;
	[tilespmem:s20+$0x1C30] =	vst v4  }
0x4ed: {  	[tilespmem:s25+$0xC20] =	vst v5;
	v4 =	vld [tilespmem:s23+$0xC60]  }
0x4ee: {  	[tilespmem:s25+$0xC30] =	vst v7;
	v5 =	vshll.u32 v6, $0x10;
	v6 =	vand.u32 $0xFFFF0000, v6  }
0x4ef: {  	v7 =	vld [tilespmem:s24+$0x460];
	[tilespmem:s21+$0x1C20] =	vst v5  }
0x4f0: {  	v5 =	vshll.u32 v8, $0x10;
	[tilespmem:s21+$0x1C30] =	vst v6  }
.Ltmp1:
0x4f1: {  	v6 =	vand.u32 $0xFFFF0000, v8;
	[tilespmem:s26+$0xC40] =	vst v5;
	v5 =	vld [tilespmem:s22+$0xC60];
	(pc) =	sbr.rel @p1 .LBB2_5-.Ltmp1, $4  }
0x4f2: {  	[tilespmem:s26+$0xC50] =	vst v6;
	v6 =	vshll.u32 v4, $0x10  }
0x4f3: {  	v4 =	vand.u32 $0xFFFF0000, v4;
	[tilespmem:s20+$0x1C40] =	vst v6  }
0x4f4: {  	v8 =	vshll.u32 v7, $0x10;
	v7 =	vand.u32 $0xFFFF0000, v7;
	v6 =	vld [tilespmem:s29+$0x470];
	[tilespmem:s20+$0x1C50] =	vst v4  }
0x4f5: {  	[tilespmem:s25+$0xC40] =	vst v8;
	v4 =	vld [tilespmem:s23+$0xC70];
	s23 =	smov.u32 s29  }
0x4f6: {  	[tilespmem:s25+$0xC50] =	vst v7  }
0x4f7: {  	v7 =	vld [tilespmem:s24+$0x470];
	_ =	sdelay $0x2  }
0x4f8: {  	v8 =	vshll.u32 v6, $0x10  }
0x4f9: {  	v25 =	vand.u32 $0xFFFF0000, v6;
	[tilespmem:s26+$0xC60] =	vst v8  }
0x4fa: {  	[tilespmem:s26+$0xC70] =	vst v25;
	v26 =	vshll.u32 v7, $0x10  }
0x4fb: {  	v28 =	vld [tilespmem:s23+$0x800];
	v27 =	vand.u32 $0xFFFF0000, v7;
	[tilespmem:s25+$0xC60] =	vst v26  }
0x4fc: {  	[tilespmem:s25+$0xC70] =	vst v27  }
0x4fd: {  	v6 =	vld [tilespmem:s24+$0x800];
	_ =	sdelay $0x2  }
0x4fe: {  	v29 =	vshll.u32 v28, $0x10  }
0x4ff: {  	v7 =	vand.u32 $0xFFFF0000, v28;
	[tilespmem:s26+$0x1000] =	vst v29  }
0x500: {  	[tilespmem:s26+$0x1010] =	vst v7;
	v30 =	vshll.u32 v6, $0x10  }
0x501: {  	v7 =	vld [tilespmem:s23+$0x810];
	v6 =	vand.u32 $0xFFFF0000, v6;
	[tilespmem:s25+$0x1000] =	vst v30  }
0x502: {  	[tilespmem:s25+$0x1010] =	vst v6  }
0x503: {  	v6 =	vld [tilespmem:s24+$0x810];
	_ =	sdelay $0x2  }
0x504: {  	v31 =	vshll.u32 v7, $0x10  }
0x505: {  	v7 =	vand.u32 $0xFFFF0000, v7;
	[tilespmem:s26+$0x1020] =	vst v31  }
0x506: {  	[tilespmem:s26+$0x1030] =	vst v7;
	v32 =	vshll.u32 v6, $0x10  }
0x507: {  	v8 =	vld [tilespmem:s23+$0x820];
	v6 =	vand.u32 $0xFFFF0000, v6;
	[tilespmem:s25+$0x1020] =	vst v32  }
0x508: {  	[tilespmem:s25+$0x1030] =	vst v6  }
0x509: {  	v6 =	vld [tilespmem:s24+$0x820];
	_ =	sdelay $0x2  }
0x50a: {  	v33 =	vshll.u32 v8, $0x10  }
0x50b: {  	v8 =	vand.u32 $0xFFFF0000, v8;
	[tilespmem:s26+$0x1040] =	vst v33  }
0x50c: {  	[tilespmem:s26+$0x1050] =	vst v8;
	v34 =	vshll.u32 v6, $0x10  }
0x50d: {  	v8 =	vld [tilespmem:s23+$0x830];
	v6 =	vand.u32 $0xFFFF0000, v6;
	[tilespmem:s25+$0x1040] =	vst v34  }
0x50e: {  	[tilespmem:s25+$0x1050] =	vst v6  }
0x50f: {  	v6 =	vld [tilespmem:s24+$0x830];
	_ =	sdelay $0x2  }
0x510: {  	v35 =	vshll.u32 v8, $0x10  }
0x511: {  	v8 =	vand.u32 $0xFFFF0000, v8;
	[tilespmem:s26+$0x1060] =	vst v35  }
0x512: {  	[tilespmem:s26+$0x1070] =	vst v8;
	v36 =	vshll.u32 v6, $0x10  }
0x513: {  	v8 =	vld [tilespmem:s23+$0x840];
	v6 =	vand.u32 $0xFFFF0000, v6;
	[tilespmem:s25+$0x1060] =	vst v36  }
0x514: {  	[tilespmem:s25+$0x1070] =	vst v6  }
0x515: {  	v6 =	vld [tilespmem:s24+$0x840];
	_ =	sdelay $0x2  }
0x516: {  	v37 =	vshll.u32 v8, $0x10  }
0x517: {  	v8 =	vand.u32 $0xFFFF0000, v8;
	[tilespmem:s26+$0x1400] =	vst v37  }
0x518: {  	[tilespmem:s26+$0x1410] =	vst v8;
	v38 =	vshll.u32 v6, $0x10  }
0x519: {  	v8 =	vld [tilespmem:s23+$0x850];
	v6 =	vand.u32 $0xFFFF0000, v6;
	[tilespmem:s25+$0x1400] =	vst v38  }
0x51a: {  	[tilespmem:s25+$0x1410] =	vst v6  }
0x51b: {  	v6 =	vld [tilespmem:s24+$0x850];
	_ =	sdelay $0x2  }
0x51c: {  	v39 =	vshll.u32 v8, $0x10  }
0x51d: {  	v8 =	vand.u32 $0xFFFF0000, v8;
	[tilespmem:s26+$0x1420] =	vst v39  }
0x51e: {  	[tilespmem:s26+$0x1430] =	vst v8;
	v40 =	vshll.u32 v6, $0x10  }
0x51f: {  	v8 =	vld [tilespmem:s23+$0x860];
	v6 =	vand.u32 $0xFFFF0000, v6;
	[tilespmem:s25+$0x1420] =	vst v40  }
0x520: {  	[tilespmem:s25+$0x1430] =	vst v6  }
0x521: {  	v6 =	vld [tilespmem:s24+$0x860];
	_ =	sdelay $0x2  }
0x522: {  	v41 =	vshll.u32 v8, $0x10  }
0x523: {  	v8 =	vand.u32 $0xFFFF0000, v8;
	[tilespmem:s26+$0x1440] =	vst v41  }
0x524: {  	[tilespmem:s26+$0x1450] =	vst v8;
	v42 =	vshll.u32 v6, $0x10  }
0x525: {  	v8 =	vld [tilespmem:s23+$0x870];
	v6 =	vand.u32 $0xFFFF0000, v6;
	[tilespmem:s25+$0x1440] =	vst v42  }
0x526: {  	[tilespmem:s25+$0x1450] =	vst v6  }
0x527: {  	v6 =	vld [tilespmem:s24+$0x870];
	_ =	sdelay $0x2  }
0x528: {  	v43 =	vshll.u32 v8, $0x10  }
0x529: {  	v8 =	vand.u32 $0xFFFF0000, v8;
	[tilespmem:s26+$0x1460] =	vst v43  }
0x52a: {  	[tilespmem:s26+$0x1470] =	vst v8;
	v44 =	vshll.u32 v6, $0x10  }
0x52b: {  	v8 =	vld [tilespmem:s23+$0xC00];
	v6 =	vand.u32 $0xFFFF0000, v6;
	[tilespmem:s25+$0x1460] =	vst v44  }
0x52c: {  	[tilespmem:s25+$0x1470] =	vst v6  }
0x52d: {  	v6 =	vld [tilespmem:s24+$0xC00];
	_ =	sdelay $0x2  }
0x52e: {  	v45 =	vshll.u32 v8, $0x10  }
0x52f: {  	v8 =	vand.u32 $0xFFFF0000, v8;
	[tilespmem:s26+$0x1800] =	vst v45  }
0x530: {  	[tilespmem:s26+$0x1810] =	vst v8;
	v46 =	vshll.u32 v6, $0x10  }
0x531: {  	v8 =	vld [tilespmem:s23+$0xC10];
	v6 =	vand.u32 $0xFFFF0000, v6;
	[tilespmem:s25+$0x1800] =	vst v46  }
0x532: {  	[tilespmem:s25+$0x1810] =	vst v6  }
0x533: {  	v6 =	vld [tilespmem:s24+$0xC10];
	_ =	sdelay $0x2  }
0x534: {  	v47 =	vshll.u32 v8, $0x10  }
0x535: {  	v8 =	vand.u32 $0xFFFF0000, v8;
	[tilespmem:s26+$0x1820] =	vst v47  }
0x536: {  	[tilespmem:s26+$0x1830] =	vst v8;
	v48 =	vshll.u32 v6, $0x10  }
0x537: {  	v8 =	vld [tilespmem:s23+$0xC20];
	v6 =	vand.u32 $0xFFFF0000, v6;
	[tilespmem:s25+$0x1820] =	vst v48  }
0x538: {  	[tilespmem:s25+$0x1830] =	vst v6  }
0x539: {  	v6 =	vld [tilespmem:s24+$0xC20];
	_ =	sdelay $0x2  }
0x53a: {  	v49 =	vshll.u32 v8, $0x10  }
0x53b: {  	v8 =	vand.u32 $0xFFFF0000, v8;
	[tilespmem:s26+$0x1840] =	vst v49  }
0x53c: {  	[tilespmem:s26+$0x1850] =	vst v8;
	v50 =	vshll.u32 v6, $0x10  }
0x53d: {  	v8 =	vld [tilespmem:s23+$0xC30];
	v6 =	vand.u32 $0xFFFF0000, v6;
	[tilespmem:s25+$0x1840] =	vst v50  }
0x53e: {  	[tilespmem:s25+$0x1850] =	vst v6  }
0x53f: {  	v6 =	vld [tilespmem:s24+$0xC30];
	_ =	sdelay $0x2  }
0x540: {  	v51 =	vshll.u32 v8, $0x10  }
0x541: {  	v8 =	vand.u32 $0xFFFF0000, v8;
	[tilespmem:s26+$0x1860] =	vst v51  }
0x542: {  	[tilespmem:s26+$0x1870] =	vst v8;
	v52 =	vshll.u32 v6, $0x10  }
0x543: {  	v8 =	vld [tilespmem:s23+$0xC40];
	v6 =	vand.u32 $0xFFFF0000, v6;
	[tilespmem:s25+$0x1860] =	vst v52  }
0x544: {  	[tilespmem:s25+$0x1870] =	vst v6  }
0x545: {  	v6 =	vld [tilespmem:s24+$0xC40];
	_ =	sdelay $0x2  }
0x546: {  	v53 =	vshll.u32 v8, $0x10  }
0x547: {  	v8 =	vand.u32 $0xFFFF0000, v8;
	[tilespmem:s26+$0x1C00] =	vst v53  }
0x548: {  	[tilespmem:s26+$0x1C10] =	vst v8;
	v54 =	vshll.u32 v6, $0x10  }
0x549: {  	v8 =	vld [tilespmem:s23+$0xC50];
	v6 =	vand.u32 $0xFFFF0000, v6;
	[tilespmem:s25+$0x1C00] =	vst v54  }
0x54a: {  	[tilespmem:s25+$0x1C10] =	vst v6  }
0x54b: {  	v6 =	vld [tilespmem:s24+$0xC50];
	_ =	sdelay $0x2  }
0x54c: {  	v55 =	vshll.u32 v8, $0x10  }
0x54d: {  	v8 =	vand.u32 $0xFFFF0000, v8;
	[tilespmem:s26+$0x1C20] =	vst v55  }
0x54e: {  	[tilespmem:s26+$0x1C30] =	vst v8;
	v56 =	vshll.u32 v6, $0x10  }
0x54f: {  	v8 =	vld [tilespmem:s23+$0xC60];
	v6 =	vand.u32 $0xFFFF0000, v6;
	[tilespmem:s25+$0x1C20] =	vst v56  }
0x550: {  	[tilespmem:s25+$0x1C30] =	vst v6  }
0x551: {  	v6 =	vld [tilespmem:s24+$0xC60]  }
0x552: {  	v57 =	vshll.u32 v5, $0x10  }
0x553: {  	v58 =	vand.u32 $0xFFFF0000, v5;
	[tilespmem:s21+$0x1C40] =	vst v57  }
0x554: {  	[tilespmem:s21+$0x1C50] =	vst v58;
	v59 =	vshll.u32 v8, $0x10  }
0x555: {  	v7 =	vld [tilespmem:s22+$0xC70];
	v8 =	vand.u32 $0xFFFF0000, v8;
	[tilespmem:s26+$0x1C40] =	vst v59  }
0x556: {  	[tilespmem:s26+$0x1C50] =	vst v8;
	v60 =	vshll.u32 v6, $0x10  }
0x557: {  	v6 =	vand.u32 $0xFFFF0000, v6;
	[tilespmem:s25+$0x1C40] =	vst v60  }
0x558: {  	v61 =	vld [tilespmem:s23+$0xC70];
	[tilespmem:s25+$0x1C50] =	vst v6  }
0x559: {  	[tilespmem:s19+$0x1C60] =	vst v3;
	v3 =	vand.u32 $0xFFFF0000, v4;
	v6 =	vld [tilespmem:s24+$0xC70]  }
0x55a: {  	[tilespmem:s20+$0x1C70] =	vst v3;
	v3 =	vshll.u32 v7, $0x10  }
0x55b: {  	v7 =	vand.u32 $0xFFFF0000, v7;
	[tilespmem:s21+$0x1C60] =	vst v3  }
0x55c: {  	v3 =	vshll.u32 v4, $0x10;
	[tilespmem:s21+$0x1C70] =	vst v7  }
0x55d: {  	[tilespmem:s20+$0x1C60] =	vst v3;
	v3 =	vand.u32 $0xFFFF0000, v61  }
0x55e: {  	[tilespmem:s26+$0x1C70] =	vst v3;
	v3 =	vshll.u32 v6, $0x10  }
0x55f: {  	v62 =	vand.u32 $0xFFFF0000, v6;
	[tilespmem:s25+$0x1C60] =	vst v3  }
0x560: {  	v3 =	vshll.u32 v61, $0x10;
	[tilespmem:s25+$0x1C70] =	vst v62  }
0x561: {  	[tilespmem:s26+$0x1C60] =	vst v3  }
0x562: {  	v3 =	vld @!p0 [tilespmem:s17+$0x180];
	_ =	sdelay $0x4  }
0x563: {  	v4 =	vshll.u32 @!p0 v3, $0x2  }
0x564: {  	v5 =	vlaneseq.u32 @!p0;
	v3 =	vand.u32 @!p0 $0x7, v3;
	v4 =	vand.u32 @!p0 $0xFFFFFFE0, v4  }
0x565: {  	v6 =	vshrl.u32 @!p0 v5, $0x3;
	v3 =	vor.u32 @!p0 v3, v4;
	v4 =	vand.u32 @!p0 $0x7, v5  }
0x566: {  	v6 =	vmul.u32 @!p0 $0x8, v6;
	v7 =	vperm.xlane @!p0 v3, v4;
	_ =	sdelay $0x1  }
0x567: {  	v7 =	vadd.s32 @!p0 v6, v7  }
0x568: {  	v5 =	vor.u32 @!p0 $0x8, v5  }
0x569: {  	v3 =	vperm.xlane @!p0 v3, v5;
	_ =	sdelay $0x1  }
0x56a: {  	s6 =	simm.s32 @!p0 $0x0;
	s9 =	simm.s32 @!p0 $0x7000;
	v3 =	vadd.s32 @!p0 v6, v3  }
0x56b: {  	[tilespmem:s9], [sflag:$0x2] =	stream.indirect_vreg.gather @!p0 [hbm4b:s4+s6], $0x80, v7, vm1, $0xb8;
	v63 =	vld [tilespmem:$0x0]  }
0x56c: {  	s9 =	simm.s32 @!p0 $0x7800  }
0x56d: {  	[tilespmem:s9], [sflag:$0x2] =	stream.indirect_vreg.gather @!p0 [hbm4b:s7+s6], $0x80, v7, vm1, $0xb8;
	v63 =	vld [tilespmem:$0x0]  }
0x56e: {  	s9 =	simm.s32 @!p0 $0x8000  }
0x56f: {  	[tilespmem:s9], [sflag:$0x2] =	stream.indirect_vreg.gather @!p0 [hbm4b:s4+s6], $0x80, v3, vm1, $0xb8;
	v63 =	vld [tilespmem:$0x0]  }
0x570: {  	s9 =	simm.s32 @!p0 $0x8800  }
0x571: {  	[tilespmem:s9], [sflag:$0x2] =	stream.indirect_vreg.gather @!p0 [hbm4b:s7+s6], $0x80, v3, vm1, $0xb8;
	v63 =	vld [tilespmem:$0x0]  }
0x572: {  	v3 =	vld @!p0 [tilespmem:s17+$0x190];
	_ =	sdelay $0x4  }
0x573: {  	v7 =	vshll.u32 @!p0 v3, $0x2  }
0x574: {  	v3 =	vand.u32 @!p0 $0x7, v3;
	v7 =	vand.u32 @!p0 $0xFFFFFFE0, v7  }
0x575: {  	v3 =	vor.u32 @!p0 v3, v7  }
0x576: {  	v7 =	vperm.xlane @!p0 v3, v4;
	_ =	sdelay $0x1  }
0x577: {  	v7 =	vadd.s32 @!p0 v6, v7;
	_ =	sdelay $0x1  }
0x578: {  	v3 =	vperm.xlane @!p0 v3, v5;
	_ =	sdelay $0x1  }
0x579: {  	s9 =	simm.s32 @!p0 $0x9000;
	v3 =	vadd.s32 @!p0 v6, v3  }
0x57a: {  	[tilespmem:s9], [sflag:$0x2] =	stream.indirect_vreg.gather @!p0 [hbm4b:s4+s6], $0x80, v7, vm1, $0xb8;
	v63 =	vld [tilespmem:$0x0]  }
0x57b: {  	s9 =	simm.s32 @!p0 $0x9800  }
0x57c: {  	[tilespmem:s9], [sflag:$0x2] =	stream.indirect_vreg.gather @!p0 [hbm4b:s7+s6], $0x80, v7, vm1, $0xb8;
	v63 =	vld [tilespmem:$0x0]  }
0x57d: {  	s9 =	simm.s32 @!p0 $0xA000  }
0x57e: {  	[tilespmem:s9], [sflag:$0x2] =	stream.indirect_vreg.gather @!p0 [hbm4b:s4+s6], $0x80, v3, vm1, $0xb8;
	v63 =	vld [tilespmem:$0x0]  }
0x57f: {  	s9 =	simm.s32 @!p0 $0xA800  }
0x580: {  	[tilespmem:s9], [sflag:$0x2] =	stream.indirect_vreg.gather @!p0 [hbm4b:s7+s6], $0x80, v3, vm1, $0xb8;
	v63 =	vld [tilespmem:$0x0]  }
0x581: {  	v3 =	vld.msk @!p0 [tilespmem:s17+$0x1A0], $0xff;
	_ =	sdelay $0x4  }
0x582: {  	v5 =	vshll.u32 @!p0 v3, $0x2  }
0x583: {  	v3 =	vand.u32 @!p0 $0x7, v3;
	v5 =	vand.u32 @!p0 $0xFFFFFFE0, v5  }
0x584: {  	v3 =	vor.u32 @!p0 v3, v5  }
0x585: {  	v3 =	vperm.xlane @!p0 v3, v4;
	_ =	sdelay $0x1  }
0x586: {  	v3 =	vadd.s32 @!p0 v6, v3;
	_ =	sdelay $0x3  }
0x587: {  	s9 =	simm.s32 @!p0 $0xB000  }
0x588: {  	[tilespmem:s9], [sflag:$0x2] =	stream.indirect_vreg.gather @!p0 [hbm4b:s4+s6], $0x80, v3, vm1, $0xb8;
	v63 =	vld [tilespmem:$0x0]  }
0x589: {  	s9 =	simm.s32 @!p0 $0xB800  }
0x58a: {  	[tilespmem:s9], [sflag:$0x2] =	stream.indirect_vreg.gather @!p0 [hbm4b:s7+s6], $0x80, v3, vm1, $0xb8;
	v63 =	vld [tilespmem:$0x0]  }
0x58b: {  	p0 =	sne.s32 s16, $0x20  }
.Ltmp2:
0x58c: {  	_ = 	snop;
	(pc) =	sbr.rel @p0 .LBB2_2-.Ltmp2, $4  }
0x58d: {  	s31 =	sadd.s32 s18, s8  }
0x58e: {  	s6 =	sshll.u32 s31, $0x7  }
0x58f: {  	s6 =	sadd.s32 s2, s6  }
0x590: {  	[hbm4b:s6+s3] =	stream.linear.scatter [tilespmem:s12], [sflag:$0x4], $0xA000, $0x38;
	v63 =	vld [tilespmem:$0x0]  }
0x591: {  	_ =	swait.ge [sflag:s13], $0xA000  }
0x592: {  	[sflag:s13] =	ssyncset.done $0x0  }
0x593: {  	[sflag:s13] =	ssyncadd.s32 $0xFFFF6000  }
0x594: {  	_ =	swait.ge [sflag:s14], $0xA000  }
0x595: {  	s15 =	sadd.s32 $0x1, s15;
	s6 =	rddreg [dreg:$0x4]  }
0x596: {  	p0 =	sne.s32 s15, s6  }
.Ltmp3:
0x597: {  	_ = 	snop;
	(pc) =	sbr.rel @p0 .LBB2_1-.Ltmp3, $3  }
0x598: {  	_ =	sdelay $0x1  }
0x599: {  	[sflag:s14] =	ssyncset.done $0x0  }
0x59a: {  	[sflag:s14] =	ssyncadd.s32 $0xFFFF6000  }
0x59b: {  	_ =	sfence.sel $0x180000  }
0x59c: {  	[bflag:$0x0] =	sbarrier.arrive $0xFFFF  }
0x59d: {  	_ =	strace $0x90000047  }
0x59e: {  	s0 =	stileid.u32;
	[bflag:$0x2] =	sbarrier.arrive $0xFFFF  }
0x59f: {  	p0 =	sne.s32 s0, $0x0;
	s0 =	rddreg [dreg:$0x2]  }
0x5a0: {  	s0 =	sadd.s32 @!p0 $0x100000, s0  }
0x5a1: {  	[sflag:s0] =	ssyncadd.tile.s32 @!p0 $0x1;
	_ =	shalt  }
.Lfunc_end2:
_tile_overlayer_lowered:
.L_overlay_start_2:
0x5a2: {  	(tag) =	ssettag $0x2  }
0x5a3: {  	s0 =	rddreg [dreg:$0x0];
	s2 =	stileid.u32  }
0x5a4: {  	s1 =	rddreg [dreg:$0x1];
	p0 =	sne.s32 s2, $0x0  }
0x5a5: {  	s3 =	rddreg [dreg:$0x2];
	[bflag:$0x3] =	sbarrier.arrive $0xFFFF;
	s2 =	simm.s32 @!p0 $0x1C05  }
0x5a6: {  	[timem:s3], [sflag:s2] =	dma.local @!p0 [hbm:s0], s1  }
0x5a7: {  	s0 =	simm.s32 @!p0 $0x5  }
0x5a8: {  	_ =	swait.ge @!p0 [sflag:s0], s1  }
0x5a9: {  	s1 =	ssub.s32 @!p0 $0x0, s1;
	[sflag:s0] =	ssyncset.done @!p0 $0x0  }
0x5aa: {  	[sflag:s0] =	ssyncadd.s32 @!p0 s1  }
0x5ab: {  	[bflag:$0x3] =	sbarrier.arrive $0xFFFF  }
0x5ac: {  	_ =	shalt  }

</sc_bundles>
